<compile_context>
chip_gen: v7x
topology: tpu7x:2x2x1
jax: 0.10.2.dev20260603
libtpu: 0.0.44.dev20260713+nightly
codegen_flags: <defaults>
</compile_context>

<pallas_src>
import jax
import jax.numpy as jnp
from jax import lax
from jax.experimental import pallas as pl
from jax.experimental.pallas import tpu as pltpu
from jax.experimental.pallas import tpu_sc as plsc

N = 10000
DIN = 128
H = 128
E = 640000
W = 64
WC = 16
N_PAD = 10240
NS = 16
CHUNK = 128
KB = 4
NBLK = 79
NCHUNK = KB * NBLK
E_PAD = NS * NCHUNK * CHUNK
RB = 6
ROWS_PER_TILE = N_PAD // NS
BLK = 1000


def _proj_body(x_ref, w_ref, oa_ref, ob_ref):
    x = x_ref[0]
    w = w_ref[0]
    xw = lax.dot_general(x, w, (((1,), (1,)), ((), ())),
                         preferred_element_type=jnp.float32)
    oa_ref[0] = xw[:, :W]
    ob_ref[0] = xw[:, W:]


def _sc_body(ta_hbm, tb_hbm, idx_hbm, zros_hbm, zrosc_hbm, ones_hbm,
             out_hbm, outc_hbm,
             sidx_v, didx_v, rows_v, ones_v, acc_sh, cnt_sh,
             gsem, ssem, isem, csem):
    cid = lax.axis_index("c")
    tid = lax.axis_index("s")
    base = tid * ROWS_PER_TILE
    ws = cid * NS + tid
    wd = 2 * NS + ws

    def wait_g():
        pltpu.make_async_copy(zros_hbm, rows_v.at[0], gsem).wait()

    def wait_s():
        pltpu.make_async_copy(zros_hbm, rows_v.at[0], ssem).wait()

    def wait_i():
        pltpu.make_async_copy(idx_hbm.at[0, 0], sidx_v.at[0], isem).wait()
        pltpu.make_async_copy(idx_hbm.at[0, 0], sidx_v.at[0], isem).wait()

    def stage(b, slot):
        pltpu.async_copy(idx_hbm.at[ws, b], sidx_v.at[slot], isem)
        pltpu.async_copy(idx_hbm.at[wd, b], didx_v.at[slot], isem)

    def zero_own_rows():
        pltpu.sync_copy(zros_hbm, rows_v.at[0])
        for k in range(ROWS_PER_TILE // CHUNK):
            pltpu.sync_copy(rows_v.at[0],
                            acc_sh.at[pl.ds(base + k * CHUNK, CHUNK)])

    zero_own_rows()
    pltpu.sync_copy(zrosc_hbm, ones_v)
    for k in range(ROWS_PER_TILE // CHUNK):
        pltpu.sync_copy(ones_v, cnt_sh.at[pl.ds(base + k * CHUNK, CHUNK)])
    pltpu.sync_copy(ones_hbm, ones_v)
    plsc.subcore_barrier()

    for p, table in enumerate((ta_hbm, tb_hbm)):
        pltpu.sync_copy(idx_hbm.at[ws, 0], sidx_v.at[0])
        pltpu.sync_copy(idx_hbm.at[wd, 0], didx_v.at[0])
        for k in range(KB):
            pltpu.async_copy(table.at[sidx_v.at[0, k]], rows_v.at[k], gsem)
        stage(1, 1)
        stage(2, 2)
        for k in range(KB):
            wait_g()
            if k == 0:
                wait_i()
            if k >= 2:
                wait_s()
            pltpu.async_copy(table.at[sidx_v.at[1, k]],
                             rows_v.at[(k + KB) % RB], gsem)
            pltpu.async_copy(rows_v.at[k], acc_sh.at[didx_v.at[0, k]],
                             ssem, add=True)
            if p == 0:
                pltpu.async_copy(ones_v, cnt_sh.at[didx_v.at[0, k]],
                                 csem, add=True)

        def block(b, carry):
            slot = lax.rem(b, 4)
            nslot = lax.rem(b + 1, 4)
            not_last = b < NBLK - 1

            @pl.when(b < NBLK - 2)
            def _():
                stage(b + 2, lax.rem(b + 2, 4))

            for k in range(KB):
                i = b * KB + k
                buf = lax.rem(i, RB)
                nbuf = lax.rem(i + KB, RB)
                wait_g()
                if k == 0:
                    @pl.when(not_last)
                    def _():
                        wait_i()
                wait_s()

                @pl.when(not_last)
                def _():
                    pltpu.async_copy(table.at[sidx_v.at[nslot, k]],
                                     rows_v.at[nbuf], gsem)

                pltpu.async_copy(rows_v.at[buf],
                                 acc_sh.at[didx_v.at[slot, k]],
                                 ssem, add=True)
                if p == 0:
                    pltpu.async_copy(ones_v,
                                     cnt_sh.at[didx_v.at[slot, k]],
                                     csem, add=True)
            return carry

        lax.fori_loop(1, NBLK, block, 0, unroll=False)
        wait_s()
        wait_s()
        if p == 0:
            def drain(_, carry):
                pltpu.make_async_copy(ones_hbm, ones_v, csem).wait()
                return carry
            lax.fori_loop(0, NCHUNK, drain, 0, unroll=False)
        plsc.subcore_barrier()
        for k in range(ROWS_PER_TILE // CHUNK):
            sl = pl.ds(base + k * CHUNK, CHUNK)
            pltpu.sync_copy(acc_sh.at[sl], rows_v.at[0])
            pltpu.sync_copy(rows_v.at[0], out_hbm.at[cid, p].at[sl])
        if p == 0:
            for k in range(ROWS_PER_TILE // CHUNK):
                sl = pl.ds(base + k * CHUNK, CHUNK)
                pltpu.sync_copy(cnt_sh.at[sl], ones_v)
                pltpu.sync_copy(ones_v, outc_hbm.at[cid].at[sl])
            zero_own_rows()
            pltpu.sync_copy(ones_hbm, ones_v)
            plsc.subcore_barrier()


def _gru_body(x_ref, wt_ref, acca_ref, accb_ref, cnt_ref, wih_ref, whh_ref,
              bih_ref, bhh_ref, o_ref):
    x = x_ref[0]
    tgt = lax.dot_general(x, wt_ref[0], (((1,), (1,)), ((), ())),
                          preferred_element_type=jnp.float32)
    aggsum = jnp.concatenate([acca_ref[0], accb_ref[0]], axis=1)
    agg = aggsum / jnp.maximum(cnt_ref[0][:, :1], 1.0)
    gi = lax.dot_general(tgt, wih_ref[0], (((1,), (1,)), ((), ())),
                         preferred_element_type=jnp.float32) + bih_ref[0, 0]
    gh = lax.dot_general(agg, whh_ref[0], (((1,), (1,)), ((), ())),
                         preferred_element_type=jnp.float32) + bhh_ref[0, 0]
    r = jax.nn.sigmoid(gi[:, :H] + gh[:, :H])
    z = jax.nn.sigmoid(gi[:, H:2 * H] + gh[:, H:2 * H])
    n = jnp.tanh(gi[:, 2 * H:] + r * gh[:, 2 * H:])
    o_ref[0] = jax.nn.relu((1.0 - z) * n + z * agg)


def kernel(x_spot, x_user, ei_user_spot, ei_spot_user,
           W_src_us, W_tgt_us, W_src_su, W_tgt_su,
           Wih_us, Whh_us, bih_us, bhh_us,
           Wih_su, Whh_su, bih_su, bhh_su):
    f32 = jnp.float32
    nb = N // BLK

    x_src = jnp.stack([x_user, x_spot])
    w_src = jnp.stack([W_src_us, W_src_su])
    table_a, table_b = pl.pallas_call(
        _proj_body,
        grid=(2, nb),
        in_specs=[
            pl.BlockSpec((1, BLK, DIN), lambda b, i: (b, i, 0)),
            pl.BlockSpec((1, H, DIN), lambda b, i: (b, 0, 0)),
        ],
        out_specs=[
            pl.BlockSpec((1, BLK, W), lambda b, i: (b, i, 0)),
            pl.BlockSpec((1, BLK, W), lambda b, i: (b, i, 0)),
        ],
        out_shape=[
            jax.ShapeDtypeStruct((2, N, W), f32),
            jax.ShapeDtypeStruct((2, N, W), f32),
        ],
    )(x_src, w_src)
    table_a = table_a.reshape(2 * N, W)
    table_b = table_b.reshape(2 * N, W)

    pad = E_PAD - E
    ar = jnp.arange(pad, dtype=jnp.int32)
    pad_src = ar % (2 * N)
    pad_dst = N + ar % (N_PAD - N)
    sidx = jnp.stack([
        jnp.concatenate([ei_user_spot[0], pad_src]),
        jnp.concatenate([ei_spot_user[0] + N, pad_src]),
    ])
    didx = jnp.stack([
        jnp.concatenate([ei_user_spot[1], pad_dst]),
        jnp.concatenate([ei_spot_user[1], pad_dst]),
    ])
    idx = jnp.stack([sidx, didx]).reshape(4 * NS, NBLK, KB, CHUNK)
    zros = jnp.zeros((CHUNK, W), f32)
    zrosc = jnp.zeros((CHUNK, WC), f32)
    ones = jnp.ones((CHUNK, WC), f32)

    mesh = plsc.VectorSubcoreMesh(core_axis_name="c", subcore_axis_name="s")
    acc, cnt = pl.kernel(
        _sc_body,
        out_type=(
            jax.ShapeDtypeStruct((2, 2, N_PAD, W), f32),
            jax.ShapeDtypeStruct((2, N_PAD, WC), f32),
        ),
        mesh=mesh,
        scratch_types=[
            pltpu.VMEM((4, KB, CHUNK), jnp.int32),
            pltpu.VMEM((4, KB, CHUNK), jnp.int32),
            pltpu.VMEM((RB, CHUNK, W), f32),
            pltpu.VMEM((CHUNK, WC), f32),
            pltpu.VMEM_SHARED((N_PAD, W), f32),
            pltpu.VMEM_SHARED((N_PAD, WC), f32),
            pltpu.SemaphoreType.DMA,
            pltpu.SemaphoreType.DMA,
            pltpu.SemaphoreType.DMA,
            pltpu.SemaphoreType.DMA,
        ],
        compiler_params=pltpu.CompilerParams(use_tc_tiling_on_sc=False),
    )(table_a, table_b, idx, zros, zrosc, ones)

    x_tgt = jnp.stack([x_spot, x_user])
    w_tgt = jnp.stack([W_tgt_us, W_tgt_su])
    wih = jnp.stack([Wih_us, Wih_su])
    whh = jnp.stack([Whh_us, Whh_su])
    bih = jnp.stack([bih_us, bih_su]).reshape(2, 1, 3 * H)
    bhh = jnp.stack([bhh_us, bhh_su]).reshape(2, 1, 3 * H)
    out = pl.pallas_call(
        _gru_body,
        grid=(2, nb),
        in_specs=[
            pl.BlockSpec((1, BLK, DIN), lambda b, i: (b, i, 0)),
            pl.BlockSpec((1, H, DIN), lambda b, i: (b, 0, 0)),
            pl.BlockSpec((1, BLK, W), lambda b, i: (b, i, 0)),
            pl.BlockSpec((1, BLK, W), lambda b, i: (b, i, 0)),
            pl.BlockSpec((1, BLK, WC), lambda b, i: (b, i, 0)),
            pl.BlockSpec((1, 3 * H, H), lambda b, i: (b, 0, 0)),
            pl.BlockSpec((1, 3 * H, H), lambda b, i: (b, 0, 0)),
            pl.BlockSpec((1, 1, 3 * H), lambda b, i: (b, 0, 0)),
            pl.BlockSpec((1, 1, 3 * H), lambda b, i: (b, 0, 0)),
        ],
        out_specs=pl.BlockSpec((1, BLK, H), lambda b, i: (b, i, 0)),
        out_shape=jax.ShapeDtypeStruct((2, N, H), f32),
    )(x_tgt, w_tgt, acc[:, 0, :N], acc[:, 1, :N], cnt[:, :N],
      wih, whh, bih, bhh)

    return (out[0], out[1])

# --- scband reference (transcript-rebuilt; emitter-appended) ---
"""Pipeline reference for scband-deep-tour-conv-59854664237654 (READ-ONLY COPY).

The authoritative reference and input builder live on the scoring server;
editing this copy changes nothing except your own understanding.
"""

import jax, jax.numpy as jnp
import numpy as np

N_SPOT = 10000
N_USER = 10000
E = 640000
D_IN = 128
H = 128

def _gru_cell(x, h, Wih, Whh, bih, bhh):
    # PyTorch GRUCell semantics: input=x (target_x), hidden=h (aggregated)
    gi = x @ Wih.T + bih
    gh = h @ Whh.T + bhh
    i_r, i_z, i_n = jnp.split(gi, 3, axis=1)
    h_r, h_z, h_n = jnp.split(gh, 3, axis=1)
    r = jax.nn.sigmoid(i_r + h_r)
    z = jax.nn.sigmoid(i_z + h_z)
    n = jnp.tanh(i_n + r * h_n)
    return (1.0 - z) * n + z * h

def _seg_mean(vals, idx, n):
    # torch_scatter scatter(..., out=zeros, reduce='mean'): empty segments stay 0
    s = jax.ops.segment_sum(vals, idx, num_segments=n)
    c = jax.ops.segment_sum(jnp.ones((vals.shape[0], 1), vals.dtype), idx, num_segments=n)
    return s / jnp.maximum(c, 1.0)

def setup_inputs(seed: int = 0):
    key = jax.random.key(seed)
    ks = jax.random.split(key, 16)
    x_spot = jax.random.normal(ks[0], (N_SPOT, D_IN), jnp.float32)
    x_user = jax.random.normal(ks[1], (N_USER, D_IN), jnp.float32)
    ei_user_spot = jnp.stack([
        jax.random.randint(ks[2], (E,), 0, N_USER, dtype=jnp.int32),
        jax.random.randint(ks[3], (E,), 0, N_SPOT, dtype=jnp.int32)])
    ei_spot_user = jnp.stack([
        jax.random.randint(ks[4], (E,), 0, N_SPOT, dtype=jnp.int32),
        jax.random.randint(ks[5], (E,), 0, N_USER, dtype=jnp.int32)])
    g = lambda k, shape: jax.random.normal(k, shape, jnp.float32) * (1.0 / np.sqrt(shape[-1]))
    W_src_us = g(ks[6], (H, D_IN))
    W_tgt_us = g(ks[7], (H, D_IN))
    W_src_su = g(ks[8], (H, D_IN))
    W_tgt_su = g(ks[9], (H, D_IN))
    Wih_us = g(ks[10], (3 * H, H)); Whh_us = g(ks[11], (3 * H, H))
    bih_us = jnp.zeros((3 * H,), jnp.float32); bhh_us = jnp.zeros((3 * H,), jnp.float32)
    Wih_su = g(ks[12], (3 * H, H)); Whh_su = g(ks[13], (3 * H, H))
    bih_su = jnp.zeros((3 * H,), jnp.float32); bhh_su = jnp.zeros((3 * H,), jnp.float32)
    return {"x_spot": x_spot, "x_user": x_user,
            "ei_user_spot": ei_user_spot, "ei_spot_user": ei_spot_user,
            "W_src_us": W_src_us, "W_tgt_us": W_tgt_us,
            "W_src_su": W_src_su, "W_tgt_su": W_tgt_su,
            "Wih_us": Wih_us, "Whh_us": Whh_us, "bih_us": bih_us, "bhh_us": bhh_us,
            "Wih_su": Wih_su, "Whh_su": Whh_su, "bih_su": bih_su, "bhh_su": bhh_su}

def reference(x_spot, x_user, ei_user_spot, ei_spot_user,
              W_src_us, W_tgt_us, W_src_su, W_tgt_su,
              Wih_us, Whh_us, bih_us, bhh_us,
              Wih_su, Whh_su, bih_su, bhh_su):
    # edge type ('user','to','spot') -- generic (non spot-spot) branch
    src_x = x_user @ W_src_us.T
    tgt_x = x_spot @ W_tgt_us.T
    gathered = src_x[ei_user_spot[0]]
    agg = _seg_mean(gathered, ei_user_spot[1], N_SPOT)
    out_spot = _gru_cell(tgt_x, agg, Wih_us, Whh_us, bih_us, bhh_us)
    # edge type ('spot','to','user')
    src_x2 = x_spot @ W_src_su.T
    tgt_x2 = x_user @ W_tgt_su.T
    gathered2 = src_x2[ei_spot_user[0]]
    agg2 = _seg_mean(gathered2, ei_spot_user[1], N_USER)
    out_user = _gru_cell(tgt_x2, agg2, Wih_su, Whh_su, bih_su, bhh_su)
    # mean over a single-element stack is identity; config['model']['ReLU']=True
    return (jax.nn.relu(out_spot), jax.nn.relu(out_user))

if __name__ == "__main__":
    import jax
    _d = setup_inputs()
    print(jax.jit(kernel)(*tuple(_d.values())))

</pallas_src>

<mosaic_0001>
#map = affine_map<(d0, d1) -> (0, 0)>
#map1 = affine_map<(d0, d1) -> (0, 0, 0, 0)>
#map2 = affine_map<(d0, d1) -> (0, 0, 0)>
module attributes {stable_mosaic.version = 14 : i64} {
  func.func @_sc_body(%arg0: i32, %arg1: i32, %arg2: memref<20000x64xf32, #tpu.memory_space<hbm>>, %arg3: memref<20000x64xf32, #tpu.memory_space<hbm>>, %arg4: memref<64x79x4x128xi32, #tpu.memory_space<hbm>>, %arg5: memref<128x64xf32, #tpu.memory_space<hbm>>, %arg6: memref<128x16xf32, #tpu.memory_space<hbm>>, %arg7: memref<128x16xf32, #tpu.memory_space<hbm>>, %arg8: memref<2x2x10240x64xf32, #tpu.memory_space<hbm>>, %arg9: memref<2x10240x16xf32, #tpu.memory_space<hbm>>, %arg10: memref<4x4x128xi32, #tpu.memory_space<vmem>>, %arg11: memref<4x4x128xi32, #tpu.memory_space<vmem>>, %arg12: memref<6x128x64xf32, #tpu.memory_space<vmem>>, %arg13: memref<128x16xf32, #tpu.memory_space<vmem>>, %arg14: memref<10240x64xf32, #tpu.memory_space<vmem_shared>>, %arg15: memref<10240x16xf32, #tpu.memory_space<vmem_shared>>, %arg16: memref<!tpu.dma_semaphore, #tpu.memory_space<semaphore_mem>>, %arg17: memref<!tpu.dma_semaphore, #tpu.memory_space<semaphore_mem>>, %arg18: memref<!tpu.dma_semaphore, #tpu.memory_space<semaphore_mem>>, %arg19: memref<!tpu.dma_semaphore, #tpu.memory_space<semaphore_mem>>) attributes {dimension_semantics = [#tpu.dimension_semantics<core_parallel>, #tpu.dimension_semantics<subcore_parallel>], iteration_bounds = array<i64: 2, 16>, scalar_prefetch = 0 : i64, scratch_operands = 10 : i64, tpu.core_type = #tpu.core_type<sc_vector_subcore>, window_params = [{transform_indices = #map}, {transform_indices = #map}, {transform_indices = #map1}, {transform_indices = #map}, {transform_indices = #map}, {transform_indices = #map}, {transform_indices = #map1}, {transform_indices = #map2}]} {
    %mul3A = arith.constant 640 : i32
    %mul3A_0 = arith.muli %arg1, %mul3A : i32
    %mul3A_1 = arith.constant 16 : i32
    %mul3A_2 = arith.muli %arg0, %mul3A_1 : i32
    %add3A = arith.addi %mul3A_2, %arg1 : i32
    %add3A_3 = arith.constant 32 : i32
    %add3A_4 = arith.addi %add3A_3, %add3A : i32
    %run_scoped3A = arith.constant 0 : i32
    "tpu.region"() ({
      %run_scoped3A_840 = tpu.sem_alloc : memref<!tpu.dma_semaphore, #tpu.memory_space<semaphore_mem>>
      %dma_start3A_841 = arith.constant 0 : i32
      %dma_start3A_842 = arith.constant 0 : i32
      %dma_start3A_843 = tpu.memref_slice %arg12[%run_scoped3A, %dma_start3A_841, %dma_start3A_842] : memref<6x128x64xf32, #tpu.memory_space<vmem>> -> memref<1x128x64xf32, #tpu.memory_space<vmem>>
      %dma_start3A_844 = tpu.memref_squeeze %dma_start3A_843 : memref<1x128x64xf32, #tpu.memory_space<vmem>> -> memref<128x64xf32, #tpu.memory_space<vmem>>
      %dma_start3A_845 = arith.constant 0 : i32
      %dma_start3A_846 = arith.constant 0 : i32
      %dma_start3A_847 = tpu.memref_slice %arg12[%run_scoped3A, %dma_start3A_845, %dma_start3A_846] : memref<6x128x64xf32, #tpu.memory_space<vmem>> -> memref<1x128x64xf32, #tpu.memory_space<vmem>>
      %dma_start3A_848 = tpu.memref_squeeze %dma_start3A_847 : memref<1x128x64xf32, #tpu.memory_space<vmem>> -> memref<128x64xf32, #tpu.memory_space<vmem>>
      tpu.enqueue_dma source(%arg5 : memref<128x64xf32, #tpu.memory_space<hbm>>) target(%dma_start3A_848 : memref<128x64xf32, #tpu.memory_space<vmem>>) target_semaphore(%run_scoped3A_840 : memref<!tpu.dma_semaphore, #tpu.memory_space<semaphore_mem>>)
      %dma_wait3A_849 = arith.constant 0 : i32
      %dma_wait3A_850 = arith.constant 0 : i32
      %dma_wait3A_851 = tpu.memref_slice %arg12[%run_scoped3A, %dma_wait3A_849, %dma_wait3A_850] : memref<6x128x64xf32, #tpu.memory_space<vmem>> -> memref<1x128x64xf32, #tpu.memory_space<vmem>>
      %dma_wait3A_852 = tpu.memref_squeeze %dma_wait3A_851 : memref<1x128x64xf32, #tpu.memory_space<vmem>> -> memref<128x64xf32, #tpu.memory_space<vmem>>
      %dma_wait3A_853 = arith.constant 0 : i32
      %dma_wait3A_854 = arith.constant 0 : i32
      %dma_wait3A_855 = tpu.memref_slice %arg12[%run_scoped3A, %dma_wait3A_853, %dma_wait3A_854] : memref<6x128x64xf32, #tpu.memory_space<vmem>> -> memref<1x128x64xf32, #tpu.memory_space<vmem>>
      %dma_wait3A_856 = tpu.memref_squeeze %dma_wait3A_855 : memref<1x128x64xf32, #tpu.memory_space<vmem>> -> memref<128x64xf32, #tpu.memory_space<vmem>>
      tpu.wait_dma2 semaphore(%run_scoped3A_840 : memref<!tpu.dma_semaphore, #tpu.memory_space<semaphore_mem>>) src(%arg5 : memref<128x64xf32, #tpu.memory_space<hbm>>) dst(%dma_wait3A_856 : memref<128x64xf32, #tpu.memory_space<vmem>>)
      tpu.yield
    }) : () -> ()
    %add3A_5 = arith.constant 0 : i32
    %add3A_6 = arith.addi %mul3A_0, %add3A_5 : i32
    %run_scoped3A_7 = arith.constant 0 : i32
    "tpu.region"() ({
      %run_scoped3A_840 = tpu.sem_alloc : memref<!tpu.dma_semaphore, #tpu.memory_space<semaphore_mem>>
      %dma_start3A_841 = arith.constant 0 : i32
      %dma_start3A_842 = arith.constant 0 : i32
      %dma_start3A_843 = tpu.memref_slice %arg12[%run_scoped3A_7, %dma_start3A_841, %dma_start3A_842] : memref<6x128x64xf32, #tpu.memory_space<vmem>> -> memref<1x128x64xf32, #tpu.memory_space<vmem>>
      %dma_start3A_844 = tpu.memref_squeeze %dma_start3A_843 : memref<1x128x64xf32, #tpu.memory_space<vmem>> -> memref<128x64xf32, #tpu.memory_space<vmem>>
      %dma_start3A_845 = arith.constant 0 : i32
      %dma_start3A_846 = tpu.memref_slice %arg14[%add3A_6, %dma_start3A_845] : memref<10240x64xf32, #tpu.memory_space<vmem_shared>> -> memref<128x64xf32, #tpu.memory_space<vmem_shared>>
      %dma_start3A_847 = arith.constant 0 : i32
      %dma_start3A_848 = tpu.memref_slice %arg14[%add3A_6, %dma_start3A_847] : memref<10240x64xf32, #tpu.memory_space<vmem_shared>> -> memref<128x64xf32, #tpu.memory_space<vmem_shared>>
      %dma_start3A_849 = arith.constant 0 : i32
      %dma_start3A_850 = arith.constant 0 : i32
      %dma_start3A_851 = tpu.memref_slice %arg12[%run_scoped3A_7, %dma_start3A_849, %dma_start3A_850] : memref<6x128x64xf32, #tpu.memory_space<vmem>> -> memref<1x128x64xf32, #tpu.memory_space<vmem>>
      %dma_start3A_852 = tpu.memref_squeeze %dma_start3A_851 : memref<1x128x64xf32, #tpu.memory_space<vmem>> -> memref<128x64xf32, #tpu.memory_space<vmem>>
      tpu.enqueue_dma source(%dma_start3A_852 : memref<128x64xf32, #tpu.memory_space<vmem>>) target(%dma_start3A_848 : memref<128x64xf32, #tpu.memory_space<vmem_shared>>) target_semaphore(%run_scoped3A_840 : memref<!tpu.dma_semaphore, #tpu.memory_space<semaphore_mem>>)
      %dma_wait3A_853 = arith.constant 0 : i32
      %dma_wait3A_854 = arith.constant 0 : i32
      %dma_wait3A_855 = tpu.memref_slice %arg12[%run_scoped3A_7, %dma_wait3A_853, %dma_wait3A_854] : memref<6x128x64xf32, #tpu.memory_space<vmem>> -> memref<1x128x64xf32, #tpu.memory_space<vmem>>
      %dma_wait3A_856 = tpu.memref_squeeze %dma_wait3A_855 : memref<1x128x64xf32, #tpu.memory_space<vmem>> -> memref<128x64xf32, #tpu.memory_space<vmem>>
      %dma_wait3A_857 = arith.constant 0 : i32
      %dma_wait3A_858 = tpu.memref_slice %arg14[%add3A_6, %dma_wait3A_857] : memref<10240x64xf32, #tpu.memory_space<vmem_shared>> -> memref<128x64xf32, #tpu.memory_space<vmem_shared>>
      %dma_wait3A_859 = arith.constant 0 : i32
      %dma_wait3A_860 = tpu.memref_slice %arg14[%add3A_6, %dma_wait3A_859] : memref<10240x64xf32, #tpu.memory_space<vmem_shared>> -> memref<128x64xf32, #tpu.memory_space<vmem_shared>>
      %dma_wait3A_861 = arith.constant 0 : i32
      %dma_wait3A_862 = arith.constant 0 : i32
      %dma_wait3A_863 = tpu.memref_slice %arg12[%run_scoped3A_7, %dma_wait3A_861, %dma_wait3A_862] : memref<6x128x64xf32, #tpu.memory_space<vmem>> -> memref<1x128x64xf32, #tpu.memory_space<vmem>>
      %dma_wait3A_864 = tpu.memref_squeeze %dma_wait3A_863 : memref<1x128x64xf32, #tpu.memory_space<vmem>> -> memref<128x64xf32, #tpu.memory_space<vmem>>
      tpu.wait_dma2 semaphore(%run_scoped3A_840 : memref<!tpu.dma_semaphore, #tpu.memory_space<semaphore_mem>>) src(%dma_wait3A_864 : memref<128x64xf32, #tpu.memory_space<vmem>>) dst(%dma_wait3A_860 : memref<128x64xf32, #tpu.memory_space<vmem_shared>>)
      tpu.yield
    }) : () -> ()
    %add3A_8 = arith.constant 128 : i32
    %add3A_9 = arith.addi %mul3A_0, %add3A_8 : i32
    %run_scoped3A_10 = arith.constant 0 : i32
    "tpu.region"() ({
      %run_scoped3A_840 = tpu.sem_alloc : memref<!tpu.dma_semaphore, #tpu.memory_space<semaphore_mem>>
      %dma_start3A_841 = arith.constant 0 : i32
      %dma_start3A_842 = arith.constant 0 : i32
      %dma_start3A_843 = tpu.memref_slice %arg12[%run_scoped3A_10, %dma_start3A_841, %dma_start3A_842] : memref<6x128x64xf32, #tpu.memory_space<vmem>> -> memref<1x128x64xf32, #tpu.memory_space<vmem>>
      %dma_start3A_844 = tpu.memref_squeeze %dma_start3A_843 : memref<1x128x64xf32, #tpu.memory_space<vmem>> -> memref<128x64xf32, #tpu.memory_space<vmem>>
      %dma_start3A_845 = arith.constant 0 : i32
      %dma_start3A_846 = tpu.memref_slice %arg14[%add3A_9, %dma_start3A_845] : memref<10240x64xf32, #tpu.memory_space<vmem_shared>> -> memref<128x64xf32, #tpu.memory_space<vmem_shared>>
      %dma_start3A_847 = arith.constant 0 : i32
      %dma_start3A_848 = tpu.memref_slice %arg14[%add3A_9, %dma_start3A_847] : memref<10240x64xf32, #tpu.memory_space<vmem_shared>> -> memref<128x64xf32, #tpu.memory_space<vmem_shared>>
      %dma_start3A_849 = arith.constant 0 : i32
      %dma_start3A_850 = arith.constant 0 : i32
      %dma_start3A_851 = tpu.memref_slice %arg12[%run_scoped3A_10, %dma_start3A_849, %dma_start3A_850] : memref<6x128x64xf32, #tpu.memory_space<vmem>> -> memref<1x128x64xf32, #tpu.memory_space<vmem>>
      %dma_start3A_852 = tpu.memref_squeeze %dma_start3A_851 : memref<1x128x64xf32, #tpu.memory_space<vmem>> -> memref<128x64xf32, #tpu.memory_space<vmem>>
      tpu.enqueue_dma source(%dma_start3A_852 : memref<128x64xf32, #tpu.memory_space<vmem>>) target(%dma_start3A_848 : memref<128x64xf32, #tpu.memory_space<vmem_shared>>) target_semaphore(%run_scoped3A_840 : memref<!tpu.dma_semaphore, #tpu.memory_space<semaphore_mem>>)
      %dma_wait3A_853 = arith.constant 0 : i32
      %dma_wait3A_854 = arith.constant 0 : i32
      %dma_wait3A_855 = tpu.memref_slice %arg12[%run_scoped3A_10, %dma_wait3A_853, %dma_wait3A_854] : memref<6x128x64xf32, #tpu.memory_space<vmem>> -> memref<1x128x64xf32, #tpu.memory_space<vmem>>
      %dma_wait3A_856 = tpu.memref_squeeze %dma_wait3A_855 : memref<1x128x64xf32, #tpu.memory_space<vmem>> -> memref<128x64xf32, #tpu.memory_space<vmem>>
      %dma_wait3A_857 = arith.constant 0 : i32
      %dma_wait3A_858 = tpu.memref_slice %arg14[%add3A_9, %dma_wait3A_857] : memref<10240x64xf32, #tpu.memory_space<vmem_shared>> -> memref<128x64xf32, #tpu.memory_space<vmem_shared>>
      %dma_wait3A_859 = arith.constant 0 : i32
      %dma_wait3A_860 = tpu.memref_slice %arg14[%add3A_9, %dma_wait3A_859] : memref<10240x64xf32, #tpu.memory_space<vmem_shared>> -> memref<128x64xf32, #tpu.memory_space<vmem_shared>>
      %dma_wait3A_861 = arith.constant 0 : i32
      %dma_wait3A_862 = arith.constant 0 : i32
      %dma_wait3A_863 = tpu.memref_slice %arg12[%run_scoped3A_10, %dma_wait3A_861, %dma_wait3A_862] : memref<6x128x64xf32, #tpu.memory_space<vmem>> -> memref<1x128x64xf32, #tpu.memory_space<vmem>>
      %dma_wait3A_864 = tpu.memref_squeeze %dma_wait3A_863 : memref<1x128x64xf32, #tpu.memory_space<vmem>> -> memref<128x64xf32, #tpu.memory_space<vmem>>
      tpu.wait_dma2 semaphore(%run_scoped3A_840 : memref<!tpu.dma_semaphore, #tpu.memory_space<semaphore_mem>>) src(%dma_wait3A_864 : memref<128x64xf32, #tpu.memory_space<vmem>>) dst(%dma_wait3A_860 : memref<128x64xf32, #tpu.memory_space<vmem_shared>>)
      tpu.yield
    }) : () -> ()
    %add3A_11 = arith.constant 256 : i32
    %add3A_12 = arith.addi %mul3A_0, %add3A_11 : i32
    %run_scoped3A_13 = arith.constant 0 : i32
    "tpu.region"() ({
      %run_scoped3A_840 = tpu.sem_alloc : memref<!tpu.dma_semaphore, #tpu.memory_space<semaphore_mem>>
      %dma_start3A_841 = arith.constant 0 : i32
      %dma_start3A_842 = arith.constant 0 : i32
      %dma_start3A_843 = tpu.memref_slice %arg12[%run_scoped3A_13, %dma_start3A_841, %dma_start3A_842] : memref<6x128x64xf32, #tpu.memory_space<vmem>> -> memref<1x128x64xf32, #tpu.memory_space<vmem>>
      %dma_start3A_844 = tpu.memref_squeeze %dma_start3A_843 : memref<1x128x64xf32, #tpu.memory_space<vmem>> -> memref<128x64xf32, #tpu.memory_space<vmem>>
      %dma_start3A_845 = arith.constant 0 : i32
      %dma_start3A_846 = tpu.memref_slice %arg14[%add3A_12, %dma_start3A_845] : memref<10240x64xf32, #tpu.memory_space<vmem_shared>> -> memref<128x64xf32, #tpu.memory_space<vmem_shared>>
      %dma_start3A_847 = arith.constant 0 : i32
      %dma_start3A_848 = tpu.memref_slice %arg14[%add3A_12, %dma_start3A_847] : memref<10240x64xf32, #tpu.memory_space<vmem_shared>> -> memref<128x64xf32, #tpu.memory_space<vmem_shared>>
      %dma_start3A_849 = arith.constant 0 : i32
      %dma_start3A_850 = arith.constant 0 : i32
      %dma_start3A_851 = tpu.memref_slice %arg12[%run_scoped3A_13, %dma_start3A_849, %dma_start3A_850] : memref<6x128x64xf32, #tpu.memory_space<vmem>> -> memref<1x128x64xf32, #tpu.memory_space<vmem>>
      %dma_start3A_852 = tpu.memref_squeeze %dma_start3A_851 : memref<1x128x64xf32, #tpu.memory_space<vmem>> -> memref<128x64xf32, #tpu.memory_space<vmem>>
      tpu.enqueue_dma source(%dma_start3A_852 : memref<128x64xf32, #tpu.memory_space<vmem>>) target(%dma_start3A_848 : memref<128x64xf32, #tpu.memory_space<vmem_shared>>) target_semaphore(%run_scoped3A_840 : memref<!tpu.dma_semaphore, #tpu.memory_space<semaphore_mem>>)
      %dma_wait3A_853 = arith.constant 0 : i32
      %dma_wait3A_854 = arith.constant 0 : i32
      %dma_wait3A_855 = tpu.memref_slice %arg12[%run_scoped3A_13, %dma_wait3A_853, %dma_wait3A_854] : memref<6x128x64xf32, #tpu.memory_space<vmem>> -> memref<1x128x64xf32, #tpu.memory_space<vmem>>
      %dma_wait3A_856 = tpu.memref_squeeze %dma_wait3A_855 : memref<1x128x64xf32, #tpu.memory_space<vmem>> -> memref<128x64xf32, #tpu.memory_space<vmem>>
      %dma_wait3A_857 = arith.constant 0 : i32
      %dma_wait3A_858 = tpu.memref_slice %arg14[%add3A_12, %dma_wait3A_857] : memref<10240x64xf32, #tpu.memory_space<vmem_shared>> -> memref<128x64xf32, #tpu.memory_space<vmem_shared>>
      %dma_wait3A_859 = arith.constant 0 : i32
      %dma_wait3A_860 = tpu.memref_slice %arg14[%add3A_12, %dma_wait3A_859] : memref<10240x64xf32, #tpu.memory_space<vmem_shared>> -> memref<128x64xf32, #tpu.memory_space<vmem_shared>>
      %dma_wait3A_861 = arith.constant 0 : i32
      %dma_wait3A_862 = arith.constant 0 : i32
      %dma_wait3A_863 = tpu.memref_slice %arg12[%run_scoped3A_13, %dma_wait3A_861, %dma_wait3A_862] : memref<6x128x64xf32, #tpu.memory_space<vmem>> -> memref<1x128x64xf32, #tpu.memory_space<vmem>>
      %dma_wait3A_864 = tpu.memref_squeeze %dma_wait3A_863 : memref<1x128x64xf32, #tpu.memory_space<vmem>> -> memref<128x64xf32, #tpu.memory_space<vmem>>
      tpu.wait_dma2 semaphore(%run_scoped3A_840 : memref<!tpu.dma_semaphore, #tpu.memory_space<semaphore_mem>>) src(%dma_wait3A_864 : memref<128x64xf32, #tpu.memory_space<vmem>>) dst(%dma_wait3A_860 : memref<128x64xf32, #tpu.memory_space<vmem_shared>>)
      tpu.yield
    }) : () -> ()
    %add3A_14 = arith.constant 384 : i32
    %add3A_15 = arith.addi %mul3A_0, %add3A_14 : i32
    %run_scoped3A_16 = arith.constant 0 : i32
    "tpu.region"() ({
      %run_scoped3A_840 = tpu.sem_alloc : memref<!tpu.dma_semaphore, #tpu.memory_space<semaphore_mem>>
      %dma_start3A_841 = arith.constant 0 : i32
      %dma_start3A_842 = arith.constant 0 : i32
      %dma_start3A_843 = tpu.memref_slice %arg12[%run_scoped3A_16, %dma_start3A_841, %dma_start3A_842] : memref<6x128x64xf32, #tpu.memory_space<vmem>> -> memref<1x128x64xf32, #tpu.memory_space<vmem>>
      %dma_start3A_844 = tpu.memref_squeeze %dma_start3A_843 : memref<1x128x64xf32, #tpu.memory_space<vmem>> -> memref<128x64xf32, #tpu.memory_space<vmem>>
      %dma_start3A_845 = arith.constant 0 : i32
      %dma_start3A_846 = tpu.memref_slice %arg14[%add3A_15, %dma_start3A_845] : memref<10240x64xf32, #tpu.memory_space<vmem_shared>> -> memref<128x64xf32, #tpu.memory_space<vmem_shared>>
      %dma_start3A_847 = arith.constant 0 : i32
      %dma_start3A_848 = tpu.memref_slice %arg14[%add3A_15, %dma_start3A_847] : memref<10240x64xf32, #tpu.memory_space<vmem_shared>> -> memref<128x64xf32, #tpu.memory_space<vmem_shared>>
      %dma_start3A_849 = arith.constant 0 : i32
      %dma_start3A_850 = arith.constant 0 : i32
      %dma_start3A_851 = tpu.memref_slice %arg12[%run_scoped3A_16, %dma_start3A_849, %dma_start3A_850] : memref<6x128x64xf32, #tpu.memory_space<vmem>> -> memref<1x128x64xf32, #tpu.memory_space<vmem>>
      %dma_start3A_852 = tpu.memref_squeeze %dma_start3A_851 : memref<1x128x64xf32, #tpu.memory_space<vmem>> -> memref<128x64xf32, #tpu.memory_space<vmem>>
      tpu.enqueue_dma source(%dma_start3A_852 : memref<128x64xf32, #tpu.memory_space<vmem>>) target(%dma_start3A_848 : memref<128x64xf32, #tpu.memory_space<vmem_shared>>) target_semaphore(%run_scoped3A_840 : memref<!tpu.dma_semaphore, #tpu.memory_space<semaphore_mem>>)
      %dma_wait3A_853 = arith.constant 0 : i32
      %dma_wait3A_854 = arith.constant 0 : i32
      %dma_wait3A_855 = tpu.memref_slice %arg12[%run_scoped3A_16, %dma_wait3A_853, %dma_wait3A_854] : memref<6x128x64xf32, #tpu.memory_space<vmem>> -> memref<1x128x64xf32, #tpu.memory_space<vmem>>
      %dma_wait3A_856 = tpu.memref_squeeze %dma_wait3A_855 : memref<1x128x64xf32, #tpu.memory_space<vmem>> -> memref<128x64xf32, #tpu.memory_space<vmem>>
      %dma_wait3A_857 = arith.constant 0 : i32
      %dma_wait3A_858 = tpu.memref_slice %arg14[%add3A_15, %dma_wait3A_857] : memref<10240x64xf32, #tpu.memory_space<vmem_shared>> -> memref<128x64xf32, #tpu.memory_space<vmem_shared>>
      %dma_wait3A_859 = arith.constant 0 : i32
      %dma_wait3A_860 = tpu.memref_slice %arg14[%add3A_15, %dma_wait3A_859] : memref<10240x64xf32, #tpu.memory_space<vmem_shared>> -> memref<128x64xf32, #tpu.memory_space<vmem_shared>>
      %dma_wait3A_861 = arith.constant 0 : i32
      %dma_wait3A_862 = arith.constant 0 : i32
      %dma_wait3A_863 = tpu.memref_slice %arg12[%run_scoped3A_16, %dma_wait3A_861, %dma_wait3A_862] : memref<6x128x64xf32, #tpu.memory_space<vmem>> -> memref<1x128x64xf32, #tpu.memory_space<vmem>>
      %dma_wait3A_864 = tpu.memref_squeeze %dma_wait3A_863 : memref<1x128x64xf32, #tpu.memory_space<vmem>> -> memref<128x64xf32, #tpu.memory_space<vmem>>
      tpu.wait_dma2 semaphore(%run_scoped3A_840 : memref<!tpu.dma_semaphore, #tpu.memory_space<semaphore_mem>>) src(%dma_wait3A_864 : memref<128x64xf32, #tpu.memory_space<vmem>>) dst(%dma_wait3A_860 : memref<128x64xf32, #tpu.memory_space<vmem_shared>>)
      tpu.yield
    }) : () -> ()
    %add3A_17 = arith.constant 512 : i32
    %add3A_18 = arith.addi %mul3A_0, %add3A_17 : i32
    %run_scoped3A_19 = arith.constant 0 : i32
    "tpu.region"() ({
      %run_scoped3A_840 = tpu.sem_alloc : memref<!tpu.dma_semaphore, #tpu.memory_space<semaphore_mem>>
      %dma_start3A_841 = arith.constant 0 : i32
      %dma_start3A_842 = arith.constant 0 : i32
      %dma_start3A_843 = tpu.memref_slice %arg12[%run_scoped3A_19, %dma_start3A_841, %dma_start3A_842] : memref<6x128x64xf32, #tpu.memory_space<vmem>> -> memref<1x128x64xf32, #tpu.memory_space<vmem>>
      %dma_start3A_844 = tpu.memref_squeeze %dma_start3A_843 : memref<1x128x64xf32, #tpu.memory_space<vmem>> -> memref<128x64xf32, #tpu.memory_space<vmem>>
      %dma_start3A_845 = arith.constant 0 : i32
      %dma_start3A_846 = tpu.memref_slice %arg14[%add3A_18, %dma_start3A_845] : memref<10240x64xf32, #tpu.memory_space<vmem_shared>> -> memref<128x64xf32, #tpu.memory_space<vmem_shared>>
      %dma_start3A_847 = arith.constant 0 : i32
      %dma_start3A_848 = tpu.memref_slice %arg14[%add3A_18, %dma_start3A_847] : memref<10240x64xf32, #tpu.memory_space<vmem_shared>> -> memref<128x64xf32, #tpu.memory_space<vmem_shared>>
      %dma_start3A_849 = arith.constant 0 : i32
      %dma_start3A_850 = arith.constant 0 : i32
      %dma_start3A_851 = tpu.memref_slice %arg12[%run_scoped3A_19, %dma_start3A_849, %dma_start3A_850] : memref<6x128x64xf32, #tpu.memory_space<vmem>> -> memref<1x128x64xf32, #tpu.memory_space<vmem>>
      %dma_start3A_852 = tpu.memref_squeeze %dma_start3A_851 : memref<1x128x64xf32, #tpu.memory_space<vmem>> -> memref<128x64xf32, #tpu.memory_space<vmem>>
      tpu.enqueue_dma source(%dma_start3A_852 : memref<128x64xf32, #tpu.memory_space<vmem>>) target(%dma_start3A_848 : memref<128x64xf32, #tpu.memory_space<vmem_shared>>) target_semaphore(%run_scoped3A_840 : memref<!tpu.dma_semaphore, #tpu.memory_space<semaphore_mem>>)
      %dma_wait3A_853 = arith.constant 0 : i32
      %dma_wait3A_854 = arith.constant 0 : i32
      %dma_wait3A_855 = tpu.memref_slice %arg12[%run_scoped3A_19, %dma_wait3A_853, %dma_wait3A_854] : memref<6x128x64xf32, #tpu.memory_space<vmem>> -> memref<1x128x64xf32, #tpu.memory_space<vmem>>
      %dma_wait3A_856 = tpu.memref_squeeze %dma_wait3A_855 : memref<1x128x64xf32, #tpu.memory_space<vmem>> -> memref<128x64xf32, #tpu.memory_space<vmem>>
      %dma_wait3A_857 = arith.constant 0 : i32
      %dma_wait3A_858 = tpu.memref_slice %arg14[%add3A_18, %dma_wait3A_857] : memref<10240x64xf32, #tpu.memory_space<vmem_shared>> -> memref<128x64xf32, #tpu.memory_space<vmem_shared>>
      %dma_wait3A_859 = arith.constant 0 : i32
      %dma_wait3A_860 = tpu.memref_slice %arg14[%add3A_18, %dma_wait3A_859] : memref<10240x64xf32, #tpu.memory_space<vmem_shared>> -> memref<128x64xf32, #tpu.memory_space<vmem_shared>>
      %dma_wait3A_861 = arith.constant 0 : i32
      %dma_wait3A_862 = arith.constant 0 : i32
      %dma_wait3A_863 = tpu.memref_slice %arg12[%run_scoped3A_19, %dma_wait3A_861, %dma_wait3A_862] : memref<6x128x64xf32, #tpu.memory_space<vmem>> -> memref<1x128x64xf32, #tpu.memory_space<vmem>>
      %dma_wait3A_864 = tpu.memref_squeeze %dma_wait3A_863 : memref<1x128x64xf32, #tpu.memory_space<vmem>> -> memref<128x64xf32, #tpu.memory_space<vmem>>
      tpu.wait_dma2 semaphore(%run_scoped3A_840 : memref<!tpu.dma_semaphore, #tpu.memory_space<semaphore_mem>>) src(%dma_wait3A_864 : memref<128x64xf32, #tpu.memory_space<vmem>>) dst(%dma_wait3A_860 : memref<128x64xf32, #tpu.memory_space<vmem_shared>>)
      tpu.yield
    }) : () -> ()
    "tpu.region"() ({
      %run_scoped3A_840 = tpu.sem_alloc : memref<!tpu.dma_semaphore, #tpu.memory_space<semaphore_mem>>
      tpu.enqueue_dma source(%arg6 : memref<128x16xf32, #tpu.memory_space<hbm>>) target(%arg13 : memref<128x16xf32, #tpu.memory_space<vmem>>) target_semaphore(%run_scoped3A_840 : memref<!tpu.dma_semaphore, #tpu.memory_space<semaphore_mem>>)
      tpu.wait_dma2 semaphore(%run_scoped3A_840 : memref<!tpu.dma_semaphore, #tpu.memory_space<semaphore_mem>>) src(%arg6 : memref<128x16xf32, #tpu.memory_space<hbm>>) dst(%arg13 : memref<128x16xf32, #tpu.memory_space<vmem>>)
      tpu.yield
    }) : () -> ()
    %add3A_20 = arith.constant 0 : i32
    %add3A_21 = arith.addi %mul3A_0, %add3A_20 : i32
    "tpu.region"() ({
      %run_scoped3A_840 = tpu.sem_alloc : memref<!tpu.dma_semaphore, #tpu.memory_space<semaphore_mem>>
      %dma_start3A_841 = arith.constant 0 : i32
      %dma_start3A_842 = tpu.memref_slice %arg15[%add3A_21, %dma_start3A_841] : memref<10240x16xf32, #tpu.memory_space<vmem_shared>> -> memref<128x16xf32, #tpu.memory_space<vmem_shared>>
      %dma_start3A_843 = arith.constant 0 : i32
      %dma_start3A_844 = tpu.memref_slice %arg15[%add3A_21, %dma_start3A_843] : memref<10240x16xf32, #tpu.memory_space<vmem_shared>> -> memref<128x16xf32, #tpu.memory_space<vmem_shared>>
      tpu.enqueue_dma source(%arg13 : memref<128x16xf32, #tpu.memory_space<vmem>>) target(%dma_start3A_844 : memref<128x16xf32, #tpu.memory_space<vmem_shared>>) target_semaphore(%run_scoped3A_840 : memref<!tpu.dma_semaphore, #tpu.memory_space<semaphore_mem>>)
      %dma_wait3A_845 = arith.constant 0 : i32
      %dma_wait3A_846 = tpu.memref_slice %arg15[%add3A_21, %dma_wait3A_845] : memref<10240x16xf32, #tpu.memory_space<vmem_shared>> -> memref<128x16xf32, #tpu.memory_space<vmem_shared>>
      %dma_wait3A_847 = arith.constant 0 : i32
      %dma_wait3A_848 = tpu.memref_slice %arg15[%add3A_21, %dma_wait3A_847] : memref<10240x16xf32, #tpu.memory_space<vmem_shared>> -> memref<128x16xf32, #tpu.memory_space<vmem_shared>>
      tpu.wait_dma2 semaphore(%run_scoped3A_840 : memref<!tpu.dma_semaphore, #tpu.memory_space<semaphore_mem>>) src(%arg13 : memref<128x16xf32, #tpu.memory_space<vmem>>) dst(%dma_wait3A_848 : memref<128x16xf32, #tpu.memory_space<vmem_shared>>)
      tpu.yield
    }) : () -> ()
    %add3A_22 = arith.constant 128 : i32
    %add3A_23 = arith.addi %mul3A_0, %add3A_22 : i32
    "tpu.region"() ({
      %run_scoped3A_840 = tpu.sem_alloc : memref<!tpu.dma_semaphore, #tpu.memory_space<semaphore_mem>>
      %dma_start3A_841 = arith.constant 0 : i32
      %dma_start3A_842 = tpu.memref_slice %arg15[%add3A_23, %dma_start3A_841] : memref<10240x16xf32, #tpu.memory_space<vmem_shared>> -> memref<128x16xf32, #tpu.memory_space<vmem_shared>>
      %dma_start3A_843 = arith.constant 0 : i32
      %dma_start3A_844 = tpu.memref_slice %arg15[%add3A_23, %dma_start3A_843] : memref<10240x16xf32, #tpu.memory_space<vmem_shared>> -> memref<128x16xf32, #tpu.memory_space<vmem_shared>>
      tpu.enqueue_dma source(%arg13 : memref<128x16xf32, #tpu.memory_space<vmem>>) target(%dma_start3A_844 : memref<128x16xf32, #tpu.memory_space<vmem_shared>>) target_semaphore(%run_scoped3A_840 : memref<!tpu.dma_semaphore, #tpu.memory_space<semaphore_mem>>)
      %dma_wait3A_845 = arith.constant 0 : i32
      %dma_wait3A_846 = tpu.memref_slice %arg15[%add3A_23, %dma_wait3A_845] : memref<10240x16xf32, #tpu.memory_space<vmem_shared>> -> memref<128x16xf32, #tpu.memory_space<vmem_shared>>
      %dma_wait3A_847 = arith.constant 0 : i32
      %dma_wait3A_848 = tpu.memref_slice %arg15[%add3A_23, %dma_wait3A_847] : memref<10240x16xf32, #tpu.memory_space<vmem_shared>> -> memref<128x16xf32, #tpu.memory_space<vmem_shared>>
      tpu.wait_dma2 semaphore(%run_scoped3A_840 : memref<!tpu.dma_semaphore, #tpu.memory_space<semaphore_mem>>) src(%arg13 : memref<128x16xf32, #tpu.memory_space<vmem>>) dst(%dma_wait3A_848 : memref<128x16xf32, #tpu.memory_space<vmem_shared>>)
      tpu.yield
    }) : () -> ()
    %add3A_24 = arith.constant 256 : i32
    %add3A_25 = arith.addi %mul3A_0, %add3A_24 : i32
    "tpu.region"() ({
      %run_scoped3A_840 = tpu.sem_alloc : memref<!tpu.dma_semaphore, #tpu.memory_space<semaphore_mem>>
      %dma_start3A_841 = arith.constant 0 : i32
      %dma_start3A_842 = tpu.memref_slice %arg15[%add3A_25, %dma_start3A_841] : memref<10240x16xf32, #tpu.memory_space<vmem_shared>> -> memref<128x16xf32, #tpu.memory_space<vmem_shared>>
      %dma_start3A_843 = arith.constant 0 : i32
      %dma_start3A_844 = tpu.memref_slice %arg15[%add3A_25, %dma_start3A_843] : memref<10240x16xf32, #tpu.memory_space<vmem_shared>> -> memref<128x16xf32, #tpu.memory_space<vmem_shared>>
      tpu.enqueue_dma source(%arg13 : memref<128x16xf32, #tpu.memory_space<vmem>>) target(%dma_start3A_844 : memref<128x16xf32, #tpu.memory_space<vmem_shared>>) target_semaphore(%run_scoped3A_840 : memref<!tpu.dma_semaphore, #tpu.memory_space<semaphore_mem>>)
      %dma_wait3A_845 = arith.constant 0 : i32
      %dma_wait3A_846 = tpu.memref_slice %arg15[%add3A_25, %dma_wait3A_845] : memref<10240x16xf32, #tpu.memory_space<vmem_shared>> -> memref<128x16xf32, #tpu.memory_space<vmem_shared>>
      %dma_wait3A_847 = arith.constant 0 : i32
      %dma_wait3A_848 = tpu.memref_slice %arg15[%add3A_25, %dma_wait3A_847] : memref<10240x16xf32, #tpu.memory_space<vmem_shared>> -> memref<128x16xf32, #tpu.memory_space<vmem_shared>>
      tpu.wait_dma2 semaphore(%run_scoped3A_840 : memref<!tpu.dma_semaphore, #tpu.memory_space<semaphore_mem>>) src(%arg13 : memref<128x16xf32, #tpu.memory_space<vmem>>) dst(%dma_wait3A_848 : memref<128x16xf32, #tpu.memory_space<vmem_shared>>)
      tpu.yield
    }) : () -> ()
    %add3A_26 = arith.constant 384 : i32
    %add3A_27 = arith.addi %mul3A_0, %add3A_26 : i32
    "tpu.region"() ({
      %run_scoped3A_840 = tpu.sem_alloc : memref<!tpu.dma_semaphore, #tpu.memory_space<semaphore_mem>>
      %dma_start3A_841 = arith.constant 0 : i32
      %dma_start3A_842 = tpu.memref_slice %arg15[%add3A_27, %dma_start3A_841] : memref<10240x16xf32, #tpu.memory_space<vmem_shared>> -> memref<128x16xf32, #tpu.memory_space<vmem_shared>>
      %dma_start3A_843 = arith.constant 0 : i32
      %dma_start3A_844 = tpu.memref_slice %arg15[%add3A_27, %dma_start3A_843] : memref<10240x16xf32, #tpu.memory_space<vmem_shared>> -> memref<128x16xf32, #tpu.memory_space<vmem_shared>>
      tpu.enqueue_dma source(%arg13 : memref<128x16xf32, #tpu.memory_space<vmem>>) target(%dma_start3A_844 : memref<128x16xf32, #tpu.memory_space<vmem_shared>>) target_semaphore(%run_scoped3A_840 : memref<!tpu.dma_semaphore, #tpu.memory_space<semaphore_mem>>)
      %dma_wait3A_845 = arith.constant 0 : i32
      %dma_wait3A_846 = tpu.memref_slice %arg15[%add3A_27, %dma_wait3A_845] : memref<10240x16xf32, #tpu.memory_space<vmem_shared>> -> memref<128x16xf32, #tpu.memory_space<vmem_shared>>
      %dma_wait3A_847 = arith.constant 0 : i32
      %dma_wait3A_848 = tpu.memref_slice %arg15[%add3A_27, %dma_wait3A_847] : memref<10240x16xf32, #tpu.memory_space<vmem_shared>> -> memref<128x16xf32, #tpu.memory_space<vmem_shared>>
      tpu.wait_dma2 semaphore(%run_scoped3A_840 : memref<!tpu.dma_semaphore, #tpu.memory_space<semaphore_mem>>) src(%arg13 : memref<128x16xf32, #tpu.memory_space<vmem>>) dst(%dma_wait3A_848 : memref<128x16xf32, #tpu.memory_space<vmem_shared>>)
      tpu.yield
    }) : () -> ()
    %add3A_28 = arith.constant 512 : i32
    %add3A_29 = arith.addi %mul3A_0, %add3A_28 : i32
    "tpu.region"() ({
      %run_scoped3A_840 = tpu.sem_alloc : memref<!tpu.dma_semaphore, #tpu.memory_space<semaphore_mem>>
      %dma_start3A_841 = arith.constant 0 : i32
      %dma_start3A_842 = tpu.memref_slice %arg15[%add3A_29, %dma_start3A_841] : memref<10240x16xf32, #tpu.memory_space<vmem_shared>> -> memref<128x16xf32, #tpu.memory_space<vmem_shared>>
      %dma_start3A_843 = arith.constant 0 : i32
      %dma_start3A_844 = tpu.memref_slice %arg15[%add3A_29, %dma_start3A_843] : memref<10240x16xf32, #tpu.memory_space<vmem_shared>> -> memref<128x16xf32, #tpu.memory_space<vmem_shared>>
      tpu.enqueue_dma source(%arg13 : memref<128x16xf32, #tpu.memory_space<vmem>>) target(%dma_start3A_844 : memref<128x16xf32, #tpu.memory_space<vmem_shared>>) target_semaphore(%run_scoped3A_840 : memref<!tpu.dma_semaphore, #tpu.memory_space<semaphore_mem>>)
      %dma_wait3A_845 = arith.constant 0 : i32
      %dma_wait3A_846 = tpu.memref_slice %arg15[%add3A_29, %dma_wait3A_845] : memref<10240x16xf32, #tpu.memory_space<vmem_shared>> -> memref<128x16xf32, #tpu.memory_space<vmem_shared>>
      %dma_wait3A_847 = arith.constant 0 : i32
      %dma_wait3A_848 = tpu.memref_slice %arg15[%add3A_29, %dma_wait3A_847] : memref<10240x16xf32, #tpu.memory_space<vmem_shared>> -> memref<128x16xf32, #tpu.memory_space<vmem_shared>>
      tpu.wait_dma2 semaphore(%run_scoped3A_840 : memref<!tpu.dma_semaphore, #tpu.memory_space<semaphore_mem>>) src(%arg13 : memref<128x16xf32, #tpu.memory_space<vmem>>) dst(%dma_wait3A_848 : memref<128x16xf32, #tpu.memory_space<vmem_shared>>)
      tpu.yield
    }) : () -> ()
    "tpu.region"() ({
      %run_scoped3A_840 = tpu.sem_alloc : memref<!tpu.dma_semaphore, #tpu.memory_space<semaphore_mem>>
      tpu.enqueue_dma source(%arg7 : memref<128x16xf32, #tpu.memory_space<hbm>>) target(%arg13 : memref<128x16xf32, #tpu.memory_space<vmem>>) target_semaphore(%run_scoped3A_840 : memref<!tpu.dma_semaphore, #tpu.memory_space<semaphore_mem>>)
      tpu.wait_dma2 semaphore(%run_scoped3A_840 : memref<!tpu.dma_semaphore, #tpu.memory_space<semaphore_mem>>) src(%arg7 : memref<128x16xf32, #tpu.memory_space<hbm>>) dst(%arg13 : memref<128x16xf32, #tpu.memory_space<vmem>>)
      tpu.yield
    }) : () -> ()
    %barrier3A = arith.constant 0 : index
    tpu.barrier barrier_id(%barrier3A)
    %run_scoped3A_30 = arith.constant 0 : i32
    %run_scoped3A_31 = arith.constant 0 : i32
    "tpu.region"() ({
      %run_scoped3A_840 = tpu.sem_alloc : memref<!tpu.dma_semaphore, #tpu.memory_space<semaphore_mem>>
      %dma_start3A_841 = arith.constant 0 : i32
      %dma_start3A_842 = arith.constant 0 : i32
      %dma_start3A_843 = tpu.memref_slice %arg10[%run_scoped3A_31, %dma_start3A_841, %dma_start3A_842] : memref<4x4x128xi32, #tpu.memory_space<vmem>> -> memref<1x4x128xi32, #tpu.memory_space<vmem>>
      %dma_start3A_844 = tpu.memref_squeeze %dma_start3A_843 : memref<1x4x128xi32, #tpu.memory_space<vmem>> -> memref<4x128xi32, #tpu.memory_space<vmem>>
      %dma_start3A_845 = arith.constant 0 : i32
      %dma_start3A_846 = arith.constant 0 : i32
      %dma_start3A_847 = tpu.memref_slice %arg4[%add3A, %run_scoped3A_30, %dma_start3A_845, %dma_start3A_846] : memref<64x79x4x128xi32, #tpu.memory_space<hbm>> -> memref<1x1x4x128xi32, #tpu.memory_space<hbm>>
      %dma_start3A_848 = tpu.memref_squeeze %dma_start3A_847 : memref<1x1x4x128xi32, #tpu.memory_space<hbm>> -> memref<4x128xi32, #tpu.memory_space<hbm>>
      %dma_start3A_849 = arith.constant 0 : i32
      %dma_start3A_850 = arith.constant 0 : i32
      %dma_start3A_851 = tpu.memref_slice %arg10[%run_scoped3A_31, %dma_start3A_849, %dma_start3A_850] : memref<4x4x128xi32, #tpu.memory_space<vmem>> -> memref<1x4x128xi32, #tpu.memory_space<vmem>>
      %dma_start3A_852 = tpu.memref_squeeze %dma_start3A_851 : memref<1x4x128xi32, #tpu.memory_space<vmem>> -> memref<4x128xi32, #tpu.memory_space<vmem>>
      %dma_start3A_853 = arith.constant 0 : i32
      %dma_start3A_854 = arith.constant 0 : i32
      %dma_start3A_855 = tpu.memref_slice %arg4[%add3A, %run_scoped3A_30, %dma_start3A_853, %dma_start3A_854] : memref<64x79x4x128xi32, #tpu.memory_space<hbm>> -> memref<1x1x4x128xi32, #tpu.memory_space<hbm>>
      %dma_start3A_856 = tpu.memref_squeeze %dma_start3A_855 : memref<1x1x4x128xi32, #tpu.memory_space<hbm>> -> memref<4x128xi32, #tpu.memory_space<hbm>>
      tpu.enqueue_dma source(%dma_start3A_856 : memref<4x128xi32, #tpu.memory_space<hbm>>) target(%dma_start3A_852 : memref<4x128xi32, #tpu.memory_space<vmem>>) target_semaphore(%run_scoped3A_840 : memref<!tpu.dma_semaphore, #tpu.memory_space<semaphore_mem>>)
      %dma_wait3A_857 = arith.constant 0 : i32
      %dma_wait3A_858 = arith.constant 0 : i32
      %dma_wait3A_859 = tpu.memref_slice %arg10[%run_scoped3A_31, %dma_wait3A_857, %dma_wait3A_858] : memref<4x4x128xi32, #tpu.memory_space<vmem>> -> memref<1x4x128xi32, #tpu.memory_space<vmem>>
      %dma_wait3A_860 = tpu.memref_squeeze %dma_wait3A_859 : memref<1x4x128xi32, #tpu.memory_space<vmem>> -> memref<4x128xi32, #tpu.memory_space<vmem>>
      %dma_wait3A_861 = arith.constant 0 : i32
      %dma_wait3A_862 = arith.constant 0 : i32
      %dma_wait3A_863 = tpu.memref_slice %arg4[%add3A, %run_scoped3A_30, %dma_wait3A_861, %dma_wait3A_862] : memref<64x79x4x128xi32, #tpu.memory_space<hbm>> -> memref<1x1x4x128xi32, #tpu.memory_space<hbm>>
      %dma_wait3A_864 = tpu.memref_squeeze %dma_wait3A_863 : memref<1x1x4x128xi32, #tpu.memory_space<hbm>> -> memref<4x128xi32, #tpu.memory_space<hbm>>
      %dma_wait3A_865 = arith.constant 0 : i32
      %dma_wait3A_866 = arith.constant 0 : i32
      %dma_wait3A_867 = tpu.memref_slice %arg10[%run_scoped3A_31, %dma_wait3A_865, %dma_wait3A_866] : memref<4x4x128xi32, #tpu.memory_space<vmem>> -> memref<1x4x128xi32, #tpu.memory_space<vmem>>
      %dma_wait3A_868 = tpu.memref_squeeze %dma_wait3A_867 : memref<1x4x128xi32, #tpu.memory_space<vmem>> -> memref<4x128xi32, #tpu.memory_space<vmem>>
      %dma_wait3A_869 = arith.constant 0 : i32
      %dma_wait3A_870 = arith.constant 0 : i32
      %dma_wait3A_871 = tpu.memref_slice %arg4[%add3A, %run_scoped3A_30, %dma_wait3A_869, %dma_wait3A_870] : memref<64x79x4x128xi32, #tpu.memory_space<hbm>> -> memref<1x1x4x128xi32, #tpu.memory_space<hbm>>
      %dma_wait3A_872 = tpu.memref_squeeze %dma_wait3A_871 : memref<1x1x4x128xi32, #tpu.memory_space<hbm>> -> memref<4x128xi32, #tpu.memory_space<hbm>>
      tpu.wait_dma2 semaphore(%run_scoped3A_840 : memref<!tpu.dma_semaphore, #tpu.memory_space<semaphore_mem>>) src(%dma_wait3A_872 : memref<4x128xi32, #tpu.memory_space<hbm>>) dst(%dma_wait3A_868 : memref<4x128xi32, #tpu.memory_space<vmem>>)
      tpu.yield
    }) : () -> ()
    %run_scoped3A_32 = arith.constant 0 : i32
    %run_scoped3A_33 = arith.constant 0 : i32
    "tpu.region"() ({
      %run_scoped3A_840 = tpu.sem_alloc : memref<!tpu.dma_semaphore, #tpu.memory_space<semaphore_mem>>
      %dma_start3A_841 = arith.constant 0 : i32
      %dma_start3A_842 = arith.constant 0 : i32
      %dma_start3A_843 = tpu.memref_slice %arg11[%run_scoped3A_33, %dma_start3A_841, %dma_start3A_842] : memref<4x4x128xi32, #tpu.memory_space<vmem>> -> memref<1x4x128xi32, #tpu.memory_space<vmem>>
      %dma_start3A_844 = tpu.memref_squeeze %dma_start3A_843 : memref<1x4x128xi32, #tpu.memory_space<vmem>> -> memref<4x128xi32, #tpu.memory_space<vmem>>
      %dma_start3A_845 = arith.constant 0 : i32
      %dma_start3A_846 = arith.constant 0 : i32
      %dma_start3A_847 = tpu.memref_slice %arg4[%add3A_4, %run_scoped3A_32, %dma_start3A_845, %dma_start3A_846] : memref<64x79x4x128xi32, #tpu.memory_space<hbm>> -> memref<1x1x4x128xi32, #tpu.memory_space<hbm>>
      %dma_start3A_848 = tpu.memref_squeeze %dma_start3A_847 : memref<1x1x4x128xi32, #tpu.memory_space<hbm>> -> memref<4x128xi32, #tpu.memory_space<hbm>>
      %dma_start3A_849 = arith.constant 0 : i32
      %dma_start3A_850 = arith.constant 0 : i32
      %dma_start3A_851 = tpu.memref_slice %arg11[%run_scoped3A_33, %dma_start3A_849, %dma_start3A_850] : memref<4x4x128xi32, #tpu.memory_space<vmem>> -> memref<1x4x128xi32, #tpu.memory_space<vmem>>
      %dma_start3A_852 = tpu.memref_squeeze %dma_start3A_851 : memref<1x4x128xi32, #tpu.memory_space<vmem>> -> memref<4x128xi32, #tpu.memory_space<vmem>>
      %dma_start3A_853 = arith.constant 0 : i32
      %dma_start3A_854 = arith.constant 0 : i32
      %dma_start3A_855 = tpu.memref_slice %arg4[%add3A_4, %run_scoped3A_32, %dma_start3A_853, %dma_start3A_854] : memref<64x79x4x128xi32, #tpu.memory_space<hbm>> -> memref<1x1x4x128xi32, #tpu.memory_space<hbm>>
      %dma_start3A_856 = tpu.memref_squeeze %dma_start3A_855 : memref<1x1x4x128xi32, #tpu.memory_space<hbm>> -> memref<4x128xi32, #tpu.memory_space<hbm>>
      tpu.enqueue_dma source(%dma_start3A_856 : memref<4x128xi32, #tpu.memory_space<hbm>>) target(%dma_start3A_852 : memref<4x128xi32, #tpu.memory_space<vmem>>) target_semaphore(%run_scoped3A_840 : memref<!tpu.dma_semaphore, #tpu.memory_space<semaphore_mem>>)
      %dma_wait3A_857 = arith.constant 0 : i32
      %dma_wait3A_858 = arith.constant 0 : i32
      %dma_wait3A_859 = tpu.memref_slice %arg11[%run_scoped3A_33, %dma_wait3A_857, %dma_wait3A_858] : memref<4x4x128xi32, #tpu.memory_space<vmem>> -> memref<1x4x128xi32, #tpu.memory_space<vmem>>
      %dma_wait3A_860 = tpu.memref_squeeze %dma_wait3A_859 : memref<1x4x128xi32, #tpu.memory_space<vmem>> -> memref<4x128xi32, #tpu.memory_space<vmem>>
      %dma_wait3A_861 = arith.constant 0 : i32
      %dma_wait3A_862 = arith.constant 0 : i32
      %dma_wait3A_863 = tpu.memref_slice %arg4[%add3A_4, %run_scoped3A_32, %dma_wait3A_861, %dma_wait3A_862] : memref<64x79x4x128xi32, #tpu.memory_space<hbm>> -> memref<1x1x4x128xi32, #tpu.memory_space<hbm>>
      %dma_wait3A_864 = tpu.memref_squeeze %dma_wait3A_863 : memref<1x1x4x128xi32, #tpu.memory_space<hbm>> -> memref<4x128xi32, #tpu.memory_space<hbm>>
      %dma_wait3A_865 = arith.constant 0 : i32
      %dma_wait3A_866 = arith.constant 0 : i32
      %dma_wait3A_867 = tpu.memref_slice %arg11[%run_scoped3A_33, %dma_wait3A_865, %dma_wait3A_866] : memref<4x4x128xi32, #tpu.memory_space<vmem>> -> memref<1x4x128xi32, #tpu.memory_space<vmem>>
      %dma_wait3A_868 = tpu.memref_squeeze %dma_wait3A_867 : memref<1x4x128xi32, #tpu.memory_space<vmem>> -> memref<4x128xi32, #tpu.memory_space<vmem>>
      %dma_wait3A_869 = arith.constant 0 : i32
      %dma_wait3A_870 = arith.constant 0 : i32
      %dma_wait3A_871 = tpu.memref_slice %arg4[%add3A_4, %run_scoped3A_32, %dma_wait3A_869, %dma_wait3A_870] : memref<64x79x4x128xi32, #tpu.memory_space<hbm>> -> memref<1x1x4x128xi32, #tpu.memory_space<hbm>>
      %dma_wait3A_872 = tpu.memref_squeeze %dma_wait3A_871 : memref<1x1x4x128xi32, #tpu.memory_space<hbm>> -> memref<4x128xi32, #tpu.memory_space<hbm>>
      tpu.wait_dma2 semaphore(%run_scoped3A_840 : memref<!tpu.dma_semaphore, #tpu.memory_space<semaphore_mem>>) src(%dma_wait3A_872 : memref<4x128xi32, #tpu.memory_space<hbm>>) dst(%dma_wait3A_868 : memref<4x128xi32, #tpu.memory_space<vmem>>)
      tpu.yield
    }) : () -> ()
    %dma_start3A = arith.constant 0 : i32
    %dma_start3A_34 = arith.constant 0 : i32
    %dma_start3A_35 = arith.constant 0 : i32
    %dma_start3A_36 = arith.constant 0 : i32
    %dma_start3A_37 = arith.constant 0 : i32
    %dma_start3A_38 = tpu.memref_slice %arg12[%dma_start3A_35, %dma_start3A_36, %dma_start3A_37] : memref<6x128x64xf32, #tpu.memory_space<vmem>> -> memref<1x128x64xf32, #tpu.memory_space<vmem>>
    %dma_start3A_39 = tpu.memref_squeeze %dma_start3A_38 : memref<1x128x64xf32, #tpu.memory_space<vmem>> -> memref<128x64xf32, #tpu.memory_space<vmem>>
    %dma_start3A_40 = arith.constant 0 : i32
    %dma_start3A_41 = tpu.memref_slice %arg10[%dma_start3A, %dma_start3A_34, %dma_start3A_40] : memref<4x4x128xi32, #tpu.memory_space<vmem>> -> memref<1x1x128xi32, #tpu.memory_space<vmem>>
    %dma_start3A_42 = tpu.memref_squeeze %dma_start3A_41 : memref<1x1x128xi32, #tpu.memory_space<vmem>> -> memref<128xi32, #tpu.memory_space<vmem>>
    %dma_start3A_43 = arith.constant 0 : i32
    %dma_start3A_44 = arith.constant 0 : i32
    %dma_start3A_45 = tpu.memref_slice %arg2[%dma_start3A_43, %dma_start3A_44] : memref<20000x64xf32, #tpu.memory_space<hbm>> -> memref<20000x64xf32, #tpu.memory_space<hbm>>
    tpu.enqueue_indirect_dma source(%dma_start3A_45 : memref<20000x64xf32, #tpu.memory_space<hbm>>) target(%dma_start3A_39 : memref<128x64xf32, #tpu.memory_space<vmem>>) offsets(%dma_start3A_42 : memref<128xi32, #tpu.memory_space<vmem>>) semaphore(%arg16 : memref<!tpu.dma_semaphore, #tpu.memory_space<semaphore_mem>>)
    %dma_start3A_46 = arith.constant 0 : i32
    %dma_start3A_47 = arith.constant 1 : i32
    %dma_start3A_48 = arith.constant 1 : i32
    %dma_start3A_49 = arith.constant 0 : i32
    %dma_start3A_50 = arith.constant 0 : i32
    %dma_start3A_51 = tpu.memref_slice %arg12[%dma_start3A_48, %dma_start3A_49, %dma_start3A_50] : memref<6x128x64xf32, #tpu.memory_space<vmem>> -> memref<1x128x64xf32, #tpu.memory_space<vmem>>
    %dma_start3A_52 = tpu.memref_squeeze %dma_start3A_51 : memref<1x128x64xf32, #tpu.memory_space<vmem>> -> memref<128x64xf32, #tpu.memory_space<vmem>>
    %dma_start3A_53 = arith.constant 0 : i32
    %dma_start3A_54 = tpu.memref_slice %arg10[%dma_start3A_46, %dma_start3A_47, %dma_start3A_53] : memref<4x4x128xi32, #tpu.memory_space<vmem>> -> memref<1x1x128xi32, #tpu.memory_space<vmem>>
    %dma_start3A_55 = tpu.memref_squeeze %dma_start3A_54 : memref<1x1x128xi32, #tpu.memory_space<vmem>> -> memref<128xi32, #tpu.memory_space<vmem>>
    %dma_start3A_56 = arith.constant 0 : i32
    %dma_start3A_57 = arith.constant 0 : i32
    %dma_start3A_58 = tpu.memref_slice %arg2[%dma_start3A_56, %dma_start3A_57] : memref<20000x64xf32, #tpu.memory_space<hbm>> -> memref<20000x64xf32, #tpu.memory_space<hbm>>
    tpu.enqueue_indirect_dma source(%dma_start3A_58 : memref<20000x64xf32, #tpu.memory_space<hbm>>) target(%dma_start3A_52 : memref<128x64xf32, #tpu.memory_space<vmem>>) offsets(%dma_start3A_55 : memref<128xi32, #tpu.memory_space<vmem>>) semaphore(%arg16 : memref<!tpu.dma_semaphore, #tpu.memory_space<semaphore_mem>>)
    %dma_start3A_59 = arith.constant 0 : i32
    %dma_start3A_60 = arith.constant 2 : i32
    %dma_start3A_61 = arith.constant 2 : i32
    %dma_start3A_62 = arith.constant 0 : i32
    %dma_start3A_63 = arith.constant 0 : i32
    %dma_start3A_64 = tpu.memref_slice %arg12[%dma_start3A_61, %dma_start3A_62, %dma_start3A_63] : memref<6x128x64xf32, #tpu.memory_space<vmem>> -> memref<1x128x64xf32, #tpu.memory_space<vmem>>
    %dma_start3A_65 = tpu.memref_squeeze %dma_start3A_64 : memref<1x128x64xf32, #tpu.memory_space<vmem>> -> memref<128x64xf32, #tpu.memory_space<vmem>>
    %dma_start3A_66 = arith.constant 0 : i32
    %dma_start3A_67 = tpu.memref_slice %arg10[%dma_start3A_59, %dma_start3A_60, %dma_start3A_66] : memref<4x4x128xi32, #tpu.memory_space<vmem>> -> memref<1x1x128xi32, #tpu.memory_space<vmem>>
    %dma_start3A_68 = tpu.memref_squeeze %dma_start3A_67 : memref<1x1x128xi32, #tpu.memory_space<vmem>> -> memref<128xi32, #tpu.memory_space<vmem>>
    %dma_start3A_69 = arith.constant 0 : i32
    %dma_start3A_70 = arith.constant 0 : i32
    %dma_start3A_71 = tpu.memref_slice %arg2[%dma_start3A_69, %dma_start3A_70] : memref<20000x64xf32, #tpu.memory_space<hbm>> -> memref<20000x64xf32, #tpu.memory_space<hbm>>
    tpu.enqueue_indirect_dma source(%dma_start3A_71 : memref<20000x64xf32, #tpu.memory_space<hbm>>) target(%dma_start3A_65 : memref<128x64xf32, #tpu.memory_space<vmem>>) offsets(%dma_start3A_68 : memref<128xi32, #tpu.memory_space<vmem>>) semaphore(%arg16 : memref<!tpu.dma_semaphore, #tpu.memory_space<semaphore_mem>>)
    %dma_start3A_72 = arith.constant 0 : i32
    %dma_start3A_73 = arith.constant 3 : i32
    %dma_start3A_74 = arith.constant 3 : i32
    %dma_start3A_75 = arith.constant 0 : i32
    %dma_start3A_76 = arith.constant 0 : i32
    %dma_start3A_77 = tpu.memref_slice %arg12[%dma_start3A_74, %dma_start3A_75, %dma_start3A_76] : memref<6x128x64xf32, #tpu.memory_space<vmem>> -> memref<1x128x64xf32, #tpu.memory_space<vmem>>
    %dma_start3A_78 = tpu.memref_squeeze %dma_start3A_77 : memref<1x128x64xf32, #tpu.memory_space<vmem>> -> memref<128x64xf32, #tpu.memory_space<vmem>>
    %dma_start3A_79 = arith.constant 0 : i32
    %dma_start3A_80 = tpu.memref_slice %arg10[%dma_start3A_72, %dma_start3A_73, %dma_start3A_79] : memref<4x4x128xi32, #tpu.memory_space<vmem>> -> memref<1x1x128xi32, #tpu.memory_space<vmem>>
    %dma_start3A_81 = tpu.memref_squeeze %dma_start3A_80 : memref<1x1x128xi32, #tpu.memory_space<vmem>> -> memref<128xi32, #tpu.memory_space<vmem>>
    %dma_start3A_82 = arith.constant 0 : i32
    %dma_start3A_83 = arith.constant 0 : i32
    %dma_start3A_84 = tpu.memref_slice %arg2[%dma_start3A_82, %dma_start3A_83] : memref<20000x64xf32, #tpu.memory_space<hbm>> -> memref<20000x64xf32, #tpu.memory_space<hbm>>
    tpu.enqueue_indirect_dma source(%dma_start3A_84 : memref<20000x64xf32, #tpu.memory_space<hbm>>) target(%dma_start3A_78 : memref<128x64xf32, #tpu.memory_space<vmem>>) offsets(%dma_start3A_81 : memref<128xi32, #tpu.memory_space<vmem>>) semaphore(%arg16 : memref<!tpu.dma_semaphore, #tpu.memory_space<semaphore_mem>>)
    %dma_start3A_85 = arith.constant 1 : i32
    %dma_start3A_86 = arith.constant 1 : i32
    %dma_start3A_87 = arith.constant 0 : i32
    %dma_start3A_88 = arith.constant 0 : i32
    %dma_start3A_89 = tpu.memref_slice %arg10[%dma_start3A_86, %dma_start3A_87, %dma_start3A_88] : memref<4x4x128xi32, #tpu.memory_space<vmem>> -> memref<1x4x128xi32, #tpu.memory_space<vmem>>
    %dma_start3A_90 = tpu.memref_squeeze %dma_start3A_89 : memref<1x4x128xi32, #tpu.memory_space<vmem>> -> memref<4x128xi32, #tpu.memory_space<vmem>>
    %dma_start3A_91 = arith.constant 0 : i32
    %dma_start3A_92 = arith.constant 0 : i32
    %dma_start3A_93 = tpu.memref_slice %arg4[%add3A, %dma_start3A_85, %dma_start3A_91, %dma_start3A_92] : memref<64x79x4x128xi32, #tpu.memory_space<hbm>> -> memref<1x1x4x128xi32, #tpu.memory_space<hbm>>
    %dma_start3A_94 = tpu.memref_squeeze %dma_start3A_93 : memref<1x1x4x128xi32, #tpu.memory_space<hbm>> -> memref<4x128xi32, #tpu.memory_space<hbm>>
    %dma_start3A_95 = arith.constant 0 : i32
    %dma_start3A_96 = arith.constant 0 : i32
    %dma_start3A_97 = tpu.memref_slice %arg10[%dma_start3A_86, %dma_start3A_95, %dma_start3A_96] : memref<4x4x128xi32, #tpu.memory_space<vmem>> -> memref<1x4x128xi32, #tpu.memory_space<vmem>>
    %dma_start3A_98 = tpu.memref_squeeze %dma_start3A_97 : memref<1x4x128xi32, #tpu.memory_space<vmem>> -> memref<4x128xi32, #tpu.memory_space<vmem>>
    %dma_start3A_99 = arith.constant 0 : i32
    %dma_start3A_100 = arith.constant 0 : i32
    %dma_start3A_101 = tpu.memref_slice %arg4[%add3A, %dma_start3A_85, %dma_start3A_99, %dma_start3A_100] : memref<64x79x4x128xi32, #tpu.memory_space<hbm>> -> memref<1x1x4x128xi32, #tpu.memory_space<hbm>>
    %dma_start3A_102 = tpu.memref_squeeze %dma_start3A_101 : memref<1x1x4x128xi32, #tpu.memory_space<hbm>> -> memref<4x128xi32, #tpu.memory_space<hbm>>
    tpu.enqueue_dma source(%dma_start3A_102 : memref<4x128xi32, #tpu.memory_space<hbm>>) target(%dma_start3A_98 : memref<4x128xi32, #tpu.memory_space<vmem>>) target_semaphore(%arg18 : memref<!tpu.dma_semaphore, #tpu.memory_space<semaphore_mem>>)
    %dma_start3A_103 = arith.constant 1 : i32
    %dma_start3A_104 = arith.constant 1 : i32
    %dma_start3A_105 = arith.constant 0 : i32
    %dma_start3A_106 = arith.constant 0 : i32
    %dma_start3A_107 = tpu.memref_slice %arg11[%dma_start3A_104, %dma_start3A_105, %dma_start3A_106] : memref<4x4x128xi32, #tpu.memory_space<vmem>> -> memref<1x4x128xi32, #tpu.memory_space<vmem>>
    %dma_start3A_108 = tpu.memref_squeeze %dma_start3A_107 : memref<1x4x128xi32, #tpu.memory_space<vmem>> -> memref<4x128xi32, #tpu.memory_space<vmem>>
    %dma_start3A_109 = arith.constant 0 : i32
    %dma_start3A_110 = arith.constant 0 : i32
    %dma_start3A_111 = tpu.memref_slice %arg4[%add3A_4, %dma_start3A_103, %dma_start3A_109, %dma_start3A_110] : memref<64x79x4x128xi32, #tpu.memory_space<hbm>> -> memref<1x1x4x128xi32, #tpu.memory_space<hbm>>
    %dma_start3A_112 = tpu.memref_squeeze %dma_start3A_111 : memref<1x1x4x128xi32, #tpu.memory_space<hbm>> -> memref<4x128xi32, #tpu.memory_space<hbm>>
    %dma_start3A_113 = arith.constant 0 : i32
    %dma_start3A_114 = arith.constant 0 : i32
    %dma_start3A_115 = tpu.memref_slice %arg11[%dma_start3A_104, %dma_start3A_113, %dma_start3A_114] : memref<4x4x128xi32, #tpu.memory_space<vmem>> -> memref<1x4x128xi32, #tpu.memory_space<vmem>>
    %dma_start3A_116 = tpu.memref_squeeze %dma_start3A_115 : memref<1x4x128xi32, #tpu.memory_space<vmem>> -> memref<4x128xi32, #tpu.memory_space<vmem>>
    %dma_start3A_117 = arith.constant 0 : i32
    %dma_start3A_118 = arith.constant 0 : i32
    %dma_start3A_119 = tpu.memref_slice %arg4[%add3A_4, %dma_start3A_103, %dma_start3A_117, %dma_start3A_118] : memref<64x79x4x128xi32, #tpu.memory_space<hbm>> -> memref<1x1x4x128xi32, #tpu.memory_space<hbm>>
    %dma_start3A_120 = tpu.memref_squeeze %dma_start3A_119 : memref<1x1x4x128xi32, #tpu.memory_space<hbm>> -> memref<4x128xi32, #tpu.memory_space<hbm>>
    tpu.enqueue_dma source(%dma_start3A_120 : memref<4x128xi32, #tpu.memory_space<hbm>>) target(%dma_start3A_116 : memref<4x128xi32, #tpu.memory_space<vmem>>) target_semaphore(%arg18 : memref<!tpu.dma_semaphore, #tpu.memory_space<semaphore_mem>>)
    %dma_start3A_121 = arith.constant 2 : i32
    %dma_start3A_122 = arith.constant 2 : i32
    %dma_start3A_123 = arith.constant 0 : i32
    %dma_start3A_124 = arith.constant 0 : i32
    %dma_start3A_125 = tpu.memref_slice %arg10[%dma_start3A_122, %dma_start3A_123, %dma_start3A_124] : memref<4x4x128xi32, #tpu.memory_space<vmem>> -> memref<1x4x128xi32, #tpu.memory_space<vmem>>
    %dma_start3A_126 = tpu.memref_squeeze %dma_start3A_125 : memref<1x4x128xi32, #tpu.memory_space<vmem>> -> memref<4x128xi32, #tpu.memory_space<vmem>>
    %dma_start3A_127 = arith.constant 0 : i32
    %dma_start3A_128 = arith.constant 0 : i32
    %dma_start3A_129 = tpu.memref_slice %arg4[%add3A, %dma_start3A_121, %dma_start3A_127, %dma_start3A_128] : memref<64x79x4x128xi32, #tpu.memory_space<hbm>> -> memref<1x1x4x128xi32, #tpu.memory_space<hbm>>
    %dma_start3A_130 = tpu.memref_squeeze %dma_start3A_129 : memref<1x1x4x128xi32, #tpu.memory_space<hbm>> -> memref<4x128xi32, #tpu.memory_space<hbm>>
    %dma_start3A_131 = arith.constant 0 : i32
    %dma_start3A_132 = arith.constant 0 : i32
    %dma_start3A_133 = tpu.memref_slice %arg10[%dma_start3A_122, %dma_start3A_131, %dma_start3A_132] : memref<4x4x128xi32, #tpu.memory_space<vmem>> -> memref<1x4x128xi32, #tpu.memory_space<vmem>>
    %dma_start3A_134 = tpu.memref_squeeze %dma_start3A_133 : memref<1x4x128xi32, #tpu.memory_space<vmem>> -> memref<4x128xi32, #tpu.memory_space<vmem>>
    %dma_start3A_135 = arith.constant 0 : i32
    %dma_start3A_136 = arith.constant 0 : i32
    %dma_start3A_137 = tpu.memref_slice %arg4[%add3A, %dma_start3A_121, %dma_start3A_135, %dma_start3A_136] : memref<64x79x4x128xi32, #tpu.memory_space<hbm>> -> memref<1x1x4x128xi32, #tpu.memory_space<hbm>>
    %dma_start3A_138 = tpu.memref_squeeze %dma_start3A_137 : memref<1x1x4x128xi32, #tpu.memory_space<hbm>> -> memref<4x128xi32, #tpu.memory_space<hbm>>
    tpu.enqueue_dma source(%dma_start3A_138 : memref<4x128xi32, #tpu.memory_space<hbm>>) target(%dma_start3A_134 : memref<4x128xi32, #tpu.memory_space<vmem>>) target_semaphore(%arg18 : memref<!tpu.dma_semaphore, #tpu.memory_space<semaphore_mem>>)
    %dma_start3A_139 = arith.constant 2 : i32
    %dma_start3A_140 = arith.constant 2 : i32
    %dma_start3A_141 = arith.constant 0 : i32
    %dma_start3A_142 = arith.constant 0 : i32
    %dma_start3A_143 = tpu.memref_slice %arg11[%dma_start3A_140, %dma_start3A_141, %dma_start3A_142] : memref<4x4x128xi32, #tpu.memory_space<vmem>> -> memref<1x4x128xi32, #tpu.memory_space<vmem>>
    %dma_start3A_144 = tpu.memref_squeeze %dma_start3A_143 : memref<1x4x128xi32, #tpu.memory_space<vmem>> -> memref<4x128xi32, #tpu.memory_space<vmem>>
    %dma_start3A_145 = arith.constant 0 : i32
    %dma_start3A_146 = arith.constant 0 : i32
    %dma_start3A_147 = tpu.memref_slice %arg4[%add3A_4, %dma_start3A_139, %dma_start3A_145, %dma_start3A_146] : memref<64x79x4x128xi32, #tpu.memory_space<hbm>> -> memref<1x1x4x128xi32, #tpu.memory_space<hbm>>
    %dma_start3A_148 = tpu.memref_squeeze %dma_start3A_147 : memref<1x1x4x128xi32, #tpu.memory_space<hbm>> -> memref<4x128xi32, #tpu.memory_space<hbm>>
    %dma_start3A_149 = arith.constant 0 : i32
    %dma_start3A_150 = arith.constant 0 : i32
    %dma_start3A_151 = tpu.memref_slice %arg11[%dma_start3A_140, %dma_start3A_149, %dma_start3A_150] : memref<4x4x128xi32, #tpu.memory_space<vmem>> -> memref<1x4x128xi32, #tpu.memory_space<vmem>>
    %dma_start3A_152 = tpu.memref_squeeze %dma_start3A_151 : memref<1x4x128xi32, #tpu.memory_space<vmem>> -> memref<4x128xi32, #tpu.memory_space<vmem>>
    %dma_start3A_153 = arith.constant 0 : i32
    %dma_start3A_154 = arith.constant 0 : i32
    %dma_start3A_155 = tpu.memref_slice %arg4[%add3A_4, %dma_start3A_139, %dma_start3A_153, %dma_start3A_154] : memref<64x79x4x128xi32, #tpu.memory_space<hbm>> -> memref<1x1x4x128xi32, #tpu.memory_space<hbm>>
    %dma_start3A_156 = tpu.memref_squeeze %dma_start3A_155 : memref<1x1x4x128xi32, #tpu.memory_space<hbm>> -> memref<4x128xi32, #tpu.memory_space<hbm>>
    tpu.enqueue_dma source(%dma_start3A_156 : memref<4x128xi32, #tpu.memory_space<hbm>>) target(%dma_start3A_152 : memref<4x128xi32, #tpu.memory_space<vmem>>) target_semaphore(%arg18 : memref<!tpu.dma_semaphore, #tpu.memory_space<semaphore_mem>>)
    %dma_wait3A = arith.constant 0 : i32
    %dma_wait3A_157 = arith.constant 0 : i32
    %dma_wait3A_158 = arith.constant 0 : i32
    %dma_wait3A_159 = tpu.memref_slice %arg12[%dma_wait3A, %dma_wait3A_157, %dma_wait3A_158] : memref<6x128x64xf32, #tpu.memory_space<vmem>> -> memref<1x128x64xf32, #tpu.memory_space<vmem>>
    %dma_wait3A_160 = tpu.memref_squeeze %dma_wait3A_159 : memref<1x128x64xf32, #tpu.memory_space<vmem>> -> memref<128x64xf32, #tpu.memory_space<vmem>>
    %dma_wait3A_161 = arith.constant 0 : i32
    %dma_wait3A_162 = arith.constant 0 : i32
    %dma_wait3A_163 = tpu.memref_slice %arg12[%dma_wait3A, %dma_wait3A_161, %dma_wait3A_162] : memref<6x128x64xf32, #tpu.memory_space<vmem>> -> memref<1x128x64xf32, #tpu.memory_space<vmem>>
    %dma_wait3A_164 = tpu.memref_squeeze %dma_wait3A_163 : memref<1x128x64xf32, #tpu.memory_space<vmem>> -> memref<128x64xf32, #tpu.memory_space<vmem>>
    tpu.wait_dma2 semaphore(%arg16 : memref<!tpu.dma_semaphore, #tpu.memory_space<semaphore_mem>>) src(%arg5 : memref<128x64xf32, #tpu.memory_space<hbm>>) dst(%dma_wait3A_164 : memref<128x64xf32, #tpu.memory_space<vmem>>)
    %dma_wait3A_165 = arith.constant 0 : i32
    %dma_wait3A_166 = arith.constant 0 : i32
    %dma_wait3A_167 = arith.constant 0 : i32
    %dma_wait3A_168 = arith.constant 0 : i32
    %dma_wait3A_169 = arith.constant 0 : i32
    %dma_wait3A_170 = tpu.memref_slice %arg10[%dma_wait3A_167, %dma_wait3A_168, %dma_wait3A_169] : memref<4x4x128xi32, #tpu.memory_space<vmem>> -> memref<1x4x128xi32, #tpu.memory_space<vmem>>
    %dma_wait3A_171 = tpu.memref_squeeze %dma_wait3A_170 : memref<1x4x128xi32, #tpu.memory_space<vmem>> -> memref<4x128xi32, #tpu.memory_space<vmem>>
    %dma_wait3A_172 = arith.constant 0 : i32
    %dma_wait3A_173 = arith.constant 0 : i32
    %dma_wait3A_174 = tpu.memref_slice %arg4[%dma_wait3A_165, %dma_wait3A_166, %dma_wait3A_172, %dma_wait3A_173] : memref<64x79x4x128xi32, #tpu.memory_space<hbm>> -> memref<1x1x4x128xi32, #tpu.memory_space<hbm>>
    %dma_wait3A_175 = tpu.memref_squeeze %dma_wait3A_174 : memref<1x1x4x128xi32, #tpu.memory_space<hbm>> -> memref<4x128xi32, #tpu.memory_space<hbm>>
    %dma_wait3A_176 = arith.constant 0 : i32
    %dma_wait3A_177 = arith.constant 0 : i32
    %dma_wait3A_178 = tpu.memref_slice %arg10[%dma_wait3A_167, %dma_wait3A_176, %dma_wait3A_177] : memref<4x4x128xi32, #tpu.memory_space<vmem>> -> memref<1x4x128xi32, #tpu.memory_space<vmem>>
    %dma_wait3A_179 = tpu.memref_squeeze %dma_wait3A_178 : memref<1x4x128xi32, #tpu.memory_space<vmem>> -> memref<4x128xi32, #tpu.memory_space<vmem>>
    %dma_wait3A_180 = arith.constant 0 : i32
    %dma_wait3A_181 = arith.constant 0 : i32
    %dma_wait3A_182 = tpu.memref_slice %arg4[%dma_wait3A_165, %dma_wait3A_166, %dma_wait3A_180, %dma_wait3A_181] : memref<64x79x4x128xi32, #tpu.memory_space<hbm>> -> memref<1x1x4x128xi32, #tpu.memory_space<hbm>>
    %dma_wait3A_183 = tpu.memref_squeeze %dma_wait3A_182 : memref<1x1x4x128xi32, #tpu.memory_space<hbm>> -> memref<4x128xi32, #tpu.memory_space<hbm>>
    tpu.wait_dma2 semaphore(%arg18 : memref<!tpu.dma_semaphore, #tpu.memory_space<semaphore_mem>>) src(%dma_wait3A_183 : memref<4x128xi32, #tpu.memory_space<hbm>>) dst(%dma_wait3A_179 : memref<4x128xi32, #tpu.memory_space<vmem>>)
    %dma_wait3A_184 = arith.constant 0 : i32
    %dma_wait3A_185 = arith.constant 0 : i32
    %dma_wait3A_186 = arith.constant 0 : i32
    %dma_wait3A_187 = arith.constant 0 : i32
    %dma_wait3A_188 = arith.constant 0 : i32
    %dma_wait3A_189 = tpu.memref_slice %arg10[%dma_wait3A_186, %dma_wait3A_187, %dma_wait3A_188] : memref<4x4x128xi32, #tpu.memory_space<vmem>> -> memref<1x4x128xi32, #tpu.memory_space<vmem>>
    %dma_wait3A_190 = tpu.memref_squeeze %dma_wait3A_189 : memref<1x4x128xi32, #tpu.memory_space<vmem>> -> memref<4x128xi32, #tpu.memory_space<vmem>>
    %dma_wait3A_191 = arith.constant 0 : i32
    %dma_wait3A_192 = arith.constant 0 : i32
    %dma_wait3A_193 = tpu.memref_slice %arg4[%dma_wait3A_184, %dma_wait3A_185, %dma_wait3A_191, %dma_wait3A_192] : memref<64x79x4x128xi32, #tpu.memory_space<hbm>> -> memref<1x1x4x128xi32, #tpu.memory_space<hbm>>
    %dma_wait3A_194 = tpu.memref_squeeze %dma_wait3A_193 : memref<1x1x4x128xi32, #tpu.memory_space<hbm>> -> memref<4x128xi32, #tpu.memory_space<hbm>>
    %dma_wait3A_195 = arith.constant 0 : i32
    %dma_wait3A_196 = arith.constant 0 : i32
    %dma_wait3A_197 = tpu.memref_slice %arg10[%dma_wait3A_186, %dma_wait3A_195, %dma_wait3A_196] : memref<4x4x128xi32, #tpu.memory_space<vmem>> -> memref<1x4x128xi32, #tpu.memory_space<vmem>>
    %dma_wait3A_198 = tpu.memref_squeeze %dma_wait3A_197 : memref<1x4x128xi32, #tpu.memory_space<vmem>> -> memref<4x128xi32, #tpu.memory_space<vmem>>
    %dma_wait3A_199 = arith.constant 0 : i32
    %dma_wait3A_200 = arith.constant 0 : i32
    %dma_wait3A_201 = tpu.memref_slice %arg4[%dma_wait3A_184, %dma_wait3A_185, %dma_wait3A_199, %dma_wait3A_200] : memref<64x79x4x128xi32, #tpu.memory_space<hbm>> -> memref<1x1x4x128xi32, #tpu.memory_space<hbm>>
    %dma_wait3A_202 = tpu.memref_squeeze %dma_wait3A_201 : memref<1x1x4x128xi32, #tpu.memory_space<hbm>> -> memref<4x128xi32, #tpu.memory_space<hbm>>
    tpu.wait_dma2 semaphore(%arg18 : memref<!tpu.dma_semaphore, #tpu.memory_space<semaphore_mem>>) src(%dma_wait3A_202 : memref<4x128xi32, #tpu.memory_space<hbm>>) dst(%dma_wait3A_198 : memref<4x128xi32, #tpu.memory_space<vmem>>)
    %dma_start3A_203 = arith.constant 1 : i32
    %dma_start3A_204 = arith.constant 0 : i32
    %dma_start3A_205 = arith.constant 4 : i32
    %dma_start3A_206 = arith.constant 0 : i32
    %dma_start3A_207 = arith.constant 0 : i32
    %dma_start3A_208 = tpu.memref_slice %arg12[%dma_start3A_205, %dma_start3A_206, %dma_start3A_207] : memref<6x128x64xf32, #tpu.memory_space<vmem>> -> memref<1x128x64xf32, #tpu.memory_space<vmem>>
    %dma_start3A_209 = tpu.memref_squeeze %dma_start3A_208 : memref<1x128x64xf32, #tpu.memory_space<vmem>> -> memref<128x64xf32, #tpu.memory_space<vmem>>
    %dma_start3A_210 = arith.constant 0 : i32
    %dma_start3A_211 = tpu.memref_slice %arg10[%dma_start3A_203, %dma_start3A_204, %dma_start3A_210] : memref<4x4x128xi32, #tpu.memory_space<vmem>> -> memref<1x1x128xi32, #tpu.memory_space<vmem>>
    %dma_start3A_212 = tpu.memref_squeeze %dma_start3A_211 : memref<1x1x128xi32, #tpu.memory_space<vmem>> -> memref<128xi32, #tpu.memory_space<vmem>>
    %dma_start3A_213 = arith.constant 0 : i32
    %dma_start3A_214 = arith.constant 0 : i32
    %dma_start3A_215 = tpu.memref_slice %arg2[%dma_start3A_213, %dma_start3A_214] : memref<20000x64xf32, #tpu.memory_space<hbm>> -> memref<20000x64xf32, #tpu.memory_space<hbm>>
    tpu.enqueue_indirect_dma source(%dma_start3A_215 : memref<20000x64xf32, #tpu.memory_space<hbm>>) target(%dma_start3A_209 : memref<128x64xf32, #tpu.memory_space<vmem>>) offsets(%dma_start3A_212 : memref<128xi32, #tpu.memory_space<vmem>>) semaphore(%arg16 : memref<!tpu.dma_semaphore, #tpu.memory_space<semaphore_mem>>)
    %dma_start3A_216 = arith.constant 0 : i32
    %dma_start3A_217 = arith.constant 0 : i32
    %dma_start3A_218 = arith.constant 0 : i32
    %dma_start3A_219 = arith.constant 0 : i32
    %dma_start3A_220 = arith.constant 0 : i32
    %dma_start3A_221 = tpu.memref_slice %arg12[%dma_start3A_216, %dma_start3A_219, %dma_start3A_220] : memref<6x128x64xf32, #tpu.memory_space<vmem>> -> memref<1x128x64xf32, #tpu.memory_space<vmem>>
    %dma_start3A_222 = tpu.memref_squeeze %dma_start3A_221 : memref<1x128x64xf32, #tpu.memory_space<vmem>> -> memref<128x64xf32, #tpu.memory_space<vmem>>
    %dma_start3A_223 = arith.constant 0 : i32
    %dma_start3A_224 = tpu.memref_slice %arg11[%dma_start3A_217, %dma_start3A_218, %dma_start3A_223] : memref<4x4x128xi32, #tpu.memory_space<vmem>> -> memref<1x1x128xi32, #tpu.memory_space<vmem>>
    %dma_start3A_225 = tpu.memref_squeeze %dma_start3A_224 : memref<1x1x128xi32, #tpu.memory_space<vmem>> -> memref<128xi32, #tpu.memory_space<vmem>>
    %dma_start3A_226 = arith.constant 0 : i32
    %dma_start3A_227 = arith.constant 0 : i32
    %dma_start3A_228 = tpu.memref_slice %arg14[%dma_start3A_226, %dma_start3A_227] : memref<10240x64xf32, #tpu.memory_space<vmem_shared>> -> memref<10240x64xf32, #tpu.memory_space<vmem_shared>>
    tpu.enqueue_indirect_dma source(%dma_start3A_222 : memref<128x64xf32, #tpu.memory_space<vmem>>) target(%dma_start3A_228 : memref<10240x64xf32, #tpu.memory_space<vmem_shared>>) offsets(%dma_start3A_225 : memref<128xi32, #tpu.memory_space<vmem>>) semaphore(%arg17 : memref<!tpu.dma_semaphore, #tpu.memory_space<semaphore_mem>>) {add = true}
    %dma_start3A_229 = arith.constant 0 : i32
    %dma_start3A_230 = arith.constant 0 : i32
    %dma_start3A_231 = arith.constant 0 : i32
    %dma_start3A_232 = tpu.memref_slice %arg11[%dma_start3A_229, %dma_start3A_230, %dma_start3A_231] : memref<4x4x128xi32, #tpu.memory_space<vmem>> -> memref<1x1x128xi32, #tpu.memory_space<vmem>>
    %dma_start3A_233 = tpu.memref_squeeze %dma_start3A_232 : memref<1x1x128xi32, #tpu.memory_space<vmem>> -> memref<128xi32, #tpu.memory_space<vmem>>
    %dma_start3A_234 = arith.constant 0 : i32
    %dma_start3A_235 = arith.constant 0 : i32
    %dma_start3A_236 = tpu.memref_slice %arg15[%dma_start3A_234, %dma_start3A_235] : memref<10240x16xf32, #tpu.memory_space<vmem_shared>> -> memref<10240x16xf32, #tpu.memory_space<vmem_shared>>
    tpu.enqueue_indirect_dma source(%arg13 : memref<128x16xf32, #tpu.memory_space<vmem>>) target(%dma_start3A_236 : memref<10240x16xf32, #tpu.memory_space<vmem_shared>>) offsets(%dma_start3A_233 : memref<128xi32, #tpu.memory_space<vmem>>) semaphore(%arg19 : memref<!tpu.dma_semaphore, #tpu.memory_space<semaphore_mem>>) {add = true}
    %dma_wait3A_237 = arith.constant 0 : i32
    %dma_wait3A_238 = arith.constant 0 : i32
    %dma_wait3A_239 = arith.constant 0 : i32
    %dma_wait3A_240 = tpu.memref_slice %arg12[%dma_wait3A_237, %dma_wait3A_238, %dma_wait3A_239] : memref<6x128x64xf32, #tpu.memory_space<vmem>> -> memref<1x128x64xf32, #tpu.memory_space<vmem>>
    %dma_wait3A_241 = tpu.memref_squeeze %dma_wait3A_240 : memref<1x128x64xf32, #tpu.memory_space<vmem>> -> memref<128x64xf32, #tpu.memory_space<vmem>>
    %dma_wait3A_242 = arith.constant 0 : i32
    %dma_wait3A_243 = arith.constant 0 : i32
    %dma_wait3A_244 = tpu.memref_slice %arg12[%dma_wait3A_237, %dma_wait3A_242, %dma_wait3A_243] : memref<6x128x64xf32, #tpu.memory_space<vmem>> -> memref<1x128x64xf32, #tpu.memory_space<vmem>>
    %dma_wait3A_245 = tpu.memref_squeeze %dma_wait3A_244 : memref<1x128x64xf32, #tpu.memory_space<vmem>> -> memref<128x64xf32, #tpu.memory_space<vmem>>
    tpu.wait_dma2 semaphore(%arg16 : memref<!tpu.dma_semaphore, #tpu.memory_space<semaphore_mem>>) src(%arg5 : memref<128x64xf32, #tpu.memory_space<hbm>>) dst(%dma_wait3A_245 : memref<128x64xf32, #tpu.memory_space<vmem>>)
    %dma_start3A_246 = arith.constant 1 : i32
    %dma_start3A_247 = arith.constant 1 : i32
    %dma_start3A_248 = arith.constant 5 : i32
    %dma_start3A_249 = arith.constant 0 : i32
    %dma_start3A_250 = arith.constant 0 : i32
    %dma_start3A_251 = tpu.memref_slice %arg12[%dma_start3A_248, %dma_start3A_249, %dma_start3A_250] : memref<6x128x64xf32, #tpu.memory_space<vmem>> -> memref<1x128x64xf32, #tpu.memory_space<vmem>>
    %dma_start3A_252 = tpu.memref_squeeze %dma_start3A_251 : memref<1x128x64xf32, #tpu.memory_space<vmem>> -> memref<128x64xf32, #tpu.memory_space<vmem>>
    %dma_start3A_253 = arith.constant 0 : i32
    %dma_start3A_254 = tpu.memref_slice %arg10[%dma_start3A_246, %dma_start3A_247, %dma_start3A_253] : memref<4x4x128xi32, #tpu.memory_space<vmem>> -> memref<1x1x128xi32, #tpu.memory_space<vmem>>
    %dma_start3A_255 = tpu.memref_squeeze %dma_start3A_254 : memref<1x1x128xi32, #tpu.memory_space<vmem>> -> memref<128xi32, #tpu.memory_space<vmem>>
    %dma_start3A_256 = arith.constant 0 : i32
    %dma_start3A_257 = arith.constant 0 : i32
    %dma_start3A_258 = tpu.memref_slice %arg2[%dma_start3A_256, %dma_start3A_257] : memref<20000x64xf32, #tpu.memory_space<hbm>> -> memref<20000x64xf32, #tpu.memory_space<hbm>>
    tpu.enqueue_indirect_dma source(%dma_start3A_258 : memref<20000x64xf32, #tpu.memory_space<hbm>>) target(%dma_start3A_252 : memref<128x64xf32, #tpu.memory_space<vmem>>) offsets(%dma_start3A_255 : memref<128xi32, #tpu.memory_space<vmem>>) semaphore(%arg16 : memref<!tpu.dma_semaphore, #tpu.memory_space<semaphore_mem>>)
    %dma_start3A_259 = arith.constant 1 : i32
    %dma_start3A_260 = arith.constant 0 : i32
    %dma_start3A_261 = arith.constant 1 : i32
    %dma_start3A_262 = arith.constant 0 : i32
    %dma_start3A_263 = arith.constant 0 : i32
    %dma_start3A_264 = tpu.memref_slice %arg12[%dma_start3A_259, %dma_start3A_262, %dma_start3A_263] : memref<6x128x64xf32, #tpu.memory_space<vmem>> -> memref<1x128x64xf32, #tpu.memory_space<vmem>>
    %dma_start3A_265 = tpu.memref_squeeze %dma_start3A_264 : memref<1x128x64xf32, #tpu.memory_space<vmem>> -> memref<128x64xf32, #tpu.memory_space<vmem>>
    %dma_start3A_266 = arith.constant 0 : i32
    %dma_start3A_267 = tpu.memref_slice %arg11[%dma_start3A_260, %dma_start3A_261, %dma_start3A_266] : memref<4x4x128xi32, #tpu.memory_space<vmem>> -> memref<1x1x128xi32, #tpu.memory_space<vmem>>
    %dma_start3A_268 = tpu.memref_squeeze %dma_start3A_267 : memref<1x1x128xi32, #tpu.memory_space<vmem>> -> memref<128xi32, #tpu.memory_space<vmem>>
    %dma_start3A_269 = arith.constant 0 : i32
    %dma_start3A_270 = arith.constant 0 : i32
    %dma_start3A_271 = tpu.memref_slice %arg14[%dma_start3A_269, %dma_start3A_270] : memref<10240x64xf32, #tpu.memory_space<vmem_shared>> -> memref<10240x64xf32, #tpu.memory_space<vmem_shared>>
    tpu.enqueue_indirect_dma source(%dma_start3A_265 : memref<128x64xf32, #tpu.memory_space<vmem>>) target(%dma_start3A_271 : memref<10240x64xf32, #tpu.memory_space<vmem_shared>>) offsets(%dma_start3A_268 : memref<128xi32, #tpu.memory_space<vmem>>) semaphore(%arg17 : memref<!tpu.dma_semaphore, #tpu.memory_space<semaphore_mem>>) {add = true}
    %dma_start3A_272 = arith.constant 0 : i32
    %dma_start3A_273 = arith.constant 1 : i32
    %dma_start3A_274 = arith.constant 0 : i32
    %dma_start3A_275 = tpu.memref_slice %arg11[%dma_start3A_272, %dma_start3A_273, %dma_start3A_274] : memref<4x4x128xi32, #tpu.memory_space<vmem>> -> memref<1x1x128xi32, #tpu.memory_space<vmem>>
    %dma_start3A_276 = tpu.memref_squeeze %dma_start3A_275 : memref<1x1x128xi32, #tpu.memory_space<vmem>> -> memref<128xi32, #tpu.memory_space<vmem>>
    %dma_start3A_277 = arith.constant 0 : i32
    %dma_start3A_278 = arith.constant 0 : i32
    %dma_start3A_279 = tpu.memref_slice %arg15[%dma_start3A_277, %dma_start3A_278] : memref<10240x16xf32, #tpu.memory_space<vmem_shared>> -> memref<10240x16xf32, #tpu.memory_space<vmem_shared>>
    tpu.enqueue_indirect_dma source(%arg13 : memref<128x16xf32, #tpu.memory_space<vmem>>) target(%dma_start3A_279 : memref<10240x16xf32, #tpu.memory_space<vmem_shared>>) offsets(%dma_start3A_276 : memref<128xi32, #tpu.memory_space<vmem>>) semaphore(%arg19 : memref<!tpu.dma_semaphore, #tpu.memory_space<semaphore_mem>>) {add = true}
    %dma_wait3A_280 = arith.constant 0 : i32
    %dma_wait3A_281 = arith.constant 0 : i32
    %dma_wait3A_282 = arith.constant 0 : i32
    %dma_wait3A_283 = tpu.memref_slice %arg12[%dma_wait3A_280, %dma_wait3A_281, %dma_wait3A_282] : memref<6x128x64xf32, #tpu.memory_space<vmem>> -> memref<1x128x64xf32, #tpu.memory_space<vmem>>
    %dma_wait3A_284 = tpu.memref_squeeze %dma_wait3A_283 : memref<1x128x64xf32, #tpu.memory_space<vmem>> -> memref<128x64xf32, #tpu.memory_space<vmem>>
    %dma_wait3A_285 = arith.constant 0 : i32
    %dma_wait3A_286 = arith.constant 0 : i32
    %dma_wait3A_287 = tpu.memref_slice %arg12[%dma_wait3A_280, %dma_wait3A_285, %dma_wait3A_286] : memref<6x128x64xf32, #tpu.memory_space<vmem>> -> memref<1x128x64xf32, #tpu.memory_space<vmem>>
    %dma_wait3A_288 = tpu.memref_squeeze %dma_wait3A_287 : memref<1x128x64xf32, #tpu.memory_space<vmem>> -> memref<128x64xf32, #tpu.memory_space<vmem>>
    tpu.wait_dma2 semaphore(%arg16 : memref<!tpu.dma_semaphore, #tpu.memory_space<semaphore_mem>>) src(%arg5 : memref<128x64xf32, #tpu.memory_space<hbm>>) dst(%dma_wait3A_288 : memref<128x64xf32, #tpu.memory_space<vmem>>)
    %dma_wait3A_289 = arith.constant 0 : i32
    %dma_wait3A_290 = arith.constant 0 : i32
    %dma_wait3A_291 = arith.constant 0 : i32
    %dma_wait3A_292 = tpu.memref_slice %arg12[%dma_wait3A_289, %dma_wait3A_290, %dma_wait3A_291] : memref<6x128x64xf32, #tpu.memory_space<vmem>> -> memref<1x128x64xf32, #tpu.memory_space<vmem>>
    %dma_wait3A_293 = tpu.memref_squeeze %dma_wait3A_292 : memref<1x128x64xf32, #tpu.memory_space<vmem>> -> memref<128x64xf32, #tpu.memory_space<vmem>>
    %dma_wait3A_294 = arith.constant 0 : i32
    %dma_wait3A_295 = arith.constant 0 : i32
    %dma_wait3A_296 = tpu.memref_slice %arg12[%dma_wait3A_289, %dma_wait3A_294, %dma_wait3A_295] : memref<6x128x64xf32, #tpu.memory_space<vmem>> -> memref<1x128x64xf32, #tpu.memory_space<vmem>>
    %dma_wait3A_297 = tpu.memref_squeeze %dma_wait3A_296 : memref<1x128x64xf32, #tpu.memory_space<vmem>> -> memref<128x64xf32, #tpu.memory_space<vmem>>
    tpu.wait_dma2 semaphore(%arg17 : memref<!tpu.dma_semaphore, #tpu.memory_space<semaphore_mem>>) src(%arg5 : memref<128x64xf32, #tpu.memory_space<hbm>>) dst(%dma_wait3A_297 : memref<128x64xf32, #tpu.memory_space<vmem>>)
    %dma_start3A_298 = arith.constant 1 : i32
    %dma_start3A_299 = arith.constant 2 : i32
    %dma_start3A_300 = arith.constant 0 : i32
    %dma_start3A_301 = arith.constant 0 : i32
    %dma_start3A_302 = arith.constant 0 : i32
    %dma_start3A_303 = tpu.memref_slice %arg12[%dma_start3A_300, %dma_start3A_301, %dma_start3A_302] : memref<6x128x64xf32, #tpu.memory_space<vmem>> -> memref<1x128x64xf32, #tpu.memory_space<vmem>>
    %dma_start3A_304 = tpu.memref_squeeze %dma_start3A_303 : memref<1x128x64xf32, #tpu.memory_space<vmem>> -> memref<128x64xf32, #tpu.memory_space<vmem>>
    %dma_start3A_305 = arith.constant 0 : i32
    %dma_start3A_306 = tpu.memref_slice %arg10[%dma_start3A_298, %dma_start3A_299, %dma_start3A_305] : memref<4x4x128xi32, #tpu.memory_space<vmem>> -> memref<1x1x128xi32, #tpu.memory_space<vmem>>
    %dma_start3A_307 = tpu.memref_squeeze %dma_start3A_306 : memref<1x1x128xi32, #tpu.memory_space<vmem>> -> memref<128xi32, #tpu.memory_space<vmem>>
    %dma_start3A_308 = arith.constant 0 : i32
    %dma_start3A_309 = arith.constant 0 : i32
    %dma_start3A_310 = tpu.memref_slice %arg2[%dma_start3A_308, %dma_start3A_309] : memref<20000x64xf32, #tpu.memory_space<hbm>> -> memref<20000x64xf32, #tpu.memory_space<hbm>>
    tpu.enqueue_indirect_dma source(%dma_start3A_310 : memref<20000x64xf32, #tpu.memory_space<hbm>>) target(%dma_start3A_304 : memref<128x64xf32, #tpu.memory_space<vmem>>) offsets(%dma_start3A_307 : memref<128xi32, #tpu.memory_space<vmem>>) semaphore(%arg16 : memref<!tpu.dma_semaphore, #tpu.memory_space<semaphore_mem>>)
    %dma_start3A_311 = arith.constant 2 : i32
    %dma_start3A_312 = arith.constant 0 : i32
    %dma_start3A_313 = arith.constant 2 : i32
    %dma_start3A_314 = arith.constant 0 : i32
    %dma_start3A_315 = arith.constant 0 : i32
    %dma_start3A_316 = tpu.memref_slice %arg12[%dma_start3A_311, %dma_start3A_314, %dma_start3A_315] : memref<6x128x64xf32, #tpu.memory_space<vmem>> -> memref<1x128x64xf32, #tpu.memory_space<vmem>>
    %dma_start3A_317 = tpu.memref_squeeze %dma_start3A_316 : memref<1x128x64xf32, #tpu.memory_space<vmem>> -> memref<128x64xf32, #tpu.memory_space<vmem>>
    %dma_start3A_318 = arith.constant 0 : i32
    %dma_start3A_319 = tpu.memref_slice %arg11[%dma_start3A_312, %dma_start3A_313, %dma_start3A_318] : memref<4x4x128xi32, #tpu.memory_space<vmem>> -> memref<1x1x128xi32, #tpu.memory_space<vmem>>
    %dma_start3A_320 = tpu.memref_squeeze %dma_start3A_319 : memref<1x1x128xi32, #tpu.memory_space<vmem>> -> memref<128xi32, #tpu.memory_space<vmem>>
    %dma_start3A_321 = arith.constant 0 : i32
    %dma_start3A_322 = arith.constant 0 : i32
    %dma_start3A_323 = tpu.memref_slice %arg14[%dma_start3A_321, %dma_start3A_322] : memref<10240x64xf32, #tpu.memory_space<vmem_shared>> -> memref<10240x64xf32, #tpu.memory_space<vmem_shared>>
    tpu.enqueue_indirect_dma source(%dma_start3A_317 : memref<128x64xf32, #tpu.memory_space<vmem>>) target(%dma_start3A_323 : memref<10240x64xf32, #tpu.memory_space<vmem_shared>>) offsets(%dma_start3A_320 : memref<128xi32, #tpu.memory_space<vmem>>) semaphore(%arg17 : memref<!tpu.dma_semaphore, #tpu.memory_space<semaphore_mem>>) {add = true}
    %dma_start3A_324 = arith.constant 0 : i32
    %dma_start3A_325 = arith.constant 2 : i32
    %dma_start3A_326 = arith.constant 0 : i32
    %dma_start3A_327 = tpu.memref_slice %arg11[%dma_start3A_324, %dma_start3A_325, %dma_start3A_326] : memref<4x4x128xi32, #tpu.memory_space<vmem>> -> memref<1x1x128xi32, #tpu.memory_space<vmem>>
    %dma_start3A_328 = tpu.memref_squeeze %dma_start3A_327 : memref<1x1x128xi32, #tpu.memory_space<vmem>> -> memref<128xi32, #tpu.memory_space<vmem>>
    %dma_start3A_329 = arith.constant 0 : i32
    %dma_start3A_330 = arith.constant 0 : i32
    %dma_start3A_331 = tpu.memref_slice %arg15[%dma_start3A_329, %dma_start3A_330] : memref<10240x16xf32, #tpu.memory_space<vmem_shared>> -> memref<10240x16xf32, #tpu.memory_space<vmem_shared>>
    tpu.enqueue_indirect_dma source(%arg13 : memref<128x16xf32, #tpu.memory_space<vmem>>) target(%dma_start3A_331 : memref<10240x16xf32, #tpu.memory_space<vmem_shared>>) offsets(%dma_start3A_328 : memref<128xi32, #tpu.memory_space<vmem>>) semaphore(%arg19 : memref<!tpu.dma_semaphore, #tpu.memory_space<semaphore_mem>>) {add = true}
    %dma_wait3A_332 = arith.constant 0 : i32
    %dma_wait3A_333 = arith.constant 0 : i32
    %dma_wait3A_334 = arith.constant 0 : i32
    %dma_wait3A_335 = tpu.memref_slice %arg12[%dma_wait3A_332, %dma_wait3A_333, %dma_wait3A_334] : memref<6x128x64xf32, #tpu.memory_space<vmem>> -> memref<1x128x64xf32, #tpu.memory_space<vmem>>
    %dma_wait3A_336 = tpu.memref_squeeze %dma_wait3A_335 : memref<1x128x64xf32, #tpu.memory_space<vmem>> -> memref<128x64xf32, #tpu.memory_space<vmem>>
    %dma_wait3A_337 = arith.constant 0 : i32
    %dma_wait3A_338 = arith.constant 0 : i32
    %dma_wait3A_339 = tpu.memref_slice %arg12[%dma_wait3A_332, %dma_wait3A_337, %dma_wait3A_338] : memref<6x128x64xf32, #tpu.memory_space<vmem>> -> memref<1x128x64xf32, #tpu.memory_space<vmem>>
    %dma_wait3A_340 = tpu.memref_squeeze %dma_wait3A_339 : memref<1x128x64xf32, #tpu.memory_space<vmem>> -> memref<128x64xf32, #tpu.memory_space<vmem>>
    tpu.wait_dma2 semaphore(%arg16 : memref<!tpu.dma_semaphore, #tpu.memory_space<semaphore_mem>>) src(%arg5 : memref<128x64xf32, #tpu.memory_space<hbm>>) dst(%dma_wait3A_340 : memref<128x64xf32, #tpu.memory_space<vmem>>)
    %dma_wait3A_341 = arith.constant 0 : i32
    %dma_wait3A_342 = arith.constant 0 : i32
    %dma_wait3A_343 = arith.constant 0 : i32
    %dma_wait3A_344 = tpu.memref_slice %arg12[%dma_wait3A_341, %dma_wait3A_342, %dma_wait3A_343] : memref<6x128x64xf32, #tpu.memory_space<vmem>> -> memref<1x128x64xf32, #tpu.memory_space<vmem>>
    %dma_wait3A_345 = tpu.memref_squeeze %dma_wait3A_344 : memref<1x128x64xf32, #tpu.memory_space<vmem>> -> memref<128x64xf32, #tpu.memory_space<vmem>>
    %dma_wait3A_346 = arith.constant 0 : i32
    %dma_wait3A_347 = arith.constant 0 : i32
    %dma_wait3A_348 = tpu.memref_slice %arg12[%dma_wait3A_341, %dma_wait3A_346, %dma_wait3A_347] : memref<6x128x64xf32, #tpu.memory_space<vmem>> -> memref<1x128x64xf32, #tpu.memory_space<vmem>>
    %dma_wait3A_349 = tpu.memref_squeeze %dma_wait3A_348 : memref<1x128x64xf32, #tpu.memory_space<vmem>> -> memref<128x64xf32, #tpu.memory_space<vmem>>
    tpu.wait_dma2 semaphore(%arg17 : memref<!tpu.dma_semaphore, #tpu.memory_space<semaphore_mem>>) src(%arg5 : memref<128x64xf32, #tpu.memory_space<hbm>>) dst(%dma_wait3A_349 : memref<128x64xf32, #tpu.memory_space<vmem>>)
    %dma_start3A_350 = arith.constant 1 : i32
    %dma_start3A_351 = arith.constant 3 : i32
    %dma_start3A_352 = arith.constant 1 : i32
    %dma_start3A_353 = arith.constant 0 : i32
    %dma_start3A_354 = arith.constant 0 : i32
    %dma_start3A_355 = tpu.memref_slice %arg12[%dma_start3A_352, %dma_start3A_353, %dma_start3A_354] : memref<6x128x64xf32, #tpu.memory_space<vmem>> -> memref<1x128x64xf32, #tpu.memory_space<vmem>>
    %dma_start3A_356 = tpu.memref_squeeze %dma_start3A_355 : memref<1x128x64xf32, #tpu.memory_space<vmem>> -> memref<128x64xf32, #tpu.memory_space<vmem>>
    %dma_start3A_357 = arith.constant 0 : i32
    %dma_start3A_358 = tpu.memref_slice %arg10[%dma_start3A_350, %dma_start3A_351, %dma_start3A_357] : memref<4x4x128xi32, #tpu.memory_space<vmem>> -> memref<1x1x128xi32, #tpu.memory_space<vmem>>
    %dma_start3A_359 = tpu.memref_squeeze %dma_start3A_358 : memref<1x1x128xi32, #tpu.memory_space<vmem>> -> memref<128xi32, #tpu.memory_space<vmem>>
    %dma_start3A_360 = arith.constant 0 : i32
    %dma_start3A_361 = arith.constant 0 : i32
    %dma_start3A_362 = tpu.memref_slice %arg2[%dma_start3A_360, %dma_start3A_361] : memref<20000x64xf32, #tpu.memory_space<hbm>> -> memref<20000x64xf32, #tpu.memory_space<hbm>>
    tpu.enqueue_indirect_dma source(%dma_start3A_362 : memref<20000x64xf32, #tpu.memory_space<hbm>>) target(%dma_start3A_356 : memref<128x64xf32, #tpu.memory_space<vmem>>) offsets(%dma_start3A_359 : memref<128xi32, #tpu.memory_space<vmem>>) semaphore(%arg16 : memref<!tpu.dma_semaphore, #tpu.memory_space<semaphore_mem>>)
    %dma_start3A_363 = arith.constant 3 : i32
    %dma_start3A_364 = arith.constant 0 : i32
    %dma_start3A_365 = arith.constant 3 : i32
    %dma_start3A_366 = arith.constant 0 : i32
    %dma_start3A_367 = arith.constant 0 : i32
    %dma_start3A_368 = tpu.memref_slice %arg12[%dma_start3A_363, %dma_start3A_366, %dma_start3A_367] : memref<6x128x64xf32, #tpu.memory_space<vmem>> -> memref<1x128x64xf32, #tpu.memory_space<vmem>>
    %dma_start3A_369 = tpu.memref_squeeze %dma_start3A_368 : memref<1x128x64xf32, #tpu.memory_space<vmem>> -> memref<128x64xf32, #tpu.memory_space<vmem>>
    %dma_start3A_370 = arith.constant 0 : i32
    %dma_start3A_371 = tpu.memref_slice %arg11[%dma_start3A_364, %dma_start3A_365, %dma_start3A_370] : memref<4x4x128xi32, #tpu.memory_space<vmem>> -> memref<1x1x128xi32, #tpu.memory_space<vmem>>
    %dma_start3A_372 = tpu.memref_squeeze %dma_start3A_371 : memref<1x1x128xi32, #tpu.memory_space<vmem>> -> memref<128xi32, #tpu.memory_space<vmem>>
    %dma_start3A_373 = arith.constant 0 : i32
    %dma_start3A_374 = arith.constant 0 : i32
    %dma_start3A_375 = tpu.memref_slice %arg14[%dma_start3A_373, %dma_start3A_374] : memref<10240x64xf32, #tpu.memory_space<vmem_shared>> -> memref<10240x64xf32, #tpu.memory_space<vmem_shared>>
    tpu.enqueue_indirect_dma source(%dma_start3A_369 : memref<128x64xf32, #tpu.memory_space<vmem>>) target(%dma_start3A_375 : memref<10240x64xf32, #tpu.memory_space<vmem_shared>>) offsets(%dma_start3A_372 : memref<128xi32, #tpu.memory_space<vmem>>) semaphore(%arg17 : memref<!tpu.dma_semaphore, #tpu.memory_space<semaphore_mem>>) {add = true}
    %dma_start3A_376 = arith.constant 0 : i32
    %dma_start3A_377 = arith.constant 3 : i32
    %dma_start3A_378 = arith.constant 0 : i32
    %dma_start3A_379 = tpu.memref_slice %arg11[%dma_start3A_376, %dma_start3A_377, %dma_start3A_378] : memref<4x4x128xi32, #tpu.memory_space<vmem>> -> memref<1x1x128xi32, #tpu.memory_space<vmem>>
    %dma_start3A_380 = tpu.memref_squeeze %dma_start3A_379 : memref<1x1x128xi32, #tpu.memory_space<vmem>> -> memref<128xi32, #tpu.memory_space<vmem>>
    %dma_start3A_381 = arith.constant 0 : i32
    %dma_start3A_382 = arith.constant 0 : i32
    %dma_start3A_383 = tpu.memref_slice %arg15[%dma_start3A_381, %dma_start3A_382] : memref<10240x16xf32, #tpu.memory_space<vmem_shared>> -> memref<10240x16xf32, #tpu.memory_space<vmem_shared>>
    tpu.enqueue_indirect_dma source(%arg13 : memref<128x16xf32, #tpu.memory_space<vmem>>) target(%dma_start3A_383 : memref<10240x16xf32, #tpu.memory_space<vmem_shared>>) offsets(%dma_start3A_380 : memref<128xi32, #tpu.memory_space<vmem>>) semaphore(%arg19 : memref<!tpu.dma_semaphore, #tpu.memory_space<semaphore_mem>>) {add = true}
    %scan3A = arith.constant 0 : i32
    %scan3A_384 = arith.constant 1 : i32
    %scan3A_385 = arith.constant 78 : i32
    %scan3A_386 = arith.addi %scan3A_384, %scan3A_385 : i32
    %scan3A_387 = arith.constant 1 : i32
    scf.for %scan3A_840 = %scan3A_384 to %scan3A_386 step %scan3A_387  : i32 {
      %rem3A = arith.constant 4 : i32
      %rem3A_841 = arith.remsi %scan3A_840, %rem3A : i32
      %add3A_842 = arith.constant 1 : i32
      %add3A_843 = arith.addi %scan3A_840, %add3A_842 : i32
      %rem3A_844 = arith.constant 4 : i32
      %rem3A_845 = arith.remsi %add3A_843, %rem3A_844 : i32
      %lt3A = arith.constant 78 : i32
      %lt3A_846 = arith.cmpi slt, %scan3A_840, %lt3A : i32
      %lt3A_847 = arith.constant 77 : i32
      %lt3A_848 = arith.cmpi slt, %scan3A_840, %lt3A_847 : i32
      %convert_element_type3A = arith.extui %lt3A_848 : i1 to i32
      %cond3A = arith.constant 0 : i32
      %cond3A_849 = arith.cmpi ne, %convert_element_type3A, %cond3A : i32
      scf.if %cond3A_849 {
        %add3A_1049 = arith.constant 2 : i32
        %add3A_1050 = arith.addi %scan3A_840, %add3A_1049 : i32
        %add3A_1051 = arith.constant 2 : i32
        %add3A_1052 = arith.addi %scan3A_840, %add3A_1051 : i32
        %rem3A_1053 = arith.constant 4 : i32
        %rem3A_1054 = arith.remsi %add3A_1052, %rem3A_1053 : i32
        %dma_start3A_1055 = arith.constant 0 : i32
        %dma_start3A_1056 = arith.constant 0 : i32
        %dma_start3A_1057 = tpu.memref_slice %arg10[%rem3A_1054, %dma_start3A_1055, %dma_start3A_1056] : memref<4x4x128xi32, #tpu.memory_space<vmem>> -> memref<1x4x128xi32, #tpu.memory_space<vmem>>
        %dma_start3A_1058 = tpu.memref_squeeze %dma_start3A_1057 : memref<1x4x128xi32, #tpu.memory_space<vmem>> -> memref<4x128xi32, #tpu.memory_space<vmem>>
        %dma_start3A_1059 = arith.constant 0 : i32
        %dma_start3A_1060 = arith.constant 0 : i32
        %dma_start3A_1061 = tpu.memref_slice %arg4[%add3A, %add3A_1050, %dma_start3A_1059, %dma_start3A_1060] : memref<64x79x4x128xi32, #tpu.memory_space<hbm>> -> memref<1x1x4x128xi32, #tpu.memory_space<hbm>>
        %dma_start3A_1062 = tpu.memref_squeeze %dma_start3A_1061 : memref<1x1x4x128xi32, #tpu.memory_space<hbm>> -> memref<4x128xi32, #tpu.memory_space<hbm>>
        %dma_start3A_1063 = arith.constant 0 : i32
        %dma_start3A_1064 = arith.constant 0 : i32
        %dma_start3A_1065 = tpu.memref_slice %arg10[%rem3A_1054, %dma_start3A_1063, %dma_start3A_1064] : memref<4x4x128xi32, #tpu.memory_space<vmem>> -> memref<1x4x128xi32, #tpu.memory_space<vmem>>
        %dma_start3A_1066 = tpu.memref_squeeze %dma_start3A_1065 : memref<1x4x128xi32, #tpu.memory_space<vmem>> -> memref<4x128xi32, #tpu.memory_space<vmem>>
        %dma_start3A_1067 = arith.constant 0 : i32
        %dma_start3A_1068 = arith.constant 0 : i32
        %dma_start3A_1069 = tpu.memref_slice %arg4[%add3A, %add3A_1050, %dma_start3A_1067, %dma_start3A_1068] : memref<64x79x4x128xi32, #tpu.memory_space<hbm>> -> memref<1x1x4x128xi32, #tpu.memory_space<hbm>>
        %dma_start3A_1070 = tpu.memref_squeeze %dma_start3A_1069 : memref<1x1x4x128xi32, #tpu.memory_space<hbm>> -> memref<4x128xi32, #tpu.memory_space<hbm>>
        tpu.enqueue_dma source(%dma_start3A_1070 : memref<4x128xi32, #tpu.memory_space<hbm>>) target(%dma_start3A_1066 : memref<4x128xi32, #tpu.memory_space<vmem>>) target_semaphore(%arg18 : memref<!tpu.dma_semaphore, #tpu.memory_space<semaphore_mem>>)
        %dma_start3A_1071 = arith.constant 0 : i32
        %dma_start3A_1072 = arith.constant 0 : i32
        %dma_start3A_1073 = tpu.memref_slice %arg11[%rem3A_1054, %dma_start3A_1071, %dma_start3A_1072] : memref<4x4x128xi32, #tpu.memory_space<vmem>> -> memref<1x4x128xi32, #tpu.memory_space<vmem>>
        %dma_start3A_1074 = tpu.memref_squeeze %dma_start3A_1073 : memref<1x4x128xi32, #tpu.memory_space<vmem>> -> memref<4x128xi32, #tpu.memory_space<vmem>>
        %dma_start3A_1075 = arith.constant 0 : i32
        %dma_start3A_1076 = arith.constant 0 : i32
        %dma_start3A_1077 = tpu.memref_slice %arg4[%add3A_4, %add3A_1050, %dma_start3A_1075, %dma_start3A_1076] : memref<64x79x4x128xi32, #tpu.memory_space<hbm>> -> memref<1x1x4x128xi32, #tpu.memory_space<hbm>>
        %dma_start3A_1078 = tpu.memref_squeeze %dma_start3A_1077 : memref<1x1x4x128xi32, #tpu.memory_space<hbm>> -> memref<4x128xi32, #tpu.memory_space<hbm>>
        %dma_start3A_1079 = arith.constant 0 : i32
        %dma_start3A_1080 = arith.constant 0 : i32
        %dma_start3A_1081 = tpu.memref_slice %arg11[%rem3A_1054, %dma_start3A_1079, %dma_start3A_1080] : memref<4x4x128xi32, #tpu.memory_space<vmem>> -> memref<1x4x128xi32, #tpu.memory_space<vmem>>
        %dma_start3A_1082 = tpu.memref_squeeze %dma_start3A_1081 : memref<1x4x128xi32, #tpu.memory_space<vmem>> -> memref<4x128xi32, #tpu.memory_space<vmem>>
        %dma_start3A_1083 = arith.constant 0 : i32
        %dma_start3A_1084 = arith.constant 0 : i32
        %dma_start3A_1085 = tpu.memref_slice %arg4[%add3A_4, %add3A_1050, %dma_start3A_1083, %dma_start3A_1084] : memref<64x79x4x128xi32, #tpu.memory_space<hbm>> -> memref<1x1x4x128xi32, #tpu.memory_space<hbm>>
        %dma_start3A_1086 = tpu.memref_squeeze %dma_start3A_1085 : memref<1x1x4x128xi32, #tpu.memory_space<hbm>> -> memref<4x128xi32, #tpu.memory_space<hbm>>
        tpu.enqueue_dma source(%dma_start3A_1086 : memref<4x128xi32, #tpu.memory_space<hbm>>) target(%dma_start3A_1082 : memref<4x128xi32, #tpu.memory_space<vmem>>) target_semaphore(%arg18 : memref<!tpu.dma_semaphore, #tpu.memory_space<semaphore_mem>>)
      } else {
      }
      %mul3A_850 = arith.constant 4 : i32
      %mul3A_851 = arith.muli %scan3A_840, %mul3A_850 : i32
      %add3A_852 = arith.constant 0 : i32
      %add3A_853 = arith.addi %mul3A_851, %add3A_852 : i32
      %rem3A_854 = arith.constant 6 : i32
      %rem3A_855 = arith.remsi %add3A_853, %rem3A_854 : i32
      %add3A_856 = arith.constant 4 : i32
      %add3A_857 = arith.addi %add3A_853, %add3A_856 : i32
      %rem3A_858 = arith.constant 6 : i32
      %rem3A_859 = arith.remsi %add3A_857, %rem3A_858 : i32
      %dma_wait3A_860 = arith.constant 0 : i32
      %dma_wait3A_861 = arith.constant 0 : i32
      %dma_wait3A_862 = arith.constant 0 : i32
      %dma_wait3A_863 = tpu.memref_slice %arg12[%dma_wait3A_860, %dma_wait3A_861, %dma_wait3A_862] : memref<6x128x64xf32, #tpu.memory_space<vmem>> -> memref<1x128x64xf32, #tpu.memory_space<vmem>>
      %dma_wait3A_864 = tpu.memref_squeeze %dma_wait3A_863 : memref<1x128x64xf32, #tpu.memory_space<vmem>> -> memref<128x64xf32, #tpu.memory_space<vmem>>
      %dma_wait3A_865 = arith.constant 0 : i32
      %dma_wait3A_866 = arith.constant 0 : i32
      %dma_wait3A_867 = tpu.memref_slice %arg12[%dma_wait3A_860, %dma_wait3A_865, %dma_wait3A_866] : memref<6x128x64xf32, #tpu.memory_space<vmem>> -> memref<1x128x64xf32, #tpu.memory_space<vmem>>
      %dma_wait3A_868 = tpu.memref_squeeze %dma_wait3A_867 : memref<1x128x64xf32, #tpu.memory_space<vmem>> -> memref<128x64xf32, #tpu.memory_space<vmem>>
      tpu.wait_dma2 semaphore(%arg16 : memref<!tpu.dma_semaphore, #tpu.memory_space<semaphore_mem>>) src(%arg5 : memref<128x64xf32, #tpu.memory_space<hbm>>) dst(%dma_wait3A_868 : memref<128x64xf32, #tpu.memory_space<vmem>>)
      %convert_element_type3A_869 = arith.extui %lt3A_846 : i1 to i32
      %cond3A_870 = arith.constant 0 : i32
      %cond3A_871 = arith.cmpi ne, %convert_element_type3A_869, %cond3A_870 : i32
      scf.if %cond3A_871 {
        %dma_wait3A_1049 = arith.constant 0 : i32
        %dma_wait3A_1050 = arith.constant 0 : i32
        %dma_wait3A_1051 = arith.constant 0 : i32
        %dma_wait3A_1052 = arith.constant 0 : i32
        %dma_wait3A_1053 = arith.constant 0 : i32
        %dma_wait3A_1054 = tpu.memref_slice %arg10[%dma_wait3A_1051, %dma_wait3A_1052, %dma_wait3A_1053] : memref<4x4x128xi32, #tpu.memory_space<vmem>> -> memref<1x4x128xi32, #tpu.memory_space<vmem>>
        %dma_wait3A_1055 = tpu.memref_squeeze %dma_wait3A_1054 : memref<1x4x128xi32, #tpu.memory_space<vmem>> -> memref<4x128xi32, #tpu.memory_space<vmem>>
        %dma_wait3A_1056 = arith.constant 0 : i32
        %dma_wait3A_1057 = arith.constant 0 : i32
        %dma_wait3A_1058 = tpu.memref_slice %arg4[%dma_wait3A_1049, %dma_wait3A_1050, %dma_wait3A_1056, %dma_wait3A_1057] : memref<64x79x4x128xi32, #tpu.memory_space<hbm>> -> memref<1x1x4x128xi32, #tpu.memory_space<hbm>>
        %dma_wait3A_1059 = tpu.memref_squeeze %dma_wait3A_1058 : memref<1x1x4x128xi32, #tpu.memory_space<hbm>> -> memref<4x128xi32, #tpu.memory_space<hbm>>
        %dma_wait3A_1060 = arith.constant 0 : i32
        %dma_wait3A_1061 = arith.constant 0 : i32
        %dma_wait3A_1062 = tpu.memref_slice %arg10[%dma_wait3A_1051, %dma_wait3A_1060, %dma_wait3A_1061] : memref<4x4x128xi32, #tpu.memory_space<vmem>> -> memref<1x4x128xi32, #tpu.memory_space<vmem>>
        %dma_wait3A_1063 = tpu.memref_squeeze %dma_wait3A_1062 : memref<1x4x128xi32, #tpu.memory_space<vmem>> -> memref<4x128xi32, #tpu.memory_space<vmem>>
        %dma_wait3A_1064 = arith.constant 0 : i32
        %dma_wait3A_1065 = arith.constant 0 : i32
        %dma_wait3A_1066 = tpu.memref_slice %arg4[%dma_wait3A_1049, %dma_wait3A_1050, %dma_wait3A_1064, %dma_wait3A_1065] : memref<64x79x4x128xi32, #tpu.memory_space<hbm>> -> memref<1x1x4x128xi32, #tpu.memory_space<hbm>>
        %dma_wait3A_1067 = tpu.memref_squeeze %dma_wait3A_1066 : memref<1x1x4x128xi32, #tpu.memory_space<hbm>> -> memref<4x128xi32, #tpu.memory_space<hbm>>
        tpu.wait_dma2 semaphore(%arg18 : memref<!tpu.dma_semaphore, #tpu.memory_space<semaphore_mem>>) src(%dma_wait3A_1067 : memref<4x128xi32, #tpu.memory_space<hbm>>) dst(%dma_wait3A_1063 : memref<4x128xi32, #tpu.memory_space<vmem>>)
        %dma_wait3A_1068 = arith.constant 0 : i32
        %dma_wait3A_1069 = arith.constant 0 : i32
        %dma_wait3A_1070 = arith.constant 0 : i32
        %dma_wait3A_1071 = arith.constant 0 : i32
        %dma_wait3A_1072 = arith.constant 0 : i32
        %dma_wait3A_1073 = tpu.memref_slice %arg10[%dma_wait3A_1070, %dma_wait3A_1071, %dma_wait3A_1072] : memref<4x4x128xi32, #tpu.memory_space<vmem>> -> memref<1x4x128xi32, #tpu.memory_space<vmem>>
        %dma_wait3A_1074 = tpu.memref_squeeze %dma_wait3A_1073 : memref<1x4x128xi32, #tpu.memory_space<vmem>> -> memref<4x128xi32, #tpu.memory_space<vmem>>
        %dma_wait3A_1075 = arith.constant 0 : i32
        %dma_wait3A_1076 = arith.constant 0 : i32
        %dma_wait3A_1077 = tpu.memref_slice %arg4[%dma_wait3A_1068, %dma_wait3A_1069, %dma_wait3A_1075, %dma_wait3A_1076] : memref<64x79x4x128xi32, #tpu.memory_space<hbm>> -> memref<1x1x4x128xi32, #tpu.memory_space<hbm>>
        %dma_wait3A_1078 = tpu.memref_squeeze %dma_wait3A_1077 : memref<1x1x4x128xi32, #tpu.memory_space<hbm>> -> memref<4x128xi32, #tpu.memory_space<hbm>>
        %dma_wait3A_1079 = arith.constant 0 : i32
        %dma_wait3A_1080 = arith.constant 0 : i32
        %dma_wait3A_1081 = tpu.memref_slice %arg10[%dma_wait3A_1070, %dma_wait3A_1079, %dma_wait3A_1080] : memref<4x4x128xi32, #tpu.memory_space<vmem>> -> memref<1x4x128xi32, #tpu.memory_space<vmem>>
        %dma_wait3A_1082 = tpu.memref_squeeze %dma_wait3A_1081 : memref<1x4x128xi32, #tpu.memory_space<vmem>> -> memref<4x128xi32, #tpu.memory_space<vmem>>
        %dma_wait3A_1083 = arith.constant 0 : i32
        %dma_wait3A_1084 = arith.constant 0 : i32
        %dma_wait3A_1085 = tpu.memref_slice %arg4[%dma_wait3A_1068, %dma_wait3A_1069, %dma_wait3A_1083, %dma_wait3A_1084] : memref<64x79x4x128xi32, #tpu.memory_space<hbm>> -> memref<1x1x4x128xi32, #tpu.memory_space<hbm>>
        %dma_wait3A_1086 = tpu.memref_squeeze %dma_wait3A_1085 : memref<1x1x4x128xi32, #tpu.memory_space<hbm>> -> memref<4x128xi32, #tpu.memory_space<hbm>>
        tpu.wait_dma2 semaphore(%arg18 : memref<!tpu.dma_semaphore, #tpu.memory_space<semaphore_mem>>) src(%dma_wait3A_1086 : memref<4x128xi32, #tpu.memory_space<hbm>>) dst(%dma_wait3A_1082 : memref<4x128xi32, #tpu.memory_space<vmem>>)
      } else {
      }
      %dma_wait3A_872 = arith.constant 0 : i32
      %dma_wait3A_873 = arith.constant 0 : i32
      %dma_wait3A_874 = arith.constant 0 : i32
      %dma_wait3A_875 = tpu.memref_slice %arg12[%dma_wait3A_872, %dma_wait3A_873, %dma_wait3A_874] : memref<6x128x64xf32, #tpu.memory_space<vmem>> -> memref<1x128x64xf32, #tpu.memory_space<vmem>>
      %dma_wait3A_876 = tpu.memref_squeeze %dma_wait3A_875 : memref<1x128x64xf32, #tpu.memory_space<vmem>> -> memref<128x64xf32, #tpu.memory_space<vmem>>
      %dma_wait3A_877 = arith.constant 0 : i32
      %dma_wait3A_878 = arith.constant 0 : i32
      %dma_wait3A_879 = tpu.memref_slice %arg12[%dma_wait3A_872, %dma_wait3A_877, %dma_wait3A_878] : memref<6x128x64xf32, #tpu.memory_space<vmem>> -> memref<1x128x64xf32, #tpu.memory_space<vmem>>
      %dma_wait3A_880 = tpu.memref_squeeze %dma_wait3A_879 : memref<1x128x64xf32, #tpu.memory_space<vmem>> -> memref<128x64xf32, #tpu.memory_space<vmem>>
      tpu.wait_dma2 semaphore(%arg17 : memref<!tpu.dma_semaphore, #tpu.memory_space<semaphore_mem>>) src(%arg5 : memref<128x64xf32, #tpu.memory_space<hbm>>) dst(%dma_wait3A_880 : memref<128x64xf32, #tpu.memory_space<vmem>>)
      %convert_element_type3A_881 = arith.extui %lt3A_846 : i1 to i32
      %cond3A_882 = arith.constant 0 : i32
      %cond3A_883 = arith.cmpi ne, %convert_element_type3A_881, %cond3A_882 : i32
      scf.if %cond3A_883 {
        %dma_start3A_1049 = arith.constant 0 : i32
        %dma_start3A_1050 = arith.constant 0 : i32
        %dma_start3A_1051 = arith.constant 0 : i32
        %dma_start3A_1052 = tpu.memref_slice %arg12[%rem3A_859, %dma_start3A_1050, %dma_start3A_1051] : memref<6x128x64xf32, #tpu.memory_space<vmem>> -> memref<1x128x64xf32, #tpu.memory_space<vmem>>
        %dma_start3A_1053 = tpu.memref_squeeze %dma_start3A_1052 : memref<1x128x64xf32, #tpu.memory_space<vmem>> -> memref<128x64xf32, #tpu.memory_space<vmem>>
        %dma_start3A_1054 = arith.constant 0 : i32
        %dma_start3A_1055 = tpu.memref_slice %arg10[%rem3A_845, %dma_start3A_1049, %dma_start3A_1054] : memref<4x4x128xi32, #tpu.memory_space<vmem>> -> memref<1x1x128xi32, #tpu.memory_space<vmem>>
        %dma_start3A_1056 = tpu.memref_squeeze %dma_start3A_1055 : memref<1x1x128xi32, #tpu.memory_space<vmem>> -> memref<128xi32, #tpu.memory_space<vmem>>
        %dma_start3A_1057 = arith.constant 0 : i32
        %dma_start3A_1058 = arith.constant 0 : i32
        %dma_start3A_1059 = tpu.memref_slice %arg2[%dma_start3A_1057, %dma_start3A_1058] : memref<20000x64xf32, #tpu.memory_space<hbm>> -> memref<20000x64xf32, #tpu.memory_space<hbm>>
        tpu.enqueue_indirect_dma source(%dma_start3A_1059 : memref<20000x64xf32, #tpu.memory_space<hbm>>) target(%dma_start3A_1053 : memref<128x64xf32, #tpu.memory_space<vmem>>) offsets(%dma_start3A_1056 : memref<128xi32, #tpu.memory_space<vmem>>) semaphore(%arg16 : memref<!tpu.dma_semaphore, #tpu.memory_space<semaphore_mem>>)
      } else {
      }
      %dma_start3A_884 = arith.constant 0 : i32
      %dma_start3A_885 = arith.constant 0 : i32
      %dma_start3A_886 = arith.constant 0 : i32
      %dma_start3A_887 = tpu.memref_slice %arg12[%rem3A_855, %dma_start3A_885, %dma_start3A_886] : memref<6x128x64xf32, #tpu.memory_space<vmem>> -> memref<1x128x64xf32, #tpu.memory_space<vmem>>
      %dma_start3A_888 = tpu.memref_squeeze %dma_start3A_887 : memref<1x128x64xf32, #tpu.memory_space<vmem>> -> memref<128x64xf32, #tpu.memory_space<vmem>>
      %dma_start3A_889 = arith.constant 0 : i32
      %dma_start3A_890 = tpu.memref_slice %arg11[%rem3A_841, %dma_start3A_884, %dma_start3A_889] : memref<4x4x128xi32, #tpu.memory_space<vmem>> -> memref<1x1x128xi32, #tpu.memory_space<vmem>>
      %dma_start3A_891 = tpu.memref_squeeze %dma_start3A_890 : memref<1x1x128xi32, #tpu.memory_space<vmem>> -> memref<128xi32, #tpu.memory_space<vmem>>
      %dma_start3A_892 = arith.constant 0 : i32
      %dma_start3A_893 = arith.constant 0 : i32
      %dma_start3A_894 = tpu.memref_slice %arg14[%dma_start3A_892, %dma_start3A_893] : memref<10240x64xf32, #tpu.memory_space<vmem_shared>> -> memref<10240x64xf32, #tpu.memory_space<vmem_shared>>
      tpu.enqueue_indirect_dma source(%dma_start3A_888 : memref<128x64xf32, #tpu.memory_space<vmem>>) target(%dma_start3A_894 : memref<10240x64xf32, #tpu.memory_space<vmem_shared>>) offsets(%dma_start3A_891 : memref<128xi32, #tpu.memory_space<vmem>>) semaphore(%arg17 : memref<!tpu.dma_semaphore, #tpu.memory_space<semaphore_mem>>) {add = true}
      %dma_start3A_895 = arith.constant 0 : i32
      %dma_start3A_896 = arith.constant 0 : i32
      %dma_start3A_897 = tpu.memref_slice %arg11[%rem3A_841, %dma_start3A_895, %dma_start3A_896] : memref<4x4x128xi32, #tpu.memory_space<vmem>> -> memref<1x1x128xi32, #tpu.memory_space<vmem>>
      %dma_start3A_898 = tpu.memref_squeeze %dma_start3A_897 : memref<1x1x128xi32, #tpu.memory_space<vmem>> -> memref<128xi32, #tpu.memory_space<vmem>>
      %dma_start3A_899 = arith.constant 0 : i32
      %dma_start3A_900 = arith.constant 0 : i32
      %dma_start3A_901 = tpu.memref_slice %arg15[%dma_start3A_899, %dma_start3A_900] : memref<10240x16xf32, #tpu.memory_space<vmem_shared>> -> memref<10240x16xf32, #tpu.memory_space<vmem_shared>>
      tpu.enqueue_indirect_dma source(%arg13 : memref<128x16xf32, #tpu.memory_space<vmem>>) target(%dma_start3A_901 : memref<10240x16xf32, #tpu.memory_space<vmem_shared>>) offsets(%dma_start3A_898 : memref<128xi32, #tpu.memory_space<vmem>>) semaphore(%arg19 : memref<!tpu.dma_semaphore, #tpu.memory_space<semaphore_mem>>) {add = true}
      %mul3A_902 = arith.constant 4 : i32
      %mul3A_903 = arith.muli %scan3A_840, %mul3A_902 : i32
      %add3A_904 = arith.constant 1 : i32
      %add3A_905 = arith.addi %mul3A_903, %add3A_904 : i32
      %rem3A_906 = arith.constant 6 : i32
      %rem3A_907 = arith.remsi %add3A_905, %rem3A_906 : i32
      %add3A_908 = arith.constant 4 : i32
      %add3A_909 = arith.addi %add3A_905, %add3A_908 : i32
      %rem3A_910 = arith.constant 6 : i32
      %rem3A_911 = arith.remsi %add3A_909, %rem3A_910 : i32
      %dma_wait3A_912 = arith.constant 0 : i32
      %dma_wait3A_913 = arith.constant 0 : i32
      %dma_wait3A_914 = arith.constant 0 : i32
      %dma_wait3A_915 = tpu.memref_slice %arg12[%dma_wait3A_912, %dma_wait3A_913, %dma_wait3A_914] : memref<6x128x64xf32, #tpu.memory_space<vmem>> -> memref<1x128x64xf32, #tpu.memory_space<vmem>>
      %dma_wait3A_916 = tpu.memref_squeeze %dma_wait3A_915 : memref<1x128x64xf32, #tpu.memory_space<vmem>> -> memref<128x64xf32, #tpu.memory_space<vmem>>
      %dma_wait3A_917 = arith.constant 0 : i32
      %dma_wait3A_918 = arith.constant 0 : i32
      %dma_wait3A_919 = tpu.memref_slice %arg12[%dma_wait3A_912, %dma_wait3A_917, %dma_wait3A_918] : memref<6x128x64xf32, #tpu.memory_space<vmem>> -> memref<1x128x64xf32, #tpu.memory_space<vmem>>
      %dma_wait3A_920 = tpu.memref_squeeze %dma_wait3A_919 : memref<1x128x64xf32, #tpu.memory_space<vmem>> -> memref<128x64xf32, #tpu.memory_space<vmem>>
      tpu.wait_dma2 semaphore(%arg16 : memref<!tpu.dma_semaphore, #tpu.memory_space<semaphore_mem>>) src(%arg5 : memref<128x64xf32, #tpu.memory_space<hbm>>) dst(%dma_wait3A_920 : memref<128x64xf32, #tpu.memory_space<vmem>>)
      %dma_wait3A_921 = arith.constant 0 : i32
      %dma_wait3A_922 = arith.constant 0 : i32
      %dma_wait3A_923 = arith.constant 0 : i32
      %dma_wait3A_924 = tpu.memref_slice %arg12[%dma_wait3A_921, %dma_wait3A_922, %dma_wait3A_923] : memref<6x128x64xf32, #tpu.memory_space<vmem>> -> memref<1x128x64xf32, #tpu.memory_space<vmem>>
      %dma_wait3A_925 = tpu.memref_squeeze %dma_wait3A_924 : memref<1x128x64xf32, #tpu.memory_space<vmem>> -> memref<128x64xf32, #tpu.memory_space<vmem>>
      %dma_wait3A_926 = arith.constant 0 : i32
      %dma_wait3A_927 = arith.constant 0 : i32
      %dma_wait3A_928 = tpu.memref_slice %arg12[%dma_wait3A_921, %dma_wait3A_926, %dma_wait3A_927] : memref<6x128x64xf32, #tpu.memory_space<vmem>> -> memref<1x128x64xf32, #tpu.memory_space<vmem>>
      %dma_wait3A_929 = tpu.memref_squeeze %dma_wait3A_928 : memref<1x128x64xf32, #tpu.memory_space<vmem>> -> memref<128x64xf32, #tpu.memory_space<vmem>>
      tpu.wait_dma2 semaphore(%arg17 : memref<!tpu.dma_semaphore, #tpu.memory_space<semaphore_mem>>) src(%arg5 : memref<128x64xf32, #tpu.memory_space<hbm>>) dst(%dma_wait3A_929 : memref<128x64xf32, #tpu.memory_space<vmem>>)
      %convert_element_type3A_930 = arith.extui %lt3A_846 : i1 to i32
      %cond3A_931 = arith.constant 0 : i32
      %cond3A_932 = arith.cmpi ne, %convert_element_type3A_930, %cond3A_931 : i32
      scf.if %cond3A_932 {
        %dma_start3A_1049 = arith.constant 1 : i32
        %dma_start3A_1050 = arith.constant 0 : i32
        %dma_start3A_1051 = arith.constant 0 : i32
        %dma_start3A_1052 = tpu.memref_slice %arg12[%rem3A_911, %dma_start3A_1050, %dma_start3A_1051] : memref<6x128x64xf32, #tpu.memory_space<vmem>> -> memref<1x128x64xf32, #tpu.memory_space<vmem>>
        %dma_start3A_1053 = tpu.memref_squeeze %dma_start3A_1052 : memref<1x128x64xf32, #tpu.memory_space<vmem>> -> memref<128x64xf32, #tpu.memory_space<vmem>>
        %dma_start3A_1054 = arith.constant 0 : i32
        %dma_start3A_1055 = tpu.memref_slice %arg10[%rem3A_845, %dma_start3A_1049, %dma_start3A_1054] : memref<4x4x128xi32, #tpu.memory_space<vmem>> -> memref<1x1x128xi32, #tpu.memory_space<vmem>>
        %dma_start3A_1056 = tpu.memref_squeeze %dma_start3A_1055 : memref<1x1x128xi32, #tpu.memory_space<vmem>> -> memref<128xi32, #tpu.memory_space<vmem>>
        %dma_start3A_1057 = arith.constant 0 : i32
        %dma_start3A_1058 = arith.constant 0 : i32
        %dma_start3A_1059 = tpu.memref_slice %arg2[%dma_start3A_1057, %dma_start3A_1058] : memref<20000x64xf32, #tpu.memory_space<hbm>> -> memref<20000x64xf32, #tpu.memory_space<hbm>>
        tpu.enqueue_indirect_dma source(%dma_start3A_1059 : memref<20000x64xf32, #tpu.memory_space<hbm>>) target(%dma_start3A_1053 : memref<128x64xf32, #tpu.memory_space<vmem>>) offsets(%dma_start3A_1056 : memref<128xi32, #tpu.memory_space<vmem>>) semaphore(%arg16 : memref<!tpu.dma_semaphore, #tpu.memory_space<semaphore_mem>>)
      } else {
      }
      %dma_start3A_933 = arith.constant 1 : i32
      %dma_start3A_934 = arith.constant 0 : i32
      %dma_start3A_935 = arith.constant 0 : i32
      %dma_start3A_936 = tpu.memref_slice %arg12[%rem3A_907, %dma_start3A_934, %dma_start3A_935] : memref<6x128x64xf32, #tpu.memory_space<vmem>> -> memref<1x128x64xf32, #tpu.memory_space<vmem>>
      %dma_start3A_937 = tpu.memref_squeeze %dma_start3A_936 : memref<1x128x64xf32, #tpu.memory_space<vmem>> -> memref<128x64xf32, #tpu.memory_space<vmem>>
      %dma_start3A_938 = arith.constant 0 : i32
      %dma_start3A_939 = tpu.memref_slice %arg11[%rem3A_841, %dma_start3A_933, %dma_start3A_938] : memref<4x4x128xi32, #tpu.memory_space<vmem>> -> memref<1x1x128xi32, #tpu.memory_space<vmem>>
      %dma_start3A_940 = tpu.memref_squeeze %dma_start3A_939 : memref<1x1x128xi32, #tpu.memory_space<vmem>> -> memref<128xi32, #tpu.memory_space<vmem>>
      %dma_start3A_941 = arith.constant 0 : i32
      %dma_start3A_942 = arith.constant 0 : i32
      %dma_start3A_943 = tpu.memref_slice %arg14[%dma_start3A_941, %dma_start3A_942] : memref<10240x64xf32, #tpu.memory_space<vmem_shared>> -> memref<10240x64xf32, #tpu.memory_space<vmem_shared>>
      tpu.enqueue_indirect_dma source(%dma_start3A_937 : memref<128x64xf32, #tpu.memory_space<vmem>>) target(%dma_start3A_943 : memref<10240x64xf32, #tpu.memory_space<vmem_shared>>) offsets(%dma_start3A_940 : memref<128xi32, #tpu.memory_space<vmem>>) semaphore(%arg17 : memref<!tpu.dma_semaphore, #tpu.memory_space<semaphore_mem>>) {add = true}
      %dma_start3A_944 = arith.constant 1 : i32
      %dma_start3A_945 = arith.constant 0 : i32
      %dma_start3A_946 = tpu.memref_slice %arg11[%rem3A_841, %dma_start3A_944, %dma_start3A_945] : memref<4x4x128xi32, #tpu.memory_space<vmem>> -> memref<1x1x128xi32, #tpu.memory_space<vmem>>
      %dma_start3A_947 = tpu.memref_squeeze %dma_start3A_946 : memref<1x1x128xi32, #tpu.memory_space<vmem>> -> memref<128xi32, #tpu.memory_space<vmem>>
      %dma_start3A_948 = arith.constant 0 : i32
      %dma_start3A_949 = arith.constant 0 : i32
      %dma_start3A_950 = tpu.memref_slice %arg15[%dma_start3A_948, %dma_start3A_949] : memref<10240x16xf32, #tpu.memory_space<vmem_shared>> -> memref<10240x16xf32, #tpu.memory_space<vmem_shared>>
      tpu.enqueue_indirect_dma source(%arg13 : memref<128x16xf32, #tpu.memory_space<vmem>>) target(%dma_start3A_950 : memref<10240x16xf32, #tpu.memory_space<vmem_shared>>) offsets(%dma_start3A_947 : memref<128xi32, #tpu.memory_space<vmem>>) semaphore(%arg19 : memref<!tpu.dma_semaphore, #tpu.memory_space<semaphore_mem>>) {add = true}
      %mul3A_951 = arith.constant 4 : i32
      %mul3A_952 = arith.muli %scan3A_840, %mul3A_951 : i32
      %add3A_953 = arith.constant 2 : i32
      %add3A_954 = arith.addi %mul3A_952, %add3A_953 : i32
      %rem3A_955 = arith.constant 6 : i32
      %rem3A_956 = arith.remsi %add3A_954, %rem3A_955 : i32
      %add3A_957 = arith.constant 4 : i32
      %add3A_958 = arith.addi %add3A_954, %add3A_957 : i32
      %rem3A_959 = arith.constant 6 : i32
      %rem3A_960 = arith.remsi %add3A_958, %rem3A_959 : i32
      %dma_wait3A_961 = arith.constant 0 : i32
      %dma_wait3A_962 = arith.constant 0 : i32
      %dma_wait3A_963 = arith.constant 0 : i32
      %dma_wait3A_964 = tpu.memref_slice %arg12[%dma_wait3A_961, %dma_wait3A_962, %dma_wait3A_963] : memref<6x128x64xf32, #tpu.memory_space<vmem>> -> memref<1x128x64xf32, #tpu.memory_space<vmem>>
      %dma_wait3A_965 = tpu.memref_squeeze %dma_wait3A_964 : memref<1x128x64xf32, #tpu.memory_space<vmem>> -> memref<128x64xf32, #tpu.memory_space<vmem>>
      %dma_wait3A_966 = arith.constant 0 : i32
      %dma_wait3A_967 = arith.constant 0 : i32
      %dma_wait3A_968 = tpu.memref_slice %arg12[%dma_wait3A_961, %dma_wait3A_966, %dma_wait3A_967] : memref<6x128x64xf32, #tpu.memory_space<vmem>> -> memref<1x128x64xf32, #tpu.memory_space<vmem>>
      %dma_wait3A_969 = tpu.memref_squeeze %dma_wait3A_968 : memref<1x128x64xf32, #tpu.memory_space<vmem>> -> memref<128x64xf32, #tpu.memory_space<vmem>>
      tpu.wait_dma2 semaphore(%arg16 : memref<!tpu.dma_semaphore, #tpu.memory_space<semaphore_mem>>) src(%arg5 : memref<128x64xf32, #tpu.memory_space<hbm>>) dst(%dma_wait3A_969 : memref<128x64xf32, #tpu.memory_space<vmem>>)
      %dma_wait3A_970 = arith.constant 0 : i32
      %dma_wait3A_971 = arith.constant 0 : i32
      %dma_wait3A_972 = arith.constant 0 : i32
      %dma_wait3A_973 = tpu.memref_slice %arg12[%dma_wait3A_970, %dma_wait3A_971, %dma_wait3A_972] : memref<6x128x64xf32, #tpu.memory_space<vmem>> -> memref<1x128x64xf32, #tpu.memory_space<vmem>>
      %dma_wait3A_974 = tpu.memref_squeeze %dma_wait3A_973 : memref<1x128x64xf32, #tpu.memory_space<vmem>> -> memref<128x64xf32, #tpu.memory_space<vmem>>
      %dma_wait3A_975 = arith.constant 0 : i32
      %dma_wait3A_976 = arith.constant 0 : i32
      %dma_wait3A_977 = tpu.memref_slice %arg12[%dma_wait3A_970, %dma_wait3A_975, %dma_wait3A_976] : memref<6x128x64xf32, #tpu.memory_space<vmem>> -> memref<1x128x64xf32, #tpu.memory_space<vmem>>
      %dma_wait3A_978 = tpu.memref_squeeze %dma_wait3A_977 : memref<1x128x64xf32, #tpu.memory_space<vmem>> -> memref<128x64xf32, #tpu.memory_space<vmem>>
      tpu.wait_dma2 semaphore(%arg17 : memref<!tpu.dma_semaphore, #tpu.memory_space<semaphore_mem>>) src(%arg5 : memref<128x64xf32, #tpu.memory_space<hbm>>) dst(%dma_wait3A_978 : memref<128x64xf32, #tpu.memory_space<vmem>>)
      %convert_element_type3A_979 = arith.extui %lt3A_846 : i1 to i32
      %cond3A_980 = arith.constant 0 : i32
      %cond3A_981 = arith.cmpi ne, %convert_element_type3A_979, %cond3A_980 : i32
      scf.if %cond3A_981 {
        %dma_start3A_1049 = arith.constant 2 : i32
        %dma_start3A_1050 = arith.constant 0 : i32
        %dma_start3A_1051 = arith.constant 0 : i32
        %dma_start3A_1052 = tpu.memref_slice %arg12[%rem3A_960, %dma_start3A_1050, %dma_start3A_1051] : memref<6x128x64xf32, #tpu.memory_space<vmem>> -> memref<1x128x64xf32, #tpu.memory_space<vmem>>
        %dma_start3A_1053 = tpu.memref_squeeze %dma_start3A_1052 : memref<1x128x64xf32, #tpu.memory_space<vmem>> -> memref<128x64xf32, #tpu.memory_space<vmem>>
        %dma_start3A_1054 = arith.constant 0 : i32
        %dma_start3A_1055 = tpu.memref_slice %arg10[%rem3A_845, %dma_start3A_1049, %dma_start3A_1054] : memref<4x4x128xi32, #tpu.memory_space<vmem>> -> memref<1x1x128xi32, #tpu.memory_space<vmem>>
        %dma_start3A_1056 = tpu.memref_squeeze %dma_start3A_1055 : memref<1x1x128xi32, #tpu.memory_space<vmem>> -> memref<128xi32, #tpu.memory_space<vmem>>
        %dma_start3A_1057 = arith.constant 0 : i32
        %dma_start3A_1058 = arith.constant 0 : i32
        %dma_start3A_1059 = tpu.memref_slice %arg2[%dma_start3A_1057, %dma_start3A_1058] : memref<20000x64xf32, #tpu.memory_space<hbm>> -> memref<20000x64xf32, #tpu.memory_space<hbm>>
        tpu.enqueue_indirect_dma source(%dma_start3A_1059 : memref<20000x64xf32, #tpu.memory_space<hbm>>) target(%dma_start3A_1053 : memref<128x64xf32, #tpu.memory_space<vmem>>) offsets(%dma_start3A_1056 : memref<128xi32, #tpu.memory_space<vmem>>) semaphore(%arg16 : memref<!tpu.dma_semaphore, #tpu.memory_space<semaphore_mem>>)
      } else {
      }
      %dma_start3A_982 = arith.constant 2 : i32
      %dma_start3A_983 = arith.constant 0 : i32
      %dma_start3A_984 = arith.constant 0 : i32
      %dma_start3A_985 = tpu.memref_slice %arg12[%rem3A_956, %dma_start3A_983, %dma_start3A_984] : memref<6x128x64xf32, #tpu.memory_space<vmem>> -> memref<1x128x64xf32, #tpu.memory_space<vmem>>
      %dma_start3A_986 = tpu.memref_squeeze %dma_start3A_985 : memref<1x128x64xf32, #tpu.memory_space<vmem>> -> memref<128x64xf32, #tpu.memory_space<vmem>>
      %dma_start3A_987 = arith.constant 0 : i32
      %dma_start3A_988 = tpu.memref_slice %arg11[%rem3A_841, %dma_start3A_982, %dma_start3A_987] : memref<4x4x128xi32, #tpu.memory_space<vmem>> -> memref<1x1x128xi32, #tpu.memory_space<vmem>>
      %dma_start3A_989 = tpu.memref_squeeze %dma_start3A_988 : memref<1x1x128xi32, #tpu.memory_space<vmem>> -> memref<128xi32, #tpu.memory_space<vmem>>
      %dma_start3A_990 = arith.constant 0 : i32
      %dma_start3A_991 = arith.constant 0 : i32
      %dma_start3A_992 = tpu.memref_slice %arg14[%dma_start3A_990, %dma_start3A_991] : memref<10240x64xf32, #tpu.memory_space<vmem_shared>> -> memref<10240x64xf32, #tpu.memory_space<vmem_shared>>
      tpu.enqueue_indirect_dma source(%dma_start3A_986 : memref<128x64xf32, #tpu.memory_space<vmem>>) target(%dma_start3A_992 : memref<10240x64xf32, #tpu.memory_space<vmem_shared>>) offsets(%dma_start3A_989 : memref<128xi32, #tpu.memory_space<vmem>>) semaphore(%arg17 : memref<!tpu.dma_semaphore, #tpu.memory_space<semaphore_mem>>) {add = true}
      %dma_start3A_993 = arith.constant 2 : i32
      %dma_start3A_994 = arith.constant 0 : i32
      %dma_start3A_995 = tpu.memref_slice %arg11[%rem3A_841, %dma_start3A_993, %dma_start3A_994] : memref<4x4x128xi32, #tpu.memory_space<vmem>> -> memref<1x1x128xi32, #tpu.memory_space<vmem>>
      %dma_start3A_996 = tpu.memref_squeeze %dma_start3A_995 : memref<1x1x128xi32, #tpu.memory_space<vmem>> -> memref<128xi32, #tpu.memory_space<vmem>>
      %dma_start3A_997 = arith.constant 0 : i32
      %dma_start3A_998 = arith.constant 0 : i32
      %dma_start3A_999 = tpu.memref_slice %arg15[%dma_start3A_997, %dma_start3A_998] : memref<10240x16xf32, #tpu.memory_space<vmem_shared>> -> memref<10240x16xf32, #tpu.memory_space<vmem_shared>>
      tpu.enqueue_indirect_dma source(%arg13 : memref<128x16xf32, #tpu.memory_space<vmem>>) target(%dma_start3A_999 : memref<10240x16xf32, #tpu.memory_space<vmem_shared>>) offsets(%dma_start3A_996 : memref<128xi32, #tpu.memory_space<vmem>>) semaphore(%arg19 : memref<!tpu.dma_semaphore, #tpu.memory_space<semaphore_mem>>) {add = true}
      %mul3A_1000 = arith.constant 4 : i32
      %mul3A_1001 = arith.muli %scan3A_840, %mul3A_1000 : i32
      %add3A_1002 = arith.constant 3 : i32
      %add3A_1003 = arith.addi %mul3A_1001, %add3A_1002 : i32
      %rem3A_1004 = arith.constant 6 : i32
      %rem3A_1005 = arith.remsi %add3A_1003, %rem3A_1004 : i32
      %add3A_1006 = arith.constant 4 : i32
      %add3A_1007 = arith.addi %add3A_1003, %add3A_1006 : i32
      %rem3A_1008 = arith.constant 6 : i32
      %rem3A_1009 = arith.remsi %add3A_1007, %rem3A_1008 : i32
      %dma_wait3A_1010 = arith.constant 0 : i32
      %dma_wait3A_1011 = arith.constant 0 : i32
      %dma_wait3A_1012 = arith.constant 0 : i32
      %dma_wait3A_1013 = tpu.memref_slice %arg12[%dma_wait3A_1010, %dma_wait3A_1011, %dma_wait3A_1012] : memref<6x128x64xf32, #tpu.memory_space<vmem>> -> memref<1x128x64xf32, #tpu.memory_space<vmem>>
      %dma_wait3A_1014 = tpu.memref_squeeze %dma_wait3A_1013 : memref<1x128x64xf32, #tpu.memory_space<vmem>> -> memref<128x64xf32, #tpu.memory_space<vmem>>
      %dma_wait3A_1015 = arith.constant 0 : i32
      %dma_wait3A_1016 = arith.constant 0 : i32
      %dma_wait3A_1017 = tpu.memref_slice %arg12[%dma_wait3A_1010, %dma_wait3A_1015, %dma_wait3A_1016] : memref<6x128x64xf32, #tpu.memory_space<vmem>> -> memref<1x128x64xf32, #tpu.memory_space<vmem>>
      %dma_wait3A_1018 = tpu.memref_squeeze %dma_wait3A_1017 : memref<1x128x64xf32, #tpu.memory_space<vmem>> -> memref<128x64xf32, #tpu.memory_space<vmem>>
      tpu.wait_dma2 semaphore(%arg16 : memref<!tpu.dma_semaphore, #tpu.memory_space<semaphore_mem>>) src(%arg5 : memref<128x64xf32, #tpu.memory_space<hbm>>) dst(%dma_wait3A_1018 : memref<128x64xf32, #tpu.memory_space<vmem>>)
      %dma_wait3A_1019 = arith.constant 0 : i32
      %dma_wait3A_1020 = arith.constant 0 : i32
      %dma_wait3A_1021 = arith.constant 0 : i32
      %dma_wait3A_1022 = tpu.memref_slice %arg12[%dma_wait3A_1019, %dma_wait3A_1020, %dma_wait3A_1021] : memref<6x128x64xf32, #tpu.memory_space<vmem>> -> memref<1x128x64xf32, #tpu.memory_space<vmem>>
      %dma_wait3A_1023 = tpu.memref_squeeze %dma_wait3A_1022 : memref<1x128x64xf32, #tpu.memory_space<vmem>> -> memref<128x64xf32, #tpu.memory_space<vmem>>
      %dma_wait3A_1024 = arith.constant 0 : i32
      %dma_wait3A_1025 = arith.constant 0 : i32
      %dma_wait3A_1026 = tpu.memref_slice %arg12[%dma_wait3A_1019, %dma_wait3A_1024, %dma_wait3A_1025] : memref<6x128x64xf32, #tpu.memory_space<vmem>> -> memref<1x128x64xf32, #tpu.memory_space<vmem>>
      %dma_wait3A_1027 = tpu.memref_squeeze %dma_wait3A_1026 : memref<1x128x64xf32, #tpu.memory_space<vmem>> -> memref<128x64xf32, #tpu.memory_space<vmem>>
      tpu.wait_dma2 semaphore(%arg17 : memref<!tpu.dma_semaphore, #tpu.memory_space<semaphore_mem>>) src(%arg5 : memref<128x64xf32, #tpu.memory_space<hbm>>) dst(%dma_wait3A_1027 : memref<128x64xf32, #tpu.memory_space<vmem>>)
      %convert_element_type3A_1028 = arith.extui %lt3A_846 : i1 to i32
      %cond3A_1029 = arith.constant 0 : i32
      %cond3A_1030 = arith.cmpi ne, %convert_element_type3A_1028, %cond3A_1029 : i32
      scf.if %cond3A_1030 {
        %dma_start3A_1049 = arith.constant 3 : i32
        %dma_start3A_1050 = arith.constant 0 : i32
        %dma_start3A_1051 = arith.constant 0 : i32
        %dma_start3A_1052 = tpu.memref_slice %arg12[%rem3A_1009, %dma_start3A_1050, %dma_start3A_1051] : memref<6x128x64xf32, #tpu.memory_space<vmem>> -> memref<1x128x64xf32, #tpu.memory_space<vmem>>
        %dma_start3A_1053 = tpu.memref_squeeze %dma_start3A_1052 : memref<1x128x64xf32, #tpu.memory_space<vmem>> -> memref<128x64xf32, #tpu.memory_space<vmem>>
        %dma_start3A_1054 = arith.constant 0 : i32
        %dma_start3A_1055 = tpu.memref_slice %arg10[%rem3A_845, %dma_start3A_1049, %dma_start3A_1054] : memref<4x4x128xi32, #tpu.memory_space<vmem>> -> memref<1x1x128xi32, #tpu.memory_space<vmem>>
        %dma_start3A_1056 = tpu.memref_squeeze %dma_start3A_1055 : memref<1x1x128xi32, #tpu.memory_space<vmem>> -> memref<128xi32, #tpu.memory_space<vmem>>
        %dma_start3A_1057 = arith.constant 0 : i32
        %dma_start3A_1058 = arith.constant 0 : i32
        %dma_start3A_1059 = tpu.memref_slice %arg2[%dma_start3A_1057, %dma_start3A_1058] : memref<20000x64xf32, #tpu.memory_space<hbm>> -> memref<20000x64xf32, #tpu.memory_space<hbm>>
        tpu.enqueue_indirect_dma source(%dma_start3A_1059 : memref<20000x64xf32, #tpu.memory_space<hbm>>) target(%dma_start3A_1053 : memref<128x64xf32, #tpu.memory_space<vmem>>) offsets(%dma_start3A_1056 : memref<128xi32, #tpu.memory_space<vmem>>) semaphore(%arg16 : memref<!tpu.dma_semaphore, #tpu.memory_space<semaphore_mem>>)
      } else {
      }
      %dma_start3A_1031 = arith.constant 3 : i32
      %dma_start3A_1032 = arith.constant 0 : i32
      %dma_start3A_1033 = arith.constant 0 : i32
      %dma_start3A_1034 = tpu.memref_slice %arg12[%rem3A_1005, %dma_start3A_1032, %dma_start3A_1033] : memref<6x128x64xf32, #tpu.memory_space<vmem>> -> memref<1x128x64xf32, #tpu.memory_space<vmem>>
      %dma_start3A_1035 = tpu.memref_squeeze %dma_start3A_1034 : memref<1x128x64xf32, #tpu.memory_space<vmem>> -> memref<128x64xf32, #tpu.memory_space<vmem>>
      %dma_start3A_1036 = arith.constant 0 : i32
      %dma_start3A_1037 = tpu.memref_slice %arg11[%rem3A_841, %dma_start3A_1031, %dma_start3A_1036] : memref<4x4x128xi32, #tpu.memory_space<vmem>> -> memref<1x1x128xi32, #tpu.memory_space<vmem>>
      %dma_start3A_1038 = tpu.memref_squeeze %dma_start3A_1037 : memref<1x1x128xi32, #tpu.memory_space<vmem>> -> memref<128xi32, #tpu.memory_space<vmem>>
      %dma_start3A_1039 = arith.constant 0 : i32
      %dma_start3A_1040 = arith.constant 0 : i32
      %dma_start3A_1041 = tpu.memref_slice %arg14[%dma_start3A_1039, %dma_start3A_1040] : memref<10240x64xf32, #tpu.memory_space<vmem_shared>> -> memref<10240x64xf32, #tpu.memory_space<vmem_shared>>
      tpu.enqueue_indirect_dma source(%dma_start3A_1035 : memref<128x64xf32, #tpu.memory_space<vmem>>) target(%dma_start3A_1041 : memref<10240x64xf32, #tpu.memory_space<vmem_shared>>) offsets(%dma_start3A_1038 : memref<128xi32, #tpu.memory_space<vmem>>) semaphore(%arg17 : memref<!tpu.dma_semaphore, #tpu.memory_space<semaphore_mem>>) {add = true}
      %dma_start3A_1042 = arith.constant 3 : i32
      %dma_start3A_1043 = arith.constant 0 : i32
      %dma_start3A_1044 = tpu.memref_slice %arg11[%rem3A_841, %dma_start3A_1042, %dma_start3A_1043] : memref<4x4x128xi32, #tpu.memory_space<vmem>> -> memref<1x1x128xi32, #tpu.memory_space<vmem>>
      %dma_start3A_1045 = tpu.memref_squeeze %dma_start3A_1044 : memref<1x1x128xi32, #tpu.memory_space<vmem>> -> memref<128xi32, #tpu.memory_space<vmem>>
      %dma_start3A_1046 = arith.constant 0 : i32
      %dma_start3A_1047 = arith.constant 0 : i32
      %dma_start3A_1048 = tpu.memref_slice %arg15[%dma_start3A_1046, %dma_start3A_1047] : memref<10240x16xf32, #tpu.memory_space<vmem_shared>> -> memref<10240x16xf32, #tpu.memory_space<vmem_shared>>
      tpu.enqueue_indirect_dma source(%arg13 : memref<128x16xf32, #tpu.memory_space<vmem>>) target(%dma_start3A_1048 : memref<10240x16xf32, #tpu.memory_space<vmem_shared>>) offsets(%dma_start3A_1045 : memref<128xi32, #tpu.memory_space<vmem>>) semaphore(%arg19 : memref<!tpu.dma_semaphore, #tpu.memory_space<semaphore_mem>>) {add = true}
    }
    %scan3A_388 = arith.constant 78 : i32
    %dma_wait3A_389 = arith.constant 0 : i32
    %dma_wait3A_390 = arith.constant 0 : i32
    %dma_wait3A_391 = arith.constant 0 : i32
    %dma_wait3A_392 = tpu.memref_slice %arg12[%dma_wait3A_389, %dma_wait3A_390, %dma_wait3A_391] : memref<6x128x64xf32, #tpu.memory_space<vmem>> -> memref<1x128x64xf32, #tpu.memory_space<vmem>>
    %dma_wait3A_393 = tpu.memref_squeeze %dma_wait3A_392 : memref<1x128x64xf32, #tpu.memory_space<vmem>> -> memref<128x64xf32, #tpu.memory_space<vmem>>
    %dma_wait3A_394 = arith.constant 0 : i32
    %dma_wait3A_395 = arith.constant 0 : i32
    %dma_wait3A_396 = tpu.memref_slice %arg12[%dma_wait3A_389, %dma_wait3A_394, %dma_wait3A_395] : memref<6x128x64xf32, #tpu.memory_space<vmem>> -> memref<1x128x64xf32, #tpu.memory_space<vmem>>
    %dma_wait3A_397 = tpu.memref_squeeze %dma_wait3A_396 : memref<1x128x64xf32, #tpu.memory_space<vmem>> -> memref<128x64xf32, #tpu.memory_space<vmem>>
    tpu.wait_dma2 semaphore(%arg17 : memref<!tpu.dma_semaphore, #tpu.memory_space<semaphore_mem>>) src(%arg5 : memref<128x64xf32, #tpu.memory_space<hbm>>) dst(%dma_wait3A_397 : memref<128x64xf32, #tpu.memory_space<vmem>>)
    %dma_wait3A_398 = arith.constant 0 : i32
    %dma_wait3A_399 = arith.constant 0 : i32
    %dma_wait3A_400 = arith.constant 0 : i32
    %dma_wait3A_401 = tpu.memref_slice %arg12[%dma_wait3A_398, %dma_wait3A_399, %dma_wait3A_400] : memref<6x128x64xf32, #tpu.memory_space<vmem>> -> memref<1x128x64xf32, #tpu.memory_space<vmem>>
    %dma_wait3A_402 = tpu.memref_squeeze %dma_wait3A_401 : memref<1x128x64xf32, #tpu.memory_space<vmem>> -> memref<128x64xf32, #tpu.memory_space<vmem>>
    %dma_wait3A_403 = arith.constant 0 : i32
    %dma_wait3A_404 = arith.constant 0 : i32
    %dma_wait3A_405 = tpu.memref_slice %arg12[%dma_wait3A_398, %dma_wait3A_403, %dma_wait3A_404] : memref<6x128x64xf32, #tpu.memory_space<vmem>> -> memref<1x128x64xf32, #tpu.memory_space<vmem>>
    %dma_wait3A_406 = tpu.memref_squeeze %dma_wait3A_405 : memref<1x128x64xf32, #tpu.memory_space<vmem>> -> memref<128x64xf32, #tpu.memory_space<vmem>>
    tpu.wait_dma2 semaphore(%arg17 : memref<!tpu.dma_semaphore, #tpu.memory_space<semaphore_mem>>) src(%arg5 : memref<128x64xf32, #tpu.memory_space<hbm>>) dst(%dma_wait3A_406 : memref<128x64xf32, #tpu.memory_space<vmem>>)
    %scan3A_407 = arith.constant 0 : i32
    %scan3A_408 = arith.constant 0 : i32
    %scan3A_409 = arith.constant 316 : i32
    %scan3A_410 = arith.addi %scan3A_408, %scan3A_409 : i32
    %scan3A_411 = arith.constant 1 : i32
    scf.for %scan3A_840 = %scan3A_408 to %scan3A_410 step %scan3A_411  : i32 {
      tpu.wait_dma2 semaphore(%arg19 : memref<!tpu.dma_semaphore, #tpu.memory_space<semaphore_mem>>) src(%arg7 : memref<128x16xf32, #tpu.memory_space<hbm>>) dst(%arg13 : memref<128x16xf32, #tpu.memory_space<vmem>>)
    }
    %scan3A_412 = arith.constant 316 : i32
    %barrier3A_413 = arith.constant 0 : index
    tpu.barrier barrier_id(%barrier3A_413)
    %add3A_414 = arith.constant 0 : i32
    %add3A_415 = arith.addi %mul3A_0, %add3A_414 : i32
    %run_scoped3A_416 = arith.constant 0 : i32
    "tpu.region"() ({
      %run_scoped3A_840 = tpu.sem_alloc : memref<!tpu.dma_semaphore, #tpu.memory_space<semaphore_mem>>
      %dma_start3A_841 = arith.constant 0 : i32
      %dma_start3A_842 = arith.constant 0 : i32
      %dma_start3A_843 = tpu.memref_slice %arg12[%run_scoped3A_416, %dma_start3A_841, %dma_start3A_842] : memref<6x128x64xf32, #tpu.memory_space<vmem>> -> memref<1x128x64xf32, #tpu.memory_space<vmem>>
      %dma_start3A_844 = tpu.memref_squeeze %dma_start3A_843 : memref<1x128x64xf32, #tpu.memory_space<vmem>> -> memref<128x64xf32, #tpu.memory_space<vmem>>
      %dma_start3A_845 = arith.constant 0 : i32
      %dma_start3A_846 = tpu.memref_slice %arg14[%add3A_415, %dma_start3A_845] : memref<10240x64xf32, #tpu.memory_space<vmem_shared>> -> memref<128x64xf32, #tpu.memory_space<vmem_shared>>
      %dma_start3A_847 = arith.constant 0 : i32
      %dma_start3A_848 = arith.constant 0 : i32
      %dma_start3A_849 = tpu.memref_slice %arg12[%run_scoped3A_416, %dma_start3A_847, %dma_start3A_848] : memref<6x128x64xf32, #tpu.memory_space<vmem>> -> memref<1x128x64xf32, #tpu.memory_space<vmem>>
      %dma_start3A_850 = tpu.memref_squeeze %dma_start3A_849 : memref<1x128x64xf32, #tpu.memory_space<vmem>> -> memref<128x64xf32, #tpu.memory_space<vmem>>
      %dma_start3A_851 = arith.constant 0 : i32
      %dma_start3A_852 = tpu.memref_slice %arg14[%add3A_415, %dma_start3A_851] : memref<10240x64xf32, #tpu.memory_space<vmem_shared>> -> memref<128x64xf32, #tpu.memory_space<vmem_shared>>
      tpu.enqueue_dma source(%dma_start3A_852 : memref<128x64xf32, #tpu.memory_space<vmem_shared>>) target(%dma_start3A_850 : memref<128x64xf32, #tpu.memory_space<vmem>>) target_semaphore(%run_scoped3A_840 : memref<!tpu.dma_semaphore, #tpu.memory_space<semaphore_mem>>)
      %dma_wait3A_853 = arith.constant 0 : i32
      %dma_wait3A_854 = arith.constant 0 : i32
      %dma_wait3A_855 = tpu.memref_slice %arg12[%run_scoped3A_416, %dma_wait3A_853, %dma_wait3A_854] : memref<6x128x64xf32, #tpu.memory_space<vmem>> -> memref<1x128x64xf32, #tpu.memory_space<vmem>>
      %dma_wait3A_856 = tpu.memref_squeeze %dma_wait3A_855 : memref<1x128x64xf32, #tpu.memory_space<vmem>> -> memref<128x64xf32, #tpu.memory_space<vmem>>
      %dma_wait3A_857 = arith.constant 0 : i32
      %dma_wait3A_858 = tpu.memref_slice %arg14[%add3A_415, %dma_wait3A_857] : memref<10240x64xf32, #tpu.memory_space<vmem_shared>> -> memref<128x64xf32, #tpu.memory_space<vmem_shared>>
      %dma_wait3A_859 = arith.constant 0 : i32
      %dma_wait3A_860 = arith.constant 0 : i32
      %dma_wait3A_861 = tpu.memref_slice %arg12[%run_scoped3A_416, %dma_wait3A_859, %dma_wait3A_860] : memref<6x128x64xf32, #tpu.memory_space<vmem>> -> memref<1x128x64xf32, #tpu.memory_space<vmem>>
      %dma_wait3A_862 = tpu.memref_squeeze %dma_wait3A_861 : memref<1x128x64xf32, #tpu.memory_space<vmem>> -> memref<128x64xf32, #tpu.memory_space<vmem>>
      %dma_wait3A_863 = arith.constant 0 : i32
      %dma_wait3A_864 = tpu.memref_slice %arg14[%add3A_415, %dma_wait3A_863] : memref<10240x64xf32, #tpu.memory_space<vmem_shared>> -> memref<128x64xf32, #tpu.memory_space<vmem_shared>>
      tpu.wait_dma2 semaphore(%run_scoped3A_840 : memref<!tpu.dma_semaphore, #tpu.memory_space<semaphore_mem>>) src(%dma_wait3A_864 : memref<128x64xf32, #tpu.memory_space<vmem_shared>>) dst(%dma_wait3A_862 : memref<128x64xf32, #tpu.memory_space<vmem>>)
      tpu.yield
    }) : () -> ()
    %run_scoped3A_417 = arith.constant 0 : i32
    %run_scoped3A_418 = arith.constant 0 : i32
    "tpu.region"() ({
      %run_scoped3A_840 = tpu.sem_alloc : memref<!tpu.dma_semaphore, #tpu.memory_space<semaphore_mem>>
      %dma_start3A_841 = arith.constant 0 : i32
      %dma_start3A_842 = arith.constant 0 : i32
      %dma_start3A_843 = tpu.memref_slice %arg12[%run_scoped3A_417, %dma_start3A_841, %dma_start3A_842] : memref<6x128x64xf32, #tpu.memory_space<vmem>> -> memref<1x128x64xf32, #tpu.memory_space<vmem>>
      %dma_start3A_844 = tpu.memref_squeeze %dma_start3A_843 : memref<1x128x64xf32, #tpu.memory_space<vmem>> -> memref<128x64xf32, #tpu.memory_space<vmem>>
      %dma_start3A_845 = arith.constant 0 : i32
      %dma_start3A_846 = arith.constant 0 : i32
      %dma_start3A_847 = tpu.memref_slice %arg8[%arg0, %run_scoped3A_418, %dma_start3A_845, %dma_start3A_846] : memref<2x2x10240x64xf32, #tpu.memory_space<hbm>> -> memref<1x1x10240x64xf32, #tpu.memory_space<hbm>>
      %dma_start3A_848 = tpu.memref_squeeze %dma_start3A_847 : memref<1x1x10240x64xf32, #tpu.memory_space<hbm>> -> memref<10240x64xf32, #tpu.memory_space<hbm>>
      %dma_start3A_849 = arith.constant 0 : i32
      %dma_start3A_850 = tpu.memref_slice %dma_start3A_848[%add3A_415, %dma_start3A_849] : memref<10240x64xf32, #tpu.memory_space<hbm>> -> memref<128x64xf32, #tpu.memory_space<hbm>>
      %dma_start3A_851 = arith.constant 0 : i32
      %dma_start3A_852 = arith.constant 0 : i32
      %dma_start3A_853 = tpu.memref_slice %arg8[%arg0, %run_scoped3A_418, %dma_start3A_851, %dma_start3A_852] : memref<2x2x10240x64xf32, #tpu.memory_space<hbm>> -> memref<1x1x10240x64xf32, #tpu.memory_space<hbm>>
      %dma_start3A_854 = tpu.memref_squeeze %dma_start3A_853 : memref<1x1x10240x64xf32, #tpu.memory_space<hbm>> -> memref<10240x64xf32, #tpu.memory_space<hbm>>
      %dma_start3A_855 = arith.constant 0 : i32
      %dma_start3A_856 = tpu.memref_slice %dma_start3A_854[%add3A_415, %dma_start3A_855] : memref<10240x64xf32, #tpu.memory_space<hbm>> -> memref<128x64xf32, #tpu.memory_space<hbm>>
      %dma_start3A_857 = arith.constant 0 : i32
      %dma_start3A_858 = arith.constant 0 : i32
      %dma_start3A_859 = tpu.memref_slice %arg12[%run_scoped3A_417, %dma_start3A_857, %dma_start3A_858] : memref<6x128x64xf32, #tpu.memory_space<vmem>> -> memref<1x128x64xf32, #tpu.memory_space<vmem>>
      %dma_start3A_860 = tpu.memref_squeeze %dma_start3A_859 : memref<1x128x64xf32, #tpu.memory_space<vmem>> -> memref<128x64xf32, #tpu.memory_space<vmem>>
      tpu.enqueue_dma source(%dma_start3A_860 : memref<128x64xf32, #tpu.memory_space<vmem>>) target(%dma_start3A_856 : memref<128x64xf32, #tpu.memory_space<hbm>>) target_semaphore(%run_scoped3A_840 : memref<!tpu.dma_semaphore, #tpu.memory_space<semaphore_mem>>)
      %dma_wait3A_861 = arith.constant 0 : i32
      %dma_wait3A_862 = arith.constant 0 : i32
      %dma_wait3A_863 = tpu.memref_slice %arg12[%run_scoped3A_417, %dma_wait3A_861, %dma_wait3A_862] : memref<6x128x64xf32, #tpu.memory_space<vmem>> -> memref<1x128x64xf32, #tpu.memory_space<vmem>>
      %dma_wait3A_864 = tpu.memref_squeeze %dma_wait3A_863 : memref<1x128x64xf32, #tpu.memory_space<vmem>> -> memref<128x64xf32, #tpu.memory_space<vmem>>
      %dma_wait3A_865 = arith.constant 0 : i32
      %dma_wait3A_866 = arith.constant 0 : i32
      %dma_wait3A_867 = tpu.memref_slice %arg8[%arg0, %run_scoped3A_418, %dma_wait3A_865, %dma_wait3A_866] : memref<2x2x10240x64xf32, #tpu.memory_space<hbm>> -> memref<1x1x10240x64xf32, #tpu.memory_space<hbm>>
      %dma_wait3A_868 = tpu.memref_squeeze %dma_wait3A_867 : memref<1x1x10240x64xf32, #tpu.memory_space<hbm>> -> memref<10240x64xf32, #tpu.memory_space<hbm>>
      %dma_wait3A_869 = arith.constant 0 : i32
      %dma_wait3A_870 = tpu.memref_slice %dma_wait3A_868[%add3A_415, %dma_wait3A_869] : memref<10240x64xf32, #tpu.memory_space<hbm>> -> memref<128x64xf32, #tpu.memory_space<hbm>>
      %dma_wait3A_871 = arith.constant 0 : i32
      %dma_wait3A_872 = arith.constant 0 : i32
      %dma_wait3A_873 = tpu.memref_slice %arg8[%arg0, %run_scoped3A_418, %dma_wait3A_871, %dma_wait3A_872] : memref<2x2x10240x64xf32, #tpu.memory_space<hbm>> -> memref<1x1x10240x64xf32, #tpu.memory_space<hbm>>
      %dma_wait3A_874 = tpu.memref_squeeze %dma_wait3A_873 : memref<1x1x10240x64xf32, #tpu.memory_space<hbm>> -> memref<10240x64xf32, #tpu.memory_space<hbm>>
      %dma_wait3A_875 = arith.constant 0 : i32
      %dma_wait3A_876 = tpu.memref_slice %dma_wait3A_874[%add3A_415, %dma_wait3A_875] : memref<10240x64xf32, #tpu.memory_space<hbm>> -> memref<128x64xf32, #tpu.memory_space<hbm>>
      %dma_wait3A_877 = arith.constant 0 : i32
      %dma_wait3A_878 = arith.constant 0 : i32
      %dma_wait3A_879 = tpu.memref_slice %arg12[%run_scoped3A_417, %dma_wait3A_877, %dma_wait3A_878] : memref<6x128x64xf32, #tpu.memory_space<vmem>> -> memref<1x128x64xf32, #tpu.memory_space<vmem>>
      %dma_wait3A_880 = tpu.memref_squeeze %dma_wait3A_879 : memref<1x128x64xf32, #tpu.memory_space<vmem>> -> memref<128x64xf32, #tpu.memory_space<vmem>>
      tpu.wait_dma2 semaphore(%run_scoped3A_840 : memref<!tpu.dma_semaphore, #tpu.memory_space<semaphore_mem>>) src(%dma_wait3A_880 : memref<128x64xf32, #tpu.memory_space<vmem>>) dst(%dma_wait3A_876 : memref<128x64xf32, #tpu.memory_space<hbm>>)
      tpu.yield
    }) : () -> ()
    %add3A_419 = arith.constant 128 : i32
    %add3A_420 = arith.addi %mul3A_0, %add3A_419 : i32
    %run_scoped3A_421 = arith.constant 0 : i32
    "tpu.region"() ({
      %run_scoped3A_840 = tpu.sem_alloc : memref<!tpu.dma_semaphore, #tpu.memory_space<semaphore_mem>>
      %dma_start3A_841 = arith.constant 0 : i32
      %dma_start3A_842 = arith.constant 0 : i32
      %dma_start3A_843 = tpu.memref_slice %arg12[%run_scoped3A_421, %dma_start3A_841, %dma_start3A_842] : memref<6x128x64xf32, #tpu.memory_space<vmem>> -> memref<1x128x64xf32, #tpu.memory_space<vmem>>
      %dma_start3A_844 = tpu.memref_squeeze %dma_start3A_843 : memref<1x128x64xf32, #tpu.memory_space<vmem>> -> memref<128x64xf32, #tpu.memory_space<vmem>>
      %dma_start3A_845 = arith.constant 0 : i32
      %dma_start3A_846 = tpu.memref_slice %arg14[%add3A_420, %dma_start3A_845] : memref<10240x64xf32, #tpu.memory_space<vmem_shared>> -> memref<128x64xf32, #tpu.memory_space<vmem_shared>>
      %dma_start3A_847 = arith.constant 0 : i32
      %dma_start3A_848 = arith.constant 0 : i32
      %dma_start3A_849 = tpu.memref_slice %arg12[%run_scoped3A_421, %dma_start3A_847, %dma_start3A_848] : memref<6x128x64xf32, #tpu.memory_space<vmem>> -> memref<1x128x64xf32, #tpu.memory_space<vmem>>
      %dma_start3A_850 = tpu.memref_squeeze %dma_start3A_849 : memref<1x128x64xf32, #tpu.memory_space<vmem>> -> memref<128x64xf32, #tpu.memory_space<vmem>>
      %dma_start3A_851 = arith.constant 0 : i32
      %dma_start3A_852 = tpu.memref_slice %arg14[%add3A_420, %dma_start3A_851] : memref<10240x64xf32, #tpu.memory_space<vmem_shared>> -> memref<128x64xf32, #tpu.memory_space<vmem_shared>>
      tpu.enqueue_dma source(%dma_start3A_852 : memref<128x64xf32, #tpu.memory_space<vmem_shared>>) target(%dma_start3A_850 : memref<128x64xf32, #tpu.memory_space<vmem>>) target_semaphore(%run_scoped3A_840 : memref<!tpu.dma_semaphore, #tpu.memory_space<semaphore_mem>>)
      %dma_wait3A_853 = arith.constant 0 : i32
      %dma_wait3A_854 = arith.constant 0 : i32
      %dma_wait3A_855 = tpu.memref_slice %arg12[%run_scoped3A_421, %dma_wait3A_853, %dma_wait3A_854] : memref<6x128x64xf32, #tpu.memory_space<vmem>> -> memref<1x128x64xf32, #tpu.memory_space<vmem>>
      %dma_wait3A_856 = tpu.memref_squeeze %dma_wait3A_855 : memref<1x128x64xf32, #tpu.memory_space<vmem>> -> memref<128x64xf32, #tpu.memory_space<vmem>>
      %dma_wait3A_857 = arith.constant 0 : i32
      %dma_wait3A_858 = tpu.memref_slice %arg14[%add3A_420, %dma_wait3A_857] : memref<10240x64xf32, #tpu.memory_space<vmem_shared>> -> memref<128x64xf32, #tpu.memory_space<vmem_shared>>
      %dma_wait3A_859 = arith.constant 0 : i32
      %dma_wait3A_860 = arith.constant 0 : i32
      %dma_wait3A_861 = tpu.memref_slice %arg12[%run_scoped3A_421, %dma_wait3A_859, %dma_wait3A_860] : memref<6x128x64xf32, #tpu.memory_space<vmem>> -> memref<1x128x64xf32, #tpu.memory_space<vmem>>
      %dma_wait3A_862 = tpu.memref_squeeze %dma_wait3A_861 : memref<1x128x64xf32, #tpu.memory_space<vmem>> -> memref<128x64xf32, #tpu.memory_space<vmem>>
      %dma_wait3A_863 = arith.constant 0 : i32
      %dma_wait3A_864 = tpu.memref_slice %arg14[%add3A_420, %dma_wait3A_863] : memref<10240x64xf32, #tpu.memory_space<vmem_shared>> -> memref<128x64xf32, #tpu.memory_space<vmem_shared>>
      tpu.wait_dma2 semaphore(%run_scoped3A_840 : memref<!tpu.dma_semaphore, #tpu.memory_space<semaphore_mem>>) src(%dma_wait3A_864 : memref<128x64xf32, #tpu.memory_space<vmem_shared>>) dst(%dma_wait3A_862 : memref<128x64xf32, #tpu.memory_space<vmem>>)
      tpu.yield
    }) : () -> ()
    %run_scoped3A_422 = arith.constant 0 : i32
    %run_scoped3A_423 = arith.constant 0 : i32
    "tpu.region"() ({
      %run_scoped3A_840 = tpu.sem_alloc : memref<!tpu.dma_semaphore, #tpu.memory_space<semaphore_mem>>
      %dma_start3A_841 = arith.constant 0 : i32
      %dma_start3A_842 = arith.constant 0 : i32
      %dma_start3A_843 = tpu.memref_slice %arg12[%run_scoped3A_422, %dma_start3A_841, %dma_start3A_842] : memref<6x128x64xf32, #tpu.memory_space<vmem>> -> memref<1x128x64xf32, #tpu.memory_space<vmem>>
      %dma_start3A_844 = tpu.memref_squeeze %dma_start3A_843 : memref<1x128x64xf32, #tpu.memory_space<vmem>> -> memref<128x64xf32, #tpu.memory_space<vmem>>
      %dma_start3A_845 = arith.constant 0 : i32
      %dma_start3A_846 = arith.constant 0 : i32
      %dma_start3A_847 = tpu.memref_slice %arg8[%arg0, %run_scoped3A_423, %dma_start3A_845, %dma_start3A_846] : memref<2x2x10240x64xf32, #tpu.memory_space<hbm>> -> memref<1x1x10240x64xf32, #tpu.memory_space<hbm>>
      %dma_start3A_848 = tpu.memref_squeeze %dma_start3A_847 : memref<1x1x10240x64xf32, #tpu.memory_space<hbm>> -> memref<10240x64xf32, #tpu.memory_space<hbm>>
      %dma_start3A_849 = arith.constant 0 : i32
      %dma_start3A_850 = tpu.memref_slice %dma_start3A_848[%add3A_420, %dma_start3A_849] : memref<10240x64xf32, #tpu.memory_space<hbm>> -> memref<128x64xf32, #tpu.memory_space<hbm>>
      %dma_start3A_851 = arith.constant 0 : i32
      %dma_start3A_852 = arith.constant 0 : i32
      %dma_start3A_853 = tpu.memref_slice %arg8[%arg0, %run_scoped3A_423, %dma_start3A_851, %dma_start3A_852] : memref<2x2x10240x64xf32, #tpu.memory_space<hbm>> -> memref<1x1x10240x64xf32, #tpu.memory_space<hbm>>
      %dma_start3A_854 = tpu.memref_squeeze %dma_start3A_853 : memref<1x1x10240x64xf32, #tpu.memory_space<hbm>> -> memref<10240x64xf32, #tpu.memory_space<hbm>>
      %dma_start3A_855 = arith.constant 0 : i32
      %dma_start3A_856 = tpu.memref_slice %dma_start3A_854[%add3A_420, %dma_start3A_855] : memref<10240x64xf32, #tpu.memory_space<hbm>> -> memref<128x64xf32, #tpu.memory_space<hbm>>
      %dma_start3A_857 = arith.constant 0 : i32
      %dma_start3A_858 = arith.constant 0 : i32
      %dma_start3A_859 = tpu.memref_slice %arg12[%run_scoped3A_422, %dma_start3A_857, %dma_start3A_858] : memref<6x128x64xf32, #tpu.memory_space<vmem>> -> memref<1x128x64xf32, #tpu.memory_space<vmem>>
      %dma_start3A_860 = tpu.memref_squeeze %dma_start3A_859 : memref<1x128x64xf32, #tpu.memory_space<vmem>> -> memref<128x64xf32, #tpu.memory_space<vmem>>
      tpu.enqueue_dma source(%dma_start3A_860 : memref<128x64xf32, #tpu.memory_space<vmem>>) target(%dma_start3A_856 : memref<128x64xf32, #tpu.memory_space<hbm>>) target_semaphore(%run_scoped3A_840 : memref<!tpu.dma_semaphore, #tpu.memory_space<semaphore_mem>>)
      %dma_wait3A_861 = arith.constant 0 : i32
      %dma_wait3A_862 = arith.constant 0 : i32
      %dma_wait3A_863 = tpu.memref_slice %arg12[%run_scoped3A_422, %dma_wait3A_861, %dma_wait3A_862] : memref<6x128x64xf32, #tpu.memory_space<vmem>> -> memref<1x128x64xf32, #tpu.memory_space<vmem>>
      %dma_wait3A_864 = tpu.memref_squeeze %dma_wait3A_863 : memref<1x128x64xf32, #tpu.memory_space<vmem>> -> memref<128x64xf32, #tpu.memory_space<vmem>>
      %dma_wait3A_865 = arith.constant 0 : i32
      %dma_wait3A_866 = arith.constant 0 : i32
      %dma_wait3A_867 = tpu.memref_slice %arg8[%arg0, %run_scoped3A_423, %dma_wait3A_865, %dma_wait3A_866] : memref<2x2x10240x64xf32, #tpu.memory_space<hbm>> -> memref<1x1x10240x64xf32, #tpu.memory_space<hbm>>
      %dma_wait3A_868 = tpu.memref_squeeze %dma_wait3A_867 : memref<1x1x10240x64xf32, #tpu.memory_space<hbm>> -> memref<10240x64xf32, #tpu.memory_space<hbm>>
      %dma_wait3A_869 = arith.constant 0 : i32
      %dma_wait3A_870 = tpu.memref_slice %dma_wait3A_868[%add3A_420, %dma_wait3A_869] : memref<10240x64xf32, #tpu.memory_space<hbm>> -> memref<128x64xf32, #tpu.memory_space<hbm>>
      %dma_wait3A_871 = arith.constant 0 : i32
      %dma_wait3A_872 = arith.constant 0 : i32
      %dma_wait3A_873 = tpu.memref_slice %arg8[%arg0, %run_scoped3A_423, %dma_wait3A_871, %dma_wait3A_872] : memref<2x2x10240x64xf32, #tpu.memory_space<hbm>> -> memref<1x1x10240x64xf32, #tpu.memory_space<hbm>>
      %dma_wait3A_874 = tpu.memref_squeeze %dma_wait3A_873 : memref<1x1x10240x64xf32, #tpu.memory_space<hbm>> -> memref<10240x64xf32, #tpu.memory_space<hbm>>
      %dma_wait3A_875 = arith.constant 0 : i32
      %dma_wait3A_876 = tpu.memref_slice %dma_wait3A_874[%add3A_420, %dma_wait3A_875] : memref<10240x64xf32, #tpu.memory_space<hbm>> -> memref<128x64xf32, #tpu.memory_space<hbm>>
      %dma_wait3A_877 = arith.constant 0 : i32
      %dma_wait3A_878 = arith.constant 0 : i32
      %dma_wait3A_879 = tpu.memref_slice %arg12[%run_scoped3A_422, %dma_wait3A_877, %dma_wait3A_878] : memref<6x128x64xf32, #tpu.memory_space<vmem>> -> memref<1x128x64xf32, #tpu.memory_space<vmem>>
      %dma_wait3A_880 = tpu.memref_squeeze %dma_wait3A_879 : memref<1x128x64xf32, #tpu.memory_space<vmem>> -> memref<128x64xf32, #tpu.memory_space<vmem>>
      tpu.wait_dma2 semaphore(%run_scoped3A_840 : memref<!tpu.dma_semaphore, #tpu.memory_space<semaphore_mem>>) src(%dma_wait3A_880 : memref<128x64xf32, #tpu.memory_space<vmem>>) dst(%dma_wait3A_876 : memref<128x64xf32, #tpu.memory_space<hbm>>)
      tpu.yield
    }) : () -> ()
    %add3A_424 = arith.constant 256 : i32
    %add3A_425 = arith.addi %mul3A_0, %add3A_424 : i32
    %run_scoped3A_426 = arith.constant 0 : i32
    "tpu.region"() ({
      %run_scoped3A_840 = tpu.sem_alloc : memref<!tpu.dma_semaphore, #tpu.memory_space<semaphore_mem>>
      %dma_start3A_841 = arith.constant 0 : i32
      %dma_start3A_842 = arith.constant 0 : i32
      %dma_start3A_843 = tpu.memref_slice %arg12[%run_scoped3A_426, %dma_start3A_841, %dma_start3A_842] : memref<6x128x64xf32, #tpu.memory_space<vmem>> -> memref<1x128x64xf32, #tpu.memory_space<vmem>>
      %dma_start3A_844 = tpu.memref_squeeze %dma_start3A_843 : memref<1x128x64xf32, #tpu.memory_space<vmem>> -> memref<128x64xf32, #tpu.memory_space<vmem>>
      %dma_start3A_845 = arith.constant 0 : i32
      %dma_start3A_846 = tpu.memref_slice %arg14[%add3A_425, %dma_start3A_845] : memref<10240x64xf32, #tpu.memory_space<vmem_shared>> -> memref<128x64xf32, #tpu.memory_space<vmem_shared>>
      %dma_start3A_847 = arith.constant 0 : i32
      %dma_start3A_848 = arith.constant 0 : i32
      %dma_start3A_849 = tpu.memref_slice %arg12[%run_scoped3A_426, %dma_start3A_847, %dma_start3A_848] : memref<6x128x64xf32, #tpu.memory_space<vmem>> -> memref<1x128x64xf32, #tpu.memory_space<vmem>>
      %dma_start3A_850 = tpu.memref_squeeze %dma_start3A_849 : memref<1x128x64xf32, #tpu.memory_space<vmem>> -> memref<128x64xf32, #tpu.memory_space<vmem>>
      %dma_start3A_851 = arith.constant 0 : i32
      %dma_start3A_852 = tpu.memref_slice %arg14[%add3A_425, %dma_start3A_851] : memref<10240x64xf32, #tpu.memory_space<vmem_shared>> -> memref<128x64xf32, #tpu.memory_space<vmem_shared>>
      tpu.enqueue_dma source(%dma_start3A_852 : memref<128x64xf32, #tpu.memory_space<vmem_shared>>) target(%dma_start3A_850 : memref<128x64xf32, #tpu.memory_space<vmem>>) target_semaphore(%run_scoped3A_840 : memref<!tpu.dma_semaphore, #tpu.memory_space<semaphore_mem>>)
      %dma_wait3A_853 = arith.constant 0 : i32
      %dma_wait3A_854 = arith.constant 0 : i32
      %dma_wait3A_855 = tpu.memref_slice %arg12[%run_scoped3A_426, %dma_wait3A_853, %dma_wait3A_854] : memref<6x128x64xf32, #tpu.memory_space<vmem>> -> memref<1x128x64xf32, #tpu.memory_space<vmem>>
      %dma_wait3A_856 = tpu.memref_squeeze %dma_wait3A_855 : memref<1x128x64xf32, #tpu.memory_space<vmem>> -> memref<128x64xf32, #tpu.memory_space<vmem>>
      %dma_wait3A_857 = arith.constant 0 : i32
      %dma_wait3A_858 = tpu.memref_slice %arg14[%add3A_425, %dma_wait3A_857] : memref<10240x64xf32, #tpu.memory_space<vmem_shared>> -> memref<128x64xf32, #tpu.memory_space<vmem_shared>>
      %dma_wait3A_859 = arith.constant 0 : i32
      %dma_wait3A_860 = arith.constant 0 : i32
      %dma_wait3A_861 = tpu.memref_slice %arg12[%run_scoped3A_426, %dma_wait3A_859, %dma_wait3A_860] : memref<6x128x64xf32, #tpu.memory_space<vmem>> -> memref<1x128x64xf32, #tpu.memory_space<vmem>>
      %dma_wait3A_862 = tpu.memref_squeeze %dma_wait3A_861 : memref<1x128x64xf32, #tpu.memory_space<vmem>> -> memref<128x64xf32, #tpu.memory_space<vmem>>
      %dma_wait3A_863 = arith.constant 0 : i32
      %dma_wait3A_864 = tpu.memref_slice %arg14[%add3A_425, %dma_wait3A_863] : memref<10240x64xf32, #tpu.memory_space<vmem_shared>> -> memref<128x64xf32, #tpu.memory_space<vmem_shared>>
      tpu.wait_dma2 semaphore(%run_scoped3A_840 : memref<!tpu.dma_semaphore, #tpu.memory_space<semaphore_mem>>) src(%dma_wait3A_864 : memref<128x64xf32, #tpu.memory_space<vmem_shared>>) dst(%dma_wait3A_862 : memref<128x64xf32, #tpu.memory_space<vmem>>)
      tpu.yield
    }) : () -> ()
    %run_scoped3A_427 = arith.constant 0 : i32
    %run_scoped3A_428 = arith.constant 0 : i32
    "tpu.region"() ({
      %run_scoped3A_840 = tpu.sem_alloc : memref<!tpu.dma_semaphore, #tpu.memory_space<semaphore_mem>>
      %dma_start3A_841 = arith.constant 0 : i32
      %dma_start3A_842 = arith.constant 0 : i32
      %dma_start3A_843 = tpu.memref_slice %arg12[%run_scoped3A_427, %dma_start3A_841, %dma_start3A_842] : memref<6x128x64xf32, #tpu.memory_space<vmem>> -> memref<1x128x64xf32, #tpu.memory_space<vmem>>
      %dma_start3A_844 = tpu.memref_squeeze %dma_start3A_843 : memref<1x128x64xf32, #tpu.memory_space<vmem>> -> memref<128x64xf32, #tpu.memory_space<vmem>>
      %dma_start3A_845 = arith.constant 0 : i32
      %dma_start3A_846 = arith.constant 0 : i32
      %dma_start3A_847 = tpu.memref_slice %arg8[%arg0, %run_scoped3A_428, %dma_start3A_845, %dma_start3A_846] : memref<2x2x10240x64xf32, #tpu.memory_space<hbm>> -> memref<1x1x10240x64xf32, #tpu.memory_space<hbm>>
      %dma_start3A_848 = tpu.memref_squeeze %dma_start3A_847 : memref<1x1x10240x64xf32, #tpu.memory_space<hbm>> -> memref<10240x64xf32, #tpu.memory_space<hbm>>
      %dma_start3A_849 = arith.constant 0 : i32
      %dma_start3A_850 = tpu.memref_slice %dma_start3A_848[%add3A_425, %dma_start3A_849] : memref<10240x64xf32, #tpu.memory_space<hbm>> -> memref<128x64xf32, #tpu.memory_space<hbm>>
      %dma_start3A_851 = arith.constant 0 : i32
      %dma_start3A_852 = arith.constant 0 : i32
      %dma_start3A_853 = tpu.memref_slice %arg8[%arg0, %run_scoped3A_428, %dma_start3A_851, %dma_start3A_852] : memref<2x2x10240x64xf32, #tpu.memory_space<hbm>> -> memref<1x1x10240x64xf32, #tpu.memory_space<hbm>>
      %dma_start3A_854 = tpu.memref_squeeze %dma_start3A_853 : memref<1x1x10240x64xf32, #tpu.memory_space<hbm>> -> memref<10240x64xf32, #tpu.memory_space<hbm>>
      %dma_start3A_855 = arith.constant 0 : i32
      %dma_start3A_856 = tpu.memref_slice %dma_start3A_854[%add3A_425, %dma_start3A_855] : memref<10240x64xf32, #tpu.memory_space<hbm>> -> memref<128x64xf32, #tpu.memory_space<hbm>>
      %dma_start3A_857 = arith.constant 0 : i32
      %dma_start3A_858 = arith.constant 0 : i32
      %dma_start3A_859 = tpu.memref_slice %arg12[%run_scoped3A_427, %dma_start3A_857, %dma_start3A_858] : memref<6x128x64xf32, #tpu.memory_space<vmem>> -> memref<1x128x64xf32, #tpu.memory_space<vmem>>
      %dma_start3A_860 = tpu.memref_squeeze %dma_start3A_859 : memref<1x128x64xf32, #tpu.memory_space<vmem>> -> memref<128x64xf32, #tpu.memory_space<vmem>>
      tpu.enqueue_dma source(%dma_start3A_860 : memref<128x64xf32, #tpu.memory_space<vmem>>) target(%dma_start3A_856 : memref<128x64xf32, #tpu.memory_space<hbm>>) target_semaphore(%run_scoped3A_840 : memref<!tpu.dma_semaphore, #tpu.memory_space<semaphore_mem>>)
      %dma_wait3A_861 = arith.constant 0 : i32
      %dma_wait3A_862 = arith.constant 0 : i32
      %dma_wait3A_863 = tpu.memref_slice %arg12[%run_scoped3A_427, %dma_wait3A_861, %dma_wait3A_862] : memref<6x128x64xf32, #tpu.memory_space<vmem>> -> memref<1x128x64xf32, #tpu.memory_space<vmem>>
      %dma_wait3A_864 = tpu.memref_squeeze %dma_wait3A_863 : memref<1x128x64xf32, #tpu.memory_space<vmem>> -> memref<128x64xf32, #tpu.memory_space<vmem>>
      %dma_wait3A_865 = arith.constant 0 : i32
      %dma_wait3A_866 = arith.constant 0 : i32
      %dma_wait3A_867 = tpu.memref_slice %arg8[%arg0, %run_scoped3A_428, %dma_wait3A_865, %dma_wait3A_866] : memref<2x2x10240x64xf32, #tpu.memory_space<hbm>> -> memref<1x1x10240x64xf32, #tpu.memory_space<hbm>>
      %dma_wait3A_868 = tpu.memref_squeeze %dma_wait3A_867 : memref<1x1x10240x64xf32, #tpu.memory_space<hbm>> -> memref<10240x64xf32, #tpu.memory_space<hbm>>
      %dma_wait3A_869 = arith.constant 0 : i32
      %dma_wait3A_870 = tpu.memref_slice %dma_wait3A_868[%add3A_425, %dma_wait3A_869] : memref<10240x64xf32, #tpu.memory_space<hbm>> -> memref<128x64xf32, #tpu.memory_space<hbm>>
      %dma_wait3A_871 = arith.constant 0 : i32
      %dma_wait3A_872 = arith.constant 0 : i32
      %dma_wait3A_873 = tpu.memref_slice %arg8[%arg0, %run_scoped3A_428, %dma_wait3A_871, %dma_wait3A_872] : memref<2x2x10240x64xf32, #tpu.memory_space<hbm>> -> memref<1x1x10240x64xf32, #tpu.memory_space<hbm>>
      %dma_wait3A_874 = tpu.memref_squeeze %dma_wait3A_873 : memref<1x1x10240x64xf32, #tpu.memory_space<hbm>> -> memref<10240x64xf32, #tpu.memory_space<hbm>>
      %dma_wait3A_875 = arith.constant 0 : i32
      %dma_wait3A_876 = tpu.memref_slice %dma_wait3A_874[%add3A_425, %dma_wait3A_875] : memref<10240x64xf32, #tpu.memory_space<hbm>> -> memref<128x64xf32, #tpu.memory_space<hbm>>
      %dma_wait3A_877 = arith.constant 0 : i32
      %dma_wait3A_878 = arith.constant 0 : i32
      %dma_wait3A_879 = tpu.memref_slice %arg12[%run_scoped3A_427, %dma_wait3A_877, %dma_wait3A_878] : memref<6x128x64xf32, #tpu.memory_space<vmem>> -> memref<1x128x64xf32, #tpu.memory_space<vmem>>
      %dma_wait3A_880 = tpu.memref_squeeze %dma_wait3A_879 : memref<1x128x64xf32, #tpu.memory_space<vmem>> -> memref<128x64xf32, #tpu.memory_space<vmem>>
      tpu.wait_dma2 semaphore(%run_scoped3A_840 : memref<!tpu.dma_semaphore, #tpu.memory_space<semaphore_mem>>) src(%dma_wait3A_880 : memref<128x64xf32, #tpu.memory_space<vmem>>) dst(%dma_wait3A_876 : memref<128x64xf32, #tpu.memory_space<hbm>>)
      tpu.yield
    }) : () -> ()
    %add3A_429 = arith.constant 384 : i32
    %add3A_430 = arith.addi %mul3A_0, %add3A_429 : i32
    %run_scoped3A_431 = arith.constant 0 : i32
    "tpu.region"() ({
      %run_scoped3A_840 = tpu.sem_alloc : memref<!tpu.dma_semaphore, #tpu.memory_space<semaphore_mem>>
      %dma_start3A_841 = arith.constant 0 : i32
      %dma_start3A_842 = arith.constant 0 : i32
      %dma_start3A_843 = tpu.memref_slice %arg12[%run_scoped3A_431, %dma_start3A_841, %dma_start3A_842] : memref<6x128x64xf32, #tpu.memory_space<vmem>> -> memref<1x128x64xf32, #tpu.memory_space<vmem>>
      %dma_start3A_844 = tpu.memref_squeeze %dma_start3A_843 : memref<1x128x64xf32, #tpu.memory_space<vmem>> -> memref<128x64xf32, #tpu.memory_space<vmem>>
      %dma_start3A_845 = arith.constant 0 : i32
      %dma_start3A_846 = tpu.memref_slice %arg14[%add3A_430, %dma_start3A_845] : memref<10240x64xf32, #tpu.memory_space<vmem_shared>> -> memref<128x64xf32, #tpu.memory_space<vmem_shared>>
      %dma_start3A_847 = arith.constant 0 : i32
      %dma_start3A_848 = arith.constant 0 : i32
      %dma_start3A_849 = tpu.memref_slice %arg12[%run_scoped3A_431, %dma_start3A_847, %dma_start3A_848] : memref<6x128x64xf32, #tpu.memory_space<vmem>> -> memref<1x128x64xf32, #tpu.memory_space<vmem>>
      %dma_start3A_850 = tpu.memref_squeeze %dma_start3A_849 : memref<1x128x64xf32, #tpu.memory_space<vmem>> -> memref<128x64xf32, #tpu.memory_space<vmem>>
      %dma_start3A_851 = arith.constant 0 : i32
      %dma_start3A_852 = tpu.memref_slice %arg14[%add3A_430, %dma_start3A_851] : memref<10240x64xf32, #tpu.memory_space<vmem_shared>> -> memref<128x64xf32, #tpu.memory_space<vmem_shared>>
      tpu.enqueue_dma source(%dma_start3A_852 : memref<128x64xf32, #tpu.memory_space<vmem_shared>>) target(%dma_start3A_850 : memref<128x64xf32, #tpu.memory_space<vmem>>) target_semaphore(%run_scoped3A_840 : memref<!tpu.dma_semaphore, #tpu.memory_space<semaphore_mem>>)
      %dma_wait3A_853 = arith.constant 0 : i32
      %dma_wait3A_854 = arith.constant 0 : i32
      %dma_wait3A_855 = tpu.memref_slice %arg12[%run_scoped3A_431, %dma_wait3A_853, %dma_wait3A_854] : memref<6x128x64xf32, #tpu.memory_space<vmem>> -> memref<1x128x64xf32, #tpu.memory_space<vmem>>
      %dma_wait3A_856 = tpu.memref_squeeze %dma_wait3A_855 : memref<1x128x64xf32, #tpu.memory_space<vmem>> -> memref<128x64xf32, #tpu.memory_space<vmem>>
      %dma_wait3A_857 = arith.constant 0 : i32
      %dma_wait3A_858 = tpu.memref_slice %arg14[%add3A_430, %dma_wait3A_857] : memref<10240x64xf32, #tpu.memory_space<vmem_shared>> -> memref<128x64xf32, #tpu.memory_space<vmem_shared>>
      %dma_wait3A_859 = arith.constant 0 : i32
      %dma_wait3A_860 = arith.constant 0 : i32
      %dma_wait3A_861 = tpu.memref_slice %arg12[%run_scoped3A_431, %dma_wait3A_859, %dma_wait3A_860] : memref<6x128x64xf32, #tpu.memory_space<vmem>> -> memref<1x128x64xf32, #tpu.memory_space<vmem>>
      %dma_wait3A_862 = tpu.memref_squeeze %dma_wait3A_861 : memref<1x128x64xf32, #tpu.memory_space<vmem>> -> memref<128x64xf32, #tpu.memory_space<vmem>>
      %dma_wait3A_863 = arith.constant 0 : i32
      %dma_wait3A_864 = tpu.memref_slice %arg14[%add3A_430, %dma_wait3A_863] : memref<10240x64xf32, #tpu.memory_space<vmem_shared>> -> memref<128x64xf32, #tpu.memory_space<vmem_shared>>
      tpu.wait_dma2 semaphore(%run_scoped3A_840 : memref<!tpu.dma_semaphore, #tpu.memory_space<semaphore_mem>>) src(%dma_wait3A_864 : memref<128x64xf32, #tpu.memory_space<vmem_shared>>) dst(%dma_wait3A_862 : memref<128x64xf32, #tpu.memory_space<vmem>>)
      tpu.yield
    }) : () -> ()
    %run_scoped3A_432 = arith.constant 0 : i32
    %run_scoped3A_433 = arith.constant 0 : i32
    "tpu.region"() ({
      %run_scoped3A_840 = tpu.sem_alloc : memref<!tpu.dma_semaphore, #tpu.memory_space<semaphore_mem>>
      %dma_start3A_841 = arith.constant 0 : i32
      %dma_start3A_842 = arith.constant 0 : i32
      %dma_start3A_843 = tpu.memref_slice %arg12[%run_scoped3A_432, %dma_start3A_841, %dma_start3A_842] : memref<6x128x64xf32, #tpu.memory_space<vmem>> -> memref<1x128x64xf32, #tpu.memory_space<vmem>>
      %dma_start3A_844 = tpu.memref_squeeze %dma_start3A_843 : memref<1x128x64xf32, #tpu.memory_space<vmem>> -> memref<128x64xf32, #tpu.memory_space<vmem>>
      %dma_start3A_845 = arith.constant 0 : i32
      %dma_start3A_846 = arith.constant 0 : i32
      %dma_start3A_847 = tpu.memref_slice %arg8[%arg0, %run_scoped3A_433, %dma_start3A_845, %dma_start3A_846] : memref<2x2x10240x64xf32, #tpu.memory_space<hbm>> -> memref<1x1x10240x64xf32, #tpu.memory_space<hbm>>
      %dma_start3A_848 = tpu.memref_squeeze %dma_start3A_847 : memref<1x1x10240x64xf32, #tpu.memory_space<hbm>> -> memref<10240x64xf32, #tpu.memory_space<hbm>>
      %dma_start3A_849 = arith.constant 0 : i32
      %dma_start3A_850 = tpu.memref_slice %dma_start3A_848[%add3A_430, %dma_start3A_849] : memref<10240x64xf32, #tpu.memory_space<hbm>> -> memref<128x64xf32, #tpu.memory_space<hbm>>
      %dma_start3A_851 = arith.constant 0 : i32
      %dma_start3A_852 = arith.constant 0 : i32
      %dma_start3A_853 = tpu.memref_slice %arg8[%arg0, %run_scoped3A_433, %dma_start3A_851, %dma_start3A_852] : memref<2x2x10240x64xf32, #tpu.memory_space<hbm>> -> memref<1x1x10240x64xf32, #tpu.memory_space<hbm>>
      %dma_start3A_854 = tpu.memref_squeeze %dma_start3A_853 : memref<1x1x10240x64xf32, #tpu.memory_space<hbm>> -> memref<10240x64xf32, #tpu.memory_space<hbm>>
      %dma_start3A_855 = arith.constant 0 : i32
      %dma_start3A_856 = tpu.memref_slice %dma_start3A_854[%add3A_430, %dma_start3A_855] : memref<10240x64xf32, #tpu.memory_space<hbm>> -> memref<128x64xf32, #tpu.memory_space<hbm>>
      %dma_start3A_857 = arith.constant 0 : i32
      %dma_start3A_858 = arith.constant 0 : i32
      %dma_start3A_859 = tpu.memref_slice %arg12[%run_scoped3A_432, %dma_start3A_857, %dma_start3A_858] : memref<6x128x64xf32, #tpu.memory_space<vmem>> -> memref<1x128x64xf32, #tpu.memory_space<vmem>>
      %dma_start3A_860 = tpu.memref_squeeze %dma_start3A_859 : memref<1x128x64xf32, #tpu.memory_space<vmem>> -> memref<128x64xf32, #tpu.memory_space<vmem>>
      tpu.enqueue_dma source(%dma_start3A_860 : memref<128x64xf32, #tpu.memory_space<vmem>>) target(%dma_start3A_856 : memref<128x64xf32, #tpu.memory_space<hbm>>) target_semaphore(%run_scoped3A_840 : memref<!tpu.dma_semaphore, #tpu.memory_space<semaphore_mem>>)
      %dma_wait3A_861 = arith.constant 0 : i32
      %dma_wait3A_862 = arith.constant 0 : i32
      %dma_wait3A_863 = tpu.memref_slice %arg12[%run_scoped3A_432, %dma_wait3A_861, %dma_wait3A_862] : memref<6x128x64xf32, #tpu.memory_space<vmem>> -> memref<1x128x64xf32, #tpu.memory_space<vmem>>
      %dma_wait3A_864 = tpu.memref_squeeze %dma_wait3A_863 : memref<1x128x64xf32, #tpu.memory_space<vmem>> -> memref<128x64xf32, #tpu.memory_space<vmem>>
      %dma_wait3A_865 = arith.constant 0 : i32
      %dma_wait3A_866 = arith.constant 0 : i32
      %dma_wait3A_867 = tpu.memref_slice %arg8[%arg0, %run_scoped3A_433, %dma_wait3A_865, %dma_wait3A_866] : memref<2x2x10240x64xf32, #tpu.memory_space<hbm>> -> memref<1x1x10240x64xf32, #tpu.memory_space<hbm>>
      %dma_wait3A_868 = tpu.memref_squeeze %dma_wait3A_867 : memref<1x1x10240x64xf32, #tpu.memory_space<hbm>> -> memref<10240x64xf32, #tpu.memory_space<hbm>>
      %dma_wait3A_869 = arith.constant 0 : i32
      %dma_wait3A_870 = tpu.memref_slice %dma_wait3A_868[%add3A_430, %dma_wait3A_869] : memref<10240x64xf32, #tpu.memory_space<hbm>> -> memref<128x64xf32, #tpu.memory_space<hbm>>
      %dma_wait3A_871 = arith.constant 0 : i32
      %dma_wait3A_872 = arith.constant 0 : i32
      %dma_wait3A_873 = tpu.memref_slice %arg8[%arg0, %run_scoped3A_433, %dma_wait3A_871, %dma_wait3A_872] : memref<2x2x10240x64xf32, #tpu.memory_space<hbm>> -> memref<1x1x10240x64xf32, #tpu.memory_space<hbm>>
      %dma_wait3A_874 = tpu.memref_squeeze %dma_wait3A_873 : memref<1x1x10240x64xf32, #tpu.memory_space<hbm>> -> memref<10240x64xf32, #tpu.memory_space<hbm>>
      %dma_wait3A_875 = arith.constant 0 : i32
      %dma_wait3A_876 = tpu.memref_slice %dma_wait3A_874[%add3A_430, %dma_wait3A_875] : memref<10240x64xf32, #tpu.memory_space<hbm>> -> memref<128x64xf32, #tpu.memory_space<hbm>>
      %dma_wait3A_877 = arith.constant 0 : i32
      %dma_wait3A_878 = arith.constant 0 : i32
      %dma_wait3A_879 = tpu.memref_slice %arg12[%run_scoped3A_432, %dma_wait3A_877, %dma_wait3A_878] : memref<6x128x64xf32, #tpu.memory_space<vmem>> -> memref<1x128x64xf32, #tpu.memory_space<vmem>>
      %dma_wait3A_880 = tpu.memref_squeeze %dma_wait3A_879 : memref<1x128x64xf32, #tpu.memory_space<vmem>> -> memref<128x64xf32, #tpu.memory_space<vmem>>
      tpu.wait_dma2 semaphore(%run_scoped3A_840 : memref<!tpu.dma_semaphore, #tpu.memory_space<semaphore_mem>>) src(%dma_wait3A_880 : memref<128x64xf32, #tpu.memory_space<vmem>>) dst(%dma_wait3A_876 : memref<128x64xf32, #tpu.memory_space<hbm>>)
      tpu.yield
    }) : () -> ()
    %add3A_434 = arith.constant 512 : i32
    %add3A_435 = arith.addi %mul3A_0, %add3A_434 : i32
    %run_scoped3A_436 = arith.constant 0 : i32
    "tpu.region"() ({
      %run_scoped3A_840 = tpu.sem_alloc : memref<!tpu.dma_semaphore, #tpu.memory_space<semaphore_mem>>
      %dma_start3A_841 = arith.constant 0 : i32
      %dma_start3A_842 = arith.constant 0 : i32
      %dma_start3A_843 = tpu.memref_slice %arg12[%run_scoped3A_436, %dma_start3A_841, %dma_start3A_842] : memref<6x128x64xf32, #tpu.memory_space<vmem>> -> memref<1x128x64xf32, #tpu.memory_space<vmem>>
      %dma_start3A_844 = tpu.memref_squeeze %dma_start3A_843 : memref<1x128x64xf32, #tpu.memory_space<vmem>> -> memref<128x64xf32, #tpu.memory_space<vmem>>
      %dma_start3A_845 = arith.constant 0 : i32
      %dma_start3A_846 = tpu.memref_slice %arg14[%add3A_435, %dma_start3A_845] : memref<10240x64xf32, #tpu.memory_space<vmem_shared>> -> memref<128x64xf32, #tpu.memory_space<vmem_shared>>
      %dma_start3A_847 = arith.constant 0 : i32
      %dma_start3A_848 = arith.constant 0 : i32
      %dma_start3A_849 = tpu.memref_slice %arg12[%run_scoped3A_436, %dma_start3A_847, %dma_start3A_848] : memref<6x128x64xf32, #tpu.memory_space<vmem>> -> memref<1x128x64xf32, #tpu.memory_space<vmem>>
      %dma_start3A_850 = tpu.memref_squeeze %dma_start3A_849 : memref<1x128x64xf32, #tpu.memory_space<vmem>> -> memref<128x64xf32, #tpu.memory_space<vmem>>
      %dma_start3A_851 = arith.constant 0 : i32
      %dma_start3A_852 = tpu.memref_slice %arg14[%add3A_435, %dma_start3A_851] : memref<10240x64xf32, #tpu.memory_space<vmem_shared>> -> memref<128x64xf32, #tpu.memory_space<vmem_shared>>
      tpu.enqueue_dma source(%dma_start3A_852 : memref<128x64xf32, #tpu.memory_space<vmem_shared>>) target(%dma_start3A_850 : memref<128x64xf32, #tpu.memory_space<vmem>>) target_semaphore(%run_scoped3A_840 : memref<!tpu.dma_semaphore, #tpu.memory_space<semaphore_mem>>)
      %dma_wait3A_853 = arith.constant 0 : i32
      %dma_wait3A_854 = arith.constant 0 : i32
      %dma_wait3A_855 = tpu.memref_slice %arg12[%run_scoped3A_436, %dma_wait3A_853, %dma_wait3A_854] : memref<6x128x64xf32, #tpu.memory_space<vmem>> -> memref<1x128x64xf32, #tpu.memory_space<vmem>>
      %dma_wait3A_856 = tpu.memref_squeeze %dma_wait3A_855 : memref<1x128x64xf32, #tpu.memory_space<vmem>> -> memref<128x64xf32, #tpu.memory_space<vmem>>
      %dma_wait3A_857 = arith.constant 0 : i32
      %dma_wait3A_858 = tpu.memref_slice %arg14[%add3A_435, %dma_wait3A_857] : memref<10240x64xf32, #tpu.memory_space<vmem_shared>> -> memref<128x64xf32, #tpu.memory_space<vmem_shared>>
      %dma_wait3A_859 = arith.constant 0 : i32
      %dma_wait3A_860 = arith.constant 0 : i32
      %dma_wait3A_861 = tpu.memref_slice %arg12[%run_scoped3A_436, %dma_wait3A_859, %dma_wait3A_860] : memref<6x128x64xf32, #tpu.memory_space<vmem>> -> memref<1x128x64xf32, #tpu.memory_space<vmem>>
      %dma_wait3A_862 = tpu.memref_squeeze %dma_wait3A_861 : memref<1x128x64xf32, #tpu.memory_space<vmem>> -> memref<128x64xf32, #tpu.memory_space<vmem>>
      %dma_wait3A_863 = arith.constant 0 : i32
      %dma_wait3A_864 = tpu.memref_slice %arg14[%add3A_435, %dma_wait3A_863] : memref<10240x64xf32, #tpu.memory_space<vmem_shared>> -> memref<128x64xf32, #tpu.memory_space<vmem_shared>>
      tpu.wait_dma2 semaphore(%run_scoped3A_840 : memref<!tpu.dma_semaphore, #tpu.memory_space<semaphore_mem>>) src(%dma_wait3A_864 : memref<128x64xf32, #tpu.memory_space<vmem_shared>>) dst(%dma_wait3A_862 : memref<128x64xf32, #tpu.memory_space<vmem>>)
      tpu.yield
    }) : () -> ()
    %run_scoped3A_437 = arith.constant 0 : i32
    %run_scoped3A_438 = arith.constant 0 : i32
    "tpu.region"() ({
      %run_scoped3A_840 = tpu.sem_alloc : memref<!tpu.dma_semaphore, #tpu.memory_space<semaphore_mem>>
      %dma_start3A_841 = arith.constant 0 : i32
      %dma_start3A_842 = arith.constant 0 : i32
      %dma_start3A_843 = tpu.memref_slice %arg12[%run_scoped3A_437, %dma_start3A_841, %dma_start3A_842] : memref<6x128x64xf32, #tpu.memory_space<vmem>> -> memref<1x128x64xf32, #tpu.memory_space<vmem>>
      %dma_start3A_844 = tpu.memref_squeeze %dma_start3A_843 : memref<1x128x64xf32, #tpu.memory_space<vmem>> -> memref<128x64xf32, #tpu.memory_space<vmem>>
      %dma_start3A_845 = arith.constant 0 : i32
      %dma_start3A_846 = arith.constant 0 : i32
      %dma_start3A_847 = tpu.memref_slice %arg8[%arg0, %run_scoped3A_438, %dma_start3A_845, %dma_start3A_846] : memref<2x2x10240x64xf32, #tpu.memory_space<hbm>> -> memref<1x1x10240x64xf32, #tpu.memory_space<hbm>>
      %dma_start3A_848 = tpu.memref_squeeze %dma_start3A_847 : memref<1x1x10240x64xf32, #tpu.memory_space<hbm>> -> memref<10240x64xf32, #tpu.memory_space<hbm>>
      %dma_start3A_849 = arith.constant 0 : i32
      %dma_start3A_850 = tpu.memref_slice %dma_start3A_848[%add3A_435, %dma_start3A_849] : memref<10240x64xf32, #tpu.memory_space<hbm>> -> memref<128x64xf32, #tpu.memory_space<hbm>>
      %dma_start3A_851 = arith.constant 0 : i32
      %dma_start3A_852 = arith.constant 0 : i32
      %dma_start3A_853 = tpu.memref_slice %arg8[%arg0, %run_scoped3A_438, %dma_start3A_851, %dma_start3A_852] : memref<2x2x10240x64xf32, #tpu.memory_space<hbm>> -> memref<1x1x10240x64xf32, #tpu.memory_space<hbm>>
      %dma_start3A_854 = tpu.memref_squeeze %dma_start3A_853 : memref<1x1x10240x64xf32, #tpu.memory_space<hbm>> -> memref<10240x64xf32, #tpu.memory_space<hbm>>
      %dma_start3A_855 = arith.constant 0 : i32
      %dma_start3A_856 = tpu.memref_slice %dma_start3A_854[%add3A_435, %dma_start3A_855] : memref<10240x64xf32, #tpu.memory_space<hbm>> -> memref<128x64xf32, #tpu.memory_space<hbm>>
      %dma_start3A_857 = arith.constant 0 : i32
      %dma_start3A_858 = arith.constant 0 : i32
      %dma_start3A_859 = tpu.memref_slice %arg12[%run_scoped3A_437, %dma_start3A_857, %dma_start3A_858] : memref<6x128x64xf32, #tpu.memory_space<vmem>> -> memref<1x128x64xf32, #tpu.memory_space<vmem>>
      %dma_start3A_860 = tpu.memref_squeeze %dma_start3A_859 : memref<1x128x64xf32, #tpu.memory_space<vmem>> -> memref<128x64xf32, #tpu.memory_space<vmem>>
      tpu.enqueue_dma source(%dma_start3A_860 : memref<128x64xf32, #tpu.memory_space<vmem>>) target(%dma_start3A_856 : memref<128x64xf32, #tpu.memory_space<hbm>>) target_semaphore(%run_scoped3A_840 : memref<!tpu.dma_semaphore, #tpu.memory_space<semaphore_mem>>)
      %dma_wait3A_861 = arith.constant 0 : i32
      %dma_wait3A_862 = arith.constant 0 : i32
      %dma_wait3A_863 = tpu.memref_slice %arg12[%run_scoped3A_437, %dma_wait3A_861, %dma_wait3A_862] : memref<6x128x64xf32, #tpu.memory_space<vmem>> -> memref<1x128x64xf32, #tpu.memory_space<vmem>>
      %dma_wait3A_864 = tpu.memref_squeeze %dma_wait3A_863 : memref<1x128x64xf32, #tpu.memory_space<vmem>> -> memref<128x64xf32, #tpu.memory_space<vmem>>
      %dma_wait3A_865 = arith.constant 0 : i32
      %dma_wait3A_866 = arith.constant 0 : i32
      %dma_wait3A_867 = tpu.memref_slice %arg8[%arg0, %run_scoped3A_438, %dma_wait3A_865, %dma_wait3A_866] : memref<2x2x10240x64xf32, #tpu.memory_space<hbm>> -> memref<1x1x10240x64xf32, #tpu.memory_space<hbm>>
      %dma_wait3A_868 = tpu.memref_squeeze %dma_wait3A_867 : memref<1x1x10240x64xf32, #tpu.memory_space<hbm>> -> memref<10240x64xf32, #tpu.memory_space<hbm>>
      %dma_wait3A_869 = arith.constant 0 : i32
      %dma_wait3A_870 = tpu.memref_slice %dma_wait3A_868[%add3A_435, %dma_wait3A_869] : memref<10240x64xf32, #tpu.memory_space<hbm>> -> memref<128x64xf32, #tpu.memory_space<hbm>>
      %dma_wait3A_871 = arith.constant 0 : i32
      %dma_wait3A_872 = arith.constant 0 : i32
      %dma_wait3A_873 = tpu.memref_slice %arg8[%arg0, %run_scoped3A_438, %dma_wait3A_871, %dma_wait3A_872] : memref<2x2x10240x64xf32, #tpu.memory_space<hbm>> -> memref<1x1x10240x64xf32, #tpu.memory_space<hbm>>
      %dma_wait3A_874 = tpu.memref_squeeze %dma_wait3A_873 : memref<1x1x10240x64xf32, #tpu.memory_space<hbm>> -> memref<10240x64xf32, #tpu.memory_space<hbm>>
      %dma_wait3A_875 = arith.constant 0 : i32
      %dma_wait3A_876 = tpu.memref_slice %dma_wait3A_874[%add3A_435, %dma_wait3A_875] : memref<10240x64xf32, #tpu.memory_space<hbm>> -> memref<128x64xf32, #tpu.memory_space<hbm>>
      %dma_wait3A_877 = arith.constant 0 : i32
      %dma_wait3A_878 = arith.constant 0 : i32
      %dma_wait3A_879 = tpu.memref_slice %arg12[%run_scoped3A_437, %dma_wait3A_877, %dma_wait3A_878] : memref<6x128x64xf32, #tpu.memory_space<vmem>> -> memref<1x128x64xf32, #tpu.memory_space<vmem>>
      %dma_wait3A_880 = tpu.memref_squeeze %dma_wait3A_879 : memref<1x128x64xf32, #tpu.memory_space<vmem>> -> memref<128x64xf32, #tpu.memory_space<vmem>>
      tpu.wait_dma2 semaphore(%run_scoped3A_840 : memref<!tpu.dma_semaphore, #tpu.memory_space<semaphore_mem>>) src(%dma_wait3A_880 : memref<128x64xf32, #tpu.memory_space<vmem>>) dst(%dma_wait3A_876 : memref<128x64xf32, #tpu.memory_space<hbm>>)
      tpu.yield
    }) : () -> ()
    %add3A_439 = arith.constant 0 : i32
    %add3A_440 = arith.addi %mul3A_0, %add3A_439 : i32
    "tpu.region"() ({
      %run_scoped3A_840 = tpu.sem_alloc : memref<!tpu.dma_semaphore, #tpu.memory_space<semaphore_mem>>
      %dma_start3A_841 = arith.constant 0 : i32
      %dma_start3A_842 = tpu.memref_slice %arg15[%add3A_440, %dma_start3A_841] : memref<10240x16xf32, #tpu.memory_space<vmem_shared>> -> memref<128x16xf32, #tpu.memory_space<vmem_shared>>
      %dma_start3A_843 = arith.constant 0 : i32
      %dma_start3A_844 = tpu.memref_slice %arg15[%add3A_440, %dma_start3A_843] : memref<10240x16xf32, #tpu.memory_space<vmem_shared>> -> memref<128x16xf32, #tpu.memory_space<vmem_shared>>
      tpu.enqueue_dma source(%dma_start3A_844 : memref<128x16xf32, #tpu.memory_space<vmem_shared>>) target(%arg13 : memref<128x16xf32, #tpu.memory_space<vmem>>) target_semaphore(%run_scoped3A_840 : memref<!tpu.dma_semaphore, #tpu.memory_space<semaphore_mem>>)
      %dma_wait3A_845 = arith.constant 0 : i32
      %dma_wait3A_846 = tpu.memref_slice %arg15[%add3A_440, %dma_wait3A_845] : memref<10240x16xf32, #tpu.memory_space<vmem_shared>> -> memref<128x16xf32, #tpu.memory_space<vmem_shared>>
      %dma_wait3A_847 = arith.constant 0 : i32
      %dma_wait3A_848 = tpu.memref_slice %arg15[%add3A_440, %dma_wait3A_847] : memref<10240x16xf32, #tpu.memory_space<vmem_shared>> -> memref<128x16xf32, #tpu.memory_space<vmem_shared>>
      tpu.wait_dma2 semaphore(%run_scoped3A_840 : memref<!tpu.dma_semaphore, #tpu.memory_space<semaphore_mem>>) src(%dma_wait3A_848 : memref<128x16xf32, #tpu.memory_space<vmem_shared>>) dst(%arg13 : memref<128x16xf32, #tpu.memory_space<vmem>>)
      tpu.yield
    }) : () -> ()
    "tpu.region"() ({
      %run_scoped3A_840 = tpu.sem_alloc : memref<!tpu.dma_semaphore, #tpu.memory_space<semaphore_mem>>
      %dma_start3A_841 = arith.constant 0 : i32
      %dma_start3A_842 = arith.constant 0 : i32
      %dma_start3A_843 = tpu.memref_slice %arg9[%arg0, %dma_start3A_841, %dma_start3A_842] : memref<2x10240x16xf32, #tpu.memory_space<hbm>> -> memref<1x10240x16xf32, #tpu.memory_space<hbm>>
      %dma_start3A_844 = tpu.memref_squeeze %dma_start3A_843 : memref<1x10240x16xf32, #tpu.memory_space<hbm>> -> memref<10240x16xf32, #tpu.memory_space<hbm>>
      %dma_start3A_845 = arith.constant 0 : i32
      %dma_start3A_846 = tpu.memref_slice %dma_start3A_844[%add3A_440, %dma_start3A_845] : memref<10240x16xf32, #tpu.memory_space<hbm>> -> memref<128x16xf32, #tpu.memory_space<hbm>>
      %dma_start3A_847 = arith.constant 0 : i32
      %dma_start3A_848 = arith.constant 0 : i32
      %dma_start3A_849 = tpu.memref_slice %arg9[%arg0, %dma_start3A_847, %dma_start3A_848] : memref<2x10240x16xf32, #tpu.memory_space<hbm>> -> memref<1x10240x16xf32, #tpu.memory_space<hbm>>
      %dma_start3A_850 = tpu.memref_squeeze %dma_start3A_849 : memref<1x10240x16xf32, #tpu.memory_space<hbm>> -> memref<10240x16xf32, #tpu.memory_space<hbm>>
      %dma_start3A_851 = arith.constant 0 : i32
      %dma_start3A_852 = tpu.memref_slice %dma_start3A_850[%add3A_440, %dma_start3A_851] : memref<10240x16xf32, #tpu.memory_space<hbm>> -> memref<128x16xf32, #tpu.memory_space<hbm>>
      tpu.enqueue_dma source(%arg13 : memref<128x16xf32, #tpu.memory_space<vmem>>) target(%dma_start3A_852 : memref<128x16xf32, #tpu.memory_space<hbm>>) target_semaphore(%run_scoped3A_840 : memref<!tpu.dma_semaphore, #tpu.memory_space<semaphore_mem>>)
      %dma_wait3A_853 = arith.constant 0 : i32
      %dma_wait3A_854 = arith.constant 0 : i32
      %dma_wait3A_855 = tpu.memref_slice %arg9[%arg0, %dma_wait3A_853, %dma_wait3A_854] : memref<2x10240x16xf32, #tpu.memory_space<hbm>> -> memref<1x10240x16xf32, #tpu.memory_space<hbm>>
      %dma_wait3A_856 = tpu.memref_squeeze %dma_wait3A_855 : memref<1x10240x16xf32, #tpu.memory_space<hbm>> -> memref<10240x16xf32, #tpu.memory_space<hbm>>
      %dma_wait3A_857 = arith.constant 0 : i32
      %dma_wait3A_858 = tpu.memref_slice %dma_wait3A_856[%add3A_440, %dma_wait3A_857] : memref<10240x16xf32, #tpu.memory_space<hbm>> -> memref<128x16xf32, #tpu.memory_space<hbm>>
      %dma_wait3A_859 = arith.constant 0 : i32
      %dma_wait3A_860 = arith.constant 0 : i32
      %dma_wait3A_861 = tpu.memref_slice %arg9[%arg0, %dma_wait3A_859, %dma_wait3A_860] : memref<2x10240x16xf32, #tpu.memory_space<hbm>> -> memref<1x10240x16xf32, #tpu.memory_space<hbm>>
      %dma_wait3A_862 = tpu.memref_squeeze %dma_wait3A_861 : memref<1x10240x16xf32, #tpu.memory_space<hbm>> -> memref<10240x16xf32, #tpu.memory_space<hbm>>
      %dma_wait3A_863 = arith.constant 0 : i32
      %dma_wait3A_864 = tpu.memref_slice %dma_wait3A_862[%add3A_440, %dma_wait3A_863] : memref<10240x16xf32, #tpu.memory_space<hbm>> -> memref<128x16xf32, #tpu.memory_space<hbm>>
      tpu.wait_dma2 semaphore(%run_scoped3A_840 : memref<!tpu.dma_semaphore, #tpu.memory_space<semaphore_mem>>) src(%arg13 : memref<128x16xf32, #tpu.memory_space<vmem>>) dst(%dma_wait3A_864 : memref<128x16xf32, #tpu.memory_space<hbm>>)
      tpu.yield
    }) : () -> ()
    %add3A_441 = arith.constant 128 : i32
    %add3A_442 = arith.addi %mul3A_0, %add3A_441 : i32
    "tpu.region"() ({
      %run_scoped3A_840 = tpu.sem_alloc : memref<!tpu.dma_semaphore, #tpu.memory_space<semaphore_mem>>
      %dma_start3A_841 = arith.constant 0 : i32
      %dma_start3A_842 = tpu.memref_slice %arg15[%add3A_442, %dma_start3A_841] : memref<10240x16xf32, #tpu.memory_space<vmem_shared>> -> memref<128x16xf32, #tpu.memory_space<vmem_shared>>
      %dma_start3A_843 = arith.constant 0 : i32
      %dma_start3A_844 = tpu.memref_slice %arg15[%add3A_442, %dma_start3A_843] : memref<10240x16xf32, #tpu.memory_space<vmem_shared>> -> memref<128x16xf32, #tpu.memory_space<vmem_shared>>
      tpu.enqueue_dma source(%dma_start3A_844 : memref<128x16xf32, #tpu.memory_space<vmem_shared>>) target(%arg13 : memref<128x16xf32, #tpu.memory_space<vmem>>) target_semaphore(%run_scoped3A_840 : memref<!tpu.dma_semaphore, #tpu.memory_space<semaphore_mem>>)
      %dma_wait3A_845 = arith.constant 0 : i32
      %dma_wait3A_846 = tpu.memref_slice %arg15[%add3A_442, %dma_wait3A_845] : memref<10240x16xf32, #tpu.memory_space<vmem_shared>> -> memref<128x16xf32, #tpu.memory_space<vmem_shared>>
      %dma_wait3A_847 = arith.constant 0 : i32
      %dma_wait3A_848 = tpu.memref_slice %arg15[%add3A_442, %dma_wait3A_847] : memref<10240x16xf32, #tpu.memory_space<vmem_shared>> -> memref<128x16xf32, #tpu.memory_space<vmem_shared>>
      tpu.wait_dma2 semaphore(%run_scoped3A_840 : memref<!tpu.dma_semaphore, #tpu.memory_space<semaphore_mem>>) src(%dma_wait3A_848 : memref<128x16xf32, #tpu.memory_space<vmem_shared>>) dst(%arg13 : memref<128x16xf32, #tpu.memory_space<vmem>>)
      tpu.yield
    }) : () -> ()
    "tpu.region"() ({
      %run_scoped3A_840 = tpu.sem_alloc : memref<!tpu.dma_semaphore, #tpu.memory_space<semaphore_mem>>
      %dma_start3A_841 = arith.constant 0 : i32
      %dma_start3A_842 = arith.constant 0 : i32
      %dma_start3A_843 = tpu.memref_slice %arg9[%arg0, %dma_start3A_841, %dma_start3A_842] : memref<2x10240x16xf32, #tpu.memory_space<hbm>> -> memref<1x10240x16xf32, #tpu.memory_space<hbm>>
      %dma_start3A_844 = tpu.memref_squeeze %dma_start3A_843 : memref<1x10240x16xf32, #tpu.memory_space<hbm>> -> memref<10240x16xf32, #tpu.memory_space<hbm>>
      %dma_start3A_845 = arith.constant 0 : i32
      %dma_start3A_846 = tpu.memref_slice %dma_start3A_844[%add3A_442, %dma_start3A_845] : memref<10240x16xf32, #tpu.memory_space<hbm>> -> memref<128x16xf32, #tpu.memory_space<hbm>>
      %dma_start3A_847 = arith.constant 0 : i32
      %dma_start3A_848 = arith.constant 0 : i32
      %dma_start3A_849 = tpu.memref_slice %arg9[%arg0, %dma_start3A_847, %dma_start3A_848] : memref<2x10240x16xf32, #tpu.memory_space<hbm>> -> memref<1x10240x16xf32, #tpu.memory_space<hbm>>
      %dma_start3A_850 = tpu.memref_squeeze %dma_start3A_849 : memref<1x10240x16xf32, #tpu.memory_space<hbm>> -> memref<10240x16xf32, #tpu.memory_space<hbm>>
      %dma_start3A_851 = arith.constant 0 : i32
      %dma_start3A_852 = tpu.memref_slice %dma_start3A_850[%add3A_442, %dma_start3A_851] : memref<10240x16xf32, #tpu.memory_space<hbm>> -> memref<128x16xf32, #tpu.memory_space<hbm>>
      tpu.enqueue_dma source(%arg13 : memref<128x16xf32, #tpu.memory_space<vmem>>) target(%dma_start3A_852 : memref<128x16xf32, #tpu.memory_space<hbm>>) target_semaphore(%run_scoped3A_840 : memref<!tpu.dma_semaphore, #tpu.memory_space<semaphore_mem>>)
      %dma_wait3A_853 = arith.constant 0 : i32
      %dma_wait3A_854 = arith.constant 0 : i32
      %dma_wait3A_855 = tpu.memref_slice %arg9[%arg0, %dma_wait3A_853, %dma_wait3A_854] : memref<2x10240x16xf32, #tpu.memory_space<hbm>> -> memref<1x10240x16xf32, #tpu.memory_space<hbm>>
      %dma_wait3A_856 = tpu.memref_squeeze %dma_wait3A_855 : memref<1x10240x16xf32, #tpu.memory_space<hbm>> -> memref<10240x16xf32, #tpu.memory_space<hbm>>
      %dma_wait3A_857 = arith.constant 0 : i32
      %dma_wait3A_858 = tpu.memref_slice %dma_wait3A_856[%add3A_442, %dma_wait3A_857] : memref<10240x16xf32, #tpu.memory_space<hbm>> -> memref<128x16xf32, #tpu.memory_space<hbm>>
      %dma_wait3A_859 = arith.constant 0 : i32
      %dma_wait3A_860 = arith.constant 0 : i32
      %dma_wait3A_861 = tpu.memref_slice %arg9[%arg0, %dma_wait3A_859, %dma_wait3A_860] : memref<2x10240x16xf32, #tpu.memory_space<hbm>> -> memref<1x10240x16xf32, #tpu.memory_space<hbm>>
      %dma_wait3A_862 = tpu.memref_squeeze %dma_wait3A_861 : memref<1x10240x16xf32, #tpu.memory_space<hbm>> -> memref<10240x16xf32, #tpu.memory_space<hbm>>
      %dma_wait3A_863 = arith.constant 0 : i32
      %dma_wait3A_864 = tpu.memref_slice %dma_wait3A_862[%add3A_442, %dma_wait3A_863] : memref<10240x16xf32, #tpu.memory_space<hbm>> -> memref<128x16xf32, #tpu.memory_space<hbm>>
      tpu.wait_dma2 semaphore(%run_scoped3A_840 : memref<!tpu.dma_semaphore, #tpu.memory_space<semaphore_mem>>) src(%arg13 : memref<128x16xf32, #tpu.memory_space<vmem>>) dst(%dma_wait3A_864 : memref<128x16xf32, #tpu.memory_space<hbm>>)
      tpu.yield
    }) : () -> ()
    %add3A_443 = arith.constant 256 : i32
    %add3A_444 = arith.addi %mul3A_0, %add3A_443 : i32
    "tpu.region"() ({
      %run_scoped3A_840 = tpu.sem_alloc : memref<!tpu.dma_semaphore, #tpu.memory_space<semaphore_mem>>
      %dma_start3A_841 = arith.constant 0 : i32
      %dma_start3A_842 = tpu.memref_slice %arg15[%add3A_444, %dma_start3A_841] : memref<10240x16xf32, #tpu.memory_space<vmem_shared>> -> memref<128x16xf32, #tpu.memory_space<vmem_shared>>
      %dma_start3A_843 = arith.constant 0 : i32
      %dma_start3A_844 = tpu.memref_slice %arg15[%add3A_444, %dma_start3A_843] : memref<10240x16xf32, #tpu.memory_space<vmem_shared>> -> memref<128x16xf32, #tpu.memory_space<vmem_shared>>
      tpu.enqueue_dma source(%dma_start3A_844 : memref<128x16xf32, #tpu.memory_space<vmem_shared>>) target(%arg13 : memref<128x16xf32, #tpu.memory_space<vmem>>) target_semaphore(%run_scoped3A_840 : memref<!tpu.dma_semaphore, #tpu.memory_space<semaphore_mem>>)
      %dma_wait3A_845 = arith.constant 0 : i32
      %dma_wait3A_846 = tpu.memref_slice %arg15[%add3A_444, %dma_wait3A_845] : memref<10240x16xf32, #tpu.memory_space<vmem_shared>> -> memref<128x16xf32, #tpu.memory_space<vmem_shared>>
      %dma_wait3A_847 = arith.constant 0 : i32
      %dma_wait3A_848 = tpu.memref_slice %arg15[%add3A_444, %dma_wait3A_847] : memref<10240x16xf32, #tpu.memory_space<vmem_shared>> -> memref<128x16xf32, #tpu.memory_space<vmem_shared>>
      tpu.wait_dma2 semaphore(%run_scoped3A_840 : memref<!tpu.dma_semaphore, #tpu.memory_space<semaphore_mem>>) src(%dma_wait3A_848 : memref<128x16xf32, #tpu.memory_space<vmem_shared>>) dst(%arg13 : memref<128x16xf32, #tpu.memory_space<vmem>>)
      tpu.yield
    }) : () -> ()
    "tpu.region"() ({
      %run_scoped3A_840 = tpu.sem_alloc : memref<!tpu.dma_semaphore, #tpu.memory_space<semaphore_mem>>
      %dma_start3A_841 = arith.constant 0 : i32
      %dma_start3A_842 = arith.constant 0 : i32
      %dma_start3A_843 = tpu.memref_slice %arg9[%arg0, %dma_start3A_841, %dma_start3A_842] : memref<2x10240x16xf32, #tpu.memory_space<hbm>> -> memref<1x10240x16xf32, #tpu.memory_space<hbm>>
      %dma_start3A_844 = tpu.memref_squeeze %dma_start3A_843 : memref<1x10240x16xf32, #tpu.memory_space<hbm>> -> memref<10240x16xf32, #tpu.memory_space<hbm>>
      %dma_start3A_845 = arith.constant 0 : i32
      %dma_start3A_846 = tpu.memref_slice %dma_start3A_844[%add3A_444, %dma_start3A_845] : memref<10240x16xf32, #tpu.memory_space<hbm>> -> memref<128x16xf32, #tpu.memory_space<hbm>>
      %dma_start3A_847 = arith.constant 0 : i32
      %dma_start3A_848 = arith.constant 0 : i32
      %dma_start3A_849 = tpu.memref_slice %arg9[%arg0, %dma_start3A_847, %dma_start3A_848] : memref<2x10240x16xf32, #tpu.memory_space<hbm>> -> memref<1x10240x16xf32, #tpu.memory_space<hbm>>
      %dma_start3A_850 = tpu.memref_squeeze %dma_start3A_849 : memref<1x10240x16xf32, #tpu.memory_space<hbm>> -> memref<10240x16xf32, #tpu.memory_space<hbm>>
      %dma_start3A_851 = arith.constant 0 : i32
      %dma_start3A_852 = tpu.memref_slice %dma_start3A_850[%add3A_444, %dma_start3A_851] : memref<10240x16xf32, #tpu.memory_space<hbm>> -> memref<128x16xf32, #tpu.memory_space<hbm>>
      tpu.enqueue_dma source(%arg13 : memref<128x16xf32, #tpu.memory_space<vmem>>) target(%dma_start3A_852 : memref<128x16xf32, #tpu.memory_space<hbm>>) target_semaphore(%run_scoped3A_840 : memref<!tpu.dma_semaphore, #tpu.memory_space<semaphore_mem>>)
      %dma_wait3A_853 = arith.constant 0 : i32
      %dma_wait3A_854 = arith.constant 0 : i32
      %dma_wait3A_855 = tpu.memref_slice %arg9[%arg0, %dma_wait3A_853, %dma_wait3A_854] : memref<2x10240x16xf32, #tpu.memory_space<hbm>> -> memref<1x10240x16xf32, #tpu.memory_space<hbm>>
      %dma_wait3A_856 = tpu.memref_squeeze %dma_wait3A_855 : memref<1x10240x16xf32, #tpu.memory_space<hbm>> -> memref<10240x16xf32, #tpu.memory_space<hbm>>
      %dma_wait3A_857 = arith.constant 0 : i32
      %dma_wait3A_858 = tpu.memref_slice %dma_wait3A_856[%add3A_444, %dma_wait3A_857] : memref<10240x16xf32, #tpu.memory_space<hbm>> -> memref<128x16xf32, #tpu.memory_space<hbm>>
      %dma_wait3A_859 = arith.constant 0 : i32
      %dma_wait3A_860 = arith.constant 0 : i32
      %dma_wait3A_861 = tpu.memref_slice %arg9[%arg0, %dma_wait3A_859, %dma_wait3A_860] : memref<2x10240x16xf32, #tpu.memory_space<hbm>> -> memref<1x10240x16xf32, #tpu.memory_space<hbm>>
      %dma_wait3A_862 = tpu.memref_squeeze %dma_wait3A_861 : memref<1x10240x16xf32, #tpu.memory_space<hbm>> -> memref<10240x16xf32, #tpu.memory_space<hbm>>
      %dma_wait3A_863 = arith.constant 0 : i32
      %dma_wait3A_864 = tpu.memref_slice %dma_wait3A_862[%add3A_444, %dma_wait3A_863] : memref<10240x16xf32, #tpu.memory_space<hbm>> -> memref<128x16xf32, #tpu.memory_space<hbm>>
      tpu.wait_dma2 semaphore(%run_scoped3A_840 : memref<!tpu.dma_semaphore, #tpu.memory_space<semaphore_mem>>) src(%arg13 : memref<128x16xf32, #tpu.memory_space<vmem>>) dst(%dma_wait3A_864 : memref<128x16xf32, #tpu.memory_space<hbm>>)
      tpu.yield
    }) : () -> ()
    %add3A_445 = arith.constant 384 : i32
    %add3A_446 = arith.addi %mul3A_0, %add3A_445 : i32
    "tpu.region"() ({
      %run_scoped3A_840 = tpu.sem_alloc : memref<!tpu.dma_semaphore, #tpu.memory_space<semaphore_mem>>
      %dma_start3A_841 = arith.constant 0 : i32
      %dma_start3A_842 = tpu.memref_slice %arg15[%add3A_446, %dma_start3A_841] : memref<10240x16xf32, #tpu.memory_space<vmem_shared>> -> memref<128x16xf32, #tpu.memory_space<vmem_shared>>
      %dma_start3A_843 = arith.constant 0 : i32
      %dma_start3A_844 = tpu.memref_slice %arg15[%add3A_446, %dma_start3A_843] : memref<10240x16xf32, #tpu.memory_space<vmem_shared>> -> memref<128x16xf32, #tpu.memory_space<vmem_shared>>
      tpu.enqueue_dma source(%dma_start3A_844 : memref<128x16xf32, #tpu.memory_space<vmem_shared>>) target(%arg13 : memref<128x16xf32, #tpu.memory_space<vmem>>) target_semaphore(%run_scoped3A_840 : memref<!tpu.dma_semaphore, #tpu.memory_space<semaphore_mem>>)
      %dma_wait3A_845 = arith.constant 0 : i32
      %dma_wait3A_846 = tpu.memref_slice %arg15[%add3A_446, %dma_wait3A_845] : memref<10240x16xf32, #tpu.memory_space<vmem_shared>> -> memref<128x16xf32, #tpu.memory_space<vmem_shared>>
      %dma_wait3A_847 = arith.constant 0 : i32
      %dma_wait3A_848 = tpu.memref_slice %arg15[%add3A_446, %dma_wait3A_847] : memref<10240x16xf32, #tpu.memory_space<vmem_shared>> -> memref<128x16xf32, #tpu.memory_space<vmem_shared>>
      tpu.wait_dma2 semaphore(%run_scoped3A_840 : memref<!tpu.dma_semaphore, #tpu.memory_space<semaphore_mem>>) src(%dma_wait3A_848 : memref<128x16xf32, #tpu.memory_space<vmem_shared>>) dst(%arg13 : memref<128x16xf32, #tpu.memory_space<vmem>>)
      tpu.yield
    }) : () -> ()
    "tpu.region"() ({
      %run_scoped3A_840 = tpu.sem_alloc : memref<!tpu.dma_semaphore, #tpu.memory_space<semaphore_mem>>
      %dma_start3A_841 = arith.constant 0 : i32
      %dma_start3A_842 = arith.constant 0 : i32
      %dma_start3A_843 = tpu.memref_slice %arg9[%arg0, %dma_start3A_841, %dma_start3A_842] : memref<2x10240x16xf32, #tpu.memory_space<hbm>> -> memref<1x10240x16xf32, #tpu.memory_space<hbm>>
      %dma_start3A_844 = tpu.memref_squeeze %dma_start3A_843 : memref<1x10240x16xf32, #tpu.memory_space<hbm>> -> memref<10240x16xf32, #tpu.memory_space<hbm>>
      %dma_start3A_845 = arith.constant 0 : i32
      %dma_start3A_846 = tpu.memref_slice %dma_start3A_844[%add3A_446, %dma_start3A_845] : memref<10240x16xf32, #tpu.memory_space<hbm>> -> memref<128x16xf32, #tpu.memory_space<hbm>>
      %dma_start3A_847 = arith.constant 0 : i32
      %dma_start3A_848 = arith.constant 0 : i32
      %dma_start3A_849 = tpu.memref_slice %arg9[%arg0, %dma_start3A_847, %dma_start3A_848] : memref<2x10240x16xf32, #tpu.memory_space<hbm>> -> memref<1x10240x16xf32, #tpu.memory_space<hbm>>
      %dma_start3A_850 = tpu.memref_squeeze %dma_start3A_849 : memref<1x10240x16xf32, #tpu.memory_space<hbm>> -> memref<10240x16xf32, #tpu.memory_space<hbm>>
      %dma_start3A_851 = arith.constant 0 : i32
      %dma_start3A_852 = tpu.memref_slice %dma_start3A_850[%add3A_446, %dma_start3A_851] : memref<10240x16xf32, #tpu.memory_space<hbm>> -> memref<128x16xf32, #tpu.memory_space<hbm>>
      tpu.enqueue_dma source(%arg13 : memref<128x16xf32, #tpu.memory_space<vmem>>) target(%dma_start3A_852 : memref<128x16xf32, #tpu.memory_space<hbm>>) target_semaphore(%run_scoped3A_840 : memref<!tpu.dma_semaphore, #tpu.memory_space<semaphore_mem>>)
      %dma_wait3A_853 = arith.constant 0 : i32
      %dma_wait3A_854 = arith.constant 0 : i32
      %dma_wait3A_855 = tpu.memref_slice %arg9[%arg0, %dma_wait3A_853, %dma_wait3A_854] : memref<2x10240x16xf32, #tpu.memory_space<hbm>> -> memref<1x10240x16xf32, #tpu.memory_space<hbm>>
      %dma_wait3A_856 = tpu.memref_squeeze %dma_wait3A_855 : memref<1x10240x16xf32, #tpu.memory_space<hbm>> -> memref<10240x16xf32, #tpu.memory_space<hbm>>
      %dma_wait3A_857 = arith.constant 0 : i32
      %dma_wait3A_858 = tpu.memref_slice %dma_wait3A_856[%add3A_446, %dma_wait3A_857] : memref<10240x16xf32, #tpu.memory_space<hbm>> -> memref<128x16xf32, #tpu.memory_space<hbm>>
      %dma_wait3A_859 = arith.constant 0 : i32
      %dma_wait3A_860 = arith.constant 0 : i32
      %dma_wait3A_861 = tpu.memref_slice %arg9[%arg0, %dma_wait3A_859, %dma_wait3A_860] : memref<2x10240x16xf32, #tpu.memory_space<hbm>> -> memref<1x10240x16xf32, #tpu.memory_space<hbm>>
      %dma_wait3A_862 = tpu.memref_squeeze %dma_wait3A_861 : memref<1x10240x16xf32, #tpu.memory_space<hbm>> -> memref<10240x16xf32, #tpu.memory_space<hbm>>
      %dma_wait3A_863 = arith.constant 0 : i32
      %dma_wait3A_864 = tpu.memref_slice %dma_wait3A_862[%add3A_446, %dma_wait3A_863] : memref<10240x16xf32, #tpu.memory_space<hbm>> -> memref<128x16xf32, #tpu.memory_space<hbm>>
      tpu.wait_dma2 semaphore(%run_scoped3A_840 : memref<!tpu.dma_semaphore, #tpu.memory_space<semaphore_mem>>) src(%arg13 : memref<128x16xf32, #tpu.memory_space<vmem>>) dst(%dma_wait3A_864 : memref<128x16xf32, #tpu.memory_space<hbm>>)
      tpu.yield
    }) : () -> ()
    %add3A_447 = arith.constant 512 : i32
    %add3A_448 = arith.addi %mul3A_0, %add3A_447 : i32
    "tpu.region"() ({
      %run_scoped3A_840 = tpu.sem_alloc : memref<!tpu.dma_semaphore, #tpu.memory_space<semaphore_mem>>
      %dma_start3A_841 = arith.constant 0 : i32
      %dma_start3A_842 = tpu.memref_slice %arg15[%add3A_448, %dma_start3A_841] : memref<10240x16xf32, #tpu.memory_space<vmem_shared>> -> memref<128x16xf32, #tpu.memory_space<vmem_shared>>
      %dma_start3A_843 = arith.constant 0 : i32
      %dma_start3A_844 = tpu.memref_slice %arg15[%add3A_448, %dma_start3A_843] : memref<10240x16xf32, #tpu.memory_space<vmem_shared>> -> memref<128x16xf32, #tpu.memory_space<vmem_shared>>
      tpu.enqueue_dma source(%dma_start3A_844 : memref<128x16xf32, #tpu.memory_space<vmem_shared>>) target(%arg13 : memref<128x16xf32, #tpu.memory_space<vmem>>) target_semaphore(%run_scoped3A_840 : memref<!tpu.dma_semaphore, #tpu.memory_space<semaphore_mem>>)
      %dma_wait3A_845 = arith.constant 0 : i32
      %dma_wait3A_846 = tpu.memref_slice %arg15[%add3A_448, %dma_wait3A_845] : memref<10240x16xf32, #tpu.memory_space<vmem_shared>> -> memref<128x16xf32, #tpu.memory_space<vmem_shared>>
      %dma_wait3A_847 = arith.constant 0 : i32
      %dma_wait3A_848 = tpu.memref_slice %arg15[%add3A_448, %dma_wait3A_847] : memref<10240x16xf32, #tpu.memory_space<vmem_shared>> -> memref<128x16xf32, #tpu.memory_space<vmem_shared>>
      tpu.wait_dma2 semaphore(%run_scoped3A_840 : memref<!tpu.dma_semaphore, #tpu.memory_space<semaphore_mem>>) src(%dma_wait3A_848 : memref<128x16xf32, #tpu.memory_space<vmem_shared>>) dst(%arg13 : memref<128x16xf32, #tpu.memory_space<vmem>>)
      tpu.yield
    }) : () -> ()
    "tpu.region"() ({
      %run_scoped3A_840 = tpu.sem_alloc : memref<!tpu.dma_semaphore, #tpu.memory_space<semaphore_mem>>
      %dma_start3A_841 = arith.constant 0 : i32
      %dma_start3A_842 = arith.constant 0 : i32
      %dma_start3A_843 = tpu.memref_slice %arg9[%arg0, %dma_start3A_841, %dma_start3A_842] : memref<2x10240x16xf32, #tpu.memory_space<hbm>> -> memref<1x10240x16xf32, #tpu.memory_space<hbm>>
      %dma_start3A_844 = tpu.memref_squeeze %dma_start3A_843 : memref<1x10240x16xf32, #tpu.memory_space<hbm>> -> memref<10240x16xf32, #tpu.memory_space<hbm>>
      %dma_start3A_845 = arith.constant 0 : i32
      %dma_start3A_846 = tpu.memref_slice %dma_start3A_844[%add3A_448, %dma_start3A_845] : memref<10240x16xf32, #tpu.memory_space<hbm>> -> memref<128x16xf32, #tpu.memory_space<hbm>>
      %dma_start3A_847 = arith.constant 0 : i32
      %dma_start3A_848 = arith.constant 0 : i32
      %dma_start3A_849 = tpu.memref_slice %arg9[%arg0, %dma_start3A_847, %dma_start3A_848] : memref<2x10240x16xf32, #tpu.memory_space<hbm>> -> memref<1x10240x16xf32, #tpu.memory_space<hbm>>
      %dma_start3A_850 = tpu.memref_squeeze %dma_start3A_849 : memref<1x10240x16xf32, #tpu.memory_space<hbm>> -> memref<10240x16xf32, #tpu.memory_space<hbm>>
      %dma_start3A_851 = arith.constant 0 : i32
      %dma_start3A_852 = tpu.memref_slice %dma_start3A_850[%add3A_448, %dma_start3A_851] : memref<10240x16xf32, #tpu.memory_space<hbm>> -> memref<128x16xf32, #tpu.memory_space<hbm>>
      tpu.enqueue_dma source(%arg13 : memref<128x16xf32, #tpu.memory_space<vmem>>) target(%dma_start3A_852 : memref<128x16xf32, #tpu.memory_space<hbm>>) target_semaphore(%run_scoped3A_840 : memref<!tpu.dma_semaphore, #tpu.memory_space<semaphore_mem>>)
      %dma_wait3A_853 = arith.constant 0 : i32
      %dma_wait3A_854 = arith.constant 0 : i32
      %dma_wait3A_855 = tpu.memref_slice %arg9[%arg0, %dma_wait3A_853, %dma_wait3A_854] : memref<2x10240x16xf32, #tpu.memory_space<hbm>> -> memref<1x10240x16xf32, #tpu.memory_space<hbm>>
      %dma_wait3A_856 = tpu.memref_squeeze %dma_wait3A_855 : memref<1x10240x16xf32, #tpu.memory_space<hbm>> -> memref<10240x16xf32, #tpu.memory_space<hbm>>
      %dma_wait3A_857 = arith.constant 0 : i32
      %dma_wait3A_858 = tpu.memref_slice %dma_wait3A_856[%add3A_448, %dma_wait3A_857] : memref<10240x16xf32, #tpu.memory_space<hbm>> -> memref<128x16xf32, #tpu.memory_space<hbm>>
      %dma_wait3A_859 = arith.constant 0 : i32
      %dma_wait3A_860 = arith.constant 0 : i32
      %dma_wait3A_861 = tpu.memref_slice %arg9[%arg0, %dma_wait3A_859, %dma_wait3A_860] : memref<2x10240x16xf32, #tpu.memory_space<hbm>> -> memref<1x10240x16xf32, #tpu.memory_space<hbm>>
      %dma_wait3A_862 = tpu.memref_squeeze %dma_wait3A_861 : memref<1x10240x16xf32, #tpu.memory_space<hbm>> -> memref<10240x16xf32, #tpu.memory_space<hbm>>
      %dma_wait3A_863 = arith.constant 0 : i32
      %dma_wait3A_864 = tpu.memref_slice %dma_wait3A_862[%add3A_448, %dma_wait3A_863] : memref<10240x16xf32, #tpu.memory_space<hbm>> -> memref<128x16xf32, #tpu.memory_space<hbm>>
      tpu.wait_dma2 semaphore(%run_scoped3A_840 : memref<!tpu.dma_semaphore, #tpu.memory_space<semaphore_mem>>) src(%arg13 : memref<128x16xf32, #tpu.memory_space<vmem>>) dst(%dma_wait3A_864 : memref<128x16xf32, #tpu.memory_space<hbm>>)
      tpu.yield
    }) : () -> ()
    %run_scoped3A_449 = arith.constant 0 : i32
    "tpu.region"() ({
      %run_scoped3A_840 = tpu.sem_alloc : memref<!tpu.dma_semaphore, #tpu.memory_space<semaphore_mem>>
      %dma_start3A_841 = arith.constant 0 : i32
      %dma_start3A_842 = arith.constant 0 : i32
      %dma_start3A_843 = tpu.memref_slice %arg12[%run_scoped3A_449, %dma_start3A_841, %dma_start3A_842] : memref<6x128x64xf32, #tpu.memory_space<vmem>> -> memref<1x128x64xf32, #tpu.memory_space<vmem>>
      %dma_start3A_844 = tpu.memref_squeeze %dma_start3A_843 : memref<1x128x64xf32, #tpu.memory_space<vmem>> -> memref<128x64xf32, #tpu.memory_space<vmem>>
      %dma_start3A_845 = arith.constant 0 : i32
      %dma_start3A_846 = arith.constant 0 : i32
      %dma_start3A_847 = tpu.memref_slice %arg12[%run_scoped3A_449, %dma_start3A_845, %dma_start3A_846] : memref<6x128x64xf32, #tpu.memory_space<vmem>> -> memref<1x128x64xf32, #tpu.memory_space<vmem>>
      %dma_start3A_848 = tpu.memref_squeeze %dma_start3A_847 : memref<1x128x64xf32, #tpu.memory_space<vmem>> -> memref<128x64xf32, #tpu.memory_space<vmem>>
      tpu.enqueue_dma source(%arg5 : memref<128x64xf32, #tpu.memory_space<hbm>>) target(%dma_start3A_848 : memref<128x64xf32, #tpu.memory_space<vmem>>) target_semaphore(%run_scoped3A_840 : memref<!tpu.dma_semaphore, #tpu.memory_space<semaphore_mem>>)
      %dma_wait3A_849 = arith.constant 0 : i32
      %dma_wait3A_850 = arith.constant 0 : i32
      %dma_wait3A_851 = tpu.memref_slice %arg12[%run_scoped3A_449, %dma_wait3A_849, %dma_wait3A_850] : memref<6x128x64xf32, #tpu.memory_space<vmem>> -> memref<1x128x64xf32, #tpu.memory_space<vmem>>
      %dma_wait3A_852 = tpu.memref_squeeze %dma_wait3A_851 : memref<1x128x64xf32, #tpu.memory_space<vmem>> -> memref<128x64xf32, #tpu.memory_space<vmem>>
      %dma_wait3A_853 = arith.constant 0 : i32
      %dma_wait3A_854 = arith.constant 0 : i32
      %dma_wait3A_855 = tpu.memref_slice %arg12[%run_scoped3A_449, %dma_wait3A_853, %dma_wait3A_854] : memref<6x128x64xf32, #tpu.memory_space<vmem>> -> memref<1x128x64xf32, #tpu.memory_space<vmem>>
      %dma_wait3A_856 = tpu.memref_squeeze %dma_wait3A_855 : memref<1x128x64xf32, #tpu.memory_space<vmem>> -> memref<128x64xf32, #tpu.memory_space<vmem>>
      tpu.wait_dma2 semaphore(%run_scoped3A_840 : memref<!tpu.dma_semaphore, #tpu.memory_space<semaphore_mem>>) src(%arg5 : memref<128x64xf32, #tpu.memory_space<hbm>>) dst(%dma_wait3A_856 : memref<128x64xf32, #tpu.memory_space<vmem>>)
      tpu.yield
    }) : () -> ()
    %add3A_450 = arith.constant 0 : i32
    %add3A_451 = arith.addi %mul3A_0, %add3A_450 : i32
    %run_scoped3A_452 = arith.constant 0 : i32
    "tpu.region"() ({
      %run_scoped3A_840 = tpu.sem_alloc : memref<!tpu.dma_semaphore, #tpu.memory_space<semaphore_mem>>
      %dma_start3A_841 = arith.constant 0 : i32
      %dma_start3A_842 = arith.constant 0 : i32
      %dma_start3A_843 = tpu.memref_slice %arg12[%run_scoped3A_452, %dma_start3A_841, %dma_start3A_842] : memref<6x128x64xf32, #tpu.memory_space<vmem>> -> memref<1x128x64xf32, #tpu.memory_space<vmem>>
      %dma_start3A_844 = tpu.memref_squeeze %dma_start3A_843 : memref<1x128x64xf32, #tpu.memory_space<vmem>> -> memref<128x64xf32, #tpu.memory_space<vmem>>
      %dma_start3A_845 = arith.constant 0 : i32
      %dma_start3A_846 = tpu.memref_slice %arg14[%add3A_451, %dma_start3A_845] : memref<10240x64xf32, #tpu.memory_space<vmem_shared>> -> memref<128x64xf32, #tpu.memory_space<vmem_shared>>
      %dma_start3A_847 = arith.constant 0 : i32
      %dma_start3A_848 = tpu.memref_slice %arg14[%add3A_451, %dma_start3A_847] : memref<10240x64xf32, #tpu.memory_space<vmem_shared>> -> memref<128x64xf32, #tpu.memory_space<vmem_shared>>
      %dma_start3A_849 = arith.constant 0 : i32
      %dma_start3A_850 = arith.constant 0 : i32
      %dma_start3A_851 = tpu.memref_slice %arg12[%run_scoped3A_452, %dma_start3A_849, %dma_start3A_850] : memref<6x128x64xf32, #tpu.memory_space<vmem>> -> memref<1x128x64xf32, #tpu.memory_space<vmem>>
      %dma_start3A_852 = tpu.memref_squeeze %dma_start3A_851 : memref<1x128x64xf32, #tpu.memory_space<vmem>> -> memref<128x64xf32, #tpu.memory_space<vmem>>
      tpu.enqueue_dma source(%dma_start3A_852 : memref<128x64xf32, #tpu.memory_space<vmem>>) target(%dma_start3A_848 : memref<128x64xf32, #tpu.memory_space<vmem_shared>>) target_semaphore(%run_scoped3A_840 : memref<!tpu.dma_semaphore, #tpu.memory_space<semaphore_mem>>)
      %dma_wait3A_853 = arith.constant 0 : i32
      %dma_wait3A_854 = arith.constant 0 : i32
      %dma_wait3A_855 = tpu.memref_slice %arg12[%run_scoped3A_452, %dma_wait3A_853, %dma_wait3A_854] : memref<6x128x64xf32, #tpu.memory_space<vmem>> -> memref<1x128x64xf32, #tpu.memory_space<vmem>>
      %dma_wait3A_856 = tpu.memref_squeeze %dma_wait3A_855 : memref<1x128x64xf32, #tpu.memory_space<vmem>> -> memref<128x64xf32, #tpu.memory_space<vmem>>
      %dma_wait3A_857 = arith.constant 0 : i32
      %dma_wait3A_858 = tpu.memref_slice %arg14[%add3A_451, %dma_wait3A_857] : memref<10240x64xf32, #tpu.memory_space<vmem_shared>> -> memref<128x64xf32, #tpu.memory_space<vmem_shared>>
      %dma_wait3A_859 = arith.constant 0 : i32
      %dma_wait3A_860 = tpu.memref_slice %arg14[%add3A_451, %dma_wait3A_859] : memref<10240x64xf32, #tpu.memory_space<vmem_shared>> -> memref<128x64xf32, #tpu.memory_space<vmem_shared>>
      %dma_wait3A_861 = arith.constant 0 : i32
      %dma_wait3A_862 = arith.constant 0 : i32
      %dma_wait3A_863 = tpu.memref_slice %arg12[%run_scoped3A_452, %dma_wait3A_861, %dma_wait3A_862] : memref<6x128x64xf32, #tpu.memory_space<vmem>> -> memref<1x128x64xf32, #tpu.memory_space<vmem>>
      %dma_wait3A_864 = tpu.memref_squeeze %dma_wait3A_863 : memref<1x128x64xf32, #tpu.memory_space<vmem>> -> memref<128x64xf32, #tpu.memory_space<vmem>>
      tpu.wait_dma2 semaphore(%run_scoped3A_840 : memref<!tpu.dma_semaphore, #tpu.memory_space<semaphore_mem>>) src(%dma_wait3A_864 : memref<128x64xf32, #tpu.memory_space<vmem>>) dst(%dma_wait3A_860 : memref<128x64xf32, #tpu.memory_space<vmem_shared>>)
      tpu.yield
    }) : () -> ()
    %add3A_453 = arith.constant 128 : i32
    %add3A_454 = arith.addi %mul3A_0, %add3A_453 : i32
    %run_scoped3A_455 = arith.constant 0 : i32
    "tpu.region"() ({
      %run_scoped3A_840 = tpu.sem_alloc : memref<!tpu.dma_semaphore, #tpu.memory_space<semaphore_mem>>
      %dma_start3A_841 = arith.constant 0 : i32
      %dma_start3A_842 = arith.constant 0 : i32
      %dma_start3A_843 = tpu.memref_slice %arg12[%run_scoped3A_455, %dma_start3A_841, %dma_start3A_842] : memref<6x128x64xf32, #tpu.memory_space<vmem>> -> memref<1x128x64xf32, #tpu.memory_space<vmem>>
      %dma_start3A_844 = tpu.memref_squeeze %dma_start3A_843 : memref<1x128x64xf32, #tpu.memory_space<vmem>> -> memref<128x64xf32, #tpu.memory_space<vmem>>
      %dma_start3A_845 = arith.constant 0 : i32
      %dma_start3A_846 = tpu.memref_slice %arg14[%add3A_454, %dma_start3A_845] : memref<10240x64xf32, #tpu.memory_space<vmem_shared>> -> memref<128x64xf32, #tpu.memory_space<vmem_shared>>
      %dma_start3A_847 = arith.constant 0 : i32
      %dma_start3A_848 = tpu.memref_slice %arg14[%add3A_454, %dma_start3A_847] : memref<10240x64xf32, #tpu.memory_space<vmem_shared>> -> memref<128x64xf32, #tpu.memory_space<vmem_shared>>
      %dma_start3A_849 = arith.constant 0 : i32
      %dma_start3A_850 = arith.constant 0 : i32
      %dma_start3A_851 = tpu.memref_slice %arg12[%run_scoped3A_455, %dma_start3A_849, %dma_start3A_850] : memref<6x128x64xf32, #tpu.memory_space<vmem>> -> memref<1x128x64xf32, #tpu.memory_space<vmem>>
      %dma_start3A_852 = tpu.memref_squeeze %dma_start3A_851 : memref<1x128x64xf32, #tpu.memory_space<vmem>> -> memref<128x64xf32, #tpu.memory_space<vmem>>
      tpu.enqueue_dma source(%dma_start3A_852 : memref<128x64xf32, #tpu.memory_space<vmem>>) target(%dma_start3A_848 : memref<128x64xf32, #tpu.memory_space<vmem_shared>>) target_semaphore(%run_scoped3A_840 : memref<!tpu.dma_semaphore, #tpu.memory_space<semaphore_mem>>)
      %dma_wait3A_853 = arith.constant 0 : i32
      %dma_wait3A_854 = arith.constant 0 : i32
      %dma_wait3A_855 = tpu.memref_slice %arg12[%run_scoped3A_455, %dma_wait3A_853, %dma_wait3A_854] : memref<6x128x64xf32, #tpu.memory_space<vmem>> -> memref<1x128x64xf32, #tpu.memory_space<vmem>>
      %dma_wait3A_856 = tpu.memref_squeeze %dma_wait3A_855 : memref<1x128x64xf32, #tpu.memory_space<vmem>> -> memref<128x64xf32, #tpu.memory_space<vmem>>
      %dma_wait3A_857 = arith.constant 0 : i32
      %dma_wait3A_858 = tpu.memref_slice %arg14[%add3A_454, %dma_wait3A_857] : memref<10240x64xf32, #tpu.memory_space<vmem_shared>> -> memref<128x64xf32, #tpu.memory_space<vmem_shared>>
      %dma_wait3A_859 = arith.constant 0 : i32
      %dma_wait3A_860 = tpu.memref_slice %arg14[%add3A_454, %dma_wait3A_859] : memref<10240x64xf32, #tpu.memory_space<vmem_shared>> -> memref<128x64xf32, #tpu.memory_space<vmem_shared>>
      %dma_wait3A_861 = arith.constant 0 : i32
      %dma_wait3A_862 = arith.constant 0 : i32
      %dma_wait3A_863 = tpu.memref_slice %arg12[%run_scoped3A_455, %dma_wait3A_861, %dma_wait3A_862] : memref<6x128x64xf32, #tpu.memory_space<vmem>> -> memref<1x128x64xf32, #tpu.memory_space<vmem>>
      %dma_wait3A_864 = tpu.memref_squeeze %dma_wait3A_863 : memref<1x128x64xf32, #tpu.memory_space<vmem>> -> memref<128x64xf32, #tpu.memory_space<vmem>>
      tpu.wait_dma2 semaphore(%run_scoped3A_840 : memref<!tpu.dma_semaphore, #tpu.memory_space<semaphore_mem>>) src(%dma_wait3A_864 : memref<128x64xf32, #tpu.memory_space<vmem>>) dst(%dma_wait3A_860 : memref<128x64xf32, #tpu.memory_space<vmem_shared>>)
      tpu.yield
    }) : () -> ()
    %add3A_456 = arith.constant 256 : i32
    %add3A_457 = arith.addi %mul3A_0, %add3A_456 : i32
    %run_scoped3A_458 = arith.constant 0 : i32
    "tpu.region"() ({
      %run_scoped3A_840 = tpu.sem_alloc : memref<!tpu.dma_semaphore, #tpu.memory_space<semaphore_mem>>
      %dma_start3A_841 = arith.constant 0 : i32
      %dma_start3A_842 = arith.constant 0 : i32
      %dma_start3A_843 = tpu.memref_slice %arg12[%run_scoped3A_458, %dma_start3A_841, %dma_start3A_842] : memref<6x128x64xf32, #tpu.memory_space<vmem>> -> memref<1x128x64xf32, #tpu.memory_space<vmem>>
      %dma_start3A_844 = tpu.memref_squeeze %dma_start3A_843 : memref<1x128x64xf32, #tpu.memory_space<vmem>> -> memref<128x64xf32, #tpu.memory_space<vmem>>
      %dma_start3A_845 = arith.constant 0 : i32
      %dma_start3A_846 = tpu.memref_slice %arg14[%add3A_457, %dma_start3A_845] : memref<10240x64xf32, #tpu.memory_space<vmem_shared>> -> memref<128x64xf32, #tpu.memory_space<vmem_shared>>
      %dma_start3A_847 = arith.constant 0 : i32
      %dma_start3A_848 = tpu.memref_slice %arg14[%add3A_457, %dma_start3A_847] : memref<10240x64xf32, #tpu.memory_space<vmem_shared>> -> memref<128x64xf32, #tpu.memory_space<vmem_shared>>
      %dma_start3A_849 = arith.constant 0 : i32
      %dma_start3A_850 = arith.constant 0 : i32
      %dma_start3A_851 = tpu.memref_slice %arg12[%run_scoped3A_458, %dma_start3A_849, %dma_start3A_850] : memref<6x128x64xf32, #tpu.memory_space<vmem>> -> memref<1x128x64xf32, #tpu.memory_space<vmem>>
      %dma_start3A_852 = tpu.memref_squeeze %dma_start3A_851 : memref<1x128x64xf32, #tpu.memory_space<vmem>> -> memref<128x64xf32, #tpu.memory_space<vmem>>
      tpu.enqueue_dma source(%dma_start3A_852 : memref<128x64xf32, #tpu.memory_space<vmem>>) target(%dma_start3A_848 : memref<128x64xf32, #tpu.memory_space<vmem_shared>>) target_semaphore(%run_scoped3A_840 : memref<!tpu.dma_semaphore, #tpu.memory_space<semaphore_mem>>)
      %dma_wait3A_853 = arith.constant 0 : i32
      %dma_wait3A_854 = arith.constant 0 : i32
      %dma_wait3A_855 = tpu.memref_slice %arg12[%run_scoped3A_458, %dma_wait3A_853, %dma_wait3A_854] : memref<6x128x64xf32, #tpu.memory_space<vmem>> -> memref<1x128x64xf32, #tpu.memory_space<vmem>>
      %dma_wait3A_856 = tpu.memref_squeeze %dma_wait3A_855 : memref<1x128x64xf32, #tpu.memory_space<vmem>> -> memref<128x64xf32, #tpu.memory_space<vmem>>
      %dma_wait3A_857 = arith.constant 0 : i32
      %dma_wait3A_858 = tpu.memref_slice %arg14[%add3A_457, %dma_wait3A_857] : memref<10240x64xf32, #tpu.memory_space<vmem_shared>> -> memref<128x64xf32, #tpu.memory_space<vmem_shared>>
      %dma_wait3A_859 = arith.constant 0 : i32
      %dma_wait3A_860 = tpu.memref_slice %arg14[%add3A_457, %dma_wait3A_859] : memref<10240x64xf32, #tpu.memory_space<vmem_shared>> -> memref<128x64xf32, #tpu.memory_space<vmem_shared>>
      %dma_wait3A_861 = arith.constant 0 : i32
      %dma_wait3A_862 = arith.constant 0 : i32
      %dma_wait3A_863 = tpu.memref_slice %arg12[%run_scoped3A_458, %dma_wait3A_861, %dma_wait3A_862] : memref<6x128x64xf32, #tpu.memory_space<vmem>> -> memref<1x128x64xf32, #tpu.memory_space<vmem>>
      %dma_wait3A_864 = tpu.memref_squeeze %dma_wait3A_863 : memref<1x128x64xf32, #tpu.memory_space<vmem>> -> memref<128x64xf32, #tpu.memory_space<vmem>>
      tpu.wait_dma2 semaphore(%run_scoped3A_840 : memref<!tpu.dma_semaphore, #tpu.memory_space<semaphore_mem>>) src(%dma_wait3A_864 : memref<128x64xf32, #tpu.memory_space<vmem>>) dst(%dma_wait3A_860 : memref<128x64xf32, #tpu.memory_space<vmem_shared>>)
      tpu.yield
    }) : () -> ()
    %add3A_459 = arith.constant 384 : i32
    %add3A_460 = arith.addi %mul3A_0, %add3A_459 : i32
    %run_scoped3A_461 = arith.constant 0 : i32
    "tpu.region"() ({
      %run_scoped3A_840 = tpu.sem_alloc : memref<!tpu.dma_semaphore, #tpu.memory_space<semaphore_mem>>
      %dma_start3A_841 = arith.constant 0 : i32
      %dma_start3A_842 = arith.constant 0 : i32
      %dma_start3A_843 = tpu.memref_slice %arg12[%run_scoped3A_461, %dma_start3A_841, %dma_start3A_842] : memref<6x128x64xf32, #tpu.memory_space<vmem>> -> memref<1x128x64xf32, #tpu.memory_space<vmem>>
      %dma_start3A_844 = tpu.memref_squeeze %dma_start3A_843 : memref<1x128x64xf32, #tpu.memory_space<vmem>> -> memref<128x64xf32, #tpu.memory_space<vmem>>
      %dma_start3A_845 = arith.constant 0 : i32
      %dma_start3A_846 = tpu.memref_slice %arg14[%add3A_460, %dma_start3A_845] : memref<10240x64xf32, #tpu.memory_space<vmem_shared>> -> memref<128x64xf32, #tpu.memory_space<vmem_shared>>
      %dma_start3A_847 = arith.constant 0 : i32
      %dma_start3A_848 = tpu.memref_slice %arg14[%add3A_460, %dma_start3A_847] : memref<10240x64xf32, #tpu.memory_space<vmem_shared>> -> memref<128x64xf32, #tpu.memory_space<vmem_shared>>
      %dma_start3A_849 = arith.constant 0 : i32
      %dma_start3A_850 = arith.constant 0 : i32
      %dma_start3A_851 = tpu.memref_slice %arg12[%run_scoped3A_461, %dma_start3A_849, %dma_start3A_850] : memref<6x128x64xf32, #tpu.memory_space<vmem>> -> memref<1x128x64xf32, #tpu.memory_space<vmem>>
      %dma_start3A_852 = tpu.memref_squeeze %dma_start3A_851 : memref<1x128x64xf32, #tpu.memory_space<vmem>> -> memref<128x64xf32, #tpu.memory_space<vmem>>
      tpu.enqueue_dma source(%dma_start3A_852 : memref<128x64xf32, #tpu.memory_space<vmem>>) target(%dma_start3A_848 : memref<128x64xf32, #tpu.memory_space<vmem_shared>>) target_semaphore(%run_scoped3A_840 : memref<!tpu.dma_semaphore, #tpu.memory_space<semaphore_mem>>)
      %dma_wait3A_853 = arith.constant 0 : i32
      %dma_wait3A_854 = arith.constant 0 : i32
      %dma_wait3A_855 = tpu.memref_slice %arg12[%run_scoped3A_461, %dma_wait3A_853, %dma_wait3A_854] : memref<6x128x64xf32, #tpu.memory_space<vmem>> -> memref<1x128x64xf32, #tpu.memory_space<vmem>>
      %dma_wait3A_856 = tpu.memref_squeeze %dma_wait3A_855 : memref<1x128x64xf32, #tpu.memory_space<vmem>> -> memref<128x64xf32, #tpu.memory_space<vmem>>
      %dma_wait3A_857 = arith.constant 0 : i32
      %dma_wait3A_858 = tpu.memref_slice %arg14[%add3A_460, %dma_wait3A_857] : memref<10240x64xf32, #tpu.memory_space<vmem_shared>> -> memref<128x64xf32, #tpu.memory_space<vmem_shared>>
      %dma_wait3A_859 = arith.constant 0 : i32
      %dma_wait3A_860 = tpu.memref_slice %arg14[%add3A_460, %dma_wait3A_859] : memref<10240x64xf32, #tpu.memory_space<vmem_shared>> -> memref<128x64xf32, #tpu.memory_space<vmem_shared>>
      %dma_wait3A_861 = arith.constant 0 : i32
      %dma_wait3A_862 = arith.constant 0 : i32
      %dma_wait3A_863 = tpu.memref_slice %arg12[%run_scoped3A_461, %dma_wait3A_861, %dma_wait3A_862] : memref<6x128x64xf32, #tpu.memory_space<vmem>> -> memref<1x128x64xf32, #tpu.memory_space<vmem>>
      %dma_wait3A_864 = tpu.memref_squeeze %dma_wait3A_863 : memref<1x128x64xf32, #tpu.memory_space<vmem>> -> memref<128x64xf32, #tpu.memory_space<vmem>>
      tpu.wait_dma2 semaphore(%run_scoped3A_840 : memref<!tpu.dma_semaphore, #tpu.memory_space<semaphore_mem>>) src(%dma_wait3A_864 : memref<128x64xf32, #tpu.memory_space<vmem>>) dst(%dma_wait3A_860 : memref<128x64xf32, #tpu.memory_space<vmem_shared>>)
      tpu.yield
    }) : () -> ()
    %add3A_462 = arith.constant 512 : i32
    %add3A_463 = arith.addi %mul3A_0, %add3A_462 : i32
    %run_scoped3A_464 = arith.constant 0 : i32
    "tpu.region"() ({
      %run_scoped3A_840 = tpu.sem_alloc : memref<!tpu.dma_semaphore, #tpu.memory_space<semaphore_mem>>
      %dma_start3A_841 = arith.constant 0 : i32
      %dma_start3A_842 = arith.constant 0 : i32
      %dma_start3A_843 = tpu.memref_slice %arg12[%run_scoped3A_464, %dma_start3A_841, %dma_start3A_842] : memref<6x128x64xf32, #tpu.memory_space<vmem>> -> memref<1x128x64xf32, #tpu.memory_space<vmem>>
      %dma_start3A_844 = tpu.memref_squeeze %dma_start3A_843 : memref<1x128x64xf32, #tpu.memory_space<vmem>> -> memref<128x64xf32, #tpu.memory_space<vmem>>
      %dma_start3A_845 = arith.constant 0 : i32
      %dma_start3A_846 = tpu.memref_slice %arg14[%add3A_463, %dma_start3A_845] : memref<10240x64xf32, #tpu.memory_space<vmem_shared>> -> memref<128x64xf32, #tpu.memory_space<vmem_shared>>
      %dma_start3A_847 = arith.constant 0 : i32
      %dma_start3A_848 = tpu.memref_slice %arg14[%add3A_463, %dma_start3A_847] : memref<10240x64xf32, #tpu.memory_space<vmem_shared>> -> memref<128x64xf32, #tpu.memory_space<vmem_shared>>
      %dma_start3A_849 = arith.constant 0 : i32
      %dma_start3A_850 = arith.constant 0 : i32
      %dma_start3A_851 = tpu.memref_slice %arg12[%run_scoped3A_464, %dma_start3A_849, %dma_start3A_850] : memref<6x128x64xf32, #tpu.memory_space<vmem>> -> memref<1x128x64xf32, #tpu.memory_space<vmem>>
      %dma_start3A_852 = tpu.memref_squeeze %dma_start3A_851 : memref<1x128x64xf32, #tpu.memory_space<vmem>> -> memref<128x64xf32, #tpu.memory_space<vmem>>
      tpu.enqueue_dma source(%dma_start3A_852 : memref<128x64xf32, #tpu.memory_space<vmem>>) target(%dma_start3A_848 : memref<128x64xf32, #tpu.memory_space<vmem_shared>>) target_semaphore(%run_scoped3A_840 : memref<!tpu.dma_semaphore, #tpu.memory_space<semaphore_mem>>)
      %dma_wait3A_853 = arith.constant 0 : i32
      %dma_wait3A_854 = arith.constant 0 : i32
      %dma_wait3A_855 = tpu.memref_slice %arg12[%run_scoped3A_464, %dma_wait3A_853, %dma_wait3A_854] : memref<6x128x64xf32, #tpu.memory_space<vmem>> -> memref<1x128x64xf32, #tpu.memory_space<vmem>>
      %dma_wait3A_856 = tpu.memref_squeeze %dma_wait3A_855 : memref<1x128x64xf32, #tpu.memory_space<vmem>> -> memref<128x64xf32, #tpu.memory_space<vmem>>
      %dma_wait3A_857 = arith.constant 0 : i32
      %dma_wait3A_858 = tpu.memref_slice %arg14[%add3A_463, %dma_wait3A_857] : memref<10240x64xf32, #tpu.memory_space<vmem_shared>> -> memref<128x64xf32, #tpu.memory_space<vmem_shared>>
      %dma_wait3A_859 = arith.constant 0 : i32
      %dma_wait3A_860 = tpu.memref_slice %arg14[%add3A_463, %dma_wait3A_859] : memref<10240x64xf32, #tpu.memory_space<vmem_shared>> -> memref<128x64xf32, #tpu.memory_space<vmem_shared>>
      %dma_wait3A_861 = arith.constant 0 : i32
      %dma_wait3A_862 = arith.constant 0 : i32
      %dma_wait3A_863 = tpu.memref_slice %arg12[%run_scoped3A_464, %dma_wait3A_861, %dma_wait3A_862] : memref<6x128x64xf32, #tpu.memory_space<vmem>> -> memref<1x128x64xf32, #tpu.memory_space<vmem>>
      %dma_wait3A_864 = tpu.memref_squeeze %dma_wait3A_863 : memref<1x128x64xf32, #tpu.memory_space<vmem>> -> memref<128x64xf32, #tpu.memory_space<vmem>>
      tpu.wait_dma2 semaphore(%run_scoped3A_840 : memref<!tpu.dma_semaphore, #tpu.memory_space<semaphore_mem>>) src(%dma_wait3A_864 : memref<128x64xf32, #tpu.memory_space<vmem>>) dst(%dma_wait3A_860 : memref<128x64xf32, #tpu.memory_space<vmem_shared>>)
      tpu.yield
    }) : () -> ()
    "tpu.region"() ({
      %run_scoped3A_840 = tpu.sem_alloc : memref<!tpu.dma_semaphore, #tpu.memory_space<semaphore_mem>>
      tpu.enqueue_dma source(%arg7 : memref<128x16xf32, #tpu.memory_space<hbm>>) target(%arg13 : memref<128x16xf32, #tpu.memory_space<vmem>>) target_semaphore(%run_scoped3A_840 : memref<!tpu.dma_semaphore, #tpu.memory_space<semaphore_mem>>)
      tpu.wait_dma2 semaphore(%run_scoped3A_840 : memref<!tpu.dma_semaphore, #tpu.memory_space<semaphore_mem>>) src(%arg7 : memref<128x16xf32, #tpu.memory_space<hbm>>) dst(%arg13 : memref<128x16xf32, #tpu.memory_space<vmem>>)
      tpu.yield
    }) : () -> ()
    %barrier3A_465 = arith.constant 0 : index
    tpu.barrier barrier_id(%barrier3A_465)
    %run_scoped3A_466 = arith.constant 0 : i32
    %run_scoped3A_467 = arith.constant 0 : i32
    "tpu.region"() ({
      %run_scoped3A_840 = tpu.sem_alloc : memref<!tpu.dma_semaphore, #tpu.memory_space<semaphore_mem>>
      %dma_start3A_841 = arith.constant 0 : i32
      %dma_start3A_842 = arith.constant 0 : i32
      %dma_start3A_843 = tpu.memref_slice %arg10[%run_scoped3A_467, %dma_start3A_841, %dma_start3A_842] : memref<4x4x128xi32, #tpu.memory_space<vmem>> -> memref<1x4x128xi32, #tpu.memory_space<vmem>>
      %dma_start3A_844 = tpu.memref_squeeze %dma_start3A_843 : memref<1x4x128xi32, #tpu.memory_space<vmem>> -> memref<4x128xi32, #tpu.memory_space<vmem>>
      %dma_start3A_845 = arith.constant 0 : i32
      %dma_start3A_846 = arith.constant 0 : i32
      %dma_start3A_847 = tpu.memref_slice %arg4[%add3A, %run_scoped3A_466, %dma_start3A_845, %dma_start3A_846] : memref<64x79x4x128xi32, #tpu.memory_space<hbm>> -> memref<1x1x4x128xi32, #tpu.memory_space<hbm>>
      %dma_start3A_848 = tpu.memref_squeeze %dma_start3A_847 : memref<1x1x4x128xi32, #tpu.memory_space<hbm>> -> memref<4x128xi32, #tpu.memory_space<hbm>>
      %dma_start3A_849 = arith.constant 0 : i32
      %dma_start3A_850 = arith.constant 0 : i32
      %dma_start3A_851 = tpu.memref_slice %arg10[%run_scoped3A_467, %dma_start3A_849, %dma_start3A_850] : memref<4x4x128xi32, #tpu.memory_space<vmem>> -> memref<1x4x128xi32, #tpu.memory_space<vmem>>
      %dma_start3A_852 = tpu.memref_squeeze %dma_start3A_851 : memref<1x4x128xi32, #tpu.memory_space<vmem>> -> memref<4x128xi32, #tpu.memory_space<vmem>>
      %dma_start3A_853 = arith.constant 0 : i32
      %dma_start3A_854 = arith.constant 0 : i32
      %dma_start3A_855 = tpu.memref_slice %arg4[%add3A, %run_scoped3A_466, %dma_start3A_853, %dma_start3A_854] : memref<64x79x4x128xi32, #tpu.memory_space<hbm>> -> memref<1x1x4x128xi32, #tpu.memory_space<hbm>>
      %dma_start3A_856 = tpu.memref_squeeze %dma_start3A_855 : memref<1x1x4x128xi32, #tpu.memory_space<hbm>> -> memref<4x128xi32, #tpu.memory_space<hbm>>
      tpu.enqueue_dma source(%dma_start3A_856 : memref<4x128xi32, #tpu.memory_space<hbm>>) target(%dma_start3A_852 : memref<4x128xi32, #tpu.memory_space<vmem>>) target_semaphore(%run_scoped3A_840 : memref<!tpu.dma_semaphore, #tpu.memory_space<semaphore_mem>>)
      %dma_wait3A_857 = arith.constant 0 : i32
      %dma_wait3A_858 = arith.constant 0 : i32
      %dma_wait3A_859 = tpu.memref_slice %arg10[%run_scoped3A_467, %dma_wait3A_857, %dma_wait3A_858] : memref<4x4x128xi32, #tpu.memory_space<vmem>> -> memref<1x4x128xi32, #tpu.memory_space<vmem>>
      %dma_wait3A_860 = tpu.memref_squeeze %dma_wait3A_859 : memref<1x4x128xi32, #tpu.memory_space<vmem>> -> memref<4x128xi32, #tpu.memory_space<vmem>>
      %dma_wait3A_861 = arith.constant 0 : i32
      %dma_wait3A_862 = arith.constant 0 : i32
      %dma_wait3A_863 = tpu.memref_slice %arg4[%add3A, %run_scoped3A_466, %dma_wait3A_861, %dma_wait3A_862] : memref<64x79x4x128xi32, #tpu.memory_space<hbm>> -> memref<1x1x4x128xi32, #tpu.memory_space<hbm>>
      %dma_wait3A_864 = tpu.memref_squeeze %dma_wait3A_863 : memref<1x1x4x128xi32, #tpu.memory_space<hbm>> -> memref<4x128xi32, #tpu.memory_space<hbm>>
      %dma_wait3A_865 = arith.constant 0 : i32
      %dma_wait3A_866 = arith.constant 0 : i32
      %dma_wait3A_867 = tpu.memref_slice %arg10[%run_scoped3A_467, %dma_wait3A_865, %dma_wait3A_866] : memref<4x4x128xi32, #tpu.memory_space<vmem>> -> memref<1x4x128xi32, #tpu.memory_space<vmem>>
      %dma_wait3A_868 = tpu.memref_squeeze %dma_wait3A_867 : memref<1x4x128xi32, #tpu.memory_space<vmem>> -> memref<4x128xi32, #tpu.memory_space<vmem>>
      %dma_wait3A_869 = arith.constant 0 : i32
      %dma_wait3A_870 = arith.constant 0 : i32
      %dma_wait3A_871 = tpu.memref_slice %arg4[%add3A, %run_scoped3A_466, %dma_wait3A_869, %dma_wait3A_870] : memref<64x79x4x128xi32, #tpu.memory_space<hbm>> -> memref<1x1x4x128xi32, #tpu.memory_space<hbm>>
      %dma_wait3A_872 = tpu.memref_squeeze %dma_wait3A_871 : memref<1x1x4x128xi32, #tpu.memory_space<hbm>> -> memref<4x128xi32, #tpu.memory_space<hbm>>
      tpu.wait_dma2 semaphore(%run_scoped3A_840 : memref<!tpu.dma_semaphore, #tpu.memory_space<semaphore_mem>>) src(%dma_wait3A_872 : memref<4x128xi32, #tpu.memory_space<hbm>>) dst(%dma_wait3A_868 : memref<4x128xi32, #tpu.memory_space<vmem>>)
      tpu.yield
    }) : () -> ()
    %run_scoped3A_468 = arith.constant 0 : i32
    %run_scoped3A_469 = arith.constant 0 : i32
    "tpu.region"() ({
      %run_scoped3A_840 = tpu.sem_alloc : memref<!tpu.dma_semaphore, #tpu.memory_space<semaphore_mem>>
      %dma_start3A_841 = arith.constant 0 : i32
      %dma_start3A_842 = arith.constant 0 : i32
      %dma_start3A_843 = tpu.memref_slice %arg11[%run_scoped3A_469, %dma_start3A_841, %dma_start3A_842] : memref<4x4x128xi32, #tpu.memory_space<vmem>> -> memref<1x4x128xi32, #tpu.memory_space<vmem>>
      %dma_start3A_844 = tpu.memref_squeeze %dma_start3A_843 : memref<1x4x128xi32, #tpu.memory_space<vmem>> -> memref<4x128xi32, #tpu.memory_space<vmem>>
      %dma_start3A_845 = arith.constant 0 : i32
      %dma_start3A_846 = arith.constant 0 : i32
      %dma_start3A_847 = tpu.memref_slice %arg4[%add3A_4, %run_scoped3A_468, %dma_start3A_845, %dma_start3A_846] : memref<64x79x4x128xi32, #tpu.memory_space<hbm>> -> memref<1x1x4x128xi32, #tpu.memory_space<hbm>>
      %dma_start3A_848 = tpu.memref_squeeze %dma_start3A_847 : memref<1x1x4x128xi32, #tpu.memory_space<hbm>> -> memref<4x128xi32, #tpu.memory_space<hbm>>
      %dma_start3A_849 = arith.constant 0 : i32
      %dma_start3A_850 = arith.constant 0 : i32
      %dma_start3A_851 = tpu.memref_slice %arg11[%run_scoped3A_469, %dma_start3A_849, %dma_start3A_850] : memref<4x4x128xi32, #tpu.memory_space<vmem>> -> memref<1x4x128xi32, #tpu.memory_space<vmem>>
      %dma_start3A_852 = tpu.memref_squeeze %dma_start3A_851 : memref<1x4x128xi32, #tpu.memory_space<vmem>> -> memref<4x128xi32, #tpu.memory_space<vmem>>
      %dma_start3A_853 = arith.constant 0 : i32
      %dma_start3A_854 = arith.constant 0 : i32
      %dma_start3A_855 = tpu.memref_slice %arg4[%add3A_4, %run_scoped3A_468, %dma_start3A_853, %dma_start3A_854] : memref<64x79x4x128xi32, #tpu.memory_space<hbm>> -> memref<1x1x4x128xi32, #tpu.memory_space<hbm>>
      %dma_start3A_856 = tpu.memref_squeeze %dma_start3A_855 : memref<1x1x4x128xi32, #tpu.memory_space<hbm>> -> memref<4x128xi32, #tpu.memory_space<hbm>>
      tpu.enqueue_dma source(%dma_start3A_856 : memref<4x128xi32, #tpu.memory_space<hbm>>) target(%dma_start3A_852 : memref<4x128xi32, #tpu.memory_space<vmem>>) target_semaphore(%run_scoped3A_840 : memref<!tpu.dma_semaphore, #tpu.memory_space<semaphore_mem>>)
      %dma_wait3A_857 = arith.constant 0 : i32
      %dma_wait3A_858 = arith.constant 0 : i32
      %dma_wait3A_859 = tpu.memref_slice %arg11[%run_scoped3A_469, %dma_wait3A_857, %dma_wait3A_858] : memref<4x4x128xi32, #tpu.memory_space<vmem>> -> memref<1x4x128xi32, #tpu.memory_space<vmem>>
      %dma_wait3A_860 = tpu.memref_squeeze %dma_wait3A_859 : memref<1x4x128xi32, #tpu.memory_space<vmem>> -> memref<4x128xi32, #tpu.memory_space<vmem>>
      %dma_wait3A_861 = arith.constant 0 : i32
      %dma_wait3A_862 = arith.constant 0 : i32
      %dma_wait3A_863 = tpu.memref_slice %arg4[%add3A_4, %run_scoped3A_468, %dma_wait3A_861, %dma_wait3A_862] : memref<64x79x4x128xi32, #tpu.memory_space<hbm>> -> memref<1x1x4x128xi32, #tpu.memory_space<hbm>>
      %dma_wait3A_864 = tpu.memref_squeeze %dma_wait3A_863 : memref<1x1x4x128xi32, #tpu.memory_space<hbm>> -> memref<4x128xi32, #tpu.memory_space<hbm>>
      %dma_wait3A_865 = arith.constant 0 : i32
      %dma_wait3A_866 = arith.constant 0 : i32
      %dma_wait3A_867 = tpu.memref_slice %arg11[%run_scoped3A_469, %dma_wait3A_865, %dma_wait3A_866] : memref<4x4x128xi32, #tpu.memory_space<vmem>> -> memref<1x4x128xi32, #tpu.memory_space<vmem>>
      %dma_wait3A_868 = tpu.memref_squeeze %dma_wait3A_867 : memref<1x4x128xi32, #tpu.memory_space<vmem>> -> memref<4x128xi32, #tpu.memory_space<vmem>>
      %dma_wait3A_869 = arith.constant 0 : i32
      %dma_wait3A_870 = arith.constant 0 : i32
      %dma_wait3A_871 = tpu.memref_slice %arg4[%add3A_4, %run_scoped3A_468, %dma_wait3A_869, %dma_wait3A_870] : memref<64x79x4x128xi32, #tpu.memory_space<hbm>> -> memref<1x1x4x128xi32, #tpu.memory_space<hbm>>
      %dma_wait3A_872 = tpu.memref_squeeze %dma_wait3A_871 : memref<1x1x4x128xi32, #tpu.memory_space<hbm>> -> memref<4x128xi32, #tpu.memory_space<hbm>>
      tpu.wait_dma2 semaphore(%run_scoped3A_840 : memref<!tpu.dma_semaphore, #tpu.memory_space<semaphore_mem>>) src(%dma_wait3A_872 : memref<4x128xi32, #tpu.memory_space<hbm>>) dst(%dma_wait3A_868 : memref<4x128xi32, #tpu.memory_space<vmem>>)
      tpu.yield
    }) : () -> ()
    %dma_start3A_470 = arith.constant 0 : i32
    %dma_start3A_471 = arith.constant 0 : i32
    %dma_start3A_472 = arith.constant 0 : i32
    %dma_start3A_473 = arith.constant 0 : i32
    %dma_start3A_474 = arith.constant 0 : i32
    %dma_start3A_475 = tpu.memref_slice %arg12[%dma_start3A_472, %dma_start3A_473, %dma_start3A_474] : memref<6x128x64xf32, #tpu.memory_space<vmem>> -> memref<1x128x64xf32, #tpu.memory_space<vmem>>
    %dma_start3A_476 = tpu.memref_squeeze %dma_start3A_475 : memref<1x128x64xf32, #tpu.memory_space<vmem>> -> memref<128x64xf32, #tpu.memory_space<vmem>>
    %dma_start3A_477 = arith.constant 0 : i32
    %dma_start3A_478 = tpu.memref_slice %arg10[%dma_start3A_470, %dma_start3A_471, %dma_start3A_477] : memref<4x4x128xi32, #tpu.memory_space<vmem>> -> memref<1x1x128xi32, #tpu.memory_space<vmem>>
    %dma_start3A_479 = tpu.memref_squeeze %dma_start3A_478 : memref<1x1x128xi32, #tpu.memory_space<vmem>> -> memref<128xi32, #tpu.memory_space<vmem>>
    %dma_start3A_480 = arith.constant 0 : i32
    %dma_start3A_481 = arith.constant 0 : i32
    %dma_start3A_482 = tpu.memref_slice %arg3[%dma_start3A_480, %dma_start3A_481] : memref<20000x64xf32, #tpu.memory_space<hbm>> -> memref<20000x64xf32, #tpu.memory_space<hbm>>
    tpu.enqueue_indirect_dma source(%dma_start3A_482 : memref<20000x64xf32, #tpu.memory_space<hbm>>) target(%dma_start3A_476 : memref<128x64xf32, #tpu.memory_space<vmem>>) offsets(%dma_start3A_479 : memref<128xi32, #tpu.memory_space<vmem>>) semaphore(%arg16 : memref<!tpu.dma_semaphore, #tpu.memory_space<semaphore_mem>>)
    %dma_start3A_483 = arith.constant 0 : i32
    %dma_start3A_484 = arith.constant 1 : i32
    %dma_start3A_485 = arith.constant 1 : i32
    %dma_start3A_486 = arith.constant 0 : i32
    %dma_start3A_487 = arith.constant 0 : i32
    %dma_start3A_488 = tpu.memref_slice %arg12[%dma_start3A_485, %dma_start3A_486, %dma_start3A_487] : memref<6x128x64xf32, #tpu.memory_space<vmem>> -> memref<1x128x64xf32, #tpu.memory_space<vmem>>
    %dma_start3A_489 = tpu.memref_squeeze %dma_start3A_488 : memref<1x128x64xf32, #tpu.memory_space<vmem>> -> memref<128x64xf32, #tpu.memory_space<vmem>>
    %dma_start3A_490 = arith.constant 0 : i32
    %dma_start3A_491 = tpu.memref_slice %arg10[%dma_start3A_483, %dma_start3A_484, %dma_start3A_490] : memref<4x4x128xi32, #tpu.memory_space<vmem>> -> memref<1x1x128xi32, #tpu.memory_space<vmem>>
    %dma_start3A_492 = tpu.memref_squeeze %dma_start3A_491 : memref<1x1x128xi32, #tpu.memory_space<vmem>> -> memref<128xi32, #tpu.memory_space<vmem>>
    %dma_start3A_493 = arith.constant 0 : i32
    %dma_start3A_494 = arith.constant 0 : i32
    %dma_start3A_495 = tpu.memref_slice %arg3[%dma_start3A_493, %dma_start3A_494] : memref<20000x64xf32, #tpu.memory_space<hbm>> -> memref<20000x64xf32, #tpu.memory_space<hbm>>
    tpu.enqueue_indirect_dma source(%dma_start3A_495 : memref<20000x64xf32, #tpu.memory_space<hbm>>) target(%dma_start3A_489 : memref<128x64xf32, #tpu.memory_space<vmem>>) offsets(%dma_start3A_492 : memref<128xi32, #tpu.memory_space<vmem>>) semaphore(%arg16 : memref<!tpu.dma_semaphore, #tpu.memory_space<semaphore_mem>>)
    %dma_start3A_496 = arith.constant 0 : i32
    %dma_start3A_497 = arith.constant 2 : i32
    %dma_start3A_498 = arith.constant 2 : i32
    %dma_start3A_499 = arith.constant 0 : i32
    %dma_start3A_500 = arith.constant 0 : i32
    %dma_start3A_501 = tpu.memref_slice %arg12[%dma_start3A_498, %dma_start3A_499, %dma_start3A_500] : memref<6x128x64xf32, #tpu.memory_space<vmem>> -> memref<1x128x64xf32, #tpu.memory_space<vmem>>
    %dma_start3A_502 = tpu.memref_squeeze %dma_start3A_501 : memref<1x128x64xf32, #tpu.memory_space<vmem>> -> memref<128x64xf32, #tpu.memory_space<vmem>>
    %dma_start3A_503 = arith.constant 0 : i32
    %dma_start3A_504 = tpu.memref_slice %arg10[%dma_start3A_496, %dma_start3A_497, %dma_start3A_503] : memref<4x4x128xi32, #tpu.memory_space<vmem>> -> memref<1x1x128xi32, #tpu.memory_space<vmem>>
    %dma_start3A_505 = tpu.memref_squeeze %dma_start3A_504 : memref<1x1x128xi32, #tpu.memory_space<vmem>> -> memref<128xi32, #tpu.memory_space<vmem>>
    %dma_start3A_506 = arith.constant 0 : i32
    %dma_start3A_507 = arith.constant 0 : i32
    %dma_start3A_508 = tpu.memref_slice %arg3[%dma_start3A_506, %dma_start3A_507] : memref<20000x64xf32, #tpu.memory_space<hbm>> -> memref<20000x64xf32, #tpu.memory_space<hbm>>
    tpu.enqueue_indirect_dma source(%dma_start3A_508 : memref<20000x64xf32, #tpu.memory_space<hbm>>) target(%dma_start3A_502 : memref<128x64xf32, #tpu.memory_space<vmem>>) offsets(%dma_start3A_505 : memref<128xi32, #tpu.memory_space<vmem>>) semaphore(%arg16 : memref<!tpu.dma_semaphore, #tpu.memory_space<semaphore_mem>>)
    %dma_start3A_509 = arith.constant 0 : i32
    %dma_start3A_510 = arith.constant 3 : i32
    %dma_start3A_511 = arith.constant 3 : i32
    %dma_start3A_512 = arith.constant 0 : i32
    %dma_start3A_513 = arith.constant 0 : i32
    %dma_start3A_514 = tpu.memref_slice %arg12[%dma_start3A_511, %dma_start3A_512, %dma_start3A_513] : memref<6x128x64xf32, #tpu.memory_space<vmem>> -> memref<1x128x64xf32, #tpu.memory_space<vmem>>
    %dma_start3A_515 = tpu.memref_squeeze %dma_start3A_514 : memref<1x128x64xf32, #tpu.memory_space<vmem>> -> memref<128x64xf32, #tpu.memory_space<vmem>>
    %dma_start3A_516 = arith.constant 0 : i32
    %dma_start3A_517 = tpu.memref_slice %arg10[%dma_start3A_509, %dma_start3A_510, %dma_start3A_516] : memref<4x4x128xi32, #tpu.memory_space<vmem>> -> memref<1x1x128xi32, #tpu.memory_space<vmem>>
    %dma_start3A_518 = tpu.memref_squeeze %dma_start3A_517 : memref<1x1x128xi32, #tpu.memory_space<vmem>> -> memref<128xi32, #tpu.memory_space<vmem>>
    %dma_start3A_519 = arith.constant 0 : i32
    %dma_start3A_520 = arith.constant 0 : i32
    %dma_start3A_521 = tpu.memref_slice %arg3[%dma_start3A_519, %dma_start3A_520] : memref<20000x64xf32, #tpu.memory_space<hbm>> -> memref<20000x64xf32, #tpu.memory_space<hbm>>
    tpu.enqueue_indirect_dma source(%dma_start3A_521 : memref<20000x64xf32, #tpu.memory_space<hbm>>) target(%dma_start3A_515 : memref<128x64xf32, #tpu.memory_space<vmem>>) offsets(%dma_start3A_518 : memref<128xi32, #tpu.memory_space<vmem>>) semaphore(%arg16 : memref<!tpu.dma_semaphore, #tpu.memory_space<semaphore_mem>>)
    %dma_start3A_522 = arith.constant 1 : i32
    %dma_start3A_523 = arith.constant 1 : i32
    %dma_start3A_524 = arith.constant 0 : i32
    %dma_start3A_525 = arith.constant 0 : i32
    %dma_start3A_526 = tpu.memref_slice %arg10[%dma_start3A_523, %dma_start3A_524, %dma_start3A_525] : memref<4x4x128xi32, #tpu.memory_space<vmem>> -> memref<1x4x128xi32, #tpu.memory_space<vmem>>
    %dma_start3A_527 = tpu.memref_squeeze %dma_start3A_526 : memref<1x4x128xi32, #tpu.memory_space<vmem>> -> memref<4x128xi32, #tpu.memory_space<vmem>>
    %dma_start3A_528 = arith.constant 0 : i32
    %dma_start3A_529 = arith.constant 0 : i32
    %dma_start3A_530 = tpu.memref_slice %arg4[%add3A, %dma_start3A_522, %dma_start3A_528, %dma_start3A_529] : memref<64x79x4x128xi32, #tpu.memory_space<hbm>> -> memref<1x1x4x128xi32, #tpu.memory_space<hbm>>
    %dma_start3A_531 = tpu.memref_squeeze %dma_start3A_530 : memref<1x1x4x128xi32, #tpu.memory_space<hbm>> -> memref<4x128xi32, #tpu.memory_space<hbm>>
    %dma_start3A_532 = arith.constant 0 : i32
    %dma_start3A_533 = arith.constant 0 : i32
    %dma_start3A_534 = tpu.memref_slice %arg10[%dma_start3A_523, %dma_start3A_532, %dma_start3A_533] : memref<4x4x128xi32, #tpu.memory_space<vmem>> -> memref<1x4x128xi32, #tpu.memory_space<vmem>>
    %dma_start3A_535 = tpu.memref_squeeze %dma_start3A_534 : memref<1x4x128xi32, #tpu.memory_space<vmem>> -> memref<4x128xi32, #tpu.memory_space<vmem>>
    %dma_start3A_536 = arith.constant 0 : i32
    %dma_start3A_537 = arith.constant 0 : i32
    %dma_start3A_538 = tpu.memref_slice %arg4[%add3A, %dma_start3A_522, %dma_start3A_536, %dma_start3A_537] : memref<64x79x4x128xi32, #tpu.memory_space<hbm>> -> memref<1x1x4x128xi32, #tpu.memory_space<hbm>>
    %dma_start3A_539 = tpu.memref_squeeze %dma_start3A_538 : memref<1x1x4x128xi32, #tpu.memory_space<hbm>> -> memref<4x128xi32, #tpu.memory_space<hbm>>
    tpu.enqueue_dma source(%dma_start3A_539 : memref<4x128xi32, #tpu.memory_space<hbm>>) target(%dma_start3A_535 : memref<4x128xi32, #tpu.memory_space<vmem>>) target_semaphore(%arg18 : memref<!tpu.dma_semaphore, #tpu.memory_space<semaphore_mem>>)
    %dma_start3A_540 = arith.constant 1 : i32
    %dma_start3A_541 = arith.constant 1 : i32
    %dma_start3A_542 = arith.constant 0 : i32
    %dma_start3A_543 = arith.constant 0 : i32
    %dma_start3A_544 = tpu.memref_slice %arg11[%dma_start3A_541, %dma_start3A_542, %dma_start3A_543] : memref<4x4x128xi32, #tpu.memory_space<vmem>> -> memref<1x4x128xi32, #tpu.memory_space<vmem>>
    %dma_start3A_545 = tpu.memref_squeeze %dma_start3A_544 : memref<1x4x128xi32, #tpu.memory_space<vmem>> -> memref<4x128xi32, #tpu.memory_space<vmem>>
    %dma_start3A_546 = arith.constant 0 : i32
    %dma_start3A_547 = arith.constant 0 : i32
    %dma_start3A_548 = tpu.memref_slice %arg4[%add3A_4, %dma_start3A_540, %dma_start3A_546, %dma_start3A_547] : memref<64x79x4x128xi32, #tpu.memory_space<hbm>> -> memref<1x1x4x128xi32, #tpu.memory_space<hbm>>
    %dma_start3A_549 = tpu.memref_squeeze %dma_start3A_548 : memref<1x1x4x128xi32, #tpu.memory_space<hbm>> -> memref<4x128xi32, #tpu.memory_space<hbm>>
    %dma_start3A_550 = arith.constant 0 : i32
    %dma_start3A_551 = arith.constant 0 : i32
    %dma_start3A_552 = tpu.memref_slice %arg11[%dma_start3A_541, %dma_start3A_550, %dma_start3A_551] : memref<4x4x128xi32, #tpu.memory_space<vmem>> -> memref<1x4x128xi32, #tpu.memory_space<vmem>>
    %dma_start3A_553 = tpu.memref_squeeze %dma_start3A_552 : memref<1x4x128xi32, #tpu.memory_space<vmem>> -> memref<4x128xi32, #tpu.memory_space<vmem>>
    %dma_start3A_554 = arith.constant 0 : i32
    %dma_start3A_555 = arith.constant 0 : i32
    %dma_start3A_556 = tpu.memref_slice %arg4[%add3A_4, %dma_start3A_540, %dma_start3A_554, %dma_start3A_555] : memref<64x79x4x128xi32, #tpu.memory_space<hbm>> -> memref<1x1x4x128xi32, #tpu.memory_space<hbm>>
    %dma_start3A_557 = tpu.memref_squeeze %dma_start3A_556 : memref<1x1x4x128xi32, #tpu.memory_space<hbm>> -> memref<4x128xi32, #tpu.memory_space<hbm>>
    tpu.enqueue_dma source(%dma_start3A_557 : memref<4x128xi32, #tpu.memory_space<hbm>>) target(%dma_start3A_553 : memref<4x128xi32, #tpu.memory_space<vmem>>) target_semaphore(%arg18 : memref<!tpu.dma_semaphore, #tpu.memory_space<semaphore_mem>>)
    %dma_start3A_558 = arith.constant 2 : i32
    %dma_start3A_559 = arith.constant 2 : i32
    %dma_start3A_560 = arith.constant 0 : i32
    %dma_start3A_561 = arith.constant 0 : i32
    %dma_start3A_562 = tpu.memref_slice %arg10[%dma_start3A_559, %dma_start3A_560, %dma_start3A_561] : memref<4x4x128xi32, #tpu.memory_space<vmem>> -> memref<1x4x128xi32, #tpu.memory_space<vmem>>
    %dma_start3A_563 = tpu.memref_squeeze %dma_start3A_562 : memref<1x4x128xi32, #tpu.memory_space<vmem>> -> memref<4x128xi32, #tpu.memory_space<vmem>>
    %dma_start3A_564 = arith.constant 0 : i32
    %dma_start3A_565 = arith.constant 0 : i32
    %dma_start3A_566 = tpu.memref_slice %arg4[%add3A, %dma_start3A_558, %dma_start3A_564, %dma_start3A_565] : memref<64x79x4x128xi32, #tpu.memory_space<hbm>> -> memref<1x1x4x128xi32, #tpu.memory_space<hbm>>
    %dma_start3A_567 = tpu.memref_squeeze %dma_start3A_566 : memref<1x1x4x128xi32, #tpu.memory_space<hbm>> -> memref<4x128xi32, #tpu.memory_space<hbm>>
    %dma_start3A_568 = arith.constant 0 : i32
    %dma_start3A_569 = arith.constant 0 : i32
    %dma_start3A_570 = tpu.memref_slice %arg10[%dma_start3A_559, %dma_start3A_568, %dma_start3A_569] : memref<4x4x128xi32, #tpu.memory_space<vmem>> -> memref<1x4x128xi32, #tpu.memory_space<vmem>>
    %dma_start3A_571 = tpu.memref_squeeze %dma_start3A_570 : memref<1x4x128xi32, #tpu.memory_space<vmem>> -> memref<4x128xi32, #tpu.memory_space<vmem>>
    %dma_start3A_572 = arith.constant 0 : i32
    %dma_start3A_573 = arith.constant 0 : i32
    %dma_start3A_574 = tpu.memref_slice %arg4[%add3A, %dma_start3A_558, %dma_start3A_572, %dma_start3A_573] : memref<64x79x4x128xi32, #tpu.memory_space<hbm>> -> memref<1x1x4x128xi32, #tpu.memory_space<hbm>>
    %dma_start3A_575 = tpu.memref_squeeze %dma_start3A_574 : memref<1x1x4x128xi32, #tpu.memory_space<hbm>> -> memref<4x128xi32, #tpu.memory_space<hbm>>
    tpu.enqueue_dma source(%dma_start3A_575 : memref<4x128xi32, #tpu.memory_space<hbm>>) target(%dma_start3A_571 : memref<4x128xi32, #tpu.memory_space<vmem>>) target_semaphore(%arg18 : memref<!tpu.dma_semaphore, #tpu.memory_space<semaphore_mem>>)
    %dma_start3A_576 = arith.constant 2 : i32
    %dma_start3A_577 = arith.constant 2 : i32
    %dma_start3A_578 = arith.constant 0 : i32
    %dma_start3A_579 = arith.constant 0 : i32
    %dma_start3A_580 = tpu.memref_slice %arg11[%dma_start3A_577, %dma_start3A_578, %dma_start3A_579] : memref<4x4x128xi32, #tpu.memory_space<vmem>> -> memref<1x4x128xi32, #tpu.memory_space<vmem>>
    %dma_start3A_581 = tpu.memref_squeeze %dma_start3A_580 : memref<1x4x128xi32, #tpu.memory_space<vmem>> -> memref<4x128xi32, #tpu.memory_space<vmem>>
    %dma_start3A_582 = arith.constant 0 : i32
    %dma_start3A_583 = arith.constant 0 : i32
    %dma_start3A_584 = tpu.memref_slice %arg4[%add3A_4, %dma_start3A_576, %dma_start3A_582, %dma_start3A_583] : memref<64x79x4x128xi32, #tpu.memory_space<hbm>> -> memref<1x1x4x128xi32, #tpu.memory_space<hbm>>
    %dma_start3A_585 = tpu.memref_squeeze %dma_start3A_584 : memref<1x1x4x128xi32, #tpu.memory_space<hbm>> -> memref<4x128xi32, #tpu.memory_space<hbm>>
    %dma_start3A_586 = arith.constant 0 : i32
    %dma_start3A_587 = arith.constant 0 : i32
    %dma_start3A_588 = tpu.memref_slice %arg11[%dma_start3A_577, %dma_start3A_586, %dma_start3A_587] : memref<4x4x128xi32, #tpu.memory_space<vmem>> -> memref<1x4x128xi32, #tpu.memory_space<vmem>>
    %dma_start3A_589 = tpu.memref_squeeze %dma_start3A_588 : memref<1x4x128xi32, #tpu.memory_space<vmem>> -> memref<4x128xi32, #tpu.memory_space<vmem>>
    %dma_start3A_590 = arith.constant 0 : i32
    %dma_start3A_591 = arith.constant 0 : i32
    %dma_start3A_592 = tpu.memref_slice %arg4[%add3A_4, %dma_start3A_576, %dma_start3A_590, %dma_start3A_591] : memref<64x79x4x128xi32, #tpu.memory_space<hbm>> -> memref<1x1x4x128xi32, #tpu.memory_space<hbm>>
    %dma_start3A_593 = tpu.memref_squeeze %dma_start3A_592 : memref<1x1x4x128xi32, #tpu.memory_space<hbm>> -> memref<4x128xi32, #tpu.memory_space<hbm>>
    tpu.enqueue_dma source(%dma_start3A_593 : memref<4x128xi32, #tpu.memory_space<hbm>>) target(%dma_start3A_589 : memref<4x128xi32, #tpu.memory_space<vmem>>) target_semaphore(%arg18 : memref<!tpu.dma_semaphore, #tpu.memory_space<semaphore_mem>>)
    %dma_wait3A_594 = arith.constant 0 : i32
    %dma_wait3A_595 = arith.constant 0 : i32
    %dma_wait3A_596 = arith.constant 0 : i32
    %dma_wait3A_597 = tpu.memref_slice %arg12[%dma_wait3A_594, %dma_wait3A_595, %dma_wait3A_596] : memref<6x128x64xf32, #tpu.memory_space<vmem>> -> memref<1x128x64xf32, #tpu.memory_space<vmem>>
    %dma_wait3A_598 = tpu.memref_squeeze %dma_wait3A_597 : memref<1x128x64xf32, #tpu.memory_space<vmem>> -> memref<128x64xf32, #tpu.memory_space<vmem>>
    %dma_wait3A_599 = arith.constant 0 : i32
    %dma_wait3A_600 = arith.constant 0 : i32
    %dma_wait3A_601 = tpu.memref_slice %arg12[%dma_wait3A_594, %dma_wait3A_599, %dma_wait3A_600] : memref<6x128x64xf32, #tpu.memory_space<vmem>> -> memref<1x128x64xf32, #tpu.memory_space<vmem>>
    %dma_wait3A_602 = tpu.memref_squeeze %dma_wait3A_601 : memref<1x128x64xf32, #tpu.memory_space<vmem>> -> memref<128x64xf32, #tpu.memory_space<vmem>>
    tpu.wait_dma2 semaphore(%arg16 : memref<!tpu.dma_semaphore, #tpu.memory_space<semaphore_mem>>) src(%arg5 : memref<128x64xf32, #tpu.memory_space<hbm>>) dst(%dma_wait3A_602 : memref<128x64xf32, #tpu.memory_space<vmem>>)
    %dma_wait3A_603 = arith.constant 0 : i32
    %dma_wait3A_604 = arith.constant 0 : i32
    %dma_wait3A_605 = arith.constant 0 : i32
    %dma_wait3A_606 = arith.constant 0 : i32
    %dma_wait3A_607 = arith.constant 0 : i32
    %dma_wait3A_608 = tpu.memref_slice %arg10[%dma_wait3A_605, %dma_wait3A_606, %dma_wait3A_607] : memref<4x4x128xi32, #tpu.memory_space<vmem>> -> memref<1x4x128xi32, #tpu.memory_space<vmem>>
    %dma_wait3A_609 = tpu.memref_squeeze %dma_wait3A_608 : memref<1x4x128xi32, #tpu.memory_space<vmem>> -> memref<4x128xi32, #tpu.memory_space<vmem>>
    %dma_wait3A_610 = arith.constant 0 : i32
    %dma_wait3A_611 = arith.constant 0 : i32
    %dma_wait3A_612 = tpu.memref_slice %arg4[%dma_wait3A_603, %dma_wait3A_604, %dma_wait3A_610, %dma_wait3A_611] : memref<64x79x4x128xi32, #tpu.memory_space<hbm>> -> memref<1x1x4x128xi32, #tpu.memory_space<hbm>>
    %dma_wait3A_613 = tpu.memref_squeeze %dma_wait3A_612 : memref<1x1x4x128xi32, #tpu.memory_space<hbm>> -> memref<4x128xi32, #tpu.memory_space<hbm>>
    %dma_wait3A_614 = arith.constant 0 : i32
    %dma_wait3A_615 = arith.constant 0 : i32
    %dma_wait3A_616 = tpu.memref_slice %arg10[%dma_wait3A_605, %dma_wait3A_614, %dma_wait3A_615] : memref<4x4x128xi32, #tpu.memory_space<vmem>> -> memref<1x4x128xi32, #tpu.memory_space<vmem>>
    %dma_wait3A_617 = tpu.memref_squeeze %dma_wait3A_616 : memref<1x4x128xi32, #tpu.memory_space<vmem>> -> memref<4x128xi32, #tpu.memory_space<vmem>>
    %dma_wait3A_618 = arith.constant 0 : i32
    %dma_wait3A_619 = arith.constant 0 : i32
    %dma_wait3A_620 = tpu.memref_slice %arg4[%dma_wait3A_603, %dma_wait3A_604, %dma_wait3A_618, %dma_wait3A_619] : memref<64x79x4x128xi32, #tpu.memory_space<hbm>> -> memref<1x1x4x128xi32, #tpu.memory_space<hbm>>
    %dma_wait3A_621 = tpu.memref_squeeze %dma_wait3A_620 : memref<1x1x4x128xi32, #tpu.memory_space<hbm>> -> memref<4x128xi32, #tpu.memory_space<hbm>>
    tpu.wait_dma2 semaphore(%arg18 : memref<!tpu.dma_semaphore, #tpu.memory_space<semaphore_mem>>) src(%dma_wait3A_621 : memref<4x128xi32, #tpu.memory_space<hbm>>) dst(%dma_wait3A_617 : memref<4x128xi32, #tpu.memory_space<vmem>>)
    %dma_wait3A_622 = arith.constant 0 : i32
    %dma_wait3A_623 = arith.constant 0 : i32
    %dma_wait3A_624 = arith.constant 0 : i32
    %dma_wait3A_625 = arith.constant 0 : i32
    %dma_wait3A_626 = arith.constant 0 : i32
    %dma_wait3A_627 = tpu.memref_slice %arg10[%dma_wait3A_624, %dma_wait3A_625, %dma_wait3A_626] : memref<4x4x128xi32, #tpu.memory_space<vmem>> -> memref<1x4x128xi32, #tpu.memory_space<vmem>>
    %dma_wait3A_628 = tpu.memref_squeeze %dma_wait3A_627 : memref<1x4x128xi32, #tpu.memory_space<vmem>> -> memref<4x128xi32, #tpu.memory_space<vmem>>
    %dma_wait3A_629 = arith.constant 0 : i32
    %dma_wait3A_630 = arith.constant 0 : i32
    %dma_wait3A_631 = tpu.memref_slice %arg4[%dma_wait3A_622, %dma_wait3A_623, %dma_wait3A_629, %dma_wait3A_630] : memref<64x79x4x128xi32, #tpu.memory_space<hbm>> -> memref<1x1x4x128xi32, #tpu.memory_space<hbm>>
    %dma_wait3A_632 = tpu.memref_squeeze %dma_wait3A_631 : memref<1x1x4x128xi32, #tpu.memory_space<hbm>> -> memref<4x128xi32, #tpu.memory_space<hbm>>
    %dma_wait3A_633 = arith.constant 0 : i32
    %dma_wait3A_634 = arith.constant 0 : i32
    %dma_wait3A_635 = tpu.memref_slice %arg10[%dma_wait3A_624, %dma_wait3A_633, %dma_wait3A_634] : memref<4x4x128xi32, #tpu.memory_space<vmem>> -> memref<1x4x128xi32, #tpu.memory_space<vmem>>
    %dma_wait3A_636 = tpu.memref_squeeze %dma_wait3A_635 : memref<1x4x128xi32, #tpu.memory_space<vmem>> -> memref<4x128xi32, #tpu.memory_space<vmem>>
    %dma_wait3A_637 = arith.constant 0 : i32
    %dma_wait3A_638 = arith.constant 0 : i32
    %dma_wait3A_639 = tpu.memref_slice %arg4[%dma_wait3A_622, %dma_wait3A_623, %dma_wait3A_637, %dma_wait3A_638] : memref<64x79x4x128xi32, #tpu.memory_space<hbm>> -> memref<1x1x4x128xi32, #tpu.memory_space<hbm>>
    %dma_wait3A_640 = tpu.memref_squeeze %dma_wait3A_639 : memref<1x1x4x128xi32, #tpu.memory_space<hbm>> -> memref<4x128xi32, #tpu.memory_space<hbm>>
    tpu.wait_dma2 semaphore(%arg18 : memref<!tpu.dma_semaphore, #tpu.memory_space<semaphore_mem>>) src(%dma_wait3A_640 : memref<4x128xi32, #tpu.memory_space<hbm>>) dst(%dma_wait3A_636 : memref<4x128xi32, #tpu.memory_space<vmem>>)
    %dma_start3A_641 = arith.constant 1 : i32
    %dma_start3A_642 = arith.constant 0 : i32
    %dma_start3A_643 = arith.constant 4 : i32
    %dma_start3A_644 = arith.constant 0 : i32
    %dma_start3A_645 = arith.constant 0 : i32
    %dma_start3A_646 = tpu.memref_slice %arg12[%dma_start3A_643, %dma_start3A_644, %dma_start3A_645] : memref<6x128x64xf32, #tpu.memory_space<vmem>> -> memref<1x128x64xf32, #tpu.memory_space<vmem>>
    %dma_start3A_647 = tpu.memref_squeeze %dma_start3A_646 : memref<1x128x64xf32, #tpu.memory_space<vmem>> -> memref<128x64xf32, #tpu.memory_space<vmem>>
    %dma_start3A_648 = arith.constant 0 : i32
    %dma_start3A_649 = tpu.memref_slice %arg10[%dma_start3A_641, %dma_start3A_642, %dma_start3A_648] : memref<4x4x128xi32, #tpu.memory_space<vmem>> -> memref<1x1x128xi32, #tpu.memory_space<vmem>>
    %dma_start3A_650 = tpu.memref_squeeze %dma_start3A_649 : memref<1x1x128xi32, #tpu.memory_space<vmem>> -> memref<128xi32, #tpu.memory_space<vmem>>
    %dma_start3A_651 = arith.constant 0 : i32
    %dma_start3A_652 = arith.constant 0 : i32
    %dma_start3A_653 = tpu.memref_slice %arg3[%dma_start3A_651, %dma_start3A_652] : memref<20000x64xf32, #tpu.memory_space<hbm>> -> memref<20000x64xf32, #tpu.memory_space<hbm>>
    tpu.enqueue_indirect_dma source(%dma_start3A_653 : memref<20000x64xf32, #tpu.memory_space<hbm>>) target(%dma_start3A_647 : memref<128x64xf32, #tpu.memory_space<vmem>>) offsets(%dma_start3A_650 : memref<128xi32, #tpu.memory_space<vmem>>) semaphore(%arg16 : memref<!tpu.dma_semaphore, #tpu.memory_space<semaphore_mem>>)
    %dma_start3A_654 = arith.constant 0 : i32
    %dma_start3A_655 = arith.constant 0 : i32
    %dma_start3A_656 = arith.constant 0 : i32
    %dma_start3A_657 = arith.constant 0 : i32
    %dma_start3A_658 = arith.constant 0 : i32
    %dma_start3A_659 = tpu.memref_slice %arg12[%dma_start3A_654, %dma_start3A_657, %dma_start3A_658] : memref<6x128x64xf32, #tpu.memory_space<vmem>> -> memref<1x128x64xf32, #tpu.memory_space<vmem>>
    %dma_start3A_660 = tpu.memref_squeeze %dma_start3A_659 : memref<1x128x64xf32, #tpu.memory_space<vmem>> -> memref<128x64xf32, #tpu.memory_space<vmem>>
    %dma_start3A_661 = arith.constant 0 : i32
    %dma_start3A_662 = tpu.memref_slice %arg11[%dma_start3A_655, %dma_start3A_656, %dma_start3A_661] : memref<4x4x128xi32, #tpu.memory_space<vmem>> -> memref<1x1x128xi32, #tpu.memory_space<vmem>>
    %dma_start3A_663 = tpu.memref_squeeze %dma_start3A_662 : memref<1x1x128xi32, #tpu.memory_space<vmem>> -> memref<128xi32, #tpu.memory_space<vmem>>
    %dma_start3A_664 = arith.constant 0 : i32
    %dma_start3A_665 = arith.constant 0 : i32
    %dma_start3A_666 = tpu.memref_slice %arg14[%dma_start3A_664, %dma_start3A_665] : memref<10240x64xf32, #tpu.memory_space<vmem_shared>> -> memref<10240x64xf32, #tpu.memory_space<vmem_shared>>
    tpu.enqueue_indirect_dma source(%dma_start3A_660 : memref<128x64xf32, #tpu.memory_space<vmem>>) target(%dma_start3A_666 : memref<10240x64xf32, #tpu.memory_space<vmem_shared>>) offsets(%dma_start3A_663 : memref<128xi32, #tpu.memory_space<vmem>>) semaphore(%arg17 : memref<!tpu.dma_semaphore, #tpu.memory_space<semaphore_mem>>) {add = true}
    %dma_wait3A_667 = arith.constant 0 : i32
    %dma_wait3A_668 = arith.constant 0 : i32
    %dma_wait3A_669 = arith.constant 0 : i32
    %dma_wait3A_670 = tpu.memref_slice %arg12[%dma_wait3A_667, %dma_wait3A_668, %dma_wait3A_669] : memref<6x128x64xf32, #tpu.memory_space<vmem>> -> memref<1x128x64xf32, #tpu.memory_space<vmem>>
    %dma_wait3A_671 = tpu.memref_squeeze %dma_wait3A_670 : memref<1x128x64xf32, #tpu.memory_space<vmem>> -> memref<128x64xf32, #tpu.memory_space<vmem>>
    %dma_wait3A_672 = arith.constant 0 : i32
    %dma_wait3A_673 = arith.constant 0 : i32
    %dma_wait3A_674 = tpu.memref_slice %arg12[%dma_wait3A_667, %dma_wait3A_672, %dma_wait3A_673] : memref<6x128x64xf32, #tpu.memory_space<vmem>> -> memref<1x128x64xf32, #tpu.memory_space<vmem>>
    %dma_wait3A_675 = tpu.memref_squeeze %dma_wait3A_674 : memref<1x128x64xf32, #tpu.memory_space<vmem>> -> memref<128x64xf32, #tpu.memory_space<vmem>>
    tpu.wait_dma2 semaphore(%arg16 : memref<!tpu.dma_semaphore, #tpu.memory_space<semaphore_mem>>) src(%arg5 : memref<128x64xf32, #tpu.memory_space<hbm>>) dst(%dma_wait3A_675 : memref<128x64xf32, #tpu.memory_space<vmem>>)
    %dma_start3A_676 = arith.constant 1 : i32
    %dma_start3A_677 = arith.constant 1 : i32
    %dma_start3A_678 = arith.constant 5 : i32
    %dma_start3A_679 = arith.constant 0 : i32
    %dma_start3A_680 = arith.constant 0 : i32
    %dma_start3A_681 = tpu.memref_slice %arg12[%dma_start3A_678, %dma_start3A_679, %dma_start3A_680] : memref<6x128x64xf32, #tpu.memory_space<vmem>> -> memref<1x128x64xf32, #tpu.memory_space<vmem>>
    %dma_start3A_682 = tpu.memref_squeeze %dma_start3A_681 : memref<1x128x64xf32, #tpu.memory_space<vmem>> -> memref<128x64xf32, #tpu.memory_space<vmem>>
    %dma_start3A_683 = arith.constant 0 : i32
    %dma_start3A_684 = tpu.memref_slice %arg10[%dma_start3A_676, %dma_start3A_677, %dma_start3A_683] : memref<4x4x128xi32, #tpu.memory_space<vmem>> -> memref<1x1x128xi32, #tpu.memory_space<vmem>>
    %dma_start3A_685 = tpu.memref_squeeze %dma_start3A_684 : memref<1x1x128xi32, #tpu.memory_space<vmem>> -> memref<128xi32, #tpu.memory_space<vmem>>
    %dma_start3A_686 = arith.constant 0 : i32
    %dma_start3A_687 = arith.constant 0 : i32
    %dma_start3A_688 = tpu.memref_slice %arg3[%dma_start3A_686, %dma_start3A_687] : memref<20000x64xf32, #tpu.memory_space<hbm>> -> memref<20000x64xf32, #tpu.memory_space<hbm>>
    tpu.enqueue_indirect_dma source(%dma_start3A_688 : memref<20000x64xf32, #tpu.memory_space<hbm>>) target(%dma_start3A_682 : memref<128x64xf32, #tpu.memory_space<vmem>>) offsets(%dma_start3A_685 : memref<128xi32, #tpu.memory_space<vmem>>) semaphore(%arg16 : memref<!tpu.dma_semaphore, #tpu.memory_space<semaphore_mem>>)
    %dma_start3A_689 = arith.constant 1 : i32
    %dma_start3A_690 = arith.constant 0 : i32
    %dma_start3A_691 = arith.constant 1 : i32
    %dma_start3A_692 = arith.constant 0 : i32
    %dma_start3A_693 = arith.constant 0 : i32
    %dma_start3A_694 = tpu.memref_slice %arg12[%dma_start3A_689, %dma_start3A_692, %dma_start3A_693] : memref<6x128x64xf32, #tpu.memory_space<vmem>> -> memref<1x128x64xf32, #tpu.memory_space<vmem>>
    %dma_start3A_695 = tpu.memref_squeeze %dma_start3A_694 : memref<1x128x64xf32, #tpu.memory_space<vmem>> -> memref<128x64xf32, #tpu.memory_space<vmem>>
    %dma_start3A_696 = arith.constant 0 : i32
    %dma_start3A_697 = tpu.memref_slice %arg11[%dma_start3A_690, %dma_start3A_691, %dma_start3A_696] : memref<4x4x128xi32, #tpu.memory_space<vmem>> -> memref<1x1x128xi32, #tpu.memory_space<vmem>>
    %dma_start3A_698 = tpu.memref_squeeze %dma_start3A_697 : memref<1x1x128xi32, #tpu.memory_space<vmem>> -> memref<128xi32, #tpu.memory_space<vmem>>
    %dma_start3A_699 = arith.constant 0 : i32
    %dma_start3A_700 = arith.constant 0 : i32
    %dma_start3A_701 = tpu.memref_slice %arg14[%dma_start3A_699, %dma_start3A_700] : memref<10240x64xf32, #tpu.memory_space<vmem_shared>> -> memref<10240x64xf32, #tpu.memory_space<vmem_shared>>
    tpu.enqueue_indirect_dma source(%dma_start3A_695 : memref<128x64xf32, #tpu.memory_space<vmem>>) target(%dma_start3A_701 : memref<10240x64xf32, #tpu.memory_space<vmem_shared>>) offsets(%dma_start3A_698 : memref<128xi32, #tpu.memory_space<vmem>>) semaphore(%arg17 : memref<!tpu.dma_semaphore, #tpu.memory_space<semaphore_mem>>) {add = true}
    %dma_wait3A_702 = arith.constant 0 : i32
    %dma_wait3A_703 = arith.constant 0 : i32
    %dma_wait3A_704 = arith.constant 0 : i32
    %dma_wait3A_705 = tpu.memref_slice %arg12[%dma_wait3A_702, %dma_wait3A_703, %dma_wait3A_704] : memref<6x128x64xf32, #tpu.memory_space<vmem>> -> memref<1x128x64xf32, #tpu.memory_space<vmem>>
    %dma_wait3A_706 = tpu.memref_squeeze %dma_wait3A_705 : memref<1x128x64xf32, #tpu.memory_space<vmem>> -> memref<128x64xf32, #tpu.memory_space<vmem>>
    %dma_wait3A_707 = arith.constant 0 : i32
    %dma_wait3A_708 = arith.constant 0 : i32
    %dma_wait3A_709 = tpu.memref_slice %arg12[%dma_wait3A_702, %dma_wait3A_707, %dma_wait3A_708] : memref<6x128x64xf32, #tpu.memory_space<vmem>> -> memref<1x128x64xf32, #tpu.memory_space<vmem>>
    %dma_wait3A_710 = tpu.memref_squeeze %dma_wait3A_709 : memref<1x128x64xf32, #tpu.memory_space<vmem>> -> memref<128x64xf32, #tpu.memory_space<vmem>>
    tpu.wait_dma2 semaphore(%arg16 : memref<!tpu.dma_semaphore, #tpu.memory_space<semaphore_mem>>) src(%arg5 : memref<128x64xf32, #tpu.memory_space<hbm>>) dst(%dma_wait3A_710 : memref<128x64xf32, #tpu.memory_space<vmem>>)
    %dma_wait3A_711 = arith.constant 0 : i32
    %dma_wait3A_712 = arith.constant 0 : i32
    %dma_wait3A_713 = arith.constant 0 : i32
    %dma_wait3A_714 = tpu.memref_slice %arg12[%dma_wait3A_711, %dma_wait3A_712, %dma_wait3A_713] : memref<6x128x64xf32, #tpu.memory_space<vmem>> -> memref<1x128x64xf32, #tpu.memory_space<vmem>>
    %dma_wait3A_715 = tpu.memref_squeeze %dma_wait3A_714 : memref<1x128x64xf32, #tpu.memory_space<vmem>> -> memref<128x64xf32, #tpu.memory_space<vmem>>
    %dma_wait3A_716 = arith.constant 0 : i32
    %dma_wait3A_717 = arith.constant 0 : i32
    %dma_wait3A_718 = tpu.memref_slice %arg12[%dma_wait3A_711, %dma_wait3A_716, %dma_wait3A_717] : memref<6x128x64xf32, #tpu.memory_space<vmem>> -> memref<1x128x64xf32, #tpu.memory_space<vmem>>
    %dma_wait3A_719 = tpu.memref_squeeze %dma_wait3A_718 : memref<1x128x64xf32, #tpu.memory_space<vmem>> -> memref<128x64xf32, #tpu.memory_space<vmem>>
    tpu.wait_dma2 semaphore(%arg17 : memref<!tpu.dma_semaphore, #tpu.memory_space<semaphore_mem>>) src(%arg5 : memref<128x64xf32, #tpu.memory_space<hbm>>) dst(%dma_wait3A_719 : memref<128x64xf32, #tpu.memory_space<vmem>>)
    %dma_start3A_720 = arith.constant 1 : i32
    %dma_start3A_721 = arith.constant 2 : i32
    %dma_start3A_722 = arith.constant 0 : i32
    %dma_start3A_723 = arith.constant 0 : i32
    %dma_start3A_724 = arith.constant 0 : i32
    %dma_start3A_725 = tpu.memref_slice %arg12[%dma_start3A_722, %dma_start3A_723, %dma_start3A_724] : memref<6x128x64xf32, #tpu.memory_space<vmem>> -> memref<1x128x64xf32, #tpu.memory_space<vmem>>
    %dma_start3A_726 = tpu.memref_squeeze %dma_start3A_725 : memref<1x128x64xf32, #tpu.memory_space<vmem>> -> memref<128x64xf32, #tpu.memory_space<vmem>>
    %dma_start3A_727 = arith.constant 0 : i32
    %dma_start3A_728 = tpu.memref_slice %arg10[%dma_start3A_720, %dma_start3A_721, %dma_start3A_727] : memref<4x4x128xi32, #tpu.memory_space<vmem>> -> memref<1x1x128xi32, #tpu.memory_space<vmem>>
    %dma_start3A_729 = tpu.memref_squeeze %dma_start3A_728 : memref<1x1x128xi32, #tpu.memory_space<vmem>> -> memref<128xi32, #tpu.memory_space<vmem>>
    %dma_start3A_730 = arith.constant 0 : i32
    %dma_start3A_731 = arith.constant 0 : i32
    %dma_start3A_732 = tpu.memref_slice %arg3[%dma_start3A_730, %dma_start3A_731] : memref<20000x64xf32, #tpu.memory_space<hbm>> -> memref<20000x64xf32, #tpu.memory_space<hbm>>
    tpu.enqueue_indirect_dma source(%dma_start3A_732 : memref<20000x64xf32, #tpu.memory_space<hbm>>) target(%dma_start3A_726 : memref<128x64xf32, #tpu.memory_space<vmem>>) offsets(%dma_start3A_729 : memref<128xi32, #tpu.memory_space<vmem>>) semaphore(%arg16 : memref<!tpu.dma_semaphore, #tpu.memory_space<semaphore_mem>>)
    %dma_start3A_733 = arith.constant 2 : i32
    %dma_start3A_734 = arith.constant 0 : i32
    %dma_start3A_735 = arith.constant 2 : i32
    %dma_start3A_736 = arith.constant 0 : i32
    %dma_start3A_737 = arith.constant 0 : i32
    %dma_start3A_738 = tpu.memref_slice %arg12[%dma_start3A_733, %dma_start3A_736, %dma_start3A_737] : memref<6x128x64xf32, #tpu.memory_space<vmem>> -> memref<1x128x64xf32, #tpu.memory_space<vmem>>
    %dma_start3A_739 = tpu.memref_squeeze %dma_start3A_738 : memref<1x128x64xf32, #tpu.memory_space<vmem>> -> memref<128x64xf32, #tpu.memory_space<vmem>>
    %dma_start3A_740 = arith.constant 0 : i32
    %dma_start3A_741 = tpu.memref_slice %arg11[%dma_start3A_734, %dma_start3A_735, %dma_start3A_740] : memref<4x4x128xi32, #tpu.memory_space<vmem>> -> memref<1x1x128xi32, #tpu.memory_space<vmem>>
    %dma_start3A_742 = tpu.memref_squeeze %dma_start3A_741 : memref<1x1x128xi32, #tpu.memory_space<vmem>> -> memref<128xi32, #tpu.memory_space<vmem>>
    %dma_start3A_743 = arith.constant 0 : i32
    %dma_start3A_744 = arith.constant 0 : i32
    %dma_start3A_745 = tpu.memref_slice %arg14[%dma_start3A_743, %dma_start3A_744] : memref<10240x64xf32, #tpu.memory_space<vmem_shared>> -> memref<10240x64xf32, #tpu.memory_space<vmem_shared>>
    tpu.enqueue_indirect_dma source(%dma_start3A_739 : memref<128x64xf32, #tpu.memory_space<vmem>>) target(%dma_start3A_745 : memref<10240x64xf32, #tpu.memory_space<vmem_shared>>) offsets(%dma_start3A_742 : memref<128xi32, #tpu.memory_space<vmem>>) semaphore(%arg17 : memref<!tpu.dma_semaphore, #tpu.memory_space<semaphore_mem>>) {add = true}
    %dma_wait3A_746 = arith.constant 0 : i32
    %dma_wait3A_747 = arith.constant 0 : i32
    %dma_wait3A_748 = arith.constant 0 : i32
    %dma_wait3A_749 = tpu.memref_slice %arg12[%dma_wait3A_746, %dma_wait3A_747, %dma_wait3A_748] : memref<6x128x64xf32, #tpu.memory_space<vmem>> -> memref<1x128x64xf32, #tpu.memory_space<vmem>>
    %dma_wait3A_750 = tpu.memref_squeeze %dma_wait3A_749 : memref<1x128x64xf32, #tpu.memory_space<vmem>> -> memref<128x64xf32, #tpu.memory_space<vmem>>
    %dma_wait3A_751 = arith.constant 0 : i32
    %dma_wait3A_752 = arith.constant 0 : i32
    %dma_wait3A_753 = tpu.memref_slice %arg12[%dma_wait3A_746, %dma_wait3A_751, %dma_wait3A_752] : memref<6x128x64xf32, #tpu.memory_space<vmem>> -> memref<1x128x64xf32, #tpu.memory_space<vmem>>
    %dma_wait3A_754 = tpu.memref_squeeze %dma_wait3A_753 : memref<1x128x64xf32, #tpu.memory_space<vmem>> -> memref<128x64xf32, #tpu.memory_space<vmem>>
    tpu.wait_dma2 semaphore(%arg16 : memref<!tpu.dma_semaphore, #tpu.memory_space<semaphore_mem>>) src(%arg5 : memref<128x64xf32, #tpu.memory_space<hbm>>) dst(%dma_wait3A_754 : memref<128x64xf32, #tpu.memory_space<vmem>>)
    %dma_wait3A_755 = arith.constant 0 : i32
    %dma_wait3A_756 = arith.constant 0 : i32
    %dma_wait3A_757 = arith.constant 0 : i32
    %dma_wait3A_758 = tpu.memref_slice %arg12[%dma_wait3A_755, %dma_wait3A_756, %dma_wait3A_757] : memref<6x128x64xf32, #tpu.memory_space<vmem>> -> memref<1x128x64xf32, #tpu.memory_space<vmem>>
    %dma_wait3A_759 = tpu.memref_squeeze %dma_wait3A_758 : memref<1x128x64xf32, #tpu.memory_space<vmem>> -> memref<128x64xf32, #tpu.memory_space<vmem>>
    %dma_wait3A_760 = arith.constant 0 : i32
    %dma_wait3A_761 = arith.constant 0 : i32
    %dma_wait3A_762 = tpu.memref_slice %arg12[%dma_wait3A_755, %dma_wait3A_760, %dma_wait3A_761] : memref<6x128x64xf32, #tpu.memory_space<vmem>> -> memref<1x128x64xf32, #tpu.memory_space<vmem>>
    %dma_wait3A_763 = tpu.memref_squeeze %dma_wait3A_762 : memref<1x128x64xf32, #tpu.memory_space<vmem>> -> memref<128x64xf32, #tpu.memory_space<vmem>>
    tpu.wait_dma2 semaphore(%arg17 : memref<!tpu.dma_semaphore, #tpu.memory_space<semaphore_mem>>) src(%arg5 : memref<128x64xf32, #tpu.memory_space<hbm>>) dst(%dma_wait3A_763 : memref<128x64xf32, #tpu.memory_space<vmem>>)
    %dma_start3A_764 = arith.constant 1 : i32
    %dma_start3A_765 = arith.constant 3 : i32
    %dma_start3A_766 = arith.constant 1 : i32
    %dma_start3A_767 = arith.constant 0 : i32
    %dma_start3A_768 = arith.constant 0 : i32
    %dma_start3A_769 = tpu.memref_slice %arg12[%dma_start3A_766, %dma_start3A_767, %dma_start3A_768] : memref<6x128x64xf32, #tpu.memory_space<vmem>> -> memref<1x128x64xf32, #tpu.memory_space<vmem>>
    %dma_start3A_770 = tpu.memref_squeeze %dma_start3A_769 : memref<1x128x64xf32, #tpu.memory_space<vmem>> -> memref<128x64xf32, #tpu.memory_space<vmem>>
    %dma_start3A_771 = arith.constant 0 : i32
    %dma_start3A_772 = tpu.memref_slice %arg10[%dma_start3A_764, %dma_start3A_765, %dma_start3A_771] : memref<4x4x128xi32, #tpu.memory_space<vmem>> -> memref<1x1x128xi32, #tpu.memory_space<vmem>>
    %dma_start3A_773 = tpu.memref_squeeze %dma_start3A_772 : memref<1x1x128xi32, #tpu.memory_space<vmem>> -> memref<128xi32, #tpu.memory_space<vmem>>
    %dma_start3A_774 = arith.constant 0 : i32
    %dma_start3A_775 = arith.constant 0 : i32
    %dma_start3A_776 = tpu.memref_slice %arg3[%dma_start3A_774, %dma_start3A_775] : memref<20000x64xf32, #tpu.memory_space<hbm>> -> memref<20000x64xf32, #tpu.memory_space<hbm>>
    tpu.enqueue_indirect_dma source(%dma_start3A_776 : memref<20000x64xf32, #tpu.memory_space<hbm>>) target(%dma_start3A_770 : memref<128x64xf32, #tpu.memory_space<vmem>>) offsets(%dma_start3A_773 : memref<128xi32, #tpu.memory_space<vmem>>) semaphore(%arg16 : memref<!tpu.dma_semaphore, #tpu.memory_space<semaphore_mem>>)
    %dma_start3A_777 = arith.constant 3 : i32
    %dma_start3A_778 = arith.constant 0 : i32
    %dma_start3A_779 = arith.constant 3 : i32
    %dma_start3A_780 = arith.constant 0 : i32
    %dma_start3A_781 = arith.constant 0 : i32
    %dma_start3A_782 = tpu.memref_slice %arg12[%dma_start3A_777, %dma_start3A_780, %dma_start3A_781] : memref<6x128x64xf32, #tpu.memory_space<vmem>> -> memref<1x128x64xf32, #tpu.memory_space<vmem>>
    %dma_start3A_783 = tpu.memref_squeeze %dma_start3A_782 : memref<1x128x64xf32, #tpu.memory_space<vmem>> -> memref<128x64xf32, #tpu.memory_space<vmem>>
    %dma_start3A_784 = arith.constant 0 : i32
    %dma_start3A_785 = tpu.memref_slice %arg11[%dma_start3A_778, %dma_start3A_779, %dma_start3A_784] : memref<4x4x128xi32, #tpu.memory_space<vmem>> -> memref<1x1x128xi32, #tpu.memory_space<vmem>>
    %dma_start3A_786 = tpu.memref_squeeze %dma_start3A_785 : memref<1x1x128xi32, #tpu.memory_space<vmem>> -> memref<128xi32, #tpu.memory_space<vmem>>
    %dma_start3A_787 = arith.constant 0 : i32
    %dma_start3A_788 = arith.constant 0 : i32
    %dma_start3A_789 = tpu.memref_slice %arg14[%dma_start3A_787, %dma_start3A_788] : memref<10240x64xf32, #tpu.memory_space<vmem_shared>> -> memref<10240x64xf32, #tpu.memory_space<vmem_shared>>
    tpu.enqueue_indirect_dma source(%dma_start3A_783 : memref<128x64xf32, #tpu.memory_space<vmem>>) target(%dma_start3A_789 : memref<10240x64xf32, #tpu.memory_space<vmem_shared>>) offsets(%dma_start3A_786 : memref<128xi32, #tpu.memory_space<vmem>>) semaphore(%arg17 : memref<!tpu.dma_semaphore, #tpu.memory_space<semaphore_mem>>) {add = true}
    %scan3A_790 = arith.constant 0 : i32
    %scan3A_791 = arith.constant 1 : i32
    %scan3A_792 = arith.constant 78 : i32
    %scan3A_793 = arith.addi %scan3A_791, %scan3A_792 : i32
    %scan3A_794 = arith.constant 1 : i32
    scf.for %scan3A_840 = %scan3A_791 to %scan3A_793 step %scan3A_794  : i32 {
      %rem3A = arith.constant 4 : i32
      %rem3A_841 = arith.remsi %scan3A_840, %rem3A : i32
      %add3A_842 = arith.constant 1 : i32
      %add3A_843 = arith.addi %scan3A_840, %add3A_842 : i32
      %rem3A_844 = arith.constant 4 : i32
      %rem3A_845 = arith.remsi %add3A_843, %rem3A_844 : i32
      %lt3A = arith.constant 78 : i32
      %lt3A_846 = arith.cmpi slt, %scan3A_840, %lt3A : i32
      %lt3A_847 = arith.constant 77 : i32
      %lt3A_848 = arith.cmpi slt, %scan3A_840, %lt3A_847 : i32
      %convert_element_type3A = arith.extui %lt3A_848 : i1 to i32
      %cond3A = arith.constant 0 : i32
      %cond3A_849 = arith.cmpi ne, %convert_element_type3A, %cond3A : i32
      scf.if %cond3A_849 {
        %add3A_1021 = arith.constant 2 : i32
        %add3A_1022 = arith.addi %scan3A_840, %add3A_1021 : i32
        %add3A_1023 = arith.constant 2 : i32
        %add3A_1024 = arith.addi %scan3A_840, %add3A_1023 : i32
        %rem3A_1025 = arith.constant 4 : i32
        %rem3A_1026 = arith.remsi %add3A_1024, %rem3A_1025 : i32
        %dma_start3A_1027 = arith.constant 0 : i32
        %dma_start3A_1028 = arith.constant 0 : i32
        %dma_start3A_1029 = tpu.memref_slice %arg10[%rem3A_1026, %dma_start3A_1027, %dma_start3A_1028] : memref<4x4x128xi32, #tpu.memory_space<vmem>> -> memref<1x4x128xi32, #tpu.memory_space<vmem>>
        %dma_start3A_1030 = tpu.memref_squeeze %dma_start3A_1029 : memref<1x4x128xi32, #tpu.memory_space<vmem>> -> memref<4x128xi32, #tpu.memory_space<vmem>>
        %dma_start3A_1031 = arith.constant 0 : i32
        %dma_start3A_1032 = arith.constant 0 : i32
        %dma_start3A_1033 = tpu.memref_slice %arg4[%add3A, %add3A_1022, %dma_start3A_1031, %dma_start3A_1032] : memref<64x79x4x128xi32, #tpu.memory_space<hbm>> -> memref<1x1x4x128xi32, #tpu.memory_space<hbm>>
        %dma_start3A_1034 = tpu.memref_squeeze %dma_start3A_1033 : memref<1x1x4x128xi32, #tpu.memory_space<hbm>> -> memref<4x128xi32, #tpu.memory_space<hbm>>
        %dma_start3A_1035 = arith.constant 0 : i32
        %dma_start3A_1036 = arith.constant 0 : i32
        %dma_start3A_1037 = tpu.memref_slice %arg10[%rem3A_1026, %dma_start3A_1035, %dma_start3A_1036] : memref<4x4x128xi32, #tpu.memory_space<vmem>> -> memref<1x4x128xi32, #tpu.memory_space<vmem>>
        %dma_start3A_1038 = tpu.memref_squeeze %dma_start3A_1037 : memref<1x4x128xi32, #tpu.memory_space<vmem>> -> memref<4x128xi32, #tpu.memory_space<vmem>>
        %dma_start3A_1039 = arith.constant 0 : i32
        %dma_start3A_1040 = arith.constant 0 : i32
        %dma_start3A_1041 = tpu.memref_slice %arg4[%add3A, %add3A_1022, %dma_start3A_1039, %dma_start3A_1040] : memref<64x79x4x128xi32, #tpu.memory_space<hbm>> -> memref<1x1x4x128xi32, #tpu.memory_space<hbm>>
        %dma_start3A_1042 = tpu.memref_squeeze %dma_start3A_1041 : memref<1x1x4x128xi32, #tpu.memory_space<hbm>> -> memref<4x128xi32, #tpu.memory_space<hbm>>
        tpu.enqueue_dma source(%dma_start3A_1042 : memref<4x128xi32, #tpu.memory_space<hbm>>) target(%dma_start3A_1038 : memref<4x128xi32, #tpu.memory_space<vmem>>) target_semaphore(%arg18 : memref<!tpu.dma_semaphore, #tpu.memory_space<semaphore_mem>>)
        %dma_start3A_1043 = arith.constant 0 : i32
        %dma_start3A_1044 = arith.constant 0 : i32
        %dma_start3A_1045 = tpu.memref_slice %arg11[%rem3A_1026, %dma_start3A_1043, %dma_start3A_1044] : memref<4x4x128xi32, #tpu.memory_space<vmem>> -> memref<1x4x128xi32, #tpu.memory_space<vmem>>
        %dma_start3A_1046 = tpu.memref_squeeze %dma_start3A_1045 : memref<1x4x128xi32, #tpu.memory_space<vmem>> -> memref<4x128xi32, #tpu.memory_space<vmem>>
        %dma_start3A_1047 = arith.constant 0 : i32
        %dma_start3A_1048 = arith.constant 0 : i32
        %dma_start3A_1049 = tpu.memref_slice %arg4[%add3A_4, %add3A_1022, %dma_start3A_1047, %dma_start3A_1048] : memref<64x79x4x128xi32, #tpu.memory_space<hbm>> -> memref<1x1x4x128xi32, #tpu.memory_space<hbm>>
        %dma_start3A_1050 = tpu.memref_squeeze %dma_start3A_1049 : memref<1x1x4x128xi32, #tpu.memory_space<hbm>> -> memref<4x128xi32, #tpu.memory_space<hbm>>
        %dma_start3A_1051 = arith.constant 0 : i32
        %dma_start3A_1052 = arith.constant 0 : i32
        %dma_start3A_1053 = tpu.memref_slice %arg11[%rem3A_1026, %dma_start3A_1051, %dma_start3A_1052] : memref<4x4x128xi32, #tpu.memory_space<vmem>> -> memref<1x4x128xi32, #tpu.memory_space<vmem>>
        %dma_start3A_1054 = tpu.memref_squeeze %dma_start3A_1053 : memref<1x4x128xi32, #tpu.memory_space<vmem>> -> memref<4x128xi32, #tpu.memory_space<vmem>>
        %dma_start3A_1055 = arith.constant 0 : i32
        %dma_start3A_1056 = arith.constant 0 : i32
        %dma_start3A_1057 = tpu.memref_slice %arg4[%add3A_4, %add3A_1022, %dma_start3A_1055, %dma_start3A_1056] : memref<64x79x4x128xi32, #tpu.memory_space<hbm>> -> memref<1x1x4x128xi32, #tpu.memory_space<hbm>>
        %dma_start3A_1058 = tpu.memref_squeeze %dma_start3A_1057 : memref<1x1x4x128xi32, #tpu.memory_space<hbm>> -> memref<4x128xi32, #tpu.memory_space<hbm>>
        tpu.enqueue_dma source(%dma_start3A_1058 : memref<4x128xi32, #tpu.memory_space<hbm>>) target(%dma_start3A_1054 : memref<4x128xi32, #tpu.memory_space<vmem>>) target_semaphore(%arg18 : memref<!tpu.dma_semaphore, #tpu.memory_space<semaphore_mem>>)
      } else {
      }
      %mul3A_850 = arith.constant 4 : i32
      %mul3A_851 = arith.muli %scan3A_840, %mul3A_850 : i32
      %add3A_852 = arith.constant 0 : i32
      %add3A_853 = arith.addi %mul3A_851, %add3A_852 : i32
      %rem3A_854 = arith.constant 6 : i32
      %rem3A_855 = arith.remsi %add3A_853, %rem3A_854 : i32
      %add3A_856 = arith.constant 4 : i32
      %add3A_857 = arith.addi %add3A_853, %add3A_856 : i32
      %rem3A_858 = arith.constant 6 : i32
      %rem3A_859 = arith.remsi %add3A_857, %rem3A_858 : i32
      %dma_wait3A_860 = arith.constant 0 : i32
      %dma_wait3A_861 = arith.constant 0 : i32
      %dma_wait3A_862 = arith.constant 0 : i32
      %dma_wait3A_863 = tpu.memref_slice %arg12[%dma_wait3A_860, %dma_wait3A_861, %dma_wait3A_862] : memref<6x128x64xf32, #tpu.memory_space<vmem>> -> memref<1x128x64xf32, #tpu.memory_space<vmem>>
      %dma_wait3A_864 = tpu.memref_squeeze %dma_wait3A_863 : memref<1x128x64xf32, #tpu.memory_space<vmem>> -> memref<128x64xf32, #tpu.memory_space<vmem>>
      %dma_wait3A_865 = arith.constant 0 : i32
      %dma_wait3A_866 = arith.constant 0 : i32
      %dma_wait3A_867 = tpu.memref_slice %arg12[%dma_wait3A_860, %dma_wait3A_865, %dma_wait3A_866] : memref<6x128x64xf32, #tpu.memory_space<vmem>> -> memref<1x128x64xf32, #tpu.memory_space<vmem>>
      %dma_wait3A_868 = tpu.memref_squeeze %dma_wait3A_867 : memref<1x128x64xf32, #tpu.memory_space<vmem>> -> memref<128x64xf32, #tpu.memory_space<vmem>>
      tpu.wait_dma2 semaphore(%arg16 : memref<!tpu.dma_semaphore, #tpu.memory_space<semaphore_mem>>) src(%arg5 : memref<128x64xf32, #tpu.memory_space<hbm>>) dst(%dma_wait3A_868 : memref<128x64xf32, #tpu.memory_space<vmem>>)
      %convert_element_type3A_869 = arith.extui %lt3A_846 : i1 to i32
      %cond3A_870 = arith.constant 0 : i32
      %cond3A_871 = arith.cmpi ne, %convert_element_type3A_869, %cond3A_870 : i32
      scf.if %cond3A_871 {
        %dma_wait3A_1021 = arith.constant 0 : i32
        %dma_wait3A_1022 = arith.constant 0 : i32
        %dma_wait3A_1023 = arith.constant 0 : i32
        %dma_wait3A_1024 = arith.constant 0 : i32
        %dma_wait3A_1025 = arith.constant 0 : i32
        %dma_wait3A_1026 = tpu.memref_slice %arg10[%dma_wait3A_1023, %dma_wait3A_1024, %dma_wait3A_1025] : memref<4x4x128xi32, #tpu.memory_space<vmem>> -> memref<1x4x128xi32, #tpu.memory_space<vmem>>
        %dma_wait3A_1027 = tpu.memref_squeeze %dma_wait3A_1026 : memref<1x4x128xi32, #tpu.memory_space<vmem>> -> memref<4x128xi32, #tpu.memory_space<vmem>>
        %dma_wait3A_1028 = arith.constant 0 : i32
        %dma_wait3A_1029 = arith.constant 0 : i32
        %dma_wait3A_1030 = tpu.memref_slice %arg4[%dma_wait3A_1021, %dma_wait3A_1022, %dma_wait3A_1028, %dma_wait3A_1029] : memref<64x79x4x128xi32, #tpu.memory_space<hbm>> -> memref<1x1x4x128xi32, #tpu.memory_space<hbm>>
        %dma_wait3A_1031 = tpu.memref_squeeze %dma_wait3A_1030 : memref<1x1x4x128xi32, #tpu.memory_space<hbm>> -> memref<4x128xi32, #tpu.memory_space<hbm>>
        %dma_wait3A_1032 = arith.constant 0 : i32
        %dma_wait3A_1033 = arith.constant 0 : i32
        %dma_wait3A_1034 = tpu.memref_slice %arg10[%dma_wait3A_1023, %dma_wait3A_1032, %dma_wait3A_1033] : memref<4x4x128xi32, #tpu.memory_space<vmem>> -> memref<1x4x128xi32, #tpu.memory_space<vmem>>
        %dma_wait3A_1035 = tpu.memref_squeeze %dma_wait3A_1034 : memref<1x4x128xi32, #tpu.memory_space<vmem>> -> memref<4x128xi32, #tpu.memory_space<vmem>>
        %dma_wait3A_1036 = arith.constant 0 : i32
        %dma_wait3A_1037 = arith.constant 0 : i32
        %dma_wait3A_1038 = tpu.memref_slice %arg4[%dma_wait3A_1021, %dma_wait3A_1022, %dma_wait3A_1036, %dma_wait3A_1037] : memref<64x79x4x128xi32, #tpu.memory_space<hbm>> -> memref<1x1x4x128xi32, #tpu.memory_space<hbm>>
        %dma_wait3A_1039 = tpu.memref_squeeze %dma_wait3A_1038 : memref<1x1x4x128xi32, #tpu.memory_space<hbm>> -> memref<4x128xi32, #tpu.memory_space<hbm>>
        tpu.wait_dma2 semaphore(%arg18 : memref<!tpu.dma_semaphore, #tpu.memory_space<semaphore_mem>>) src(%dma_wait3A_1039 : memref<4x128xi32, #tpu.memory_space<hbm>>) dst(%dma_wait3A_1035 : memref<4x128xi32, #tpu.memory_space<vmem>>)
        %dma_wait3A_1040 = arith.constant 0 : i32
        %dma_wait3A_1041 = arith.constant 0 : i32
        %dma_wait3A_1042 = arith.constant 0 : i32
        %dma_wait3A_1043 = arith.constant 0 : i32
        %dma_wait3A_1044 = arith.constant 0 : i32
        %dma_wait3A_1045 = tpu.memref_slice %arg10[%dma_wait3A_1042, %dma_wait3A_1043, %dma_wait3A_1044] : memref<4x4x128xi32, #tpu.memory_space<vmem>> -> memref<1x4x128xi32, #tpu.memory_space<vmem>>
        %dma_wait3A_1046 = tpu.memref_squeeze %dma_wait3A_1045 : memref<1x4x128xi32, #tpu.memory_space<vmem>> -> memref<4x128xi32, #tpu.memory_space<vmem>>
        %dma_wait3A_1047 = arith.constant 0 : i32
        %dma_wait3A_1048 = arith.constant 0 : i32
        %dma_wait3A_1049 = tpu.memref_slice %arg4[%dma_wait3A_1040, %dma_wait3A_1041, %dma_wait3A_1047, %dma_wait3A_1048] : memref<64x79x4x128xi32, #tpu.memory_space<hbm>> -> memref<1x1x4x128xi32, #tpu.memory_space<hbm>>
        %dma_wait3A_1050 = tpu.memref_squeeze %dma_wait3A_1049 : memref<1x1x4x128xi32, #tpu.memory_space<hbm>> -> memref<4x128xi32, #tpu.memory_space<hbm>>
        %dma_wait3A_1051 = arith.constant 0 : i32
        %dma_wait3A_1052 = arith.constant 0 : i32
        %dma_wait3A_1053 = tpu.memref_slice %arg10[%dma_wait3A_1042, %dma_wait3A_1051, %dma_wait3A_1052] : memref<4x4x128xi32, #tpu.memory_space<vmem>> -> memref<1x4x128xi32, #tpu.memory_space<vmem>>
        %dma_wait3A_1054 = tpu.memref_squeeze %dma_wait3A_1053 : memref<1x4x128xi32, #tpu.memory_space<vmem>> -> memref<4x128xi32, #tpu.memory_space<vmem>>
        %dma_wait3A_1055 = arith.constant 0 : i32
        %dma_wait3A_1056 = arith.constant 0 : i32
        %dma_wait3A_1057 = tpu.memref_slice %arg4[%dma_wait3A_1040, %dma_wait3A_1041, %dma_wait3A_1055, %dma_wait3A_1056] : memref<64x79x4x128xi32, #tpu.memory_space<hbm>> -> memref<1x1x4x128xi32, #tpu.memory_space<hbm>>
        %dma_wait3A_1058 = tpu.memref_squeeze %dma_wait3A_1057 : memref<1x1x4x128xi32, #tpu.memory_space<hbm>> -> memref<4x128xi32, #tpu.memory_space<hbm>>
        tpu.wait_dma2 semaphore(%arg18 : memref<!tpu.dma_semaphore, #tpu.memory_space<semaphore_mem>>) src(%dma_wait3A_1058 : memref<4x128xi32, #tpu.memory_space<hbm>>) dst(%dma_wait3A_1054 : memref<4x128xi32, #tpu.memory_space<vmem>>)
      } else {
      }
      %dma_wait3A_872 = arith.constant 0 : i32
      %dma_wait3A_873 = arith.constant 0 : i32
      %dma_wait3A_874 = arith.constant 0 : i32
      %dma_wait3A_875 = tpu.memref_slice %arg12[%dma_wait3A_872, %dma_wait3A_873, %dma_wait3A_874] : memref<6x128x64xf32, #tpu.memory_space<vmem>> -> memref<1x128x64xf32, #tpu.memory_space<vmem>>
      %dma_wait3A_876 = tpu.memref_squeeze %dma_wait3A_875 : memref<1x128x64xf32, #tpu.memory_space<vmem>> -> memref<128x64xf32, #tpu.memory_space<vmem>>
      %dma_wait3A_877 = arith.constant 0 : i32
      %dma_wait3A_878 = arith.constant 0 : i32
      %dma_wait3A_879 = tpu.memref_slice %arg12[%dma_wait3A_872, %dma_wait3A_877, %dma_wait3A_878] : memref<6x128x64xf32, #tpu.memory_space<vmem>> -> memref<1x128x64xf32, #tpu.memory_space<vmem>>
      %dma_wait3A_880 = tpu.memref_squeeze %dma_wait3A_879 : memref<1x128x64xf32, #tpu.memory_space<vmem>> -> memref<128x64xf32, #tpu.memory_space<vmem>>
      tpu.wait_dma2 semaphore(%arg17 : memref<!tpu.dma_semaphore, #tpu.memory_space<semaphore_mem>>) src(%arg5 : memref<128x64xf32, #tpu.memory_space<hbm>>) dst(%dma_wait3A_880 : memref<128x64xf32, #tpu.memory_space<vmem>>)
      %convert_element_type3A_881 = arith.extui %lt3A_846 : i1 to i32
      %cond3A_882 = arith.constant 0 : i32
      %cond3A_883 = arith.cmpi ne, %convert_element_type3A_881, %cond3A_882 : i32
      scf.if %cond3A_883 {
        %dma_start3A_1021 = arith.constant 0 : i32
        %dma_start3A_1022 = arith.constant 0 : i32
        %dma_start3A_1023 = arith.constant 0 : i32
        %dma_start3A_1024 = tpu.memref_slice %arg12[%rem3A_859, %dma_start3A_1022, %dma_start3A_1023] : memref<6x128x64xf32, #tpu.memory_space<vmem>> -> memref<1x128x64xf32, #tpu.memory_space<vmem>>
        %dma_start3A_1025 = tpu.memref_squeeze %dma_start3A_1024 : memref<1x128x64xf32, #tpu.memory_space<vmem>> -> memref<128x64xf32, #tpu.memory_space<vmem>>
        %dma_start3A_1026 = arith.constant 0 : i32
        %dma_start3A_1027 = tpu.memref_slice %arg10[%rem3A_845, %dma_start3A_1021, %dma_start3A_1026] : memref<4x4x128xi32, #tpu.memory_space<vmem>> -> memref<1x1x128xi32, #tpu.memory_space<vmem>>
        %dma_start3A_1028 = tpu.memref_squeeze %dma_start3A_1027 : memref<1x1x128xi32, #tpu.memory_space<vmem>> -> memref<128xi32, #tpu.memory_space<vmem>>
        %dma_start3A_1029 = arith.constant 0 : i32
        %dma_start3A_1030 = arith.constant 0 : i32
        %dma_start3A_1031 = tpu.memref_slice %arg3[%dma_start3A_1029, %dma_start3A_1030] : memref<20000x64xf32, #tpu.memory_space<hbm>> -> memref<20000x64xf32, #tpu.memory_space<hbm>>
        tpu.enqueue_indirect_dma source(%dma_start3A_1031 : memref<20000x64xf32, #tpu.memory_space<hbm>>) target(%dma_start3A_1025 : memref<128x64xf32, #tpu.memory_space<vmem>>) offsets(%dma_start3A_1028 : memref<128xi32, #tpu.memory_space<vmem>>) semaphore(%arg16 : memref<!tpu.dma_semaphore, #tpu.memory_space<semaphore_mem>>)
      } else {
      }
      %dma_start3A_884 = arith.constant 0 : i32
      %dma_start3A_885 = arith.constant 0 : i32
      %dma_start3A_886 = arith.constant 0 : i32
      %dma_start3A_887 = tpu.memref_slice %arg12[%rem3A_855, %dma_start3A_885, %dma_start3A_886] : memref<6x128x64xf32, #tpu.memory_space<vmem>> -> memref<1x128x64xf32, #tpu.memory_space<vmem>>
      %dma_start3A_888 = tpu.memref_squeeze %dma_start3A_887 : memref<1x128x64xf32, #tpu.memory_space<vmem>> -> memref<128x64xf32, #tpu.memory_space<vmem>>
      %dma_start3A_889 = arith.constant 0 : i32
      %dma_start3A_890 = tpu.memref_slice %arg11[%rem3A_841, %dma_start3A_884, %dma_start3A_889] : memref<4x4x128xi32, #tpu.memory_space<vmem>> -> memref<1x1x128xi32, #tpu.memory_space<vmem>>
      %dma_start3A_891 = tpu.memref_squeeze %dma_start3A_890 : memref<1x1x128xi32, #tpu.memory_space<vmem>> -> memref<128xi32, #tpu.memory_space<vmem>>
      %dma_start3A_892 = arith.constant 0 : i32
      %dma_start3A_893 = arith.constant 0 : i32
      %dma_start3A_894 = tpu.memref_slice %arg14[%dma_start3A_892, %dma_start3A_893] : memref<10240x64xf32, #tpu.memory_space<vmem_shared>> -> memref<10240x64xf32, #tpu.memory_space<vmem_shared>>
      tpu.enqueue_indirect_dma source(%dma_start3A_888 : memref<128x64xf32, #tpu.memory_space<vmem>>) target(%dma_start3A_894 : memref<10240x64xf32, #tpu.memory_space<vmem_shared>>) offsets(%dma_start3A_891 : memref<128xi32, #tpu.memory_space<vmem>>) semaphore(%arg17 : memref<!tpu.dma_semaphore, #tpu.memory_space<semaphore_mem>>) {add = true}
      %mul3A_895 = arith.constant 4 : i32
      %mul3A_896 = arith.muli %scan3A_840, %mul3A_895 : i32
      %add3A_897 = arith.constant 1 : i32
      %add3A_898 = arith.addi %mul3A_896, %add3A_897 : i32
      %rem3A_899 = arith.constant 6 : i32
      %rem3A_900 = arith.remsi %add3A_898, %rem3A_899 : i32
      %add3A_901 = arith.constant 4 : i32
      %add3A_902 = arith.addi %add3A_898, %add3A_901 : i32
      %rem3A_903 = arith.constant 6 : i32
      %rem3A_904 = arith.remsi %add3A_902, %rem3A_903 : i32
      %dma_wait3A_905 = arith.constant 0 : i32
      %dma_wait3A_906 = arith.constant 0 : i32
      %dma_wait3A_907 = arith.constant 0 : i32
      %dma_wait3A_908 = tpu.memref_slice %arg12[%dma_wait3A_905, %dma_wait3A_906, %dma_wait3A_907] : memref<6x128x64xf32, #tpu.memory_space<vmem>> -> memref<1x128x64xf32, #tpu.memory_space<vmem>>
      %dma_wait3A_909 = tpu.memref_squeeze %dma_wait3A_908 : memref<1x128x64xf32, #tpu.memory_space<vmem>> -> memref<128x64xf32, #tpu.memory_space<vmem>>
      %dma_wait3A_910 = arith.constant 0 : i32
      %dma_wait3A_911 = arith.constant 0 : i32
      %dma_wait3A_912 = tpu.memref_slice %arg12[%dma_wait3A_905, %dma_wait3A_910, %dma_wait3A_911] : memref<6x128x64xf32, #tpu.memory_space<vmem>> -> memref<1x128x64xf32, #tpu.memory_space<vmem>>
      %dma_wait3A_913 = tpu.memref_squeeze %dma_wait3A_912 : memref<1x128x64xf32, #tpu.memory_space<vmem>> -> memref<128x64xf32, #tpu.memory_space<vmem>>
      tpu.wait_dma2 semaphore(%arg16 : memref<!tpu.dma_semaphore, #tpu.memory_space<semaphore_mem>>) src(%arg5 : memref<128x64xf32, #tpu.memory_space<hbm>>) dst(%dma_wait3A_913 : memref<128x64xf32, #tpu.memory_space<vmem>>)
      %dma_wait3A_914 = arith.constant 0 : i32
      %dma_wait3A_915 = arith.constant 0 : i32
      %dma_wait3A_916 = arith.constant 0 : i32
      %dma_wait3A_917 = tpu.memref_slice %arg12[%dma_wait3A_914, %dma_wait3A_915, %dma_wait3A_916] : memref<6x128x64xf32, #tpu.memory_space<vmem>> -> memref<1x128x64xf32, #tpu.memory_space<vmem>>
      %dma_wait3A_918 = tpu.memref_squeeze %dma_wait3A_917 : memref<1x128x64xf32, #tpu.memory_space<vmem>> -> memref<128x64xf32, #tpu.memory_space<vmem>>
      %dma_wait3A_919 = arith.constant 0 : i32
      %dma_wait3A_920 = arith.constant 0 : i32
      %dma_wait3A_921 = tpu.memref_slice %arg12[%dma_wait3A_914, %dma_wait3A_919, %dma_wait3A_920] : memref<6x128x64xf32, #tpu.memory_space<vmem>> -> memref<1x128x64xf32, #tpu.memory_space<vmem>>
      %dma_wait3A_922 = tpu.memref_squeeze %dma_wait3A_921 : memref<1x128x64xf32, #tpu.memory_space<vmem>> -> memref<128x64xf32, #tpu.memory_space<vmem>>
      tpu.wait_dma2 semaphore(%arg17 : memref<!tpu.dma_semaphore, #tpu.memory_space<semaphore_mem>>) src(%arg5 : memref<128x64xf32, #tpu.memory_space<hbm>>) dst(%dma_wait3A_922 : memref<128x64xf32, #tpu.memory_space<vmem>>)
      %convert_element_type3A_923 = arith.extui %lt3A_846 : i1 to i32
      %cond3A_924 = arith.constant 0 : i32
      %cond3A_925 = arith.cmpi ne, %convert_element_type3A_923, %cond3A_924 : i32
      scf.if %cond3A_925 {
        %dma_start3A_1021 = arith.constant 1 : i32
        %dma_start3A_1022 = arith.constant 0 : i32
        %dma_start3A_1023 = arith.constant 0 : i32
        %dma_start3A_1024 = tpu.memref_slice %arg12[%rem3A_904, %dma_start3A_1022, %dma_start3A_1023] : memref<6x128x64xf32, #tpu.memory_space<vmem>> -> memref<1x128x64xf32, #tpu.memory_space<vmem>>
        %dma_start3A_1025 = tpu.memref_squeeze %dma_start3A_1024 : memref<1x128x64xf32, #tpu.memory_space<vmem>> -> memref<128x64xf32, #tpu.memory_space<vmem>>
        %dma_start3A_1026 = arith.constant 0 : i32
        %dma_start3A_1027 = tpu.memref_slice %arg10[%rem3A_845, %dma_start3A_1021, %dma_start3A_1026] : memref<4x4x128xi32, #tpu.memory_space<vmem>> -> memref<1x1x128xi32, #tpu.memory_space<vmem>>
        %dma_start3A_1028 = tpu.memref_squeeze %dma_start3A_1027 : memref<1x1x128xi32, #tpu.memory_space<vmem>> -> memref<128xi32, #tpu.memory_space<vmem>>
        %dma_start3A_1029 = arith.constant 0 : i32
        %dma_start3A_1030 = arith.constant 0 : i32
        %dma_start3A_1031 = tpu.memref_slice %arg3[%dma_start3A_1029, %dma_start3A_1030] : memref<20000x64xf32, #tpu.memory_space<hbm>> -> memref<20000x64xf32, #tpu.memory_space<hbm>>
        tpu.enqueue_indirect_dma source(%dma_start3A_1031 : memref<20000x64xf32, #tpu.memory_space<hbm>>) target(%dma_start3A_1025 : memref<128x64xf32, #tpu.memory_space<vmem>>) offsets(%dma_start3A_1028 : memref<128xi32, #tpu.memory_space<vmem>>) semaphore(%arg16 : memref<!tpu.dma_semaphore, #tpu.memory_space<semaphore_mem>>)
      } else {
      }
      %dma_start3A_926 = arith.constant 1 : i32
      %dma_start3A_927 = arith.constant 0 : i32
      %dma_start3A_928 = arith.constant 0 : i32
      %dma_start3A_929 = tpu.memref_slice %arg12[%rem3A_900, %dma_start3A_927, %dma_start3A_928] : memref<6x128x64xf32, #tpu.memory_space<vmem>> -> memref<1x128x64xf32, #tpu.memory_space<vmem>>
      %dma_start3A_930 = tpu.memref_squeeze %dma_start3A_929 : memref<1x128x64xf32, #tpu.memory_space<vmem>> -> memref<128x64xf32, #tpu.memory_space<vmem>>
      %dma_start3A_931 = arith.constant 0 : i32
      %dma_start3A_932 = tpu.memref_slice %arg11[%rem3A_841, %dma_start3A_926, %dma_start3A_931] : memref<4x4x128xi32, #tpu.memory_space<vmem>> -> memref<1x1x128xi32, #tpu.memory_space<vmem>>
      %dma_start3A_933 = tpu.memref_squeeze %dma_start3A_932 : memref<1x1x128xi32, #tpu.memory_space<vmem>> -> memref<128xi32, #tpu.memory_space<vmem>>
      %dma_start3A_934 = arith.constant 0 : i32
      %dma_start3A_935 = arith.constant 0 : i32
      %dma_start3A_936 = tpu.memref_slice %arg14[%dma_start3A_934, %dma_start3A_935] : memref<10240x64xf32, #tpu.memory_space<vmem_shared>> -> memref<10240x64xf32, #tpu.memory_space<vmem_shared>>
      tpu.enqueue_indirect_dma source(%dma_start3A_930 : memref<128x64xf32, #tpu.memory_space<vmem>>) target(%dma_start3A_936 : memref<10240x64xf32, #tpu.memory_space<vmem_shared>>) offsets(%dma_start3A_933 : memref<128xi32, #tpu.memory_space<vmem>>) semaphore(%arg17 : memref<!tpu.dma_semaphore, #tpu.memory_space<semaphore_mem>>) {add = true}
      %mul3A_937 = arith.constant 4 : i32
      %mul3A_938 = arith.muli %scan3A_840, %mul3A_937 : i32
      %add3A_939 = arith.constant 2 : i32
      %add3A_940 = arith.addi %mul3A_938, %add3A_939 : i32
      %rem3A_941 = arith.constant 6 : i32
      %rem3A_942 = arith.remsi %add3A_940, %rem3A_941 : i32
      %add3A_943 = arith.constant 4 : i32
      %add3A_944 = arith.addi %add3A_940, %add3A_943 : i32
      %rem3A_945 = arith.constant 6 : i32
      %rem3A_946 = arith.remsi %add3A_944, %rem3A_945 : i32
      %dma_wait3A_947 = arith.constant 0 : i32
      %dma_wait3A_948 = arith.constant 0 : i32
      %dma_wait3A_949 = arith.constant 0 : i32
      %dma_wait3A_950 = tpu.memref_slice %arg12[%dma_wait3A_947, %dma_wait3A_948, %dma_wait3A_949] : memref<6x128x64xf32, #tpu.memory_space<vmem>> -> memref<1x128x64xf32, #tpu.memory_space<vmem>>
      %dma_wait3A_951 = tpu.memref_squeeze %dma_wait3A_950 : memref<1x128x64xf32, #tpu.memory_space<vmem>> -> memref<128x64xf32, #tpu.memory_space<vmem>>
      %dma_wait3A_952 = arith.constant 0 : i32
      %dma_wait3A_953 = arith.constant 0 : i32
      %dma_wait3A_954 = tpu.memref_slice %arg12[%dma_wait3A_947, %dma_wait3A_952, %dma_wait3A_953] : memref<6x128x64xf32, #tpu.memory_space<vmem>> -> memref<1x128x64xf32, #tpu.memory_space<vmem>>
      %dma_wait3A_955 = tpu.memref_squeeze %dma_wait3A_954 : memref<1x128x64xf32, #tpu.memory_space<vmem>> -> memref<128x64xf32, #tpu.memory_space<vmem>>
      tpu.wait_dma2 semaphore(%arg16 : memref<!tpu.dma_semaphore, #tpu.memory_space<semaphore_mem>>) src(%arg5 : memref<128x64xf32, #tpu.memory_space<hbm>>) dst(%dma_wait3A_955 : memref<128x64xf32, #tpu.memory_space<vmem>>)
      %dma_wait3A_956 = arith.constant 0 : i32
      %dma_wait3A_957 = arith.constant 0 : i32
      %dma_wait3A_958 = arith.constant 0 : i32
      %dma_wait3A_959 = tpu.memref_slice %arg12[%dma_wait3A_956, %dma_wait3A_957, %dma_wait3A_958] : memref<6x128x64xf32, #tpu.memory_space<vmem>> -> memref<1x128x64xf32, #tpu.memory_space<vmem>>
      %dma_wait3A_960 = tpu.memref_squeeze %dma_wait3A_959 : memref<1x128x64xf32, #tpu.memory_space<vmem>> -> memref<128x64xf32, #tpu.memory_space<vmem>>
      %dma_wait3A_961 = arith.constant 0 : i32
      %dma_wait3A_962 = arith.constant 0 : i32
      %dma_wait3A_963 = tpu.memref_slice %arg12[%dma_wait3A_956, %dma_wait3A_961, %dma_wait3A_962] : memref<6x128x64xf32, #tpu.memory_space<vmem>> -> memref<1x128x64xf32, #tpu.memory_space<vmem>>
      %dma_wait3A_964 = tpu.memref_squeeze %dma_wait3A_963 : memref<1x128x64xf32, #tpu.memory_space<vmem>> -> memref<128x64xf32, #tpu.memory_space<vmem>>
      tpu.wait_dma2 semaphore(%arg17 : memref<!tpu.dma_semaphore, #tpu.memory_space<semaphore_mem>>) src(%arg5 : memref<128x64xf32, #tpu.memory_space<hbm>>) dst(%dma_wait3A_964 : memref<128x64xf32, #tpu.memory_space<vmem>>)
      %convert_element_type3A_965 = arith.extui %lt3A_846 : i1 to i32
      %cond3A_966 = arith.constant 0 : i32
      %cond3A_967 = arith.cmpi ne, %convert_element_type3A_965, %cond3A_966 : i32
      scf.if %cond3A_967 {
        %dma_start3A_1021 = arith.constant 2 : i32
        %dma_start3A_1022 = arith.constant 0 : i32
        %dma_start3A_1023 = arith.constant 0 : i32
        %dma_start3A_1024 = tpu.memref_slice %arg12[%rem3A_946, %dma_start3A_1022, %dma_start3A_1023] : memref<6x128x64xf32, #tpu.memory_space<vmem>> -> memref<1x128x64xf32, #tpu.memory_space<vmem>>
        %dma_start3A_1025 = tpu.memref_squeeze %dma_start3A_1024 : memref<1x128x64xf32, #tpu.memory_space<vmem>> -> memref<128x64xf32, #tpu.memory_space<vmem>>
        %dma_start3A_1026 = arith.constant 0 : i32
        %dma_start3A_1027 = tpu.memref_slice %arg10[%rem3A_845, %dma_start3A_1021, %dma_start3A_1026] : memref<4x4x128xi32, #tpu.memory_space<vmem>> -> memref<1x1x128xi32, #tpu.memory_space<vmem>>
        %dma_start3A_1028 = tpu.memref_squeeze %dma_start3A_1027 : memref<1x1x128xi32, #tpu.memory_space<vmem>> -> memref<128xi32, #tpu.memory_space<vmem>>
        %dma_start3A_1029 = arith.constant 0 : i32
        %dma_start3A_1030 = arith.constant 0 : i32
        %dma_start3A_1031 = tpu.memref_slice %arg3[%dma_start3A_1029, %dma_start3A_1030] : memref<20000x64xf32, #tpu.memory_space<hbm>> -> memref<20000x64xf32, #tpu.memory_space<hbm>>
        tpu.enqueue_indirect_dma source(%dma_start3A_1031 : memref<20000x64xf32, #tpu.memory_space<hbm>>) target(%dma_start3A_1025 : memref<128x64xf32, #tpu.memory_space<vmem>>) offsets(%dma_start3A_1028 : memref<128xi32, #tpu.memory_space<vmem>>) semaphore(%arg16 : memref<!tpu.dma_semaphore, #tpu.memory_space<semaphore_mem>>)
      } else {
      }
      %dma_start3A_968 = arith.constant 2 : i32
      %dma_start3A_969 = arith.constant 0 : i32
      %dma_start3A_970 = arith.constant 0 : i32
      %dma_start3A_971 = tpu.memref_slice %arg12[%rem3A_942, %dma_start3A_969, %dma_start3A_970] : memref<6x128x64xf32, #tpu.memory_space<vmem>> -> memref<1x128x64xf32, #tpu.memory_space<vmem>>
      %dma_start3A_972 = tpu.memref_squeeze %dma_start3A_971 : memref<1x128x64xf32, #tpu.memory_space<vmem>> -> memref<128x64xf32, #tpu.memory_space<vmem>>
      %dma_start3A_973 = arith.constant 0 : i32
      %dma_start3A_974 = tpu.memref_slice %arg11[%rem3A_841, %dma_start3A_968, %dma_start3A_973] : memref<4x4x128xi32, #tpu.memory_space<vmem>> -> memref<1x1x128xi32, #tpu.memory_space<vmem>>
      %dma_start3A_975 = tpu.memref_squeeze %dma_start3A_974 : memref<1x1x128xi32, #tpu.memory_space<vmem>> -> memref<128xi32, #tpu.memory_space<vmem>>
      %dma_start3A_976 = arith.constant 0 : i32
      %dma_start3A_977 = arith.constant 0 : i32
      %dma_start3A_978 = tpu.memref_slice %arg14[%dma_start3A_976, %dma_start3A_977] : memref<10240x64xf32, #tpu.memory_space<vmem_shared>> -> memref<10240x64xf32, #tpu.memory_space<vmem_shared>>
      tpu.enqueue_indirect_dma source(%dma_start3A_972 : memref<128x64xf32, #tpu.memory_space<vmem>>) target(%dma_start3A_978 : memref<10240x64xf32, #tpu.memory_space<vmem_shared>>) offsets(%dma_start3A_975 : memref<128xi32, #tpu.memory_space<vmem>>) semaphore(%arg17 : memref<!tpu.dma_semaphore, #tpu.memory_space<semaphore_mem>>) {add = true}
      %mul3A_979 = arith.constant 4 : i32
      %mul3A_980 = arith.muli %scan3A_840, %mul3A_979 : i32
      %add3A_981 = arith.constant 3 : i32
      %add3A_982 = arith.addi %mul3A_980, %add3A_981 : i32
      %rem3A_983 = arith.constant 6 : i32
      %rem3A_984 = arith.remsi %add3A_982, %rem3A_983 : i32
      %add3A_985 = arith.constant 4 : i32
      %add3A_986 = arith.addi %add3A_982, %add3A_985 : i32
      %rem3A_987 = arith.constant 6 : i32
      %rem3A_988 = arith.remsi %add3A_986, %rem3A_987 : i32
      %dma_wait3A_989 = arith.constant 0 : i32
      %dma_wait3A_990 = arith.constant 0 : i32
      %dma_wait3A_991 = arith.constant 0 : i32
      %dma_wait3A_992 = tpu.memref_slice %arg12[%dma_wait3A_989, %dma_wait3A_990, %dma_wait3A_991] : memref<6x128x64xf32, #tpu.memory_space<vmem>> -> memref<1x128x64xf32, #tpu.memory_space<vmem>>
      %dma_wait3A_993 = tpu.memref_squeeze %dma_wait3A_992 : memref<1x128x64xf32, #tpu.memory_space<vmem>> -> memref<128x64xf32, #tpu.memory_space<vmem>>
      %dma_wait3A_994 = arith.constant 0 : i32
      %dma_wait3A_995 = arith.constant 0 : i32
      %dma_wait3A_996 = tpu.memref_slice %arg12[%dma_wait3A_989, %dma_wait3A_994, %dma_wait3A_995] : memref<6x128x64xf32, #tpu.memory_space<vmem>> -> memref<1x128x64xf32, #tpu.memory_space<vmem>>
      %dma_wait3A_997 = tpu.memref_squeeze %dma_wait3A_996 : memref<1x128x64xf32, #tpu.memory_space<vmem>> -> memref<128x64xf32, #tpu.memory_space<vmem>>
      tpu.wait_dma2 semaphore(%arg16 : memref<!tpu.dma_semaphore, #tpu.memory_space<semaphore_mem>>) src(%arg5 : memref<128x64xf32, #tpu.memory_space<hbm>>) dst(%dma_wait3A_997 : memref<128x64xf32, #tpu.memory_space<vmem>>)
      %dma_wait3A_998 = arith.constant 0 : i32
      %dma_wait3A_999 = arith.constant 0 : i32
      %dma_wait3A_1000 = arith.constant 0 : i32
      %dma_wait3A_1001 = tpu.memref_slice %arg12[%dma_wait3A_998, %dma_wait3A_999, %dma_wait3A_1000] : memref<6x128x64xf32, #tpu.memory_space<vmem>> -> memref<1x128x64xf32, #tpu.memory_space<vmem>>
      %dma_wait3A_1002 = tpu.memref_squeeze %dma_wait3A_1001 : memref<1x128x64xf32, #tpu.memory_space<vmem>> -> memref<128x64xf32, #tpu.memory_space<vmem>>
      %dma_wait3A_1003 = arith.constant 0 : i32
      %dma_wait3A_1004 = arith.constant 0 : i32
      %dma_wait3A_1005 = tpu.memref_slice %arg12[%dma_wait3A_998, %dma_wait3A_1003, %dma_wait3A_1004] : memref<6x128x64xf32, #tpu.memory_space<vmem>> -> memref<1x128x64xf32, #tpu.memory_space<vmem>>
      %dma_wait3A_1006 = tpu.memref_squeeze %dma_wait3A_1005 : memref<1x128x64xf32, #tpu.memory_space<vmem>> -> memref<128x64xf32, #tpu.memory_space<vmem>>
      tpu.wait_dma2 semaphore(%arg17 : memref<!tpu.dma_semaphore, #tpu.memory_space<semaphore_mem>>) src(%arg5 : memref<128x64xf32, #tpu.memory_space<hbm>>) dst(%dma_wait3A_1006 : memref<128x64xf32, #tpu.memory_space<vmem>>)
      %convert_element_type3A_1007 = arith.extui %lt3A_846 : i1 to i32
      %cond3A_1008 = arith.constant 0 : i32
      %cond3A_1009 = arith.cmpi ne, %convert_element_type3A_1007, %cond3A_1008 : i32
      scf.if %cond3A_1009 {
        %dma_start3A_1021 = arith.constant 3 : i32
        %dma_start3A_1022 = arith.constant 0 : i32
        %dma_start3A_1023 = arith.constant 0 : i32
        %dma_start3A_1024 = tpu.memref_slice %arg12[%rem3A_988, %dma_start3A_1022, %dma_start3A_1023] : memref<6x128x64xf32, #tpu.memory_space<vmem>> -> memref<1x128x64xf32, #tpu.memory_space<vmem>>
        %dma_start3A_1025 = tpu.memref_squeeze %dma_start3A_1024 : memref<1x128x64xf32, #tpu.memory_space<vmem>> -> memref<128x64xf32, #tpu.memory_space<vmem>>
        %dma_start3A_1026 = arith.constant 0 : i32
        %dma_start3A_1027 = tpu.memref_slice %arg10[%rem3A_845, %dma_start3A_1021, %dma_start3A_1026] : memref<4x4x128xi32, #tpu.memory_space<vmem>> -> memref<1x1x128xi32, #tpu.memory_space<vmem>>
        %dma_start3A_1028 = tpu.memref_squeeze %dma_start3A_1027 : memref<1x1x128xi32, #tpu.memory_space<vmem>> -> memref<128xi32, #tpu.memory_space<vmem>>
        %dma_start3A_1029 = arith.constant 0 : i32
        %dma_start3A_1030 = arith.constant 0 : i32
        %dma_start3A_1031 = tpu.memref_slice %arg3[%dma_start3A_1029, %dma_start3A_1030] : memref<20000x64xf32, #tpu.memory_space<hbm>> -> memref<20000x64xf32, #tpu.memory_space<hbm>>
        tpu.enqueue_indirect_dma source(%dma_start3A_1031 : memref<20000x64xf32, #tpu.memory_space<hbm>>) target(%dma_start3A_1025 : memref<128x64xf32, #tpu.memory_space<vmem>>) offsets(%dma_start3A_1028 : memref<128xi32, #tpu.memory_space<vmem>>) semaphore(%arg16 : memref<!tpu.dma_semaphore, #tpu.memory_space<semaphore_mem>>)
      } else {
      }
      %dma_start3A_1010 = arith.constant 3 : i32
      %dma_start3A_1011 = arith.constant 0 : i32
      %dma_start3A_1012 = arith.constant 0 : i32
      %dma_start3A_1013 = tpu.memref_slice %arg12[%rem3A_984, %dma_start3A_1011, %dma_start3A_1012] : memref<6x128x64xf32, #tpu.memory_space<vmem>> -> memref<1x128x64xf32, #tpu.memory_space<vmem>>
      %dma_start3A_1014 = tpu.memref_squeeze %dma_start3A_1013 : memref<1x128x64xf32, #tpu.memory_space<vmem>> -> memref<128x64xf32, #tpu.memory_space<vmem>>
      %dma_start3A_1015 = arith.constant 0 : i32
      %dma_start3A_1016 = tpu.memref_slice %arg11[%rem3A_841, %dma_start3A_1010, %dma_start3A_1015] : memref<4x4x128xi32, #tpu.memory_space<vmem>> -> memref<1x1x128xi32, #tpu.memory_space<vmem>>
      %dma_start3A_1017 = tpu.memref_squeeze %dma_start3A_1016 : memref<1x1x128xi32, #tpu.memory_space<vmem>> -> memref<128xi32, #tpu.memory_space<vmem>>
      %dma_start3A_1018 = arith.constant 0 : i32
      %dma_start3A_1019 = arith.constant 0 : i32
      %dma_start3A_1020 = tpu.memref_slice %arg14[%dma_start3A_1018, %dma_start3A_1019] : memref<10240x64xf32, #tpu.memory_space<vmem_shared>> -> memref<10240x64xf32, #tpu.memory_space<vmem_shared>>
      tpu.enqueue_indirect_dma source(%dma_start3A_1014 : memref<128x64xf32, #tpu.memory_space<vmem>>) target(%dma_start3A_1020 : memref<10240x64xf32, #tpu.memory_space<vmem_shared>>) offsets(%dma_start3A_1017 : memref<128xi32, #tpu.memory_space<vmem>>) semaphore(%arg17 : memref<!tpu.dma_semaphore, #tpu.memory_space<semaphore_mem>>) {add = true}
    }
    %scan3A_795 = arith.constant 78 : i32
    %dma_wait3A_796 = arith.constant 0 : i32
    %dma_wait3A_797 = arith.constant 0 : i32
    %dma_wait3A_798 = arith.constant 0 : i32
    %dma_wait3A_799 = tpu.memref_slice %arg12[%dma_wait3A_796, %dma_wait3A_797, %dma_wait3A_798] : memref<6x128x64xf32, #tpu.memory_space<vmem>> -> memref<1x128x64xf32, #tpu.memory_space<vmem>>
    %dma_wait3A_800 = tpu.memref_squeeze %dma_wait3A_799 : memref<1x128x64xf32, #tpu.memory_space<vmem>> -> memref<128x64xf32, #tpu.memory_space<vmem>>
    %dma_wait3A_801 = arith.constant 0 : i32
    %dma_wait3A_802 = arith.constant 0 : i32
    %dma_wait3A_803 = tpu.memref_slice %arg12[%dma_wait3A_796, %dma_wait3A_801, %dma_wait3A_802] : memref<6x128x64xf32, #tpu.memory_space<vmem>> -> memref<1x128x64xf32, #tpu.memory_space<vmem>>
    %dma_wait3A_804 = tpu.memref_squeeze %dma_wait3A_803 : memref<1x128x64xf32, #tpu.memory_space<vmem>> -> memref<128x64xf32, #tpu.memory_space<vmem>>
    tpu.wait_dma2 semaphore(%arg17 : memref<!tpu.dma_semaphore, #tpu.memory_space<semaphore_mem>>) src(%arg5 : memref<128x64xf32, #tpu.memory_space<hbm>>) dst(%dma_wait3A_804 : memref<128x64xf32, #tpu.memory_space<vmem>>)
    %dma_wait3A_805 = arith.constant 0 : i32
    %dma_wait3A_806 = arith.constant 0 : i32
    %dma_wait3A_807 = arith.constant 0 : i32
    %dma_wait3A_808 = tpu.memref_slice %arg12[%dma_wait3A_805, %dma_wait3A_806, %dma_wait3A_807] : memref<6x128x64xf32, #tpu.memory_space<vmem>> -> memref<1x128x64xf32, #tpu.memory_space<vmem>>
    %dma_wait3A_809 = tpu.memref_squeeze %dma_wait3A_808 : memref<1x128x64xf32, #tpu.memory_space<vmem>> -> memref<128x64xf32, #tpu.memory_space<vmem>>
    %dma_wait3A_810 = arith.constant 0 : i32
    %dma_wait3A_811 = arith.constant 0 : i32
    %dma_wait3A_812 = tpu.memref_slice %arg12[%dma_wait3A_805, %dma_wait3A_810, %dma_wait3A_811] : memref<6x128x64xf32, #tpu.memory_space<vmem>> -> memref<1x128x64xf32, #tpu.memory_space<vmem>>
    %dma_wait3A_813 = tpu.memref_squeeze %dma_wait3A_812 : memref<1x128x64xf32, #tpu.memory_space<vmem>> -> memref<128x64xf32, #tpu.memory_space<vmem>>
    tpu.wait_dma2 semaphore(%arg17 : memref<!tpu.dma_semaphore, #tpu.memory_space<semaphore_mem>>) src(%arg5 : memref<128x64xf32, #tpu.memory_space<hbm>>) dst(%dma_wait3A_813 : memref<128x64xf32, #tpu.memory_space<vmem>>)
    %barrier3A_814 = arith.constant 0 : index
    tpu.barrier barrier_id(%barrier3A_814)
    %add3A_815 = arith.constant 0 : i32
    %add3A_816 = arith.addi %mul3A_0, %add3A_815 : i32
    %run_scoped3A_817 = arith.constant 0 : i32
    "tpu.region"() ({
      %run_scoped3A_840 = tpu.sem_alloc : memref<!tpu.dma_semaphore, #tpu.memory_space<semaphore_mem>>
      %dma_start3A_841 = arith.constant 0 : i32
      %dma_start3A_842 = arith.constant 0 : i32
      %dma_start3A_843 = tpu.memref_slice %arg12[%run_scoped3A_817, %dma_start3A_841, %dma_start3A_842] : memref<6x128x64xf32, #tpu.memory_space<vmem>> -> memref<1x128x64xf32, #tpu.memory_space<vmem>>
      %dma_start3A_844 = tpu.memref_squeeze %dma_start3A_843 : memref<1x128x64xf32, #tpu.memory_space<vmem>> -> memref<128x64xf32, #tpu.memory_space<vmem>>
      %dma_start3A_845 = arith.constant 0 : i32
      %dma_start3A_846 = tpu.memref_slice %arg14[%add3A_816, %dma_start3A_845] : memref<10240x64xf32, #tpu.memory_space<vmem_shared>> -> memref<128x64xf32, #tpu.memory_space<vmem_shared>>
      %dma_start3A_847 = arith.constant 0 : i32
      %dma_start3A_848 = arith.constant 0 : i32
      %dma_start3A_849 = tpu.memref_slice %arg12[%run_scoped3A_817, %dma_start3A_847, %dma_start3A_848] : memref<6x128x64xf32, #tpu.memory_space<vmem>> -> memref<1x128x64xf32, #tpu.memory_space<vmem>>
      %dma_start3A_850 = tpu.memref_squeeze %dma_start3A_849 : memref<1x128x64xf32, #tpu.memory_space<vmem>> -> memref<128x64xf32, #tpu.memory_space<vmem>>
      %dma_start3A_851 = arith.constant 0 : i32
      %dma_start3A_852 = tpu.memref_slice %arg14[%add3A_816, %dma_start3A_851] : memref<10240x64xf32, #tpu.memory_space<vmem_shared>> -> memref<128x64xf32, #tpu.memory_space<vmem_shared>>
      tpu.enqueue_dma source(%dma_start3A_852 : memref<128x64xf32, #tpu.memory_space<vmem_shared>>) target(%dma_start3A_850 : memref<128x64xf32, #tpu.memory_space<vmem>>) target_semaphore(%run_scoped3A_840 : memref<!tpu.dma_semaphore, #tpu.memory_space<semaphore_mem>>)
      %dma_wait3A_853 = arith.constant 0 : i32
      %dma_wait3A_854 = arith.constant 0 : i32
      %dma_wait3A_855 = tpu.memref_slice %arg12[%run_scoped3A_817, %dma_wait3A_853, %dma_wait3A_854] : memref<6x128x64xf32, #tpu.memory_space<vmem>> -> memref<1x128x64xf32, #tpu.memory_space<vmem>>
      %dma_wait3A_856 = tpu.memref_squeeze %dma_wait3A_855 : memref<1x128x64xf32, #tpu.memory_space<vmem>> -> memref<128x64xf32, #tpu.memory_space<vmem>>
      %dma_wait3A_857 = arith.constant 0 : i32
      %dma_wait3A_858 = tpu.memref_slice %arg14[%add3A_816, %dma_wait3A_857] : memref<10240x64xf32, #tpu.memory_space<vmem_shared>> -> memref<128x64xf32, #tpu.memory_space<vmem_shared>>
      %dma_wait3A_859 = arith.constant 0 : i32
      %dma_wait3A_860 = arith.constant 0 : i32
      %dma_wait3A_861 = tpu.memref_slice %arg12[%run_scoped3A_817, %dma_wait3A_859, %dma_wait3A_860] : memref<6x128x64xf32, #tpu.memory_space<vmem>> -> memref<1x128x64xf32, #tpu.memory_space<vmem>>
      %dma_wait3A_862 = tpu.memref_squeeze %dma_wait3A_861 : memref<1x128x64xf32, #tpu.memory_space<vmem>> -> memref<128x64xf32, #tpu.memory_space<vmem>>
      %dma_wait3A_863 = arith.constant 0 : i32
      %dma_wait3A_864 = tpu.memref_slice %arg14[%add3A_816, %dma_wait3A_863] : memref<10240x64xf32, #tpu.memory_space<vmem_shared>> -> memref<128x64xf32, #tpu.memory_space<vmem_shared>>
      tpu.wait_dma2 semaphore(%run_scoped3A_840 : memref<!tpu.dma_semaphore, #tpu.memory_space<semaphore_mem>>) src(%dma_wait3A_864 : memref<128x64xf32, #tpu.memory_space<vmem_shared>>) dst(%dma_wait3A_862 : memref<128x64xf32, #tpu.memory_space<vmem>>)
      tpu.yield
    }) : () -> ()
    %run_scoped3A_818 = arith.constant 0 : i32
    %run_scoped3A_819 = arith.constant 1 : i32
    "tpu.region"() ({
      %run_scoped3A_840 = tpu.sem_alloc : memref<!tpu.dma_semaphore, #tpu.memory_space<semaphore_mem>>
      %dma_start3A_841 = arith.constant 0 : i32
      %dma_start3A_842 = arith.constant 0 : i32
      %dma_start3A_843 = tpu.memref_slice %arg12[%run_scoped3A_818, %dma_start3A_841, %dma_start3A_842] : memref<6x128x64xf32, #tpu.memory_space<vmem>> -> memref<1x128x64xf32, #tpu.memory_space<vmem>>
      %dma_start3A_844 = tpu.memref_squeeze %dma_start3A_843 : memref<1x128x64xf32, #tpu.memory_space<vmem>> -> memref<128x64xf32, #tpu.memory_space<vmem>>
      %dma_start3A_845 = arith.constant 0 : i32
      %dma_start3A_846 = arith.constant 0 : i32
      %dma_start3A_847 = tpu.memref_slice %arg8[%arg0, %run_scoped3A_819, %dma_start3A_845, %dma_start3A_846] : memref<2x2x10240x64xf32, #tpu.memory_space<hbm>> -> memref<1x1x10240x64xf32, #tpu.memory_space<hbm>>
      %dma_start3A_848 = tpu.memref_squeeze %dma_start3A_847 : memref<1x1x10240x64xf32, #tpu.memory_space<hbm>> -> memref<10240x64xf32, #tpu.memory_space<hbm>>
      %dma_start3A_849 = arith.constant 0 : i32
      %dma_start3A_850 = tpu.memref_slice %dma_start3A_848[%add3A_816, %dma_start3A_849] : memref<10240x64xf32, #tpu.memory_space<hbm>> -> memref<128x64xf32, #tpu.memory_space<hbm>>
      %dma_start3A_851 = arith.constant 0 : i32
      %dma_start3A_852 = arith.constant 0 : i32
      %dma_start3A_853 = tpu.memref_slice %arg8[%arg0, %run_scoped3A_819, %dma_start3A_851, %dma_start3A_852] : memref<2x2x10240x64xf32, #tpu.memory_space<hbm>> -> memref<1x1x10240x64xf32, #tpu.memory_space<hbm>>
      %dma_start3A_854 = tpu.memref_squeeze %dma_start3A_853 : memref<1x1x10240x64xf32, #tpu.memory_space<hbm>> -> memref<10240x64xf32, #tpu.memory_space<hbm>>
      %dma_start3A_855 = arith.constant 0 : i32
      %dma_start3A_856 = tpu.memref_slice %dma_start3A_854[%add3A_816, %dma_start3A_855] : memref<10240x64xf32, #tpu.memory_space<hbm>> -> memref<128x64xf32, #tpu.memory_space<hbm>>
      %dma_start3A_857 = arith.constant 0 : i32
      %dma_start3A_858 = arith.constant 0 : i32
      %dma_start3A_859 = tpu.memref_slice %arg12[%run_scoped3A_818, %dma_start3A_857, %dma_start3A_858] : memref<6x128x64xf32, #tpu.memory_space<vmem>> -> memref<1x128x64xf32, #tpu.memory_space<vmem>>
      %dma_start3A_860 = tpu.memref_squeeze %dma_start3A_859 : memref<1x128x64xf32, #tpu.memory_space<vmem>> -> memref<128x64xf32, #tpu.memory_space<vmem>>
      tpu.enqueue_dma source(%dma_start3A_860 : memref<128x64xf32, #tpu.memory_space<vmem>>) target(%dma_start3A_856 : memref<128x64xf32, #tpu.memory_space<hbm>>) target_semaphore(%run_scoped3A_840 : memref<!tpu.dma_semaphore, #tpu.memory_space<semaphore_mem>>)
      %dma_wait3A_861 = arith.constant 0 : i32
      %dma_wait3A_862 = arith.constant 0 : i32
      %dma_wait3A_863 = tpu.memref_slice %arg12[%run_scoped3A_818, %dma_wait3A_861, %dma_wait3A_862] : memref<6x128x64xf32, #tpu.memory_space<vmem>> -> memref<1x128x64xf32, #tpu.memory_space<vmem>>
      %dma_wait3A_864 = tpu.memref_squeeze %dma_wait3A_863 : memref<1x128x64xf32, #tpu.memory_space<vmem>> -> memref<128x64xf32, #tpu.memory_space<vmem>>
      %dma_wait3A_865 = arith.constant 0 : i32
      %dma_wait3A_866 = arith.constant 0 : i32
      %dma_wait3A_867 = tpu.memref_slice %arg8[%arg0, %run_scoped3A_819, %dma_wait3A_865, %dma_wait3A_866] : memref<2x2x10240x64xf32, #tpu.memory_space<hbm>> -> memref<1x1x10240x64xf32, #tpu.memory_space<hbm>>
      %dma_wait3A_868 = tpu.memref_squeeze %dma_wait3A_867 : memref<1x1x10240x64xf32, #tpu.memory_space<hbm>> -> memref<10240x64xf32, #tpu.memory_space<hbm>>
      %dma_wait3A_869 = arith.constant 0 : i32
      %dma_wait3A_870 = tpu.memref_slice %dma_wait3A_868[%add3A_816, %dma_wait3A_869] : memref<10240x64xf32, #tpu.memory_space<hbm>> -> memref<128x64xf32, #tpu.memory_space<hbm>>
      %dma_wait3A_871 = arith.constant 0 : i32
      %dma_wait3A_872 = arith.constant 0 : i32
      %dma_wait3A_873 = tpu.memref_slice %arg8[%arg0, %run_scoped3A_819, %dma_wait3A_871, %dma_wait3A_872] : memref<2x2x10240x64xf32, #tpu.memory_space<hbm>> -> memref<1x1x10240x64xf32, #tpu.memory_space<hbm>>
      %dma_wait3A_874 = tpu.memref_squeeze %dma_wait3A_873 : memref<1x1x10240x64xf32, #tpu.memory_space<hbm>> -> memref<10240x64xf32, #tpu.memory_space<hbm>>
      %dma_wait3A_875 = arith.constant 0 : i32
      %dma_wait3A_876 = tpu.memref_slice %dma_wait3A_874[%add3A_816, %dma_wait3A_875] : memref<10240x64xf32, #tpu.memory_space<hbm>> -> memref<128x64xf32, #tpu.memory_space<hbm>>
      %dma_wait3A_877 = arith.constant 0 : i32
      %dma_wait3A_878 = arith.constant 0 : i32
      %dma_wait3A_879 = tpu.memref_slice %arg12[%run_scoped3A_818, %dma_wait3A_877, %dma_wait3A_878] : memref<6x128x64xf32, #tpu.memory_space<vmem>> -> memref<1x128x64xf32, #tpu.memory_space<vmem>>
      %dma_wait3A_880 = tpu.memref_squeeze %dma_wait3A_879 : memref<1x128x64xf32, #tpu.memory_space<vmem>> -> memref<128x64xf32, #tpu.memory_space<vmem>>
      tpu.wait_dma2 semaphore(%run_scoped3A_840 : memref<!tpu.dma_semaphore, #tpu.memory_space<semaphore_mem>>) src(%dma_wait3A_880 : memref<128x64xf32, #tpu.memory_space<vmem>>) dst(%dma_wait3A_876 : memref<128x64xf32, #tpu.memory_space<hbm>>)
      tpu.yield
    }) : () -> ()
    %add3A_820 = arith.constant 128 : i32
    %add3A_821 = arith.addi %mul3A_0, %add3A_820 : i32
    %run_scoped3A_822 = arith.constant 0 : i32
    "tpu.region"() ({
      %run_scoped3A_840 = tpu.sem_alloc : memref<!tpu.dma_semaphore, #tpu.memory_space<semaphore_mem>>
      %dma_start3A_841 = arith.constant 0 : i32
      %dma_start3A_842 = arith.constant 0 : i32
      %dma_start3A_843 = tpu.memref_slice %arg12[%run_scoped3A_822, %dma_start3A_841, %dma_start3A_842] : memref<6x128x64xf32, #tpu.memory_space<vmem>> -> memref<1x128x64xf32, #tpu.memory_space<vmem>>
      %dma_start3A_844 = tpu.memref_squeeze %dma_start3A_843 : memref<1x128x64xf32, #tpu.memory_space<vmem>> -> memref<128x64xf32, #tpu.memory_space<vmem>>
      %dma_start3A_845 = arith.constant 0 : i32
      %dma_start3A_846 = tpu.memref_slice %arg14[%add3A_821, %dma_start3A_845] : memref<10240x64xf32, #tpu.memory_space<vmem_shared>> -> memref<128x64xf32, #tpu.memory_space<vmem_shared>>
      %dma_start3A_847 = arith.constant 0 : i32
      %dma_start3A_848 = arith.constant 0 : i32
      %dma_start3A_849 = tpu.memref_slice %arg12[%run_scoped3A_822, %dma_start3A_847, %dma_start3A_848] : memref<6x128x64xf32, #tpu.memory_space<vmem>> -> memref<1x128x64xf32, #tpu.memory_space<vmem>>
      %dma_start3A_850 = tpu.memref_squeeze %dma_start3A_849 : memref<1x128x64xf32, #tpu.memory_space<vmem>> -> memref<128x64xf32, #tpu.memory_space<vmem>>
      %dma_start3A_851 = arith.constant 0 : i32
      %dma_start3A_852 = tpu.memref_slice %arg14[%add3A_821, %dma_start3A_851] : memref<10240x64xf32, #tpu.memory_space<vmem_shared>> -> memref<128x64xf32, #tpu.memory_space<vmem_shared>>
      tpu.enqueue_dma source(%dma_start3A_852 : memref<128x64xf32, #tpu.memory_space<vmem_shared>>) target(%dma_start3A_850 : memref<128x64xf32, #tpu.memory_space<vmem>>) target_semaphore(%run_scoped3A_840 : memref<!tpu.dma_semaphore, #tpu.memory_space<semaphore_mem>>)
      %dma_wait3A_853 = arith.constant 0 : i32
      %dma_wait3A_854 = arith.constant 0 : i32
      %dma_wait3A_855 = tpu.memref_slice %arg12[%run_scoped3A_822, %dma_wait3A_853, %dma_wait3A_854] : memref<6x128x64xf32, #tpu.memory_space<vmem>> -> memref<1x128x64xf32, #tpu.memory_space<vmem>>
      %dma_wait3A_856 = tpu.memref_squeeze %dma_wait3A_855 : memref<1x128x64xf32, #tpu.memory_space<vmem>> -> memref<128x64xf32, #tpu.memory_space<vmem>>
      %dma_wait3A_857 = arith.constant 0 : i32
      %dma_wait3A_858 = tpu.memref_slice %arg14[%add3A_821, %dma_wait3A_857] : memref<10240x64xf32, #tpu.memory_space<vmem_shared>> -> memref<128x64xf32, #tpu.memory_space<vmem_shared>>
      %dma_wait3A_859 = arith.constant 0 : i32
      %dma_wait3A_860 = arith.constant 0 : i32
      %dma_wait3A_861 = tpu.memref_slice %arg12[%run_scoped3A_822, %dma_wait3A_859, %dma_wait3A_860] : memref<6x128x64xf32, #tpu.memory_space<vmem>> -> memref<1x128x64xf32, #tpu.memory_space<vmem>>
      %dma_wait3A_862 = tpu.memref_squeeze %dma_wait3A_861 : memref<1x128x64xf32, #tpu.memory_space<vmem>> -> memref<128x64xf32, #tpu.memory_space<vmem>>
      %dma_wait3A_863 = arith.constant 0 : i32
      %dma_wait3A_864 = tpu.memref_slice %arg14[%add3A_821, %dma_wait3A_863] : memref<10240x64xf32, #tpu.memory_space<vmem_shared>> -> memref<128x64xf32, #tpu.memory_space<vmem_shared>>
      tpu.wait_dma2 semaphore(%run_scoped3A_840 : memref<!tpu.dma_semaphore, #tpu.memory_space<semaphore_mem>>) src(%dma_wait3A_864 : memref<128x64xf32, #tpu.memory_space<vmem_shared>>) dst(%dma_wait3A_862 : memref<128x64xf32, #tpu.memory_space<vmem>>)
      tpu.yield
    }) : () -> ()
    %run_scoped3A_823 = arith.constant 0 : i32
    %run_scoped3A_824 = arith.constant 1 : i32
    "tpu.region"() ({
      %run_scoped3A_840 = tpu.sem_alloc : memref<!tpu.dma_semaphore, #tpu.memory_space<semaphore_mem>>
      %dma_start3A_841 = arith.constant 0 : i32
      %dma_start3A_842 = arith.constant 0 : i32
      %dma_start3A_843 = tpu.memref_slice %arg12[%run_scoped3A_823, %dma_start3A_841, %dma_start3A_842] : memref<6x128x64xf32, #tpu.memory_space<vmem>> -> memref<1x128x64xf32, #tpu.memory_space<vmem>>
      %dma_start3A_844 = tpu.memref_squeeze %dma_start3A_843 : memref<1x128x64xf32, #tpu.memory_space<vmem>> -> memref<128x64xf32, #tpu.memory_space<vmem>>
      %dma_start3A_845 = arith.constant 0 : i32
      %dma_start3A_846 = arith.constant 0 : i32
      %dma_start3A_847 = tpu.memref_slice %arg8[%arg0, %run_scoped3A_824, %dma_start3A_845, %dma_start3A_846] : memref<2x2x10240x64xf32, #tpu.memory_space<hbm>> -> memref<1x1x10240x64xf32, #tpu.memory_space<hbm>>
      %dma_start3A_848 = tpu.memref_squeeze %dma_start3A_847 : memref<1x1x10240x64xf32, #tpu.memory_space<hbm>> -> memref<10240x64xf32, #tpu.memory_space<hbm>>
      %dma_start3A_849 = arith.constant 0 : i32
      %dma_start3A_850 = tpu.memref_slice %dma_start3A_848[%add3A_821, %dma_start3A_849] : memref<10240x64xf32, #tpu.memory_space<hbm>> -> memref<128x64xf32, #tpu.memory_space<hbm>>
      %dma_start3A_851 = arith.constant 0 : i32
      %dma_start3A_852 = arith.constant 0 : i32
      %dma_start3A_853 = tpu.memref_slice %arg8[%arg0, %run_scoped3A_824, %dma_start3A_851, %dma_start3A_852] : memref<2x2x10240x64xf32, #tpu.memory_space<hbm>> -> memref<1x1x10240x64xf32, #tpu.memory_space<hbm>>
      %dma_start3A_854 = tpu.memref_squeeze %dma_start3A_853 : memref<1x1x10240x64xf32, #tpu.memory_space<hbm>> -> memref<10240x64xf32, #tpu.memory_space<hbm>>
      %dma_start3A_855 = arith.constant 0 : i32
      %dma_start3A_856 = tpu.memref_slice %dma_start3A_854[%add3A_821, %dma_start3A_855] : memref<10240x64xf32, #tpu.memory_space<hbm>> -> memref<128x64xf32, #tpu.memory_space<hbm>>
      %dma_start3A_857 = arith.constant 0 : i32
      %dma_start3A_858 = arith.constant 0 : i32
      %dma_start3A_859 = tpu.memref_slice %arg12[%run_scoped3A_823, %dma_start3A_857, %dma_start3A_858] : memref<6x128x64xf32, #tpu.memory_space<vmem>> -> memref<1x128x64xf32, #tpu.memory_space<vmem>>
      %dma_start3A_860 = tpu.memref_squeeze %dma_start3A_859 : memref<1x128x64xf32, #tpu.memory_space<vmem>> -> memref<128x64xf32, #tpu.memory_space<vmem>>
      tpu.enqueue_dma source(%dma_start3A_860 : memref<128x64xf32, #tpu.memory_space<vmem>>) target(%dma_start3A_856 : memref<128x64xf32, #tpu.memory_space<hbm>>) target_semaphore(%run_scoped3A_840 : memref<!tpu.dma_semaphore, #tpu.memory_space<semaphore_mem>>)
      %dma_wait3A_861 = arith.constant 0 : i32
      %dma_wait3A_862 = arith.constant 0 : i32
      %dma_wait3A_863 = tpu.memref_slice %arg12[%run_scoped3A_823, %dma_wait3A_861, %dma_wait3A_862] : memref<6x128x64xf32, #tpu.memory_space<vmem>> -> memref<1x128x64xf32, #tpu.memory_space<vmem>>
      %dma_wait3A_864 = tpu.memref_squeeze %dma_wait3A_863 : memref<1x128x64xf32, #tpu.memory_space<vmem>> -> memref<128x64xf32, #tpu.memory_space<vmem>>
      %dma_wait3A_865 = arith.constant 0 : i32
      %dma_wait3A_866 = arith.constant 0 : i32
      %dma_wait3A_867 = tpu.memref_slice %arg8[%arg0, %run_scoped3A_824, %dma_wait3A_865, %dma_wait3A_866] : memref<2x2x10240x64xf32, #tpu.memory_space<hbm>> -> memref<1x1x10240x64xf32, #tpu.memory_space<hbm>>
      %dma_wait3A_868 = tpu.memref_squeeze %dma_wait3A_867 : memref<1x1x10240x64xf32, #tpu.memory_space<hbm>> -> memref<10240x64xf32, #tpu.memory_space<hbm>>
      %dma_wait3A_869 = arith.constant 0 : i32
      %dma_wait3A_870 = tpu.memref_slice %dma_wait3A_868[%add3A_821, %dma_wait3A_869] : memref<10240x64xf32, #tpu.memory_space<hbm>> -> memref<128x64xf32, #tpu.memory_space<hbm>>
      %dma_wait3A_871 = arith.constant 0 : i32
      %dma_wait3A_872 = arith.constant 0 : i32
      %dma_wait3A_873 = tpu.memref_slice %arg8[%arg0, %run_scoped3A_824, %dma_wait3A_871, %dma_wait3A_872] : memref<2x2x10240x64xf32, #tpu.memory_space<hbm>> -> memref<1x1x10240x64xf32, #tpu.memory_space<hbm>>
      %dma_wait3A_874 = tpu.memref_squeeze %dma_wait3A_873 : memref<1x1x10240x64xf32, #tpu.memory_space<hbm>> -> memref<10240x64xf32, #tpu.memory_space<hbm>>
      %dma_wait3A_875 = arith.constant 0 : i32
      %dma_wait3A_876 = tpu.memref_slice %dma_wait3A_874[%add3A_821, %dma_wait3A_875] : memref<10240x64xf32, #tpu.memory_space<hbm>> -> memref<128x64xf32, #tpu.memory_space<hbm>>
      %dma_wait3A_877 = arith.constant 0 : i32
      %dma_wait3A_878 = arith.constant 0 : i32
      %dma_wait3A_879 = tpu.memref_slice %arg12[%run_scoped3A_823, %dma_wait3A_877, %dma_wait3A_878] : memref<6x128x64xf32, #tpu.memory_space<vmem>> -> memref<1x128x64xf32, #tpu.memory_space<vmem>>
      %dma_wait3A_880 = tpu.memref_squeeze %dma_wait3A_879 : memref<1x128x64xf32, #tpu.memory_space<vmem>> -> memref<128x64xf32, #tpu.memory_space<vmem>>
      tpu.wait_dma2 semaphore(%run_scoped3A_840 : memref<!tpu.dma_semaphore, #tpu.memory_space<semaphore_mem>>) src(%dma_wait3A_880 : memref<128x64xf32, #tpu.memory_space<vmem>>) dst(%dma_wait3A_876 : memref<128x64xf32, #tpu.memory_space<hbm>>)
      tpu.yield
    }) : () -> ()
    %add3A_825 = arith.constant 256 : i32
    %add3A_826 = arith.addi %mul3A_0, %add3A_825 : i32
    %run_scoped3A_827 = arith.constant 0 : i32
    "tpu.region"() ({
      %run_scoped3A_840 = tpu.sem_alloc : memref<!tpu.dma_semaphore, #tpu.memory_space<semaphore_mem>>
      %dma_start3A_841 = arith.constant 0 : i32
      %dma_start3A_842 = arith.constant 0 : i32
      %dma_start3A_843 = tpu.memref_slice %arg12[%run_scoped3A_827, %dma_start3A_841, %dma_start3A_842] : memref<6x128x64xf32, #tpu.memory_space<vmem>> -> memref<1x128x64xf32, #tpu.memory_space<vmem>>
      %dma_start3A_844 = tpu.memref_squeeze %dma_start3A_843 : memref<1x128x64xf32, #tpu.memory_space<vmem>> -> memref<128x64xf32, #tpu.memory_space<vmem>>
      %dma_start3A_845 = arith.constant 0 : i32
      %dma_start3A_846 = tpu.memref_slice %arg14[%add3A_826, %dma_start3A_845] : memref<10240x64xf32, #tpu.memory_space<vmem_shared>> -> memref<128x64xf32, #tpu.memory_space<vmem_shared>>
      %dma_start3A_847 = arith.constant 0 : i32
      %dma_start3A_848 = arith.constant 0 : i32
      %dma_start3A_849 = tpu.memref_slice %arg12[%run_scoped3A_827, %dma_start3A_847, %dma_start3A_848] : memref<6x128x64xf32, #tpu.memory_space<vmem>> -> memref<1x128x64xf32, #tpu.memory_space<vmem>>
      %dma_start3A_850 = tpu.memref_squeeze %dma_start3A_849 : memref<1x128x64xf32, #tpu.memory_space<vmem>> -> memref<128x64xf32, #tpu.memory_space<vmem>>
      %dma_start3A_851 = arith.constant 0 : i32
      %dma_start3A_852 = tpu.memref_slice %arg14[%add3A_826, %dma_start3A_851] : memref<10240x64xf32, #tpu.memory_space<vmem_shared>> -> memref<128x64xf32, #tpu.memory_space<vmem_shared>>
      tpu.enqueue_dma source(%dma_start3A_852 : memref<128x64xf32, #tpu.memory_space<vmem_shared>>) target(%dma_start3A_850 : memref<128x64xf32, #tpu.memory_space<vmem>>) target_semaphore(%run_scoped3A_840 : memref<!tpu.dma_semaphore, #tpu.memory_space<semaphore_mem>>)
      %dma_wait3A_853 = arith.constant 0 : i32
      %dma_wait3A_854 = arith.constant 0 : i32
      %dma_wait3A_855 = tpu.memref_slice %arg12[%run_scoped3A_827, %dma_wait3A_853, %dma_wait3A_854] : memref<6x128x64xf32, #tpu.memory_space<vmem>> -> memref<1x128x64xf32, #tpu.memory_space<vmem>>
      %dma_wait3A_856 = tpu.memref_squeeze %dma_wait3A_855 : memref<1x128x64xf32, #tpu.memory_space<vmem>> -> memref<128x64xf32, #tpu.memory_space<vmem>>
      %dma_wait3A_857 = arith.constant 0 : i32
      %dma_wait3A_858 = tpu.memref_slice %arg14[%add3A_826, %dma_wait3A_857] : memref<10240x64xf32, #tpu.memory_space<vmem_shared>> -> memref<128x64xf32, #tpu.memory_space<vmem_shared>>
      %dma_wait3A_859 = arith.constant 0 : i32
      %dma_wait3A_860 = arith.constant 0 : i32
      %dma_wait3A_861 = tpu.memref_slice %arg12[%run_scoped3A_827, %dma_wait3A_859, %dma_wait3A_860] : memref<6x128x64xf32, #tpu.memory_space<vmem>> -> memref<1x128x64xf32, #tpu.memory_space<vmem>>
      %dma_wait3A_862 = tpu.memref_squeeze %dma_wait3A_861 : memref<1x128x64xf32, #tpu.memory_space<vmem>> -> memref<128x64xf32, #tpu.memory_space<vmem>>
      %dma_wait3A_863 = arith.constant 0 : i32
      %dma_wait3A_864 = tpu.memref_slice %arg14[%add3A_826, %dma_wait3A_863] : memref<10240x64xf32, #tpu.memory_space<vmem_shared>> -> memref<128x64xf32, #tpu.memory_space<vmem_shared>>
      tpu.wait_dma2 semaphore(%run_scoped3A_840 : memref<!tpu.dma_semaphore, #tpu.memory_space<semaphore_mem>>) src(%dma_wait3A_864 : memref<128x64xf32, #tpu.memory_space<vmem_shared>>) dst(%dma_wait3A_862 : memref<128x64xf32, #tpu.memory_space<vmem>>)
      tpu.yield
    }) : () -> ()
    %run_scoped3A_828 = arith.constant 0 : i32
    %run_scoped3A_829 = arith.constant 1 : i32
    "tpu.region"() ({
      %run_scoped3A_840 = tpu.sem_alloc : memref<!tpu.dma_semaphore, #tpu.memory_space<semaphore_mem>>
      %dma_start3A_841 = arith.constant 0 : i32
      %dma_start3A_842 = arith.constant 0 : i32
      %dma_start3A_843 = tpu.memref_slice %arg12[%run_scoped3A_828, %dma_start3A_841, %dma_start3A_842] : memref<6x128x64xf32, #tpu.memory_space<vmem>> -> memref<1x128x64xf32, #tpu.memory_space<vmem>>
      %dma_start3A_844 = tpu.memref_squeeze %dma_start3A_843 : memref<1x128x64xf32, #tpu.memory_space<vmem>> -> memref<128x64xf32, #tpu.memory_space<vmem>>
      %dma_start3A_845 = arith.constant 0 : i32
      %dma_start3A_846 = arith.constant 0 : i32
      %dma_start3A_847 = tpu.memref_slice %arg8[%arg0, %run_scoped3A_829, %dma_start3A_845, %dma_start3A_846] : memref<2x2x10240x64xf32, #tpu.memory_space<hbm>> -> memref<1x1x10240x64xf32, #tpu.memory_space<hbm>>
      %dma_start3A_848 = tpu.memref_squeeze %dma_start3A_847 : memref<1x1x10240x64xf32, #tpu.memory_space<hbm>> -> memref<10240x64xf32, #tpu.memory_space<hbm>>
      %dma_start3A_849 = arith.constant 0 : i32
      %dma_start3A_850 = tpu.memref_slice %dma_start3A_848[%add3A_826, %dma_start3A_849] : memref<10240x64xf32, #tpu.memory_space<hbm>> -> memref<128x64xf32, #tpu.memory_space<hbm>>
      %dma_start3A_851 = arith.constant 0 : i32
      %dma_start3A_852 = arith.constant 0 : i32
      %dma_start3A_853 = tpu.memref_slice %arg8[%arg0, %run_scoped3A_829, %dma_start3A_851, %dma_start3A_852] : memref<2x2x10240x64xf32, #tpu.memory_space<hbm>> -> memref<1x1x10240x64xf32, #tpu.memory_space<hbm>>
      %dma_start3A_854 = tpu.memref_squeeze %dma_start3A_853 : memref<1x1x10240x64xf32, #tpu.memory_space<hbm>> -> memref<10240x64xf32, #tpu.memory_space<hbm>>
      %dma_start3A_855 = arith.constant 0 : i32
      %dma_start3A_856 = tpu.memref_slice %dma_start3A_854[%add3A_826, %dma_start3A_855] : memref<10240x64xf32, #tpu.memory_space<hbm>> -> memref<128x64xf32, #tpu.memory_space<hbm>>
      %dma_start3A_857 = arith.constant 0 : i32
      %dma_start3A_858 = arith.constant 0 : i32
      %dma_start3A_859 = tpu.memref_slice %arg12[%run_scoped3A_828, %dma_start3A_857, %dma_start3A_858] : memref<6x128x64xf32, #tpu.memory_space<vmem>> -> memref<1x128x64xf32, #tpu.memory_space<vmem>>
      %dma_start3A_860 = tpu.memref_squeeze %dma_start3A_859 : memref<1x128x64xf32, #tpu.memory_space<vmem>> -> memref<128x64xf32, #tpu.memory_space<vmem>>
      tpu.enqueue_dma source(%dma_start3A_860 : memref<128x64xf32, #tpu.memory_space<vmem>>) target(%dma_start3A_856 : memref<128x64xf32, #tpu.memory_space<hbm>>) target_semaphore(%run_scoped3A_840 : memref<!tpu.dma_semaphore, #tpu.memory_space<semaphore_mem>>)
      %dma_wait3A_861 = arith.constant 0 : i32
      %dma_wait3A_862 = arith.constant 0 : i32
      %dma_wait3A_863 = tpu.memref_slice %arg12[%run_scoped3A_828, %dma_wait3A_861, %dma_wait3A_862] : memref<6x128x64xf32, #tpu.memory_space<vmem>> -> memref<1x128x64xf32, #tpu.memory_space<vmem>>
      %dma_wait3A_864 = tpu.memref_squeeze %dma_wait3A_863 : memref<1x128x64xf32, #tpu.memory_space<vmem>> -> memref<128x64xf32, #tpu.memory_space<vmem>>
      %dma_wait3A_865 = arith.constant 0 : i32
      %dma_wait3A_866 = arith.constant 0 : i32
      %dma_wait3A_867 = tpu.memref_slice %arg8[%arg0, %run_scoped3A_829, %dma_wait3A_865, %dma_wait3A_866] : memref<2x2x10240x64xf32, #tpu.memory_space<hbm>> -> memref<1x1x10240x64xf32, #tpu.memory_space<hbm>>
      %dma_wait3A_868 = tpu.memref_squeeze %dma_wait3A_867 : memref<1x1x10240x64xf32, #tpu.memory_space<hbm>> -> memref<10240x64xf32, #tpu.memory_space<hbm>>
      %dma_wait3A_869 = arith.constant 0 : i32
      %dma_wait3A_870 = tpu.memref_slice %dma_wait3A_868[%add3A_826, %dma_wait3A_869] : memref<10240x64xf32, #tpu.memory_space<hbm>> -> memref<128x64xf32, #tpu.memory_space<hbm>>
      %dma_wait3A_871 = arith.constant 0 : i32
      %dma_wait3A_872 = arith.constant 0 : i32
      %dma_wait3A_873 = tpu.memref_slice %arg8[%arg0, %run_scoped3A_829, %dma_wait3A_871, %dma_wait3A_872] : memref<2x2x10240x64xf32, #tpu.memory_space<hbm>> -> memref<1x1x10240x64xf32, #tpu.memory_space<hbm>>
      %dma_wait3A_874 = tpu.memref_squeeze %dma_wait3A_873 : memref<1x1x10240x64xf32, #tpu.memory_space<hbm>> -> memref<10240x64xf32, #tpu.memory_space<hbm>>
      %dma_wait3A_875 = arith.constant 0 : i32
      %dma_wait3A_876 = tpu.memref_slice %dma_wait3A_874[%add3A_826, %dma_wait3A_875] : memref<10240x64xf32, #tpu.memory_space<hbm>> -> memref<128x64xf32, #tpu.memory_space<hbm>>
      %dma_wait3A_877 = arith.constant 0 : i32
      %dma_wait3A_878 = arith.constant 0 : i32
      %dma_wait3A_879 = tpu.memref_slice %arg12[%run_scoped3A_828, %dma_wait3A_877, %dma_wait3A_878] : memref<6x128x64xf32, #tpu.memory_space<vmem>> -> memref<1x128x64xf32, #tpu.memory_space<vmem>>
      %dma_wait3A_880 = tpu.memref_squeeze %dma_wait3A_879 : memref<1x128x64xf32, #tpu.memory_space<vmem>> -> memref<128x64xf32, #tpu.memory_space<vmem>>
      tpu.wait_dma2 semaphore(%run_scoped3A_840 : memref<!tpu.dma_semaphore, #tpu.memory_space<semaphore_mem>>) src(%dma_wait3A_880 : memref<128x64xf32, #tpu.memory_space<vmem>>) dst(%dma_wait3A_876 : memref<128x64xf32, #tpu.memory_space<hbm>>)
      tpu.yield
    }) : () -> ()
    %add3A_830 = arith.constant 384 : i32
    %add3A_831 = arith.addi %mul3A_0, %add3A_830 : i32
    %run_scoped3A_832 = arith.constant 0 : i32
    "tpu.region"() ({
      %run_scoped3A_840 = tpu.sem_alloc : memref<!tpu.dma_semaphore, #tpu.memory_space<semaphore_mem>>
      %dma_start3A_841 = arith.constant 0 : i32
      %dma_start3A_842 = arith.constant 0 : i32
      %dma_start3A_843 = tpu.memref_slice %arg12[%run_scoped3A_832, %dma_start3A_841, %dma_start3A_842] : memref<6x128x64xf32, #tpu.memory_space<vmem>> -> memref<1x128x64xf32, #tpu.memory_space<vmem>>
      %dma_start3A_844 = tpu.memref_squeeze %dma_start3A_843 : memref<1x128x64xf32, #tpu.memory_space<vmem>> -> memref<128x64xf32, #tpu.memory_space<vmem>>
      %dma_start3A_845 = arith.constant 0 : i32
      %dma_start3A_846 = tpu.memref_slice %arg14[%add3A_831, %dma_start3A_845] : memref<10240x64xf32, #tpu.memory_space<vmem_shared>> -> memref<128x64xf32, #tpu.memory_space<vmem_shared>>
      %dma_start3A_847 = arith.constant 0 : i32
      %dma_start3A_848 = arith.constant 0 : i32
      %dma_start3A_849 = tpu.memref_slice %arg12[%run_scoped3A_832, %dma_start3A_847, %dma_start3A_848] : memref<6x128x64xf32, #tpu.memory_space<vmem>> -> memref<1x128x64xf32, #tpu.memory_space<vmem>>
      %dma_start3A_850 = tpu.memref_squeeze %dma_start3A_849 : memref<1x128x64xf32, #tpu.memory_space<vmem>> -> memref<128x64xf32, #tpu.memory_space<vmem>>
      %dma_start3A_851 = arith.constant 0 : i32
      %dma_start3A_852 = tpu.memref_slice %arg14[%add3A_831, %dma_start3A_851] : memref<10240x64xf32, #tpu.memory_space<vmem_shared>> -> memref<128x64xf32, #tpu.memory_space<vmem_shared>>
      tpu.enqueue_dma source(%dma_start3A_852 : memref<128x64xf32, #tpu.memory_space<vmem_shared>>) target(%dma_start3A_850 : memref<128x64xf32, #tpu.memory_space<vmem>>) target_semaphore(%run_scoped3A_840 : memref<!tpu.dma_semaphore, #tpu.memory_space<semaphore_mem>>)
      %dma_wait3A_853 = arith.constant 0 : i32
      %dma_wait3A_854 = arith.constant 0 : i32
      %dma_wait3A_855 = tpu.memref_slice %arg12[%run_scoped3A_832, %dma_wait3A_853, %dma_wait3A_854] : memref<6x128x64xf32, #tpu.memory_space<vmem>> -> memref<1x128x64xf32, #tpu.memory_space<vmem>>
      %dma_wait3A_856 = tpu.memref_squeeze %dma_wait3A_855 : memref<1x128x64xf32, #tpu.memory_space<vmem>> -> memref<128x64xf32, #tpu.memory_space<vmem>>
      %dma_wait3A_857 = arith.constant 0 : i32
      %dma_wait3A_858 = tpu.memref_slice %arg14[%add3A_831, %dma_wait3A_857] : memref<10240x64xf32, #tpu.memory_space<vmem_shared>> -> memref<128x64xf32, #tpu.memory_space<vmem_shared>>
      %dma_wait3A_859 = arith.constant 0 : i32
      %dma_wait3A_860 = arith.constant 0 : i32
      %dma_wait3A_861 = tpu.memref_slice %arg12[%run_scoped3A_832, %dma_wait3A_859, %dma_wait3A_860] : memref<6x128x64xf32, #tpu.memory_space<vmem>> -> memref<1x128x64xf32, #tpu.memory_space<vmem>>
      %dma_wait3A_862 = tpu.memref_squeeze %dma_wait3A_861 : memref<1x128x64xf32, #tpu.memory_space<vmem>> -> memref<128x64xf32, #tpu.memory_space<vmem>>
      %dma_wait3A_863 = arith.constant 0 : i32
      %dma_wait3A_864 = tpu.memref_slice %arg14[%add3A_831, %dma_wait3A_863] : memref<10240x64xf32, #tpu.memory_space<vmem_shared>> -> memref<128x64xf32, #tpu.memory_space<vmem_shared>>
      tpu.wait_dma2 semaphore(%run_scoped3A_840 : memref<!tpu.dma_semaphore, #tpu.memory_space<semaphore_mem>>) src(%dma_wait3A_864 : memref<128x64xf32, #tpu.memory_space<vmem_shared>>) dst(%dma_wait3A_862 : memref<128x64xf32, #tpu.memory_space<vmem>>)
      tpu.yield
    }) : () -> ()
    %run_scoped3A_833 = arith.constant 0 : i32
    %run_scoped3A_834 = arith.constant 1 : i32
    "tpu.region"() ({
      %run_scoped3A_840 = tpu.sem_alloc : memref<!tpu.dma_semaphore, #tpu.memory_space<semaphore_mem>>
      %dma_start3A_841 = arith.constant 0 : i32
      %dma_start3A_842 = arith.constant 0 : i32
      %dma_start3A_843 = tpu.memref_slice %arg12[%run_scoped3A_833, %dma_start3A_841, %dma_start3A_842] : memref<6x128x64xf32, #tpu.memory_space<vmem>> -> memref<1x128x64xf32, #tpu.memory_space<vmem>>
      %dma_start3A_844 = tpu.memref_squeeze %dma_start3A_843 : memref<1x128x64xf32, #tpu.memory_space<vmem>> -> memref<128x64xf32, #tpu.memory_space<vmem>>
      %dma_start3A_845 = arith.constant 0 : i32
      %dma_start3A_846 = arith.constant 0 : i32
      %dma_start3A_847 = tpu.memref_slice %arg8[%arg0, %run_scoped3A_834, %dma_start3A_845, %dma_start3A_846] : memref<2x2x10240x64xf32, #tpu.memory_space<hbm>> -> memref<1x1x10240x64xf32, #tpu.memory_space<hbm>>
      %dma_start3A_848 = tpu.memref_squeeze %dma_start3A_847 : memref<1x1x10240x64xf32, #tpu.memory_space<hbm>> -> memref<10240x64xf32, #tpu.memory_space<hbm>>
      %dma_start3A_849 = arith.constant 0 : i32
      %dma_start3A_850 = tpu.memref_slice %dma_start3A_848[%add3A_831, %dma_start3A_849] : memref<10240x64xf32, #tpu.memory_space<hbm>> -> memref<128x64xf32, #tpu.memory_space<hbm>>
      %dma_start3A_851 = arith.constant 0 : i32
      %dma_start3A_852 = arith.constant 0 : i32
      %dma_start3A_853 = tpu.memref_slice %arg8[%arg0, %run_scoped3A_834, %dma_start3A_851, %dma_start3A_852] : memref<2x2x10240x64xf32, #tpu.memory_space<hbm>> -> memref<1x1x10240x64xf32, #tpu.memory_space<hbm>>
      %dma_start3A_854 = tpu.memref_squeeze %dma_start3A_853 : memref<1x1x10240x64xf32, #tpu.memory_space<hbm>> -> memref<10240x64xf32, #tpu.memory_space<hbm>>
      %dma_start3A_855 = arith.constant 0 : i32
      %dma_start3A_856 = tpu.memref_slice %dma_start3A_854[%add3A_831, %dma_start3A_855] : memref<10240x64xf32, #tpu.memory_space<hbm>> -> memref<128x64xf32, #tpu.memory_space<hbm>>
      %dma_start3A_857 = arith.constant 0 : i32
      %dma_start3A_858 = arith.constant 0 : i32
      %dma_start3A_859 = tpu.memref_slice %arg12[%run_scoped3A_833, %dma_start3A_857, %dma_start3A_858] : memref<6x128x64xf32, #tpu.memory_space<vmem>> -> memref<1x128x64xf32, #tpu.memory_space<vmem>>
      %dma_start3A_860 = tpu.memref_squeeze %dma_start3A_859 : memref<1x128x64xf32, #tpu.memory_space<vmem>> -> memref<128x64xf32, #tpu.memory_space<vmem>>
      tpu.enqueue_dma source(%dma_start3A_860 : memref<128x64xf32, #tpu.memory_space<vmem>>) target(%dma_start3A_856 : memref<128x64xf32, #tpu.memory_space<hbm>>) target_semaphore(%run_scoped3A_840 : memref<!tpu.dma_semaphore, #tpu.memory_space<semaphore_mem>>)
      %dma_wait3A_861 = arith.constant 0 : i32
      %dma_wait3A_862 = arith.constant 0 : i32
      %dma_wait3A_863 = tpu.memref_slice %arg12[%run_scoped3A_833, %dma_wait3A_861, %dma_wait3A_862] : memref<6x128x64xf32, #tpu.memory_space<vmem>> -> memref<1x128x64xf32, #tpu.memory_space<vmem>>
      %dma_wait3A_864 = tpu.memref_squeeze %dma_wait3A_863 : memref<1x128x64xf32, #tpu.memory_space<vmem>> -> memref<128x64xf32, #tpu.memory_space<vmem>>
      %dma_wait3A_865 = arith.constant 0 : i32
      %dma_wait3A_866 = arith.constant 0 : i32
      %dma_wait3A_867 = tpu.memref_slice %arg8[%arg0, %run_scoped3A_834, %dma_wait3A_865, %dma_wait3A_866] : memref<2x2x10240x64xf32, #tpu.memory_space<hbm>> -> memref<1x1x10240x64xf32, #tpu.memory_space<hbm>>
      %dma_wait3A_868 = tpu.memref_squeeze %dma_wait3A_867 : memref<1x1x10240x64xf32, #tpu.memory_space<hbm>> -> memref<10240x64xf32, #tpu.memory_space<hbm>>
      %dma_wait3A_869 = arith.constant 0 : i32
      %dma_wait3A_870 = tpu.memref_slice %dma_wait3A_868[%add3A_831, %dma_wait3A_869] : memref<10240x64xf32, #tpu.memory_space<hbm>> -> memref<128x64xf32, #tpu.memory_space<hbm>>
      %dma_wait3A_871 = arith.constant 0 : i32
      %dma_wait3A_872 = arith.constant 0 : i32
      %dma_wait3A_873 = tpu.memref_slice %arg8[%arg0, %run_scoped3A_834, %dma_wait3A_871, %dma_wait3A_872] : memref<2x2x10240x64xf32, #tpu.memory_space<hbm>> -> memref<1x1x10240x64xf32, #tpu.memory_space<hbm>>
      %dma_wait3A_874 = tpu.memref_squeeze %dma_wait3A_873 : memref<1x1x10240x64xf32, #tpu.memory_space<hbm>> -> memref<10240x64xf32, #tpu.memory_space<hbm>>
      %dma_wait3A_875 = arith.constant 0 : i32
      %dma_wait3A_876 = tpu.memref_slice %dma_wait3A_874[%add3A_831, %dma_wait3A_875] : memref<10240x64xf32, #tpu.memory_space<hbm>> -> memref<128x64xf32, #tpu.memory_space<hbm>>
      %dma_wait3A_877 = arith.constant 0 : i32
      %dma_wait3A_878 = arith.constant 0 : i32
      %dma_wait3A_879 = tpu.memref_slice %arg12[%run_scoped3A_833, %dma_wait3A_877, %dma_wait3A_878] : memref<6x128x64xf32, #tpu.memory_space<vmem>> -> memref<1x128x64xf32, #tpu.memory_space<vmem>>
      %dma_wait3A_880 = tpu.memref_squeeze %dma_wait3A_879 : memref<1x128x64xf32, #tpu.memory_space<vmem>> -> memref<128x64xf32, #tpu.memory_space<vmem>>
      tpu.wait_dma2 semaphore(%run_scoped3A_840 : memref<!tpu.dma_semaphore, #tpu.memory_space<semaphore_mem>>) src(%dma_wait3A_880 : memref<128x64xf32, #tpu.memory_space<vmem>>) dst(%dma_wait3A_876 : memref<128x64xf32, #tpu.memory_space<hbm>>)
      tpu.yield
    }) : () -> ()
    %add3A_835 = arith.constant 512 : i32
    %add3A_836 = arith.addi %mul3A_0, %add3A_835 : i32
    %run_scoped3A_837 = arith.constant 0 : i32
    "tpu.region"() ({
      %run_scoped3A_840 = tpu.sem_alloc : memref<!tpu.dma_semaphore, #tpu.memory_space<semaphore_mem>>
      %dma_start3A_841 = arith.constant 0 : i32
      %dma_start3A_842 = arith.constant 0 : i32
      %dma_start3A_843 = tpu.memref_slice %arg12[%run_scoped3A_837, %dma_start3A_841, %dma_start3A_842] : memref<6x128x64xf32, #tpu.memory_space<vmem>> -> memref<1x128x64xf32, #tpu.memory_space<vmem>>
      %dma_start3A_844 = tpu.memref_squeeze %dma_start3A_843 : memref<1x128x64xf32, #tpu.memory_space<vmem>> -> memref<128x64xf32, #tpu.memory_space<vmem>>
      %dma_start3A_845 = arith.constant 0 : i32
      %dma_start3A_846 = tpu.memref_slice %arg14[%add3A_836, %dma_start3A_845] : memref<10240x64xf32, #tpu.memory_space<vmem_shared>> -> memref<128x64xf32, #tpu.memory_space<vmem_shared>>
      %dma_start3A_847 = arith.constant 0 : i32
      %dma_start3A_848 = arith.constant 0 : i32
      %dma_start3A_849 = tpu.memref_slice %arg12[%run_scoped3A_837, %dma_start3A_847, %dma_start3A_848] : memref<6x128x64xf32, #tpu.memory_space<vmem>> -> memref<1x128x64xf32, #tpu.memory_space<vmem>>
      %dma_start3A_850 = tpu.memref_squeeze %dma_start3A_849 : memref<1x128x64xf32, #tpu.memory_space<vmem>> -> memref<128x64xf32, #tpu.memory_space<vmem>>
      %dma_start3A_851 = arith.constant 0 : i32
      %dma_start3A_852 = tpu.memref_slice %arg14[%add3A_836, %dma_start3A_851] : memref<10240x64xf32, #tpu.memory_space<vmem_shared>> -> memref<128x64xf32, #tpu.memory_space<vmem_shared>>
      tpu.enqueue_dma source(%dma_start3A_852 : memref<128x64xf32, #tpu.memory_space<vmem_shared>>) target(%dma_start3A_850 : memref<128x64xf32, #tpu.memory_space<vmem>>) target_semaphore(%run_scoped3A_840 : memref<!tpu.dma_semaphore, #tpu.memory_space<semaphore_mem>>)
      %dma_wait3A_853 = arith.constant 0 : i32
      %dma_wait3A_854 = arith.constant 0 : i32
      %dma_wait3A_855 = tpu.memref_slice %arg12[%run_scoped3A_837, %dma_wait3A_853, %dma_wait3A_854] : memref<6x128x64xf32, #tpu.memory_space<vmem>> -> memref<1x128x64xf32, #tpu.memory_space<vmem>>
      %dma_wait3A_856 = tpu.memref_squeeze %dma_wait3A_855 : memref<1x128x64xf32, #tpu.memory_space<vmem>> -> memref<128x64xf32, #tpu.memory_space<vmem>>
      %dma_wait3A_857 = arith.constant 0 : i32
      %dma_wait3A_858 = tpu.memref_slice %arg14[%add3A_836, %dma_wait3A_857] : memref<10240x64xf32, #tpu.memory_space<vmem_shared>> -> memref<128x64xf32, #tpu.memory_space<vmem_shared>>
      %dma_wait3A_859 = arith.constant 0 : i32
      %dma_wait3A_860 = arith.constant 0 : i32
      %dma_wait3A_861 = tpu.memref_slice %arg12[%run_scoped3A_837, %dma_wait3A_859, %dma_wait3A_860] : memref<6x128x64xf32, #tpu.memory_space<vmem>> -> memref<1x128x64xf32, #tpu.memory_space<vmem>>
      %dma_wait3A_862 = tpu.memref_squeeze %dma_wait3A_861 : memref<1x128x64xf32, #tpu.memory_space<vmem>> -> memref<128x64xf32, #tpu.memory_space<vmem>>
      %dma_wait3A_863 = arith.constant 0 : i32
      %dma_wait3A_864 = tpu.memref_slice %arg14[%add3A_836, %dma_wait3A_863] : memref<10240x64xf32, #tpu.memory_space<vmem_shared>> -> memref<128x64xf32, #tpu.memory_space<vmem_shared>>
      tpu.wait_dma2 semaphore(%run_scoped3A_840 : memref<!tpu.dma_semaphore, #tpu.memory_space<semaphore_mem>>) src(%dma_wait3A_864 : memref<128x64xf32, #tpu.memory_space<vmem_shared>>) dst(%dma_wait3A_862 : memref<128x64xf32, #tpu.memory_space<vmem>>)
      tpu.yield
    }) : () -> ()
    %run_scoped3A_838 = arith.constant 0 : i32
    %run_scoped3A_839 = arith.constant 1 : i32
    "tpu.region"() ({
      %run_scoped3A_840 = tpu.sem_alloc : memref<!tpu.dma_semaphore, #tpu.memory_space<semaphore_mem>>
      %dma_start3A_841 = arith.constant 0 : i32
      %dma_start3A_842 = arith.constant 0 : i32
      %dma_start3A_843 = tpu.memref_slice %arg12[%run_scoped3A_838, %dma_start3A_841, %dma_start3A_842] : memref<6x128x64xf32, #tpu.memory_space<vmem>> -> memref<1x128x64xf32, #tpu.memory_space<vmem>>
      %dma_start3A_844 = tpu.memref_squeeze %dma_start3A_843 : memref<1x128x64xf32, #tpu.memory_space<vmem>> -> memref<128x64xf32, #tpu.memory_space<vmem>>
      %dma_start3A_845 = arith.constant 0 : i32
      %dma_start3A_846 = arith.constant 0 : i32
      %dma_start3A_847 = tpu.memref_slice %arg8[%arg0, %run_scoped3A_839, %dma_start3A_845, %dma_start3A_846] : memref<2x2x10240x64xf32, #tpu.memory_space<hbm>> -> memref<1x1x10240x64xf32, #tpu.memory_space<hbm>>
      %dma_start3A_848 = tpu.memref_squeeze %dma_start3A_847 : memref<1x1x10240x64xf32, #tpu.memory_space<hbm>> -> memref<10240x64xf32, #tpu.memory_space<hbm>>
      %dma_start3A_849 = arith.constant 0 : i32
      %dma_start3A_850 = tpu.memref_slice %dma_start3A_848[%add3A_836, %dma_start3A_849] : memref<10240x64xf32, #tpu.memory_space<hbm>> -> memref<128x64xf32, #tpu.memory_space<hbm>>
      %dma_start3A_851 = arith.constant 0 : i32
      %dma_start3A_852 = arith.constant 0 : i32
      %dma_start3A_853 = tpu.memref_slice %arg8[%arg0, %run_scoped3A_839, %dma_start3A_851, %dma_start3A_852] : memref<2x2x10240x64xf32, #tpu.memory_space<hbm>> -> memref<1x1x10240x64xf32, #tpu.memory_space<hbm>>
      %dma_start3A_854 = tpu.memref_squeeze %dma_start3A_853 : memref<1x1x10240x64xf32, #tpu.memory_space<hbm>> -> memref<10240x64xf32, #tpu.memory_space<hbm>>
      %dma_start3A_855 = arith.constant 0 : i32
      %dma_start3A_856 = tpu.memref_slice %dma_start3A_854[%add3A_836, %dma_start3A_855] : memref<10240x64xf32, #tpu.memory_space<hbm>> -> memref<128x64xf32, #tpu.memory_space<hbm>>
      %dma_start3A_857 = arith.constant 0 : i32
      %dma_start3A_858 = arith.constant 0 : i32
      %dma_start3A_859 = tpu.memref_slice %arg12[%run_scoped3A_838, %dma_start3A_857, %dma_start3A_858] : memref<6x128x64xf32, #tpu.memory_space<vmem>> -> memref<1x128x64xf32, #tpu.memory_space<vmem>>
      %dma_start3A_860 = tpu.memref_squeeze %dma_start3A_859 : memref<1x128x64xf32, #tpu.memory_space<vmem>> -> memref<128x64xf32, #tpu.memory_space<vmem>>
      tpu.enqueue_dma source(%dma_start3A_860 : memref<128x64xf32, #tpu.memory_space<vmem>>) target(%dma_start3A_856 : memref<128x64xf32, #tpu.memory_space<hbm>>) target_semaphore(%run_scoped3A_840 : memref<!tpu.dma_semaphore, #tpu.memory_space<semaphore_mem>>)
      %dma_wait3A_861 = arith.constant 0 : i32
      %dma_wait3A_862 = arith.constant 0 : i32
      %dma_wait3A_863 = tpu.memref_slice %arg12[%run_scoped3A_838, %dma_wait3A_861, %dma_wait3A_862] : memref<6x128x64xf32, #tpu.memory_space<vmem>> -> memref<1x128x64xf32, #tpu.memory_space<vmem>>
      %dma_wait3A_864 = tpu.memref_squeeze %dma_wait3A_863 : memref<1x128x64xf32, #tpu.memory_space<vmem>> -> memref<128x64xf32, #tpu.memory_space<vmem>>
      %dma_wait3A_865 = arith.constant 0 : i32
      %dma_wait3A_866 = arith.constant 0 : i32
      %dma_wait3A_867 = tpu.memref_slice %arg8[%arg0, %run_scoped3A_839, %dma_wait3A_865, %dma_wait3A_866] : memref<2x2x10240x64xf32, #tpu.memory_space<hbm>> -> memref<1x1x10240x64xf32, #tpu.memory_space<hbm>>
      %dma_wait3A_868 = tpu.memref_squeeze %dma_wait3A_867 : memref<1x1x10240x64xf32, #tpu.memory_space<hbm>> -> memref<10240x64xf32, #tpu.memory_space<hbm>>
      %dma_wait3A_869 = arith.constant 0 : i32
      %dma_wait3A_870 = tpu.memref_slice %dma_wait3A_868[%add3A_836, %dma_wait3A_869] : memref<10240x64xf32, #tpu.memory_space<hbm>> -> memref<128x64xf32, #tpu.memory_space<hbm>>
      %dma_wait3A_871 = arith.constant 0 : i32
      %dma_wait3A_872 = arith.constant 0 : i32
      %dma_wait3A_873 = tpu.memref_slice %arg8[%arg0, %run_scoped3A_839, %dma_wait3A_871, %dma_wait3A_872] : memref<2x2x10240x64xf32, #tpu.memory_space<hbm>> -> memref<1x1x10240x64xf32, #tpu.memory_space<hbm>>
      %dma_wait3A_874 = tpu.memref_squeeze %dma_wait3A_873 : memref<1x1x10240x64xf32, #tpu.memory_space<hbm>> -> memref<10240x64xf32, #tpu.memory_space<hbm>>
      %dma_wait3A_875 = arith.constant 0 : i32
      %dma_wait3A_876 = tpu.memref_slice %dma_wait3A_874[%add3A_836, %dma_wait3A_875] : memref<10240x64xf32, #tpu.memory_space<hbm>> -> memref<128x64xf32, #tpu.memory_space<hbm>>
      %dma_wait3A_877 = arith.constant 0 : i32
      %dma_wait3A_878 = arith.constant 0 : i32
      %dma_wait3A_879 = tpu.memref_slice %arg12[%run_scoped3A_838, %dma_wait3A_877, %dma_wait3A_878] : memref<6x128x64xf32, #tpu.memory_space<vmem>> -> memref<1x128x64xf32, #tpu.memory_space<vmem>>
      %dma_wait3A_880 = tpu.memref_squeeze %dma_wait3A_879 : memref<1x128x64xf32, #tpu.memory_space<vmem>> -> memref<128x64xf32, #tpu.memory_space<vmem>>
      tpu.wait_dma2 semaphore(%run_scoped3A_840 : memref<!tpu.dma_semaphore, #tpu.memory_space<semaphore_mem>>) src(%dma_wait3A_880 : memref<128x64xf32, #tpu.memory_space<vmem>>) dst(%dma_wait3A_876 : memref<128x64xf32, #tpu.memory_space<hbm>>)
      tpu.yield
    }) : () -> ()
    return
  }
}

module attributes {stable_mosaic.version = 14 : i64} {
  func.func @_proj_body(%arg0: i32, %arg1: i32, %arg2: memref<1x1000x128xf32, #tpu.memory_space<vmem>>, %arg3: memref<1x128x128xf32, #tpu.memory_space<vmem>>, %arg4: memref<1x1000x64xf32, #tpu.memory_space<vmem>>, %arg5: memref<1x1000x64xf32, #tpu.memory_space<vmem>>) attributes {dimension_semantics = [#tpu.dimension_semantics<arbitrary>, #tpu.dimension_semantics<arbitrary>], iteration_bounds = array<i64: 2, 10>, scalar_prefetch = 0 : i64, scratch_operands = 0 : i64, tpu.core_type = #tpu.core_type<tc>, window_params = [{transform_indices = @transform_0, window_bounds = array<i64: 1, 1000, 128>}, {transform_indices = @transform_1, window_bounds = array<i64: 1, 128, 128>}, {transform_indices = @transform_2, window_bounds = array<i64: 1, 1000, 64>}, {transform_indices = @transform_3, window_bounds = array<i64: 1, 1000, 64>}]} {
    %get3A = arith.constant 0 : index
    %get3A_0 = arith.constant 0 : index
    %get3A_1 = arith.constant 0 : index
    %get3A_2 = vector.load %arg2[%get3A, %get3A_0, %get3A_1] : memref<1x1000x128xf32, #tpu.memory_space<vmem>>, vector<1x1000x128xf32>
    %get3A_3 = vector.shape_cast %get3A_2 : vector<1x1000x128xf32> to vector<1000x128xf32>
    %get3A_4 = arith.constant 0 : index
    %get3A_5 = arith.constant 0 : index
    %get3A_6 = arith.constant 0 : index
    %get3A_7 = vector.load %arg3[%get3A_4, %get3A_5, %get3A_6] : memref<1x128x128xf32, #tpu.memory_space<vmem>>, vector<1x128x128xf32>
    %get3A_8 = vector.shape_cast %get3A_7 : vector<1x128x128xf32> to vector<128x128xf32>
    %dot_general3A = arith.constant dense<0.000000e+00> : vector<1000x128xf32>
    %dot_general3A_9 = tpu.matmul %get3A_3, %get3A_8, %dot_general3A {dimension_numbers = #tpu.dot_dimension_numbers<[1], [1], [0], [0], [0, 0, 1, 0], [], []>, transpose_lhs_hint = false} : vector<1000x128xf32>, vector<128x128xf32>, vector<1000x128xf32> -> vector<1000x128xf32>
    %slice3A = vector.extract_strided_slice %dot_general3A_9 {offsets = [0, 0], sizes = [1000, 64], strides = [1, 1]} : vector<1000x128xf32> to vector<1000x64xf32>
    %swap3A = arith.constant 0 : index
    %swap3A_10 = arith.constant 0 : index
    %swap3A_11 = arith.constant 0 : index
    %swap3A_12 = vector.load %arg4[%swap3A, %swap3A_10, %swap3A_11] : memref<1x1000x64xf32, #tpu.memory_space<vmem>>, vector<1x1000x64xf32>
    %swap3A_13 = vector.shape_cast %swap3A_12 : vector<1x1000x64xf32> to vector<1000x64xf32>
    %swap3A_14 = vector.shape_cast %slice3A : vector<1000x64xf32> to vector<1x1000x64xf32>
    tpu.vector_store %arg4[%swap3A, %swap3A_10, %swap3A_11], %swap3A_14 {strides = array<i32>} : memref<1x1000x64xf32, #tpu.memory_space<vmem>>, vector<1x1000x64xf32>,
    %slice3A_15 = vector.extract_strided_slice %dot_general3A_9 {offsets = [0, 64], sizes = [1000, 64], strides = [1, 1]} : vector<1000x128xf32> to vector<1000x64xf32>
    %swap3A_16 = arith.constant 0 : index
    %swap3A_17 = arith.constant 0 : index
    %swap3A_18 = arith.constant 0 : index
    %swap3A_19 = vector.load %arg5[%swap3A_16, %swap3A_17, %swap3A_18] : memref<1x1000x64xf32, #tpu.memory_space<vmem>>, vector<1x1000x64xf32>
    %swap3A_20 = vector.shape_cast %swap3A_19 : vector<1x1000x64xf32> to vector<1000x64xf32>
    %swap3A_21 = vector.shape_cast %slice3A_15 : vector<1000x64xf32> to vector<1x1000x64xf32>
    tpu.vector_store %arg5[%swap3A_16, %swap3A_17, %swap3A_18], %swap3A_21 {strides = array<i32>} : memref<1x1000x64xf32, #tpu.memory_space<vmem>>, vector<1x1000x64xf32>,
    return
  }
  func.func @transform_0(%arg0: i32, %arg1: i32) -> (i32, i32, i32) {
    %c0_i32 = arith.constant 0 : i32
    %c0_i32_0 = arith.constant 0 : i32
    return %arg0, %arg1, %c0_i32 : i32, i32, i32
  }
  func.func @transform_1(%arg0: i32, %arg1: i32) -> (i32, i32, i32) {
    %c0_i32 = arith.constant 0 : i32
    %c0_i32_0 = arith.constant 0 : i32
    %c0_i32_1 = arith.constant 0 : i32
    return %arg0, %c0_i32, %c0_i32_0 : i32, i32, i32
  }
  func.func @transform_2(%arg0: i32, %arg1: i32) -> (i32, i32, i32) {
    %c0_i32 = arith.constant 0 : i32
    %c0_i32_0 = arith.constant 0 : i32
    return %arg0, %arg1, %c0_i32 : i32, i32, i32
  }
  func.func @transform_3(%arg0: i32, %arg1: i32) -> (i32, i32, i32) {
    %c0_i32 = arith.constant 0 : i32
    %c0_i32_0 = arith.constant 0 : i32
    return %arg0, %arg1, %c0_i32 : i32, i32, i32
  }
}

module attributes {stable_mosaic.version = 14 : i64} {
  func.func @_gru_body(%arg0: i32, %arg1: i32, %arg2: memref<1x1000x128xf32, #tpu.memory_space<vmem>>, %arg3: memref<1x128x128xf32, #tpu.memory_space<vmem>>, %arg4: memref<1x1000x64xf32, #tpu.memory_space<vmem>>, %arg5: memref<1x1000x64xf32, #tpu.memory_space<vmem>>, %arg6: memref<1x1000x16xf32, #tpu.memory_space<vmem>>, %arg7: memref<1x384x128xf32, #tpu.memory_space<vmem>>, %arg8: memref<1x384x128xf32, #tpu.memory_space<vmem>>, %arg9: memref<1x1x384xf32, #tpu.memory_space<vmem>>, %arg10: memref<1x1x384xf32, #tpu.memory_space<vmem>>, %arg11: memref<1x1000x128xf32, #tpu.memory_space<vmem>>) attributes {dimension_semantics = [#tpu.dimension_semantics<arbitrary>, #tpu.dimension_semantics<arbitrary>], iteration_bounds = array<i64: 2, 10>, scalar_prefetch = 0 : i64, scratch_operands = 0 : i64, tpu.core_type = #tpu.core_type<tc>, window_params = [{transform_indices = @transform_0, window_bounds = array<i64: 1, 1000, 128>}, {transform_indices = @transform_1, window_bounds = array<i64: 1, 128, 128>}, {transform_indices = @transform_2, window_bounds = array<i64: 1, 1000, 64>}, {transform_indices = @transform_3, window_bounds = array<i64: 1, 1000, 64>}, {transform_indices = @transform_4, window_bounds = array<i64: 1, 1000, 16>}, {transform_indices = @transform_5, window_bounds = array<i64: 1, 384, 128>}, {transform_indices = @transform_6, window_bounds = array<i64: 1, 384, 128>}, {transform_indices = @transform_7, window_bounds = array<i64: 1, 1, 384>}, {transform_indices = @transform_8, window_bounds = array<i64: 1, 1, 384>}, {transform_indices = @transform_9, window_bounds = array<i64: 1, 1000, 128>}]} {
    %get3A = arith.constant 0 : index
    %get3A_0 = arith.constant 0 : index
    %get3A_1 = arith.constant 0 : index
    %get3A_2 = vector.load %arg2[%get3A, %get3A_0, %get3A_1] : memref<1x1000x128xf32, #tpu.memory_space<vmem>>, vector<1x1000x128xf32>
    %get3A_3 = vector.shape_cast %get3A_2 : vector<1x1000x128xf32> to vector<1000x128xf32>
    %get3A_4 = arith.constant 0 : index
    %get3A_5 = arith.constant 0 : index
    %get3A_6 = arith.constant 0 : index
    %get3A_7 = vector.load %arg3[%get3A_4, %get3A_5, %get3A_6] : memref<1x128x128xf32, #tpu.memory_space<vmem>>, vector<1x128x128xf32>
    %get3A_8 = vector.shape_cast %get3A_7 : vector<1x128x128xf32> to vector<128x128xf32>
    %dot_general3A = arith.constant dense<0.000000e+00> : vector<1000x128xf32>
    %dot_general3A_9 = tpu.matmul %get3A_3, %get3A_8, %dot_general3A {dimension_numbers = #tpu.dot_dimension_numbers<[1], [1], [0], [0], [0, 0, 1, 0], [], []>, transpose_lhs_hint = false} : vector<1000x128xf32>, vector<128x128xf32>, vector<1000x128xf32> -> vector<1000x128xf32>
    %get3A_10 = arith.constant 0 : index
    %get3A_11 = arith.constant 0 : index
    %get3A_12 = arith.constant 0 : index
    %get3A_13 = vector.load %arg4[%get3A_10, %get3A_11, %get3A_12] : memref<1x1000x64xf32, #tpu.memory_space<vmem>>, vector<1x1000x64xf32>
    %get3A_14 = vector.shape_cast %get3A_13 : vector<1x1000x64xf32> to vector<1000x64xf32>
    %get3A_15 = arith.constant 0 : index
    %get3A_16 = arith.constant 0 : index
    %get3A_17 = arith.constant 0 : index
    %get3A_18 = vector.load %arg5[%get3A_15, %get3A_16, %get3A_17] : memref<1x1000x64xf32, #tpu.memory_space<vmem>>, vector<1x1000x64xf32>
    %get3A_19 = vector.shape_cast %get3A_18 : vector<1x1000x64xf32> to vector<1000x64xf32>
    %concatenate3A = tpu.concatenate %get3A_14, %get3A_19 in 1 : vector<1000x64xf32>, vector<1000x64xf32> -> vector<1000x128xf32>
    %get3A_20 = arith.constant 0 : index
    %get3A_21 = arith.constant 0 : index
    %get3A_22 = arith.constant 0 : index
    %get3A_23 = vector.load %arg6[%get3A_20, %get3A_21, %get3A_22] : memref<1x1000x16xf32, #tpu.memory_space<vmem>>, vector<1x1000x16xf32>
    %get3A_24 = vector.shape_cast %get3A_23 : vector<1x1000x16xf32> to vector<1000x16xf32>
    %slice3A = vector.extract_strided_slice %get3A_24 {offsets = [0, 0], sizes = [1000, 1], strides = [1, 1]} : vector<1000x16xf32> to vector<1000x1xf32>
    %max3A = arith.constant 1.000000e+00 : f32
    %max3A_25 = vector.broadcast %max3A : f32 to vector<1000x1xf32>
    %max3A_26 = arith.maximumf %slice3A, %max3A_25 : vector<1000x1xf32>
    %div3A = vector.broadcast %max3A_26 : vector<1000x1xf32> to vector<1000x128xf32>
    %div3A_27 = arith.divf %concatenate3A, %div3A : vector<1000x128xf32>
    %get3A_28 = arith.constant 0 : index
    %get3A_29 = arith.constant 0 : index
    %get3A_30 = arith.constant 0 : index
    %get3A_31 = vector.load %arg7[%get3A_28, %get3A_29, %get3A_30] : memref<1x384x128xf32, #tpu.memory_space<vmem>>, vector<1x384x128xf32>
    %get3A_32 = vector.shape_cast %get3A_31 : vector<1x384x128xf32> to vector<384x128xf32>
    %dot_general3A_33 = arith.constant dense<0.000000e+00> : vector<1000x384xf32>
    %dot_general3A_34 = tpu.matmul %dot_general3A_9, %get3A_32, %dot_general3A_33 {dimension_numbers = #tpu.dot_dimension_numbers<[1], [1], [0], [0], [0, 0, 1, 0], [], []>, transpose_lhs_hint = false} : vector<1000x128xf32>, vector<384x128xf32>, vector<1000x384xf32> -> vector<1000x384xf32>
    %get3A_35 = arith.constant 0 : index
    %get3A_36 = arith.constant 0 : index
    %get3A_37 = arith.constant 0 : index
    %get3A_38 = vector.load %arg9[%get3A_35, %get3A_36, %get3A_37] : memref<1x1x384xf32, #tpu.memory_space<vmem>>, vector<1x1x384xf32>
    %get3A_39 = vector.shape_cast %get3A_38 : vector<1x1x384xf32> to vector<384xf32>
    %broadcast_in_dim3A = vector.shape_cast %get3A_39 : vector<384xf32> to vector<1x384xf32>
    %add3A = vector.broadcast %broadcast_in_dim3A : vector<1x384xf32> to vector<1000x384xf32>
    %add3A_40 = arith.addf %dot_general3A_34, %add3A : vector<1000x384xf32>
    %get3A_41 = arith.constant 0 : index
    %get3A_42 = arith.constant 0 : index
    %get3A_43 = arith.constant 0 : index
    %get3A_44 = vector.load %arg8[%get3A_41, %get3A_42, %get3A_43] : memref<1x384x128xf32, #tpu.memory_space<vmem>>, vector<1x384x128xf32>
    %get3A_45 = vector.shape_cast %get3A_44 : vector<1x384x128xf32> to vector<384x128xf32>
    %dot_general3A_46 = arith.constant dense<0.000000e+00> : vector<1000x384xf32>
    %dot_general3A_47 = tpu.matmul %div3A_27, %get3A_45, %dot_general3A_46 {dimension_numbers = #tpu.dot_dimension_numbers<[1], [1], [0], [0], [0, 0, 1, 0], [], []>, transpose_lhs_hint = false} : vector<1000x128xf32>, vector<384x128xf32>, vector<1000x384xf32> -> vector<1000x384xf32>
    %get3A_48 = arith.constant 0 : index
    %get3A_49 = arith.constant 0 : index
    %get3A_50 = arith.constant 0 : index
    %get3A_51 = vector.load %arg10[%get3A_48, %get3A_49, %get3A_50] : memref<1x1x384xf32, #tpu.memory_space<vmem>>, vector<1x1x384xf32>
    %get3A_52 = vector.shape_cast %get3A_51 : vector<1x1x384xf32> to vector<384xf32>
    %broadcast_in_dim3A_53 = vector.shape_cast %get3A_52 : vector<384xf32> to vector<1x384xf32>
    %add3A_54 = vector.broadcast %broadcast_in_dim3A_53 : vector<1x384xf32> to vector<1000x384xf32>
    %add3A_55 = arith.addf %dot_general3A_47, %add3A_54 : vector<1000x384xf32>
    %slice3A_56 = vector.extract_strided_slice %add3A_40 {offsets = [0, 0], sizes = [1000, 128], strides = [1, 1]} : vector<1000x384xf32> to vector<1000x128xf32>
    %slice3A_57 = vector.extract_strided_slice %add3A_55 {offsets = [0, 0], sizes = [1000, 128], strides = [1, 1]} : vector<1000x384xf32> to vector<1000x128xf32>
    %add3A_58 = arith.addf %slice3A_56, %slice3A_57 : vector<1000x128xf32>
    %logistic3A = arith.negf %add3A_58 : vector<1000x128xf32>
    %logistic3A_59 = math.exp %logistic3A : vector<1000x128xf32>
    %logistic3A_60 = arith.constant 1.000000e+00 : f32
    %logistic3A_61 = vector.broadcast %logistic3A_60 : f32 to vector<1000x128xf32>
    %logistic3A_62 = arith.addf %logistic3A_61, %logistic3A_59 : vector<1000x128xf32>
    %logistic3A_63 = arith.divf %logistic3A_61, %logistic3A_62 : vector<1000x128xf32>
    %slice3A_64 = vector.extract_strided_slice %add3A_40 {offsets = [0, 128], sizes = [1000, 128], strides = [1, 1]} : vector<1000x384xf32> to vector<1000x128xf32>
    %slice3A_65 = vector.extract_strided_slice %add3A_55 {offsets = [0, 128], sizes = [1000, 128], strides = [1, 1]} : vector<1000x384xf32> to vector<1000x128xf32>
    %add3A_66 = arith.addf %slice3A_64, %slice3A_65 : vector<1000x128xf32>
    %logistic3A_67 = arith.negf %add3A_66 : vector<1000x128xf32>
    %logistic3A_68 = math.exp %logistic3A_67 : vector<1000x128xf32>
    %logistic3A_69 = arith.constant 1.000000e+00 : f32
    %logistic3A_70 = vector.broadcast %logistic3A_69 : f32 to vector<1000x128xf32>
    %logistic3A_71 = arith.addf %logistic3A_70, %logistic3A_68 : vector<1000x128xf32>
    %logistic3A_72 = arith.divf %logistic3A_70, %logistic3A_71 : vector<1000x128xf32>
    %slice3A_73 = vector.extract_strided_slice %add3A_40 {offsets = [0, 256], sizes = [1000, 128], strides = [1, 1]} : vector<1000x384xf32> to vector<1000x128xf32>
    %slice3A_74 = vector.extract_strided_slice %add3A_55 {offsets = [0, 256], sizes = [1000, 128], strides = [1, 1]} : vector<1000x384xf32> to vector<1000x128xf32>
    %mul3A = arith.mulf %logistic3A_63, %slice3A_74 : vector<1000x128xf32>
    %add3A_75 = arith.addf %slice3A_73, %mul3A : vector<1000x128xf32>
    %tanh3A = math.tanh %add3A_75 : vector<1000x128xf32>
    %sub3A = arith.constant 1.000000e+00 : f32
    %sub3A_76 = vector.broadcast %sub3A : f32 to vector<1000x128xf32>
    %sub3A_77 = arith.subf %sub3A_76, %logistic3A_72 : vector<1000x128xf32>
    %mul3A_78 = arith.mulf %sub3A_77, %tanh3A : vector<1000x128xf32>
    %mul3A_79 = arith.mulf %logistic3A_72, %div3A_27 : vector<1000x128xf32>
    %add3A_80 = arith.addf %mul3A_78, %mul3A_79 : vector<1000x128xf32>
    %max3A_81 = arith.constant 0.000000e+00 : f32
    %max3A_82 = vector.broadcast %max3A_81 : f32 to vector<1000x128xf32>
    %max3A_83 = arith.maximumf %add3A_80, %max3A_82 : vector<1000x128xf32>
    %swap3A = arith.constant 0 : index
    %swap3A_84 = arith.constant 0 : index
    %swap3A_85 = arith.constant 0 : index
    %swap3A_86 = vector.load %arg11[%swap3A, %swap3A_84, %swap3A_85] : memref<1x1000x128xf32, #tpu.memory_space<vmem>>, vector<1x1000x128xf32>
    %swap3A_87 = vector.shape_cast %swap3A_86 : vector<1x1000x128xf32> to vector<1000x128xf32>
    %swap3A_88 = vector.shape_cast %max3A_83 : vector<1000x128xf32> to vector<1x1000x128xf32>
    tpu.vector_store %arg11[%swap3A, %swap3A_84, %swap3A_85], %swap3A_88 {strides = array<i32>} : memref<1x1000x128xf32, #tpu.memory_space<vmem>>, vector<1x1000x128xf32>,
    return
  }
  func.func @transform_0(%arg0: i32, %arg1: i32) -> (i32, i32, i32) {
    %c0_i32 = arith.constant 0 : i32
    %c0_i32_0 = arith.constant 0 : i32
    return %arg0, %arg1, %c0_i32 : i32, i32, i32
  }
  func.func @transform_1(%arg0: i32, %arg1: i32) -> (i32, i32, i32) {
    %c0_i32 = arith.constant 0 : i32
    %c0_i32_0 = arith.constant 0 : i32
    %c0_i32_1 = arith.constant 0 : i32
    return %arg0, %c0_i32, %c0_i32_0 : i32, i32, i32
  }
  func.func @transform_2(%arg0: i32, %arg1: i32) -> (i32, i32, i32) {
    %c0_i32 = arith.constant 0 : i32
    %c0_i32_0 = arith.constant 0 : i32
    return %arg0, %arg1, %c0_i32 : i32, i32, i32
  }
  func.func @transform_3(%arg0: i32, %arg1: i32) -> (i32, i32, i32) {
    %c0_i32 = arith.constant 0 : i32
    %c0_i32_0 = arith.constant 0 : i32
    return %arg0, %arg1, %c0_i32 : i32, i32, i32
  }
  func.func @transform_4(%arg0: i32, %arg1: i32) -> (i32, i32, i32) {
    %c0_i32 = arith.constant 0 : i32
    %c0_i32_0 = arith.constant 0 : i32
    return %arg0, %arg1, %c0_i32 : i32, i32, i32
  }
  func.func @transform_5(%arg0: i32, %arg1: i32) -> (i32, i32, i32) {
    %c0_i32 = arith.constant 0 : i32
    %c0_i32_0 = arith.constant 0 : i32
    %c0_i32_1 = arith.constant 0 : i32
    return %arg0, %c0_i32, %c0_i32_0 : i32, i32, i32
  }
  func.func @transform_6(%arg0: i32, %arg1: i32) -> (i32, i32, i32) {
    %c0_i32 = arith.constant 0 : i32
    %c0_i32_0 = arith.constant 0 : i32
    %c0_i32_1 = arith.constant 0 : i32
    return %arg0, %c0_i32, %c0_i32_0 : i32, i32, i32
  }
  func.func @transform_7(%arg0: i32, %arg1: i32) -> (i32, i32, i32) {
    %c0_i32 = arith.constant 0 : i32
    %c0_i32_0 = arith.constant 0 : i32
    %c0_i32_1 = arith.constant 0 : i32
    return %arg0, %c0_i32, %c0_i32_0 : i32, i32, i32
  }
  func.func @transform_8(%arg0: i32, %arg1: i32) -> (i32, i32, i32) {
    %c0_i32 = arith.constant 0 : i32
    %c0_i32_0 = arith.constant 0 : i32
    %c0_i32_1 = arith.constant 0 : i32
    return %arg0, %c0_i32, %c0_i32_0 : i32, i32, i32
  }
  func.func @transform_9(%arg0: i32, %arg1: i32) -> (i32, i32, i32) {
    %c0_i32 = arith.constant 0 : i32
    %c0_i32_0 = arith.constant 0 : i32
    return %arg0, %arg1, %c0_i32 : i32, i32, i32
  }
}

</mosaic_0001>

<sc_bundles>
// kernel: kernel.5.cloned.1.call-start
scs
__scs_entry_jumppad:
0x0: {  	(pc) =	sbr.rel $0x88, $3  }
0x1: {  	(tag) =	ssettag $0x0;
	lr =	simm.s32 $0x1  }
0x2: {  	[smem:$0x3F91] =	sst lr;
	_ =	strace $0xD0000000  }
0x3: {  	_ = 	snop  }
0x4: {  	_ = 	snop  }
0x5: {  	_ = 	snop  }
0x6: {  	_ = 	snop  }
0x7: {  	_ = 	snop  }
__scs_overlays_trampoline_lowered:
0x8: {  	[smem:$0x3FA0] =	sst s0  }
0x9: {  	[smem:$0x3FA1] =	sst s1  }
0xa: {  	[smem:$0x3FA2] =	sst s2  }
0xb: {  	[smem:$0x3FA3] =	sst s3  }
0xc: {  	[smem:$0x3FA4] =	sst s4  }
0xd: {  	[smem:$0x3FA5] =	sst s5  }
0xe: {  	[smem:$0x3FA6] =	sst s6  }
0xf: {  	[smem:$0x3FA7] =	sst s7  }
0x10: {  	[smem:$0x3FA8] =	sst s8  }
0x11: {  	[smem:$0x3FA9] =	sst s9;
	s0 =	simm.s32 @!p0 $0x0  }
0x12: {  	s1 =	sld [smem:$0x3F8F];
	s0 =	simm.s32 @p0 $0x1  }
0x13: {  	[smem:$0x3FAA] =	sst s0;
	s0 =	simm.s32 @!p1 $0x0  }
0x14: {  	s2 =	sld [smem:$0x3F8E];
	s0 =	simm.s32 @p1 $0x1  }
0x15: {  	[smem:$0x3FAB] =	sst s0;
	s0 =	simm.s32 @!p2 $0x0  }
0x16: {  	s3 =	sld [smem:$0x3FDB];
	s0 =	simm.s32 @p2 $0x1  }
0x17: {  	s4 =	simm.s32 $0x1BF5;
	[smem:$0x3FAD] =	sst s0  }
0x18: {  	s0 =	sld [smem:$0x3F90];
	_ =	swait.ge [sflag:s4], $0x0  }
0x19: {  	s7 =	sld [smem:$0x3F91]  }
0x1a: {  	s8 =	sadd.s32 $0xFFFFE003, lr  }
0x1b: {  	s9 =	sadd.s32 $0xFFFFFEF7, lr;
	s5 =	simm.s32 $0xFFFFFFFF;
	p2 =	slt.u32 s8, $0xFFFFF086  }
0x1c: {  	p1 =	slt.u32 s9, $0xF7A;
	s5 =	simm.s32 @!p2 $0x0  }
0x1d: {  	s5 =	simm.s32 @p1 $0x1;
	p0 =	seq.s32 s7, s2  }
0x1e: {  	s7 =	smul.u32 @!p0 $0xF7A, s2;
	p2 =	seq.s32 @!p0 s5, $0x0  }
0x1f: {  	s9 =	smul.u32 $0xF7A, s1;
	s8 =	simm.s32 @!p0 $0x1BF5;
	p2 =	por !p2, p0  }
0x20: {  	[sflag:s8] =	ssyncset.s32 @!p0 $0xFFFFF086;
	s6 =	sadd.s32 @!p0 s3, s7;
	s7 =	simm.s32 @!p0 $0x108  }
0x21: {  	s3 =	sadd.s32 s3, s9;
	s6 =	sadd.s32 @!p0 $0x88, s6;
	s7 =	simm.s32 @p2 $0x1082  }
0x22: {  	[simem:s7], [sflag:s8] =	dma.local @!p0 [hbm:s6], $0xF7A  }
0x23: {  	s9 =	sor.u32 $0xD0000000, s2;
	s6 =	simm.s32 $0x108;
	_ =	swait.ge @!p0 [sflag:s8], $0x0  }
0x24: {  	s3 =	sadd.s32 $0x88, s3;
	s6 =	simm.s32 @!p1 $0x1082;
	[sflag:s4] =	ssyncset.s32 $0xFFFFF086  }
0x25: {  	[simem:s6], [sflag:s4] =	dma.local [hbm:s3], $0xF7A  }
0x26: {  	[smem:$0x3F91] =	sst s1;
	(tag) =	ssettag s2;
	_ =	strace s9  }
0x27: {  	s1 =	sld [smem:$0x3FA1]  }
0x28: {  	s2 =	sld [smem:$0x3FA2]  }
0x29: {  	s4 =	sld [smem:$0x3FA4]  }
0x2a: {  	p0 =	seq.s32 s5, $0x0;
	s5 =	sld [smem:$0x3FA5]  }
0x2b: {  	s6 =	sld [smem:$0x3FA6]  }
0x2c: {  	s7 =	sld [smem:$0x3FA7]  }
0x2d: {  	s3 =	simm.s32 $0x108;
	s8 =	sld [smem:$0x3FA8]  }
0x2e: {  	s3 =	simm.s32 @!p0 $0x1082;
	s9 =	sld [smem:$0x3FA9]  }
0x2f: {  	lr =	sadd.s32 s0, s3;
	s0 =	sld [smem:$0x3FA0]  }
0x30: {  	s3 =	sld [smem:$0x3FA3]  }
0x31: {  	[smem:$0x3FAC] =	sst s10  }
0x32: {  	s10 =	sld [smem:$0x3FAA];
	_ =	sdelay $0x3  }
0x33: {  	p0 =	seq.s32 s10, $0x1;
	s10 =	sld [smem:$0x3FAC];
	_ =	sdelay $0x3  }
0x34: {  	[smem:$0x3FAC] =	sst s10  }
0x35: {  	s10 =	sld [smem:$0x3FAB];
	_ =	sdelay $0x3  }
0x36: {  	p1 =	seq.s32 s10, $0x1;
	s10 =	sld [smem:$0x3FAC];
	_ =	sdelay $0x3  }
0x37: {  	[smem:$0x3FAC] =	sst s10  }
0x38: {  	s10 =	sld [smem:$0x3FAD]  }
0x39: {  	_ = 	snop;
	(pc) =	sbr.ind lr, $3  }
0x3a: {  	_ = 	snop  }
0x3b: {  	_ = 	snop  }
0x3c: {  	p2 =	seq.s32 s10, $0x1;
	s10 =	sld [smem:$0x3FAC]  }
0x3d: {  	_ =	shalt  }
0x3e: {  	_ =	shalt  }
0x3f: {  	_ =	shalt  }
0x40: {  	_ =	shalt  }
0x41: {  	_ =	shalt  }
0x42: {  	_ =	shalt  }
0x43: {  	_ =	shalt  }
0x44: {  	_ =	shalt  }
0x45: {  	_ =	shalt  }
0x46: {  	_ =	shalt  }
0x47: {  	_ =	shalt  }
0x48: {  	_ =	shalt  }
0x49: {  	_ =	shalt  }
0x4a: {  	_ =	shalt  }
0x4b: {  	_ =	shalt  }
0x4c: {  	_ =	shalt  }
0x4d: {  	_ =	shalt  }
0x4e: {  	_ =	shalt  }
0x4f: {  	_ =	shalt  }
0x50: {  	_ =	shalt  }
0x51: {  	_ =	shalt  }
0x52: {  	_ =	shalt  }
0x53: {  	_ =	shalt  }
0x54: {  	_ =	shalt  }
0x55: {  	_ =	shalt  }
0x56: {  	_ =	shalt  }
0x57: {  	_ =	shalt  }
0x58: {  	_ =	shalt  }
0x59: {  	_ =	shalt  }
0x5a: {  	_ =	shalt  }
0x5b: {  	_ =	shalt  }
0x5c: {  	_ =	shalt  }
0x5d: {  	_ =	shalt  }
0x5e: {  	_ =	shalt  }
0x5f: {  	_ =	shalt  }
0x60: {  	_ =	shalt  }
0x61: {  	_ =	shalt  }
0x62: {  	_ =	shalt  }
0x63: {  	_ =	shalt  }
0x64: {  	_ =	shalt  }
0x65: {  	_ =	shalt  }
0x66: {  	_ =	shalt  }
0x67: {  	_ =	shalt  }
0x68: {  	_ =	shalt  }
0x69: {  	_ =	shalt  }
0x6a: {  	_ =	shalt  }
0x6b: {  	_ =	shalt  }
0x6c: {  	_ =	shalt  }
0x6d: {  	_ =	shalt  }
0x6e: {  	_ =	shalt  }
0x6f: {  	_ =	shalt  }
0x70: {  	_ =	shalt  }
0x71: {  	_ =	shalt  }
0x72: {  	_ =	shalt  }
0x73: {  	_ =	shalt  }
0x74: {  	_ =	shalt  }
0x75: {  	_ =	shalt  }
0x76: {  	_ =	shalt  }
0x77: {  	_ =	shalt  }
0x78: {  	_ =	shalt  }
0x79: {  	_ =	shalt  }
0x7a: {  	_ =	shalt  }
0x7b: {  	_ =	shalt  }
0x7c: {  	_ =	shalt  }
0x7d: {  	_ =	shalt  }
0x7e: {  	_ =	shalt  }
0x7f: {  	_ =	shalt  }
0x80: {  	_ =	shalt  }
0x81: {  	_ =	shalt  }
0x82: {  	_ =	shalt  }
0x83: {  	_ =	shalt  }
0x84: {  	_ =	shalt  }
0x85: {  	_ =	shalt  }
0x86: {  	_ =	shalt  }
0x87: {  	_ =	shalt  }
.Lfunc_end0:
.L_simem_size_0:
called_computation_lowered:
.L_overlay_start_0:
0x88: {  	s2 =	sld [smem:$0x3FD9]  }
0x89: {  	s3 =	sld [smem:$0x3FFE];
	_ =	sdelay $0x1  }
0x8a: {  	s1 =	srdreg.scid  }
0x8b: {  	s0 =	sand.u32 $0x1, s1  }
0x8c: {  	s14 =	sshll.u32 s0, $0xA;
	s2 =	sadd.s32 s3, s2  }
0x8d: {  	s2 =	sadd.s32 s2, s14  }
0x8e: {  	[smem:$0x3FB8] =	sst s2  }
0x8f: {  	_ = 	snop  }
0x90: {  	s2 =	sld [smem:$0x3FD0];
	_ =	sdelay $0x2  }
0x91: {  	s15 =	simm.s32 $0xA;
	s4 =	simm.s32 $0x10  }
0x92: {  	[smem:s4], [sflag:s15] =	dma.local [hbm:s2], $0x1  }
0x93: {  	_ =	swait.eq [sflag:s15], $0x1  }
0x94: {  	[sflag:s15] =	ssyncset.done $0x0  }
0x95: {  	s16 =	sld [smem:$0x10];
	[sflag:s15] =	ssyncadd.s32 $0xFFFFFFFF  }
0x96: {  	s17 =	sld [smem:$0x11];
	(tm) =	ssettm $0x1  }
0x97: {  	s18 =	sld [smem:$0x3FFB];
	_ =	sdelay $0x3  }
0x98: {  	_ =	strace s18  }
0x99: {  	s4 =	sld [smem:$0x3FFC];
	_ =	sdelay $0x3  }
0x9a: {  	_ =	strace s4  }
0x9b: {  	s4 =	sld [smem:$0x3FFD];
	_ =	sdelay $0x3  }
0x9c: {  	_ =	strace s4  }
0x9d: {  	_ =	strace $0x8FFFFFFF  }
0x9e: {  	s19 =	sld [smem:$0x3FDB];
	_ =	sdelay $0x1  }
0x9f: {  	s5 =	simm.s32 $_scs_section_size  }
0xa0: {  	s6 =	simm.s32 $_size__tile_overlayer_lowered;
	s7 =	simm.s32 $_tile_overlayer_lowered  }
0xa1: {  	s22 =	simm.s32 $0x1BFF;
	s21 =	sshll.u32 s7, $0x1;
	s4 =	sadd.s32 s5, s19  }
0xa2: {  	s8 =	simm.s32 $0x0;
	s20 =	sshll.u32 s6, $0x1;
	s6 =	sadd.s32 s21, s4  }
0xa3: {  	[timem:s8], [sflag:s22] =	dma.local [hbm:s6], s20  }
0xa4: {  	_ =	swait.ge [sflag:s22], s20  }
0xa5: {  	s5 =	ssub.s32 $0x0, s20;
	[sflag:s22] =	ssyncset.done $0x0  }
0xa6: {  	[sflag:s22] =	ssyncadd.s32 s5;
	_ =	sdelay $0x1  }
0xa7: {  	s23 =	simm.s32 $0x1B8B  }
0xa8: {  	_ =	swait.ge [sflag:s23], $0x1  }
0xa9: {  	[sflag:s23] =	ssyncset.done $0x0  }
0xaa: {  	s25 =	simm.s32 $0x1B8E;
	s24 =	sld [smem:$0x3FFE];
	[sflag:s23] =	ssyncadd.s32 $0xFFFFFFFF  }
0xab: {  	s26 =	simm.s32 $execute0_lowered;
	[smem:$0x3FD2] =	sst s25  }
0xac: {  	s6 =	sshll.u32 s26, $0x1;
	_ =	strace $0x80000046;
	[dreg:$0x1] =	wrdreg $0xFFFFFFFF  }
0xad: {  	s28 =	simm.s32 $_size_execute0_lowered;
	s4 =	sadd.s32 s4, s6;
	[dreg:$0x0] =	wrdreg $0x0  }
0xae: {  	s6 =	sshll.u32 s28, $0x1;
	[dreg:$0x2] =	wrdreg s4  }
0xaf: {  	[dreg:$0x3] =	wrdreg s6  }
0xb0: {  	[dreg:$0x4] =	wrdreg $0xC0  }
0xb1: {  	_ =	task [dreg:s8], $0x5FFFF  }
0xb2: {  	[dreg:$0x1] =	wrdreg $0xFFFFFFFF  }
0xb3: {  	[dreg:$0x0] =	wrdreg $0x60  }
0xb4: {  	[dreg:$0x2] =	wrdreg s16  }
0xb5: {  	[dreg:$0x3] =	wrdreg s17  }
0xb6: {  	[dreg:$0x4] =	wrdreg s24  }
0xb7: {  	[dreg:$0x5] =	wrdreg $0xD8000  }
0xb8: {  	[dreg:$0x6] =	wrdreg $0x178000  }
0xb9: {  	[dreg:$0x7] =	wrdreg $0x9  }
0xba: {  	_ =	task.clear_ibuf [dreg:s8], $0x8FFFF;
	_ =	strace $0x90000046  }
0xbb: {  	s29 =	simm.s32 $0x9;
	_ =	strace $0x80000048  }
0xbc: {  	_ =	swait.ge [sflag:s29], $0x1  }
0xbd: {  	[sflag:s29] =	ssyncadd.s32 $0xFFFFFFFF  }
0xbe: {  	_ =	strace $0x90000048  }
0xbf: {  	_ =	sfence  }
0xc0: {  	s30 =	sld [smem:$0x0];
	_ =	sdelay $0x2  }
0xc1: {  	s31 =	sshll.u32 s1, $0xD;
	s1 =	sshrl.u32 s1, $0x2  }
0xc2: {  	s3 =	sand.u32 $0x4000, s31;
	s1 =	sadd.s32 s1, s30  }
0xc3: {  	s0 =	sor.u32 s3, s0;
	s1 =	sshll.u32 s1, $0x11  }
0xc4: {  	s0 =	sor.u32 s1, s0  }
0xc5: {  	s0 =	sadd.s32 $0x8F2B, s0  }
0xc6: {  	[sflag:s0] =	ssyncadd.remote.s32 $0x1  }
0xc7: {  	_ =	sfence.sel $0xFFFF  }
0xc8: {  	[dreg:$0x0] =	wrdreg $0xFFFFFFFF;
	(pc) =	sbr.abs _section_cstart, $3  }
0xc9: {  	[dreg:$0x1] =	wrdreg $0xFFFFFFFF  }
0xca: {  	_ =	task.clear_ibuf [dreg:s8], $0x2FFFF;
	_ =	strace $0x9FFFFFFF  }
0xcb: {  	(tm) =	ssettm $0x7FFFFFFF  }
tec
execute0_lowered:
.L_overlay_start_1:
0x0: {  	(tag) =	ssettag $0x1  }
0x1: {  	s1 =	rddreg [dreg:$0x0]  }
0x2: {  	s2 =	rddreg [dreg:$0x1]  }
0x3: {  	s6 =	rddreg [dreg:$0x2]  }
0x4: {  	s3 =	rddreg [dreg:$0x3]  }
0x5: {  	s4 =	rddreg [dreg:$0x4];
	s0 =	srdreg.scid  }
0x6: {  	s5 =	simm.s32 $0x0;
	s20 =	stileid.u32;
	s30 =	simm.s32 $0x1  }
0x7: {  	s31 =	simm.s32 $0x3;
	s7 =	sand.u32 $0x1, s0;
	[smem:$0x7FF] =	sst s5  }
0x8: {  	s9 =	sadd.s32 $0x53800, s6;
	s22 =	sadd.s32 $0x53E00, s6;
	s12 =	smul.u32 $0x280, s20  }
0x9: {  	s15 =	smul.u32 $0x9E00, s20;
	_ =	strace $0x80000047;
	[dreg:$0x6] =	wrdreg s9  }
0xa: {  	s23 =	sadd.s32 $0x53C00, s6;
	s16 =	smul.u32 $0x2800, s20;
	[dreg:$0x7] =	wrdreg s22  }
0xb: {  	s8 =	sadd.s32 $0x4800, s6;
	s0 =	smul.u32 $0x140000, s7;
	[dreg:$0x8] =	wrdreg s23  }
0xc: {  	s24 =	smul.u32 $0x5000, s7;
	s10 =	sshll.u32 s7, $0x4;
	s11 =	ssub.s32 $0x2, s7  }
0xd: {  	s7 =	smul.u32 $0x9E000, s7;
	s10 =	sor.u32 s20, s10;
	s25 =	sshrl.u32 s11, $0x1  }
0xe: {  	s13 =	sadd.s32 $0x100, s12;
	s14 =	sadd.s32 $0x180, s12;
	s26 =	sshrl.u32 s16, $0x3  }
0xf: {  	s0 =	sshrl.u32 s0, $0x3;
	s10 =	smul.u32 $0x9E00, s10;
	s7 =	sadd.s32 s15, s7  }
0x10: {  	s9 =	ssub.s32 s11, s25;
	s11 =	sadd.s32 $0x80, s12;
	s17 =	sadd.s32 $0x13C600, s7  }
0x11: {  	s0 =	sadd.s32 s0, s6;
	s7 =	sadd.s32 $0x600, s7;
	s17 =	sshrl.u32 s17, $0x3  }
0x12: {  	s6 =	sadd.s32 s24, s6;
	s7 =	sshrl.u32 s7, $0x3;
	s17 =	sadd.s32 s17, s8  }
0x13: {  	s6 =	sadd.s32 $0xA4000, s6;
	s7 =	sadd.s32 s7, s8;
	[dreg:$0xa] =	wrdreg s17  }
0x14: {  	s29 =	sshll.u32 s11, $0x1;
	s21 =	sadd.s32 s26, s6;
	[dreg:$0xb] =	wrdreg s7  }
0x15: {  	s18 =	sshll.u32 s13, $0x1;
	s23 =	sadd.s32 s29, s6;
	[dreg:$0xc] =	wrdreg s21  }
0x16: {  	s19 =	sshll.u32 s14, $0x1;
	s24 =	sadd.s32 s18, s6;
	[dreg:$0xd] =	wrdreg s23  }
0x17: {  	s12 =	sadd.s32 $0x200, s12;
	s25 =	sadd.s32 s19, s6;
	[dreg:$0xe] =	wrdreg s24  }
0x18: {  	s15 =	sshll.u32 s11, $0x4;
	s19 =	sadd.s32 s16, s4;
	[dreg:$0xf] =	wrdreg s25  }
0x19: {  	s26 =	sshll.u32 s11, $0x6;
	s11 =	sshll.u32 s11, $0x3;
	[dreg:$0x14] =	wrdreg s19  }
0x1a: {  	s10 =	sshrl.u32 s10, $0x3;
	s16 =	sshll.u32 s14, $0x3;
	[dreg:$0x1a] =	wrdreg s11  }
0x1b: {  	s22 =	sadd.s32 s8, s10;
	s29 =	sshll.u32 s13, $0x6;
	[dreg:$0x1c] =	wrdreg s16  }
0x1c: {  	s8 =	sshll.u32 s12, $0x6;
	s23 =	sadd.s32 s15, s4;
	[dreg:$0x9] =	wrdreg s22  }
0x1d: {  	s17 =	sshll.u32 s12, $0x1;
	s15 =	sshll.u32 s13, $0x3;
	[dreg:$0x15] =	wrdreg s23  }
0x1e: {  	s10 =	sadd.s32 s26, s3;
	s19 =	sshll.u32 s12, $0x3;
	[dreg:$0x1b] =	wrdreg s15  }
0x1f: {  	s24 =	smul.u32 $0xA000, s20;
	s20 =	smax.u32 s9, $0x1;
	[dreg:$0x1d] =	wrdreg s19  }
0x20: {  	s7 =	sshll.u32 s14, $0x6;
	s25 =	sshll.u32 s13, $0x4;
	[dreg:$0x1e] =	wrdreg s20  }
0x21: {  	s26 =	sshll.u32 s14, $0x4;
	s6 =	sadd.s32 s17, s6;
	[dreg:$0x11] =	wrdreg s10  }
0x22: {  	s18 =	sadd.s32 s7, s3;
	s7 =	sadd.s32 s25, s4;
	[dreg:$0x10] =	wrdreg s6  }
0x23: {  	s17 =	sadd.s32 s29, s3;
	s29 =	sadd.s32 s26, s4;
	[dreg:$0x16] =	wrdreg s7  }
0x24: {  	s21 =	sadd.s32 s8, s3;
	s23 =	sadd.s32 $0x27800, s22;
	[dreg:$0x17] =	wrdreg s29  }
0x25: {  	s8 =	sshll.u32 s12, $0x4;
	s25 =	sadd.s32 $0x27840, s22;
	[dreg:$0x1f] =	wrdreg s23  }
0x26: {  	s13 =	sadd.s32 $0x68000, s0;
	s26 =	sadd.s32 $0x80, s22;
	[smem:$0x7FB] =	sst s25  }
0x27: {  	s9 =	simm.s32 $0x1000;
	s11 =	simm.s32 $0x5;
	[smem:$0x7FC] =	sst s26  }
0x28: {  	s12 =	simm.s32 $0xD000;
	s15 =	simm.s32 $0x0;
	[dreg:$0x12] =	wrdreg s17  }
.Ltmp0:
0x29: {  	s7 =	sadd.s32 s8, s4;
	[dreg:$0x13] =	wrdreg s18;
	(pc) =	sbr.rel .LBB2_1-.Ltmp0, $4  }
0x2a: {  	s28 =	sadd.s32 s24, s3;
	s6 =	sshrl.u32 s24, $0x3;
	[dreg:$0x18] =	wrdreg s7  }
0x2b: {  	s8 =	sadd.s32 $0x54000, s0;
	s24 =	sadd.s32 $0x40, s22;
	[dreg:$0x19] =	wrdreg s6  }
0x2c: {  	s29 =	sadd.s32 $0x27880, s22;
	s23 =	simm.s32 $0x80;
	[smem:$0x7FA] =	sst s24  }
0x2d: {  	s0 =	simm.s32 $0x2;
	[smem:$0x7FD] =	sst s29;
	s7 =	simm.s32 $0x4  }
.LBB2_9:
0x2e: {  	s6 =	sshll.u32 s10, $0xD  }
0x2f: {  	s29 =	sadd.s32 $0x980, s29;
	s6 =	sor.u32 $0x1000, s6  }
0x30: {  	[spmem:s3] =	stream.indirect.scatter.add.f32 [tilespmem:s6], [sflag:$0x2], $0x40, s29, s23, $0xb8;
	[tilespmem:$0x1A000] =	vst v63  }
.LBB2_11:
0x31: {  	_ =	swait.ge [sflag:s0], $0x2000  }
0x32: {  	[sflag:s0] =	ssyncset.done $0x0  }
0x33: {  	[sflag:s0] =	ssyncadd.s32 $0xFFFFE000  }
0x34: {  	_ =	swait.ge [sflag:s0], $0x2000  }
0x35: {  	[sflag:s0] =	ssyncset.done $0x0  }
0x36: {  	[sflag:s0] =	ssyncadd.s32 $0xFFFFE000  }
0x37: {  	[bflag:$0x0] =	sbarrier.arrive $0xFFFF  }
0x38: {  	[tilespmem:s9], [sflag:$0x5] =	stream.linear.gather [spmem:s28], $0x2000, $0x38;
	[tilespmem:$0x1A000] =	vst v63  }
0x39: {  	_ =	swait.ge [sflag:s11], $0x2000  }
0x3a: {  	[sflag:s11] =	ssyncset.done $0x0;
	s6 =	rddreg [dreg:$0x19]  }
0x3b: {  	[sflag:s11] =	ssyncadd.s32 $0xFFFFE000;
	s6 =	sadd.s32 s6, s13  }
0x3c: {  	[hbm4b:s6+s5] =	stream.linear.scatter [tilespmem:s9], [sflag:$0x5], $0x2000, $0x38;
	[tilespmem:$0x1A000] =	vst v63  }
0x3d: {  	_ =	swait.ge [sflag:s11], $0x2000  }
0x3e: {  	[sflag:s11] =	ssyncset.done $0x0  }
0x3f: {  	s10 =	rddreg [dreg:$0x11];
	[sflag:s11] =	ssyncadd.s32 $0xFFFFE000  }
0x40: {  	[tilespmem:s9], [sflag:$0x5] =	stream.linear.gather [spmem:s10], $0x2000, $0x38;
	[tilespmem:$0x1A000] =	vst v63  }
0x41: {  	_ =	swait.ge [sflag:s11], $0x2000  }
0x42: {  	[sflag:s11] =	ssyncset.done $0x0;
	s22 =	rddreg [dreg:$0x1a]  }
0x43: {  	[sflag:s11] =	ssyncadd.s32 $0xFFFFE000;
	s6 =	sadd.s32 s22, s13  }
0x44: {  	[hbm4b:s6+s5] =	stream.linear.scatter [tilespmem:s9], [sflag:$0x5], $0x2000, $0x38;
	[tilespmem:$0x1A000] =	vst v63  }
0x45: {  	_ =	swait.ge [sflag:s11], $0x2000  }
0x46: {  	[sflag:s11] =	ssyncset.done $0x0  }
0x47: {  	s17 =	rddreg [dreg:$0x12];
	[sflag:s11] =	ssyncadd.s32 $0xFFFFE000  }
0x48: {  	[tilespmem:s9], [sflag:$0x5] =	stream.linear.gather [spmem:s17], $0x2000, $0x38;
	[tilespmem:$0x1A000] =	vst v63  }
0x49: {  	_ =	swait.ge [sflag:s11], $0x2000  }
0x4a: {  	[sflag:s11] =	ssyncset.done $0x0;
	s24 =	rddreg [dreg:$0x1b]  }
0x4b: {  	[sflag:s11] =	ssyncadd.s32 $0xFFFFE000;
	s6 =	sadd.s32 s24, s13  }
0x4c: {  	[hbm4b:s6+s5] =	stream.linear.scatter [tilespmem:s9], [sflag:$0x5], $0x2000, $0x38;
	[tilespmem:$0x1A000] =	vst v63  }
0x4d: {  	_ =	swait.ge [sflag:s11], $0x2000  }
0x4e: {  	[sflag:s11] =	ssyncset.done $0x0  }
0x4f: {  	s18 =	rddreg [dreg:$0x13];
	[sflag:s11] =	ssyncadd.s32 $0xFFFFE000  }
0x50: {  	[tilespmem:s9], [sflag:$0x5] =	stream.linear.gather [spmem:s18], $0x2000, $0x38;
	[tilespmem:$0x1A000] =	vst v63  }
0x51: {  	_ =	swait.ge [sflag:s11], $0x2000  }
0x52: {  	[sflag:s11] =	ssyncset.done $0x0;
	s25 =	rddreg [dreg:$0x1c]  }
0x53: {  	[sflag:s11] =	ssyncadd.s32 $0xFFFFE000;
	s6 =	sadd.s32 s25, s13  }
0x54: {  	[hbm4b:s6+s5] =	stream.linear.scatter [tilespmem:s9], [sflag:$0x5], $0x2000, $0x38;
	[tilespmem:$0x1A000] =	vst v63  }
0x55: {  	_ =	swait.ge [sflag:s11], $0x2000  }
0x56: {  	[sflag:s11] =	ssyncset.done $0x0  }
0x57: {  	[sflag:s11] =	ssyncadd.s32 $0xFFFFE000  }
0x58: {  	[tilespmem:s9], [sflag:$0x5] =	stream.linear.gather [spmem:s21], $0x2000, $0x38;
	[tilespmem:$0x1A000] =	vst v63  }
0x59: {  	_ =	swait.ge [sflag:s11], $0x2000  }
0x5a: {  	[sflag:s11] =	ssyncset.done $0x0;
	s26 =	rddreg [dreg:$0x1d]  }
0x5b: {  	[sflag:s11] =	ssyncadd.s32 $0xFFFFE000;
	s6 =	sadd.s32 s26, s13  }
0x5c: {  	[hbm4b:s6+s5] =	stream.linear.scatter [tilespmem:s9], [sflag:$0x5], $0x2000, $0x38;
	[tilespmem:$0x1A000] =	vst v63  }
0x5d: {  	_ =	swait.ge [sflag:s11], $0x2000  }
0x5e: {  	s15 =	sadd.s32 $0x1, s15;
	s29 =	rddreg [dreg:$0x1e]  }
0x5f: {  	p0 =	sne.s32 s15, s29  }
.Ltmp1:
0x60: {  	_ = 	snop;
	(pc) =	sbr.rel @!p0 .LBB2_12-.Ltmp1, $3  }
0x61: {  	_ =	sdelay $0x1  }
0x62: {  	[sflag:s11] =	ssyncset.done $0x0  }
0x63: {  	[sflag:s11] =	ssyncadd.s32 $0xFFFFE000  }
.LBB2_1:
0x64: {  	s6 =	rddreg [dreg:$0x6]  }
0x65: {  	[tilespmem:s9], [sflag:$0x5] =	stream.linear.gather [hbm4b:s6+s5], $0x2000, $0x38;
	[tilespmem:$0x1A000] =	vst v63  }
0x66: {  	_ =	swait.ge [sflag:s11], $0x2000  }
0x67: {  	[sflag:s11] =	ssyncset.done $0x0  }
0x68: {  	[sflag:s11] =	ssyncadd.s32 $0xFFFFE000  }
0x69: {  	[spmem:s28] =	stream.linear.scatter [tilespmem:s9], [sflag:$0x5], $0x2000, $0x38;
	[tilespmem:$0x1A000] =	vst v63  }
0x6a: {  	_ =	swait.ge [sflag:s11], $0x2000  }
0x6b: {  	[sflag:s11] =	ssyncset.done $0x0  }
0x6c: {  	[sflag:s11] =	ssyncadd.s32 $0xFFFFE000  }
0x6d: {  	[spmem:s10] =	stream.linear.scatter [tilespmem:s9], [sflag:$0x5], $0x2000, $0x38;
	[tilespmem:$0x1A000] =	vst v63  }
0x6e: {  	_ =	swait.ge [sflag:s11], $0x2000  }
0x6f: {  	[sflag:s11] =	ssyncset.done $0x0  }
0x70: {  	[sflag:s11] =	ssyncadd.s32 $0xFFFFE000  }
0x71: {  	[spmem:s17] =	stream.linear.scatter [tilespmem:s9], [sflag:$0x5], $0x2000, $0x38;
	[tilespmem:$0x1A000] =	vst v63  }
0x72: {  	_ =	swait.ge [sflag:s11], $0x2000  }
0x73: {  	[sflag:s11] =	ssyncset.done $0x0  }
0x74: {  	[sflag:s11] =	ssyncadd.s32 $0xFFFFE000  }
0x75: {  	[spmem:s18] =	stream.linear.scatter [tilespmem:s9], [sflag:$0x5], $0x2000, $0x38;
	[tilespmem:$0x1A000] =	vst v63  }
0x76: {  	_ =	swait.ge [sflag:s11], $0x2000  }
0x77: {  	[sflag:s11] =	ssyncset.done $0x0  }
0x78: {  	[sflag:s11] =	ssyncadd.s32 $0xFFFFE000  }
0x79: {  	[spmem:s21] =	stream.linear.scatter [tilespmem:s9], [sflag:$0x5], $0x2000, $0x38;
	[tilespmem:$0x1A000] =	vst v63  }
0x7a: {  	_ =	swait.ge [sflag:s11], $0x2000  }
0x7b: {  	[sflag:s11] =	ssyncset.done $0x0  }
0x7c: {  	s20 =	rddreg [dreg:$0x7];
	[sflag:s11] =	ssyncadd.s32 $0xFFFFE000  }
0x7d: {  	[tilespmem:s12], [sflag:$0x5] =	stream.linear.gather [hbm4b:s20+s5], $0x800, $0x38;
	[tilespmem:$0x1A000] =	vst v63  }
0x7e: {  	_ =	swait.ge [sflag:s11], $0x800  }
0x7f: {  	[sflag:s11] =	ssyncset.done $0x0  }
0x80: {  	s22 =	rddreg [dreg:$0x14];
	[sflag:s11] =	ssyncadd.s32 $0xFFFFF800  }
0x81: {  	[spmem:s22] =	stream.linear.scatter [tilespmem:s12], [sflag:$0x5], $0x800, $0x38;
	[tilespmem:$0x1A000] =	vst v63  }
0x82: {  	_ =	swait.ge [sflag:s11], $0x800  }
0x83: {  	[sflag:s11] =	ssyncset.done $0x0  }
0x84: {  	s24 =	rddreg [dreg:$0x15];
	[sflag:s11] =	ssyncadd.s32 $0xFFFFF800  }
0x85: {  	[spmem:s24] =	stream.linear.scatter [tilespmem:s12], [sflag:$0x5], $0x800, $0x38;
	[tilespmem:$0x1A000] =	vst v63  }
0x86: {  	_ =	swait.ge [sflag:s11], $0x800  }
0x87: {  	[sflag:s11] =	ssyncset.done $0x0  }
0x88: {  	s25 =	rddreg [dreg:$0x16];
	[sflag:s11] =	ssyncadd.s32 $0xFFFFF800  }
0x89: {  	[spmem:s25] =	stream.linear.scatter [tilespmem:s12], [sflag:$0x5], $0x800, $0x38;
	[tilespmem:$0x1A000] =	vst v63  }
0x8a: {  	_ =	swait.ge [sflag:s11], $0x800  }
0x8b: {  	[sflag:s11] =	ssyncset.done $0x0  }
0x8c: {  	s26 =	rddreg [dreg:$0x17];
	[sflag:s11] =	ssyncadd.s32 $0xFFFFF800  }
0x8d: {  	[spmem:s26] =	stream.linear.scatter [tilespmem:s12], [sflag:$0x5], $0x800, $0x38;
	[tilespmem:$0x1A000] =	vst v63  }
0x8e: {  	_ =	swait.ge [sflag:s11], $0x800  }
0x8f: {  	[sflag:s11] =	ssyncset.done $0x0  }
0x90: {  	s29 =	rddreg [dreg:$0x18];
	[sflag:s11] =	ssyncadd.s32 $0xFFFFF800  }
0x91: {  	[spmem:s29] =	stream.linear.scatter [tilespmem:s12], [sflag:$0x5], $0x800, $0x38;
	[tilespmem:$0x1A000] =	vst v63  }
0x92: {  	_ =	swait.ge [sflag:s11], $0x800  }
0x93: {  	[sflag:s11] =	ssyncset.done $0x0  }
0x94: {  	s10 =	rddreg [dreg:$0x8];
	[sflag:s11] =	ssyncadd.s32 $0xFFFFF800  }
0x95: {  	[tilespmem:s12], [sflag:$0x5] =	stream.linear.gather [hbm4b:s10+s5], $0x800, $0x38;
	[tilespmem:$0x1A000] =	vst v63  }
0x96: {  	_ =	swait.ge [sflag:s11], $0x800  }
0x97: {  	[sflag:s11] =	ssyncset.done $0x0  }
0x98: {  	[sflag:s11] =	ssyncadd.s32 $0xFFFFF800  }
0x99: {  	[bflag:$0x0] =	sbarrier.arrive $0xFFFF  }
0x9a: {  	s14 =	rddreg [dreg:$0x9]  }
0x9b: {  	[tilespmem:s5], [sflag:$0x5] =	stream.linear.gather [hbm4b:s14+s5], $0x200, $0x38;
	[tilespmem:$0x1A000] =	vst v63  }
0x9c: {  	_ =	swait.ge [sflag:s11], $0x200  }
0x9d: {  	[sflag:s11] =	ssyncset.done $0x0  }
0x9e: {  	s10 =	simm.s32 $0x800;
	s16 =	rddreg [dreg:$0x1f];
	[sflag:s11] =	ssyncadd.s32 $0xFFFFFE00  }
0x9f: {  	[tilespmem:s10], [sflag:$0x5] =	stream.linear.gather [hbm4b:s16+s5], $0x200, $0x38;
	[tilespmem:$0x1A000] =	vst v63  }
0xa0: {  	_ =	swait.ge [sflag:s11], $0x200  }
0xa1: {  	[sflag:s11] =	ssyncset.done $0x0  }
0xa2: {  	[sflag:s11] =	ssyncadd.s32 $0xFFFFFE00  }
0xa3: {  	[tilespmem:s9], [sflag:$0x1] =	stream.indirect.gather [hbm4b:s1+s23], $0x40, s5, s23, $0xb8;
	[tilespmem:$0x1A000] =	vst v63  }
0xa4: {  	s14 =	simm.s32 $0x3000  }
0xa5: {  	[tilespmem:s14], [sflag:$0x1] =	stream.indirect.gather [hbm4b:s1+s23], $0x40, s23, s23, $0xb8;
	[tilespmem:$0x1A000] =	vst v63  }
0xa6: {  	s17 =	simm.s32 $0x100;
	s16 =	simm.s32 $0x5000  }
0xa7: {  	[tilespmem:s16], [sflag:$0x1] =	stream.indirect.gather [hbm4b:s1+s23], $0x40, s17, s23, $0xb8;
	[tilespmem:$0x1A000] =	vst v63  }
0xa8: {  	s18 =	simm.s32 $0x180;
	s19 =	sld [smem:$0x7FA];
	s17 =	simm.s32 $0x7000  }
0xa9: {  	[tilespmem:s17], [sflag:$0x1] =	stream.indirect.gather [hbm4b:s1+s23], $0x40, s18, s23, $0xb8;
	[tilespmem:$0x1A000] =	vst v63  }
0xaa: {  	s20 =	sld [smem:$0x7FB];
	s18 =	simm.s32 $0x200  }
0xab: {  	[tilespmem:s18], [sflag:$0x3] =	stream.linear.gather [hbm4b:s19+s5], $0x200, $0x38;
	[tilespmem:$0x1A000] =	vst v63  }
0xac: {  	s22 =	sld [smem:$0x7FC];
	s19 =	simm.s32 $0xA00  }
0xad: {  	[tilespmem:s19], [sflag:$0x3] =	stream.linear.gather [hbm4b:s20+s5], $0x200, $0x38;
	[tilespmem:$0x1A000] =	vst v63  }
0xae: {  	s24 =	simm.s32 $0x400;
	s25 =	sld [smem:$0x7FD]  }
0xaf: {  	[tilespmem:s24], [sflag:$0x3] =	stream.linear.gather [hbm4b:s22+s5], $0x200, $0x38;
	[tilespmem:$0x1A000] =	vst v63  }
0xb0: {  	s26 =	simm.s32 $0xC00  }
0xb1: {  	[tilespmem:s26], [sflag:$0x3] =	stream.linear.gather [hbm4b:s25+s5], $0x200, $0x38;
	[tilespmem:$0x1A000] =	vst v63  }
0xb2: {  	_ =	swait.ge [sflag:s30], $0x2000  }
0xb3: {  	[sflag:s30] =	ssyncset.done $0x0  }
0xb4: {  	[sflag:s30] =	ssyncadd.s32 $0xFFFFE000  }
0xb5: {  	_ =	swait.ge [sflag:s31], $0x200  }
0xb6: {  	[sflag:s31] =	ssyncset.done $0x0  }
0xb7: {  	[sflag:s31] =	ssyncadd.s32 $0xFFFFFE00  }
0xb8: {  	_ =	swait.ge [sflag:s31], $0x200  }
0xb9: {  	[sflag:s31] =	ssyncset.done $0x0  }
0xba: {  	s29 =	simm.s32 $0x9000;
	[sflag:s31] =	ssyncadd.s32 $0xFFFFFE00  }
0xbb: {  	[tilespmem:s29], [sflag:$0x1] =	stream.indirect.gather [hbm4b:s1+s23], $0x40, s18, s23, $0xb8;
	[tilespmem:$0x1A000] =	vst v63  }
0xbc: {  	_ = 	snop  }
0xbd: {  	[spmem:s3] =	stream.indirect.scatter.add.f32 [tilespmem:s9], [sflag:$0x2], $0x40, s10, s23, $0xb8;
	[tilespmem:$0x1A000] =	vst v63  }
0xbe: {  	_ = 	snop  }
0xbf: {  	[spmem:s4] =	stream.indirect.scatter.add.f32 [tilespmem:s12], [sflag:$0x4], $0x10, s10, s23, $0xb8;
	[tilespmem:$0x1A000] =	vst v63  }
0xc0: {  	_ =	swait.ge [sflag:s30], $0x2000  }
0xc1: {  	[sflag:s30] =	ssyncset.done $0x0  }
0xc2: {  	s19 =	simm.s32 $0x280;
	s20 =	simm.s32 $0xB000;
	[sflag:s30] =	ssyncadd.s32 $0xFFFFE000  }
0xc3: {  	[tilespmem:s20], [sflag:$0x1] =	stream.indirect.gather [hbm4b:s1+s23], $0x40, s19, s23, $0xb8;
	[tilespmem:$0x1A000] =	vst v63  }
0xc4: {  	s22 =	simm.s32 $0x880  }
0xc5: {  	[spmem:s3] =	stream.indirect.scatter.add.f32 [tilespmem:s14], [sflag:$0x2], $0x40, s22, s23, $0xb8;
	[tilespmem:$0x1A000] =	vst v63  }
0xc6: {  	_ = 	snop  }
0xc7: {  	[spmem:s4] =	stream.indirect.scatter.add.f32 [tilespmem:s12], [sflag:$0x4], $0x10, s22, s23, $0xb8;
	[tilespmem:$0x1A000] =	vst v63  }
0xc8: {  	_ =	swait.ge [sflag:s30], $0x2000  }
0xc9: {  	[sflag:s30] =	ssyncset.done $0x0  }
0xca: {  	[sflag:s30] =	ssyncadd.s32 $0xFFFFE000  }
0xcb: {  	_ =	swait.ge [sflag:s0], $0x2000  }
0xcc: {  	[sflag:s0] =	ssyncset.done $0x0  }
0xcd: {  	s24 =	simm.s32 $0x300;
	[sflag:s0] =	ssyncadd.s32 $0xFFFFE000  }
0xce: {  	[tilespmem:s9], [sflag:$0x1] =	stream.indirect.gather [hbm4b:s1+s23], $0x40, s24, s23, $0xb8;
	[tilespmem:$0x1A000] =	vst v63  }
0xcf: {  	s25 =	simm.s32 $0x900  }
0xd0: {  	[spmem:s3] =	stream.indirect.scatter.add.f32 [tilespmem:s16], [sflag:$0x2], $0x40, s25, s23, $0xb8;
	[tilespmem:$0x1A000] =	vst v63  }
0xd1: {  	_ = 	snop  }
0xd2: {  	[spmem:s4] =	stream.indirect.scatter.add.f32 [tilespmem:s12], [sflag:$0x4], $0x10, s25, s23, $0xb8;
	[tilespmem:$0x1A000] =	vst v63  }
0xd3: {  	_ =	swait.ge [sflag:s30], $0x2000  }
0xd4: {  	[sflag:s30] =	ssyncset.done $0x0  }
0xd5: {  	[sflag:s30] =	ssyncadd.s32 $0xFFFFE000  }
0xd6: {  	_ =	swait.ge [sflag:s0], $0x2000  }
0xd7: {  	[sflag:s0] =	ssyncset.done $0x0  }
0xd8: {  	s26 =	simm.s32 $0x380;
	[sflag:s0] =	ssyncadd.s32 $0xFFFFE000  }
0xd9: {  	[tilespmem:s14], [sflag:$0x1] =	stream.indirect.gather [hbm4b:s1+s23], $0x40, s26, s23, $0xb8;
	[tilespmem:$0x1A000] =	vst v63  }
0xda: {  	s29 =	simm.s32 $0x980;
	s14 =	rddreg [dreg:$0xa]  }
0xdb: {  	[spmem:s3] =	stream.indirect.scatter.add.f32 [tilespmem:s17], [sflag:$0x2], $0x40, s29, s23, $0xb8;
	[tilespmem:$0x1A000] =	vst v63  }
0xdc: {  	s6 =	simm.s32 $0x2;
	s16 =	simm.s32 $0x600;
	s17 =	rddreg [dreg:$0xb]  }
0xdd: {  	[spmem:s4] =	stream.indirect.scatter.add.f32 [tilespmem:s12], [sflag:$0x4], $0x10, s29, s23, $0xb8;
	[tilespmem:$0x1A000] =	vst v63  }
.LBB2_2:
0xde: {  	s10 =	sadd.s32 $0xFFFFFFFF, s6  }
0xdf: {  	p0 =	sgt.u32 s10, $0x4C  }
0xe0: {  	s25 =	sand.u32 @!p0 $0x600, s16;
	s26 =	simm.s32 @!p0 $0x0  }
0xe1: {  	[tilespmem:s25], [sflag:$0x3] =	stream.linear.gather @!p0 [hbm4b:s17+s26], $0x200, $0x38;
	[tilespmem:$0x1A000] =	vst v63  }
0xe2: {  	s25 =	sor.u32 @!p0 $0x800, s25  }
0xe3: {  	[tilespmem:s25], [sflag:$0x3] =	stream.linear.gather @!p0 [hbm4b:s14+s26], $0x200, $0x38;
	[tilespmem:$0x1A000] =	vst v63  }
0xe4: {  	_ =	swait.ge [sflag:s30], $0x2000  }
0xe5: {  	p0 =	seq.s32 s16, $0xA000;
	[sflag:s30] =	ssyncset.done $0x0  }
0xe6: {  	s25 =	sshll.u32 s10, $0x2;
	s26 =	simm.s32 @p0 $0x2;
	[sflag:s30] =	ssyncadd.s32 $0xFFFFE000  }
0xe7: {  	s10 =	sadd.s32 @!p0 $0x4, s25;
	_ =	swait.ge @p0 [sflag:s26], $0x2000  }
0xe8: {  	s22 =	sand.u32 $0xFFFC, s25;
	s29 =	sand.u32 @!p0 $0xFFFF, s10;
	[sflag:s26] =	ssyncset.done @p0 $0x0  }
0xe9: {  	s22 =	smul.u32 $0xAAAB, s22;
	[sflag:s26] =	ssyncadd.s32 @p0 $0xFFFFE000;
	s26 =	simm.s32 @!p0 $0x3  }
0xea: {  	s29 =	smul.u32 @!p0 $0xAAAB, s29;
	_ =	swait.ge @!p0 [sflag:s26], $0x200  }
0xeb: {  	s22 =	sshrl.u32 s22, $0x12;
	[sflag:s26] =	ssyncset.done @!p0 $0x0  }
0xec: {  	s29 =	sshrl.u32 @!p0 s29, $0x12;
	s22 =	smul.u32 $0x6, s22;
	[sflag:s26] =	ssyncadd.s32 @!p0 $0xFFFFFE00  }
0xed: {  	s20 =	sadd.s32 $0xFFFFFC00, s16;
	s29 =	smul.u32 @!p0 $0x6, s29;
	_ =	swait.ge @!p0 [sflag:s26], $0x200  }
0xee: {  	s24 =	simm.s32 @!p0 $0x2;
	s18 =	simm.s32 @!p0 $0x80;
	[sflag:s26] =	ssyncset.done @!p0 $0x0  }
0xef: {  	s22 =	ssub.s32 s25, s22;
	s10 =	ssub.s32 @!p0 s10, s29;
	[sflag:s26] =	ssyncadd.s32 @!p0 $0xFFFFFE00  }
0xf0: {  	s19 =	sand.u32 $0xFFFE, s22;
	s10 =	sand.u32 @!p0 $0xFFFF, s10;
	_ =	swait.ge @!p0 [sflag:s24], $0x2000  }
0xf1: {  	s10 =	sshll.u32 @!p0 s10, $0xD;
	s26 =	sand.u32 $0x3, s6;
	[sflag:s24] =	ssyncset.done @!p0 $0x0  }
0xf2: {  	s10 =	sor.u32 @!p0 $0x1000, s10;
	[sflag:s24] =	ssyncadd.s32 @!p0 $0xFFFFE000;
	s24 =	sshll.u32 @!p0 s26, $0x9  }
0xf3: {  	[tilespmem:s10], [sflag:$0x1] =	stream.indirect.gather @!p0 [hbm4b:s1+s18], $0x40, s24, s18, $0xb8;
	[tilespmem:$0x1A000] =	vst v63  }
0xf4: {  	s29 =	sand.u32 $0x600, s20;
	s10 =	sshll.u32 s19, $0xD  }
0xf5: {  	s22 =	sor.u32 $0x800, s29;
	s10 =	sor.u32 $0x1000, s10  }
0xf6: {  	[spmem:s3] =	stream.indirect.scatter.add.f32 [tilespmem:s10], [sflag:$0x2], $0x40, s22, s23, $0xb8;
	[tilespmem:$0x1A000] =	vst v63  }
0xf7: {  	s10 =	sadd.s32 @!p0 $0x5, s25  }
0xf8: {  	s19 =	sand.u32 @!p0 $0xFFFF, s10  }
0xf9: {  	[spmem:s4] =	stream.indirect.scatter.add.f32 [tilespmem:s12], [sflag:$0x4], $0x10, s22, s23, $0xb8;
	[tilespmem:$0x1A000] =	vst v63  }
0xfa: {  	s22 =	sor.u32 $0x1, s25;
	s19 =	smul.u32 @!p0 $0xAAAB, s19  }
0xfb: {  	s20 =	sand.u32 $0xFFFF, s22  }
0xfc: {  	_ =	swait.ge [sflag:s30], $0x2000;
	s20 =	smul.u32 $0xAAAB, s20;
	s19 =	sshrl.u32 @!p0 s19, $0x12  }
0xfd: {  	[sflag:s30] =	ssyncset.done $0x0;
	s19 =	smul.u32 @!p0 $0x6, s19  }
0xfe: {  	[sflag:s30] =	ssyncadd.s32 $0xFFFFE000;
	s20 =	sshrl.u32 s20, $0x12  }
0xff: {  	_ =	swait.ge [sflag:s0], $0x2000;
	s20 =	smul.u32 $0x6, s20;
	s10 =	ssub.s32 @!p0 s10, s19  }
0x100: {  	[sflag:s0] =	ssyncset.done $0x0;
	s10 =	sand.u32 @!p0 $0xFFFF, s10  }
0x101: {  	[sflag:s0] =	ssyncadd.s32 $0xFFFFE000;
	s22 =	ssub.s32 s22, s20;
	s10 =	sshll.u32 @!p0 s10, $0xD  }
0x102: {  	s20 =	sor.u32 @!p0 $0x80, s24;
	s19 =	sand.u32 $0xFFFF, s22;
	s10 =	sor.u32 @!p0 $0x1000, s10  }
0x103: {  	[tilespmem:s10], [sflag:$0x1] =	stream.indirect.gather @!p0 [hbm4b:s1+s18], $0x40, s20, s18, $0xb8;
	[tilespmem:$0x1A000] =	vst v63  }
0x104: {  	s20 =	sshll.u32 s19, $0xD  }
0x105: {  	s22 =	sadd.s32 $0x880, s29;
	s10 =	sor.u32 $0x1000, s20  }
0x106: {  	[spmem:s3] =	stream.indirect.scatter.add.f32 [tilespmem:s10], [sflag:$0x2], $0x40, s22, s23, $0xb8;
	[tilespmem:$0x1A000] =	vst v63  }
0x107: {  	s10 =	sadd.s32 @!p0 $0x6, s25  }
0x108: {  	s19 =	sor.u32 $0x2, s25;
	s20 =	sand.u32 @!p0 $0xFFFF, s10  }
0x109: {  	[spmem:s4] =	stream.indirect.scatter.add.f32 [tilespmem:s12], [sflag:$0x4], $0x10, s22, s23, $0xb8;
	[tilespmem:$0x1A000] =	vst v63  }
0x10a: {  	s22 =	sand.u32 $0xFFFF, s19;
	s20 =	smul.u32 @!p0 $0xAAAB, s20  }
0x10b: {  	s22 =	smul.u32 $0xAAAB, s22;
	_ =	swait.ge [sflag:s30], $0x2000  }
0x10c: {  	s20 =	sshrl.u32 @!p0 s20, $0x12;
	[sflag:s30] =	ssyncset.done $0x0  }
0x10d: {  	s22 =	sshrl.u32 s22, $0x12;
	s20 =	smul.u32 @!p0 $0x6, s20;
	[sflag:s30] =	ssyncadd.s32 $0xFFFFE000  }
0x10e: {  	s22 =	smul.u32 $0x6, s22;
	_ =	swait.ge [sflag:s0], $0x2000  }
0x10f: {  	s10 =	ssub.s32 @!p0 s10, s20;
	[sflag:s0] =	ssyncset.done $0x0  }
0x110: {  	s20 =	sor.u32 @!p0 $0x100, s24;
	s19 =	ssub.s32 s19, s22;
	s10 =	sand.u32 @!p0 $0xFFFF, s10  }
0x111: {  	[sflag:s0] =	ssyncadd.s32 $0xFFFFE000;
	s19 =	sand.u32 $0xFFFF, s19;
	s10 =	sshll.u32 @!p0 s10, $0xD  }
0x112: {  	s22 =	sor.u32 $0x3, s25;
	s10 =	sor.u32 @!p0 $0x1000, s10;
	s19 =	sshll.u32 s19, $0xD  }
0x113: {  	[tilespmem:s10], [sflag:$0x1] =	stream.indirect.gather @!p0 [hbm4b:s1+s18], $0x40, s20, s18, $0xb8;
	[tilespmem:$0x1A000] =	vst v63  }
0x114: {  	s24 =	sand.u32 $0xFFFF, s22;
	s10 =	sor.u32 $0x1000, s19;
	s20 =	sadd.s32 $0x900, s29  }
0x115: {  	[spmem:s3] =	stream.indirect.scatter.add.f32 [tilespmem:s10], [sflag:$0x2], $0x40, s20, s23, $0xb8;
	[tilespmem:$0x1A000] =	vst v63  }
0x116: {  	s18 =	smul.u32 $0xAAAB, s24  }
0x117: {  	[spmem:s4] =	stream.indirect.scatter.add.f32 [tilespmem:s12], [sflag:$0x4], $0x10, s20, s23, $0xb8;
	[tilespmem:$0x1A000] =	vst v63  }
0x118: {  	p0 =	sne.s32 s16, $0xA000;
	_ =	swait.ge [sflag:s30], $0x2000  }
.Ltmp2:
0x119: {  	s18 =	sshrl.u32 s18, $0x12;
	[sflag:s30] =	ssyncset.done $0x0;
	(pc) =	sbr.rel @!p0 .LBB2_3-.Ltmp2, $4  }
0x11a: {  	s18 =	smul.u32 $0x6, s18;
	[sflag:s30] =	ssyncadd.s32 $0xFFFFE000  }
0x11b: {  	_ =	swait.ge [sflag:s0], $0x2000  }
0x11c: {  	s10 =	ssub.s32 s22, s18;
	[sflag:s0] =	ssyncset.done $0x0  }
0x11d: {  	s10 =	sand.u32 $0xFFFF, s10;
	[sflag:s0] =	ssyncadd.s32 $0xFFFFE000  }
0x11e: {  	s18 =	sadd.s32 $0x7, s25  }
0x11f: {  	s19 =	sand.u32 $0xFFFF, s18  }
0x120: {  	s19 =	smul.u32 $0xAAAB, s19;
	_ =	sdelay $0x1  }
0x121: {  	s19 =	sshrl.u32 s19, $0x12  }
0x122: {  	s19 =	smul.u32 $0x6, s19;
	_ =	sdelay $0x1  }
0x123: {  	s18 =	ssub.s32 s18, s19  }
0x124: {  	s18 =	sand.u32 $0xFFFF, s18  }
0x125: {  	s26 =	sshll.u32 s26, $0x9;
	s16 =	sadd.s32 $0x200, s16;
	s18 =	sshll.u32 s18, $0xD  }
0x126: {  	p0 =	sne.s32 s16, $0xA200;
	s19 =	sor.u32 $0x180, s26;
	s18 =	sor.u32 $0x1000, s18  }
0x127: {  	[tilespmem:s18], [sflag:$0x1] =	stream.indirect.gather [hbm4b:s1+s23], $0x40, s19, s23, $0xb8;
	[tilespmem:$0x1A000] =	vst v63  }
.Ltmp3:
0x128: {  	s10 =	sshll.u32 s10, $0xD;
	(pc) =	sbr.rel @p0 .LBB2_2-.Ltmp3, $4  }
.Ltmp4:
0x129: {  	s29 =	sadd.s32 $0x980, s29;
	s10 =	sor.u32 $0x1000, s10;
	(pc) =	sbr.rel @!p0 .LBB2_5-.Ltmp4, $4  }
0x12a: {  	[spmem:s3] =	stream.indirect.scatter.add.f32 [tilespmem:s10], [sflag:$0x2], $0x40, s29, s23, $0xb8;
	[tilespmem:$0x1A000] =	vst v63  }
0x12b: {  	s6 =	sadd.s32 $0x1, s6;
	s14 =	sadd.s32 $0x40, s14;
	s17 =	sadd.s32 $0x40, s17  }
0x12c: {  	[spmem:s4] =	stream.indirect.scatter.add.f32 [tilespmem:s12], [sflag:$0x4], $0x10, s29, s23, $0xb8;
	[tilespmem:$0x1A000] =	vst v63  }
0x12d: {  	_ = 	snop  }
.LBB2_3:
0x12e: {  	s6 =	sshll.u32 s10, $0xD  }
0x12f: {  	s29 =	sadd.s32 $0x980, s29;
	s6 =	sor.u32 $0x1000, s6  }
0x130: {  	[spmem:s3] =	stream.indirect.scatter.add.f32 [tilespmem:s6], [sflag:$0x2], $0x40, s29, s23, $0xb8;
	[tilespmem:$0x1A000] =	vst v63  }
0x131: {  	_ = 	snop  }
0x132: {  	[spmem:s4] =	stream.indirect.scatter.add.f32 [tilespmem:s12], [sflag:$0x4], $0x10, s29, s23, $0xb8;
	[tilespmem:$0x1A000] =	vst v63  }
.LBB2_5:
0x133: {  	_ =	swait.ge [sflag:s0], $0x2000  }
0x134: {  	[sflag:s0] =	ssyncset.done $0x0  }
0x135: {  	[sflag:s0] =	ssyncadd.s32 $0xFFFFE000  }
0x136: {  	_ =	swait.ge [sflag:s0], $0x2000  }
0x137: {  	[sflag:s0] =	ssyncset.done $0x0  }
0x138: {  	[sflag:s0] =	ssyncadd.s32 $0xFFFFE000  }
0x139: {  	_ =	swait.ge [sflag:s7], $0x800  }
0x13a: {  	s6 =	simm.s32 $0x13B;
	[sflag:s7] =	ssyncset.done $0x0  }
.LBB2_6:
0x13b: {  	p0 =	sne.s32 s6, $0x1;
	s6 =	sadd.s32 $0xFFFFFFFF, s6;
	[sflag:s7] =	ssyncadd.s32 $0xFFFFF800  }
.Ltmp5:
0x13c: {  	(pc) =	sbr.rel @p0 .LBB2_6-.Ltmp5, $3  }
0x13d: {  	_ =	sdelay $0x1  }
0x13e: {  	_ =	swait.ge [sflag:s7], $0x800  }
0x13f: {  	[sflag:s7] =	ssyncset.done $0x0  }
0x140: {  	[sflag:s7] =	ssyncadd.s32 $0xFFFFF800  }
0x141: {  	[bflag:$0x0] =	sbarrier.arrive $0xFFFF  }
0x142: {  	[tilespmem:s9], [sflag:$0x5] =	stream.linear.gather [spmem:s28], $0x2000, $0x38;
	[tilespmem:$0x1A000] =	vst v63  }
0x143: {  	_ =	swait.ge [sflag:s11], $0x2000  }
0x144: {  	[sflag:s11] =	ssyncset.done $0x0;
	s6 =	rddreg [dreg:$0x19]  }
0x145: {  	[sflag:s11] =	ssyncadd.s32 $0xFFFFE000;
	s6 =	sadd.s32 s6, s8  }
0x146: {  	[hbm4b:s6+s5] =	stream.linear.scatter [tilespmem:s9], [sflag:$0x5], $0x2000, $0x38;
	[tilespmem:$0x1A000] =	vst v63  }
0x147: {  	_ =	swait.ge [sflag:s11], $0x2000  }
0x148: {  	[sflag:s11] =	ssyncset.done $0x0  }
0x149: {  	s10 =	rddreg [dreg:$0x11];
	[sflag:s11] =	ssyncadd.s32 $0xFFFFE000  }
0x14a: {  	[tilespmem:s9], [sflag:$0x5] =	stream.linear.gather [spmem:s10], $0x2000, $0x38;
	[tilespmem:$0x1A000] =	vst v63  }
0x14b: {  	_ =	swait.ge [sflag:s11], $0x2000  }
0x14c: {  	[sflag:s11] =	ssyncset.done $0x0;
	s16 =	rddreg [dreg:$0x1a]  }
0x14d: {  	[sflag:s11] =	ssyncadd.s32 $0xFFFFE000;
	s6 =	sadd.s32 s16, s8  }
0x14e: {  	[hbm4b:s6+s5] =	stream.linear.scatter [tilespmem:s9], [sflag:$0x5], $0x2000, $0x38;
	[tilespmem:$0x1A000] =	vst v63  }
0x14f: {  	_ =	swait.ge [sflag:s11], $0x2000  }
0x150: {  	[sflag:s11] =	ssyncset.done $0x0  }
0x151: {  	s14 =	rddreg [dreg:$0x12];
	[sflag:s11] =	ssyncadd.s32 $0xFFFFE000  }
0x152: {  	[tilespmem:s9], [sflag:$0x5] =	stream.linear.gather [spmem:s14], $0x2000, $0x38;
	[tilespmem:$0x1A000] =	vst v63  }
0x153: {  	_ =	swait.ge [sflag:s11], $0x2000  }
0x154: {  	[sflag:s11] =	ssyncset.done $0x0;
	s17 =	rddreg [dreg:$0x1b]  }
0x155: {  	[sflag:s11] =	ssyncadd.s32 $0xFFFFE000;
	s6 =	sadd.s32 s17, s8  }
0x156: {  	[hbm4b:s6+s5] =	stream.linear.scatter [tilespmem:s9], [sflag:$0x5], $0x2000, $0x38;
	[tilespmem:$0x1A000] =	vst v63  }
0x157: {  	_ =	swait.ge [sflag:s11], $0x2000  }
0x158: {  	[sflag:s11] =	ssyncset.done $0x0  }
0x159: {  	s16 =	rddreg [dreg:$0x13];
	[sflag:s11] =	ssyncadd.s32 $0xFFFFE000  }
0x15a: {  	[tilespmem:s9], [sflag:$0x5] =	stream.linear.gather [spmem:s16], $0x2000, $0x38;
	[tilespmem:$0x1A000] =	vst v63  }
0x15b: {  	_ =	swait.ge [sflag:s11], $0x2000  }
0x15c: {  	[sflag:s11] =	ssyncset.done $0x0;
	s18 =	rddreg [dreg:$0x1c]  }
0x15d: {  	[sflag:s11] =	ssyncadd.s32 $0xFFFFE000;
	s6 =	sadd.s32 s18, s8  }
0x15e: {  	[hbm4b:s6+s5] =	stream.linear.scatter [tilespmem:s9], [sflag:$0x5], $0x2000, $0x38;
	[tilespmem:$0x1A000] =	vst v63  }
0x15f: {  	_ =	swait.ge [sflag:s11], $0x2000  }
0x160: {  	[sflag:s11] =	ssyncset.done $0x0  }
0x161: {  	[sflag:s11] =	ssyncadd.s32 $0xFFFFE000  }
0x162: {  	[tilespmem:s9], [sflag:$0x5] =	stream.linear.gather [spmem:s21], $0x2000, $0x38;
	[tilespmem:$0x1A000] =	vst v63  }
0x163: {  	_ =	swait.ge [sflag:s11], $0x2000  }
0x164: {  	[sflag:s11] =	ssyncset.done $0x0;
	s19 =	rddreg [dreg:$0x1d]  }
0x165: {  	[sflag:s11] =	ssyncadd.s32 $0xFFFFE000;
	s6 =	sadd.s32 s19, s8  }
0x166: {  	[hbm4b:s6+s5] =	stream.linear.scatter [tilespmem:s9], [sflag:$0x5], $0x2000, $0x38;
	[tilespmem:$0x1A000] =	vst v63  }
0x167: {  	_ =	swait.ge [sflag:s11], $0x2000  }
0x168: {  	[sflag:s11] =	ssyncset.done $0x0  }
0x169: {  	s20 =	rddreg [dreg:$0x14];
	[sflag:s11] =	ssyncadd.s32 $0xFFFFE000  }
0x16a: {  	[tilespmem:s12], [sflag:$0x5] =	stream.linear.gather [spmem:s20], $0x800, $0x38;
	[tilespmem:$0x1A000] =	vst v63  }
0x16b: {  	_ =	swait.ge [sflag:s11], $0x800  }
0x16c: {  	[sflag:s11] =	ssyncset.done $0x0  }
0x16d: {  	s22 =	rddreg [dreg:$0xc];
	[sflag:s11] =	ssyncadd.s32 $0xFFFFF800  }
0x16e: {  	[hbm4b:s22+s5] =	stream.linear.scatter [tilespmem:s12], [sflag:$0x5], $0x800, $0x38;
	[tilespmem:$0x1A000] =	vst v63  }
0x16f: {  	_ =	swait.ge [sflag:s11], $0x800  }
0x170: {  	[sflag:s11] =	ssyncset.done $0x0  }
0x171: {  	s24 =	rddreg [dreg:$0x15];
	[sflag:s11] =	ssyncadd.s32 $0xFFFFF800  }
0x172: {  	[tilespmem:s12], [sflag:$0x5] =	stream.linear.gather [spmem:s24], $0x800, $0x38;
	[tilespmem:$0x1A000] =	vst v63  }
0x173: {  	_ =	swait.ge [sflag:s11], $0x800  }
0x174: {  	[sflag:s11] =	ssyncset.done $0x0  }
0x175: {  	s25 =	rddreg [dreg:$0xd];
	[sflag:s11] =	ssyncadd.s32 $0xFFFFF800  }
0x176: {  	[hbm4b:s25+s5] =	stream.linear.scatter [tilespmem:s12], [sflag:$0x5], $0x800, $0x38;
	[tilespmem:$0x1A000] =	vst v63  }
0x177: {  	_ =	swait.ge [sflag:s11], $0x800  }
0x178: {  	[sflag:s11] =	ssyncset.done $0x0  }
0x179: {  	s26 =	rddreg [dreg:$0x16];
	[sflag:s11] =	ssyncadd.s32 $0xFFFFF800  }
0x17a: {  	[tilespmem:s12], [sflag:$0x5] =	stream.linear.gather [spmem:s26], $0x800, $0x38;
	[tilespmem:$0x1A000] =	vst v63  }
0x17b: {  	_ =	swait.ge [sflag:s11], $0x800  }
0x17c: {  	[sflag:s11] =	ssyncset.done $0x0  }
0x17d: {  	s29 =	rddreg [dreg:$0xe];
	[sflag:s11] =	ssyncadd.s32 $0xFFFFF800  }
0x17e: {  	[hbm4b:s29+s5] =	stream.linear.scatter [tilespmem:s12], [sflag:$0x5], $0x800, $0x38;
	[tilespmem:$0x1A000] =	vst v63  }
0x17f: {  	_ =	swait.ge [sflag:s11], $0x800  }
0x180: {  	[sflag:s11] =	ssyncset.done $0x0  }
0x181: {  	s17 =	rddreg [dreg:$0x17];
	[sflag:s11] =	ssyncadd.s32 $0xFFFFF800  }
0x182: {  	[tilespmem:s12], [sflag:$0x5] =	stream.linear.gather [spmem:s17], $0x800, $0x38;
	[tilespmem:$0x1A000] =	vst v63  }
0x183: {  	_ =	swait.ge [sflag:s11], $0x800  }
0x184: {  	[sflag:s11] =	ssyncset.done $0x0  }
0x185: {  	s18 =	rddreg [dreg:$0xf];
	[sflag:s11] =	ssyncadd.s32 $0xFFFFF800  }
0x186: {  	[hbm4b:s18+s5] =	stream.linear.scatter [tilespmem:s12], [sflag:$0x5], $0x800, $0x38;
	[tilespmem:$0x1A000] =	vst v63  }
0x187: {  	_ =	swait.ge [sflag:s11], $0x800  }
0x188: {  	[sflag:s11] =	ssyncset.done $0x0  }
0x189: {  	s19 =	rddreg [dreg:$0x18];
	[sflag:s11] =	ssyncadd.s32 $0xFFFFF800  }
0x18a: {  	[tilespmem:s12], [sflag:$0x5] =	stream.linear.gather [spmem:s19], $0x800, $0x38;
	[tilespmem:$0x1A000] =	vst v63  }
0x18b: {  	_ =	swait.ge [sflag:s11], $0x800  }
0x18c: {  	[sflag:s11] =	ssyncset.done $0x0  }
0x18d: {  	s20 =	rddreg [dreg:$0x10];
	[sflag:s11] =	ssyncadd.s32 $0xFFFFF800  }
0x18e: {  	[hbm4b:s20+s5] =	stream.linear.scatter [tilespmem:s12], [sflag:$0x5], $0x800, $0x38;
	[tilespmem:$0x1A000] =	vst v63  }
0x18f: {  	_ =	swait.ge [sflag:s11], $0x800  }
0x190: {  	[sflag:s11] =	ssyncset.done $0x0  }
0x191: {  	s22 =	rddreg [dreg:$0x6];
	[sflag:s11] =	ssyncadd.s32 $0xFFFFF800  }
0x192: {  	[tilespmem:s9], [sflag:$0x5] =	stream.linear.gather [hbm4b:s22+s5], $0x2000, $0x38;
	[tilespmem:$0x1A000] =	vst v63  }
0x193: {  	_ =	swait.ge [sflag:s11], $0x2000  }
0x194: {  	[sflag:s11] =	ssyncset.done $0x0  }
0x195: {  	[sflag:s11] =	ssyncadd.s32 $0xFFFFE000  }
0x196: {  	[spmem:s28] =	stream.linear.scatter [tilespmem:s9], [sflag:$0x5], $0x2000, $0x38;
	[tilespmem:$0x1A000] =	vst v63  }
0x197: {  	_ =	swait.ge [sflag:s11], $0x2000  }
0x198: {  	[sflag:s11] =	ssyncset.done $0x0  }
0x199: {  	[sflag:s11] =	ssyncadd.s32 $0xFFFFE000  }
0x19a: {  	[spmem:s10] =	stream.linear.scatter [tilespmem:s9], [sflag:$0x5], $0x2000, $0x38;
	[tilespmem:$0x1A000] =	vst v63  }
0x19b: {  	_ =	swait.ge [sflag:s11], $0x2000  }
0x19c: {  	[sflag:s11] =	ssyncset.done $0x0  }
0x19d: {  	[sflag:s11] =	ssyncadd.s32 $0xFFFFE000  }
0x19e: {  	[spmem:s14] =	stream.linear.scatter [tilespmem:s9], [sflag:$0x5], $0x2000, $0x38;
	[tilespmem:$0x1A000] =	vst v63  }
0x19f: {  	_ =	swait.ge [sflag:s11], $0x2000  }
0x1a0: {  	[sflag:s11] =	ssyncset.done $0x0  }
0x1a1: {  	[sflag:s11] =	ssyncadd.s32 $0xFFFFE000  }
0x1a2: {  	[spmem:s16] =	stream.linear.scatter [tilespmem:s9], [sflag:$0x5], $0x2000, $0x38;
	[tilespmem:$0x1A000] =	vst v63  }
0x1a3: {  	_ =	swait.ge [sflag:s11], $0x2000  }
0x1a4: {  	[sflag:s11] =	ssyncset.done $0x0  }
0x1a5: {  	[sflag:s11] =	ssyncadd.s32 $0xFFFFE000  }
0x1a6: {  	[spmem:s21] =	stream.linear.scatter [tilespmem:s9], [sflag:$0x5], $0x2000, $0x38;
	[tilespmem:$0x1A000] =	vst v63  }
0x1a7: {  	_ =	swait.ge [sflag:s11], $0x2000  }
0x1a8: {  	[sflag:s11] =	ssyncset.done $0x0  }
0x1a9: {  	s24 =	rddreg [dreg:$0x8];
	[sflag:s11] =	ssyncadd.s32 $0xFFFFE000  }
0x1aa: {  	[tilespmem:s12], [sflag:$0x5] =	stream.linear.gather [hbm4b:s24+s5], $0x800, $0x38;
	[tilespmem:$0x1A000] =	vst v63  }
0x1ab: {  	_ =	swait.ge [sflag:s11], $0x800  }
0x1ac: {  	[sflag:s11] =	ssyncset.done $0x0  }
0x1ad: {  	[sflag:s11] =	ssyncadd.s32 $0xFFFFF800  }
0x1ae: {  	[bflag:$0x0] =	sbarrier.arrive $0xFFFF  }
0x1af: {  	s25 =	rddreg [dreg:$0x9]  }
0x1b0: {  	[tilespmem:s5], [sflag:$0x5] =	stream.linear.gather [hbm4b:s25+s5], $0x200, $0x38;
	[tilespmem:$0x1A000] =	vst v63  }
0x1b1: {  	_ =	swait.ge [sflag:s11], $0x200  }
0x1b2: {  	[sflag:s11] =	ssyncset.done $0x0  }
0x1b3: {  	s10 =	simm.s32 $0x800;
	s26 =	rddreg [dreg:$0x1f];
	[sflag:s11] =	ssyncadd.s32 $0xFFFFFE00  }
0x1b4: {  	[tilespmem:s10], [sflag:$0x5] =	stream.linear.gather [hbm4b:s26+s5], $0x200, $0x38;
	[tilespmem:$0x1A000] =	vst v63  }
0x1b5: {  	_ =	swait.ge [sflag:s11], $0x200  }
0x1b6: {  	[sflag:s11] =	ssyncset.done $0x0  }
0x1b7: {  	[sflag:s11] =	ssyncadd.s32 $0xFFFFFE00  }
0x1b8: {  	[tilespmem:s9], [sflag:$0x1] =	stream.indirect.gather [hbm4b:s2+s23], $0x40, s5, s23, $0xb8;
	[tilespmem:$0x1A000] =	vst v63  }
0x1b9: {  	s14 =	simm.s32 $0x3000  }
0x1ba: {  	[tilespmem:s14], [sflag:$0x1] =	stream.indirect.gather [hbm4b:s2+s23], $0x40, s23, s23, $0xb8;
	[tilespmem:$0x1A000] =	vst v63  }
0x1bb: {  	s29 =	simm.s32 $0x100;
	s17 =	simm.s32 $0x5000  }
0x1bc: {  	[tilespmem:s17], [sflag:$0x1] =	stream.indirect.gather [hbm4b:s2+s23], $0x40, s29, s23, $0xb8;
	[tilespmem:$0x1A000] =	vst v63  }
0x1bd: {  	s18 =	simm.s32 $0x7000;
	s16 =	simm.s32 $0x180;
	s19 =	sld [smem:$0x7FA]  }
0x1be: {  	[tilespmem:s18], [sflag:$0x1] =	stream.indirect.gather [hbm4b:s2+s23], $0x40, s16, s23, $0xb8;
	[tilespmem:$0x1A000] =	vst v63  }
0x1bf: {  	s20 =	sld [smem:$0x7FB];
	s16 =	simm.s32 $0x200  }
0x1c0: {  	[tilespmem:s16], [sflag:$0x3] =	stream.linear.gather [hbm4b:s19+s5], $0x200, $0x38;
	[tilespmem:$0x1A000] =	vst v63  }
0x1c1: {  	s22 =	sld [smem:$0x7FC];
	s19 =	simm.s32 $0xA00  }
0x1c2: {  	[tilespmem:s19], [sflag:$0x3] =	stream.linear.gather [hbm4b:s20+s5], $0x200, $0x38;
	[tilespmem:$0x1A000] =	vst v63  }
0x1c3: {  	s24 =	simm.s32 $0x400;
	s25 =	sld [smem:$0x7FD]  }
0x1c4: {  	[tilespmem:s24], [sflag:$0x3] =	stream.linear.gather [hbm4b:s22+s5], $0x200, $0x38;
	[tilespmem:$0x1A000] =	vst v63  }
0x1c5: {  	s26 =	simm.s32 $0xC00  }
0x1c6: {  	[tilespmem:s26], [sflag:$0x3] =	stream.linear.gather [hbm4b:s25+s5], $0x200, $0x38;
	[tilespmem:$0x1A000] =	vst v63  }
0x1c7: {  	_ =	swait.ge [sflag:s30], $0x2000  }
0x1c8: {  	[sflag:s30] =	ssyncset.done $0x0  }
0x1c9: {  	[sflag:s30] =	ssyncadd.s32 $0xFFFFE000  }
0x1ca: {  	_ =	swait.ge [sflag:s31], $0x200  }
0x1cb: {  	[sflag:s31] =	ssyncset.done $0x0  }
0x1cc: {  	[sflag:s31] =	ssyncadd.s32 $0xFFFFFE00  }
0x1cd: {  	_ =	swait.ge [sflag:s31], $0x200  }
0x1ce: {  	[sflag:s31] =	ssyncset.done $0x0  }
0x1cf: {  	s29 =	simm.s32 $0x9000;
	[sflag:s31] =	ssyncadd.s32 $0xFFFFFE00  }
0x1d0: {  	[tilespmem:s29], [sflag:$0x1] =	stream.indirect.gather [hbm4b:s2+s23], $0x40, s16, s23, $0xb8;
	[tilespmem:$0x1A000] =	vst v63  }
0x1d1: {  	_ = 	snop  }
0x1d2: {  	[spmem:s3] =	stream.indirect.scatter.add.f32 [tilespmem:s9], [sflag:$0x2], $0x40, s10, s23, $0xb8;
	[tilespmem:$0x1A000] =	vst v63  }
0x1d3: {  	_ =	swait.ge [sflag:s30], $0x2000  }
0x1d4: {  	[sflag:s30] =	ssyncset.done $0x0  }
0x1d5: {  	s19 =	simm.s32 $0x280;
	s20 =	simm.s32 $0xB000;
	[sflag:s30] =	ssyncadd.s32 $0xFFFFE000  }
0x1d6: {  	[tilespmem:s20], [sflag:$0x1] =	stream.indirect.gather [hbm4b:s2+s23], $0x40, s19, s23, $0xb8;
	[tilespmem:$0x1A000] =	vst v63  }
0x1d7: {  	s22 =	simm.s32 $0x880  }
0x1d8: {  	[spmem:s3] =	stream.indirect.scatter.add.f32 [tilespmem:s14], [sflag:$0x2], $0x40, s22, s23, $0xb8;
	[tilespmem:$0x1A000] =	vst v63  }
0x1d9: {  	_ =	swait.ge [sflag:s30], $0x2000  }
0x1da: {  	[sflag:s30] =	ssyncset.done $0x0  }
0x1db: {  	s16 =	simm.s32 $0x2;
	[sflag:s30] =	ssyncadd.s32 $0xFFFFE000  }
0x1dc: {  	_ =	swait.ge [sflag:s16], $0x2000  }
0x1dd: {  	[sflag:s16] =	ssyncset.done $0x0  }
0x1de: {  	s24 =	simm.s32 $0x300;
	[sflag:s16] =	ssyncadd.s32 $0xFFFFE000  }
0x1df: {  	[tilespmem:s9], [sflag:$0x1] =	stream.indirect.gather [hbm4b:s2+s23], $0x40, s24, s23, $0xb8;
	[tilespmem:$0x1A000] =	vst v63  }
0x1e0: {  	s25 =	simm.s32 $0x900  }
0x1e1: {  	[spmem:s3] =	stream.indirect.scatter.add.f32 [tilespmem:s17], [sflag:$0x2], $0x40, s25, s23, $0xb8;
	[tilespmem:$0x1A000] =	vst v63  }
0x1e2: {  	_ =	swait.ge [sflag:s30], $0x2000  }
0x1e3: {  	[sflag:s30] =	ssyncset.done $0x0  }
0x1e4: {  	[sflag:s30] =	ssyncadd.s32 $0xFFFFE000  }
0x1e5: {  	_ =	swait.ge [sflag:s16], $0x2000  }
0x1e6: {  	[sflag:s16] =	ssyncset.done $0x0  }
0x1e7: {  	s26 =	simm.s32 $0x380;
	s17 =	rddreg [dreg:$0xa];
	[sflag:s16] =	ssyncadd.s32 $0xFFFFE000  }
0x1e8: {  	[tilespmem:s14], [sflag:$0x1] =	stream.indirect.gather [hbm4b:s2+s23], $0x40, s26, s23, $0xb8;
	[tilespmem:$0x1A000] =	vst v63  }
0x1e9: {  	s6 =	simm.s32 $0x600;
	s29 =	simm.s32 $0x980;
	s14 =	rddreg [dreg:$0xb]  }
0x1ea: {  	[spmem:s3] =	stream.indirect.scatter.add.f32 [tilespmem:s18], [sflag:$0x2], $0x40, s29, s23, $0xb8;
	[tilespmem:$0x1A000] =	vst v63  }
.LBB2_8:
0x1eb: {  	s10 =	sadd.s32 $0xFFFFFFFF, s16  }
0x1ec: {  	p0 =	sgt.u32 s10, $0x4C  }
0x1ed: {  	s18 =	sand.u32 @!p0 $0x600, s6;
	s19 =	simm.s32 @!p0 $0x0  }
0x1ee: {  	[tilespmem:s18], [sflag:$0x3] =	stream.linear.gather @!p0 [hbm4b:s14+s19], $0x200, $0x38;
	[tilespmem:$0x1A000] =	vst v63  }
0x1ef: {  	s18 =	sor.u32 @!p0 $0x800, s18  }
0x1f0: {  	[tilespmem:s18], [sflag:$0x3] =	stream.linear.gather @!p0 [hbm4b:s17+s19], $0x200, $0x38;
	[tilespmem:$0x1A000] =	vst v63  }
0x1f1: {  	_ =	swait.ge [sflag:s30], $0x2000  }
0x1f2: {  	p0 =	seq.s32 s6, $0xA000;
	[sflag:s30] =	ssyncset.done $0x0  }
0x1f3: {  	s25 =	sshll.u32 s10, $0x2;
	s18 =	simm.s32 @p0 $0x2;
	[sflag:s30] =	ssyncadd.s32 $0xFFFFE000  }
0x1f4: {  	s20 =	sand.u32 $0xFFFC, s25;
	_ =	swait.ge @p0 [sflag:s18], $0x2000  }
0x1f5: {  	s20 =	smul.u32 $0xAAAB, s20;
	s10 =	sadd.s32 @!p0 $0x4, s25;
	[sflag:s18] =	ssyncset.done @p0 $0x0  }
0x1f6: {  	s19 =	sand.u32 @!p0 $0xFFFF, s10;
	[sflag:s18] =	ssyncadd.s32 @p0 $0xFFFFE000;
	s18 =	simm.s32 @!p0 $0x3  }
0x1f7: {  	s19 =	smul.u32 @!p0 $0xAAAB, s19;
	_ =	swait.ge @!p0 [sflag:s18], $0x200  }
0x1f8: {  	s20 =	sshrl.u32 s20, $0x12;
	[sflag:s18] =	ssyncset.done @!p0 $0x0  }
0x1f9: {  	s20 =	smul.u32 $0x6, s20;
	s19 =	sshrl.u32 @!p0 s19, $0x12;
	[sflag:s18] =	ssyncadd.s32 @!p0 $0xFFFFFE00  }
0x1fa: {  	s26 =	sand.u32 $0x3, s16;
	s19 =	smul.u32 @!p0 $0x6, s19;
	_ =	swait.ge @!p0 [sflag:s18], $0x200  }
0x1fb: {  	s24 =	ssub.s32 s25, s20;
	s20 =	simm.s32 @!p0 $0x80;
	[sflag:s18] =	ssyncset.done @!p0 $0x0  }
0x1fc: {  	s10 =	ssub.s32 @!p0 s10, s19;
	[sflag:s18] =	ssyncadd.s32 @!p0 $0xFFFFFE00;
	s18 =	simm.s32 @!p0 $0x2  }
0x1fd: {  	s22 =	sand.u32 $0xFFFE, s24;
	s10 =	sand.u32 @!p0 $0xFFFF, s10;
	_ =	swait.ge @!p0 [sflag:s18], $0x2000  }
0x1fe: {  	s24 =	sadd.s32 $0xFFFFFC00, s6;
	s10 =	sshll.u32 @!p0 s10, $0xD;
	[sflag:s18] =	ssyncset.done @!p0 $0x0  }
0x1ff: {  	s10 =	sor.u32 @!p0 $0x1000, s10;
	[sflag:s18] =	ssyncadd.s32 @!p0 $0xFFFFE000;
	s18 =	sshll.u32 @!p0 s26, $0x9  }
0x200: {  	[tilespmem:s10], [sflag:$0x1] =	stream.indirect.gather @!p0 [hbm4b:s2+s20], $0x40, s18, s20, $0xb8;
	[tilespmem:$0x1A000] =	vst v63  }
0x201: {  	s29 =	sand.u32 $0x600, s24;
	s10 =	sshll.u32 s22, $0xD  }
0x202: {  	s19 =	sor.u32 $0x800, s29;
	s10 =	sor.u32 $0x1000, s10  }
0x203: {  	[spmem:s3] =	stream.indirect.scatter.add.f32 [tilespmem:s10], [sflag:$0x2], $0x40, s19, s23, $0xb8;
	[tilespmem:$0x1A000] =	vst v63  }
0x204: {  	s10 =	sadd.s32 @!p0 $0x5, s25  }
0x205: {  	s22 =	sand.u32 @!p0 $0xFFFF, s10  }
0x206: {  	s19 =	sor.u32 $0x1, s25;
	s22 =	smul.u32 @!p0 $0xAAAB, s22  }
0x207: {  	s24 =	sand.u32 $0xFFFF, s19  }
0x208: {  	_ =	swait.ge [sflag:s30], $0x2000;
	s24 =	smul.u32 $0xAAAB, s24;
	s22 =	sshrl.u32 @!p0 s22, $0x12  }
0x209: {  	[sflag:s30] =	ssyncset.done $0x0;
	s22 =	smul.u32 @!p0 $0x6, s22  }
0x20a: {  	[sflag:s30] =	ssyncadd.s32 $0xFFFFE000;
	s24 =	sshrl.u32 s24, $0x12  }
0x20b: {  	_ =	swait.ge [sflag:s0], $0x2000;
	s24 =	smul.u32 $0x6, s24;
	s10 =	ssub.s32 @!p0 s10, s22  }
0x20c: {  	[sflag:s0] =	ssyncset.done $0x0;
	s10 =	sand.u32 @!p0 $0xFFFF, s10  }
0x20d: {  	[sflag:s0] =	ssyncadd.s32 $0xFFFFE000;
	s19 =	ssub.s32 s19, s24;
	s10 =	sshll.u32 @!p0 s10, $0xD  }
0x20e: {  	s22 =	sor.u32 @!p0 $0x80, s18;
	s19 =	sand.u32 $0xFFFF, s19;
	s10 =	sor.u32 @!p0 $0x1000, s10  }
0x20f: {  	[tilespmem:s10], [sflag:$0x1] =	stream.indirect.gather @!p0 [hbm4b:s2+s20], $0x40, s22, s20, $0xb8;
	[tilespmem:$0x1A000] =	vst v63  }
0x210: {  	s22 =	sshll.u32 s19, $0xD  }
0x211: {  	s24 =	sadd.s32 $0x880, s29;
	s10 =	sor.u32 $0x1000, s22  }
0x212: {  	[spmem:s3] =	stream.indirect.scatter.add.f32 [tilespmem:s10], [sflag:$0x2], $0x40, s24, s23, $0xb8;
	[tilespmem:$0x1A000] =	vst v63  }
0x213: {  	s10 =	sadd.s32 @!p0 $0x6, s25  }
0x214: {  	s19 =	sor.u32 $0x2, s25;
	s22 =	sand.u32 @!p0 $0xFFFF, s10  }
0x215: {  	s24 =	sand.u32 $0xFFFF, s19;
	s22 =	smul.u32 @!p0 $0xAAAB, s22  }
0x216: {  	s24 =	smul.u32 $0xAAAB, s24;
	_ =	swait.ge [sflag:s30], $0x2000  }
0x217: {  	[sflag:s30] =	ssyncset.done $0x0;
	s22 =	sshrl.u32 @!p0 s22, $0x12  }
0x218: {  	s24 =	sshrl.u32 s24, $0x12;
	[sflag:s30] =	ssyncadd.s32 $0xFFFFE000;
	s22 =	smul.u32 @!p0 $0x6, s22  }
0x219: {  	s24 =	smul.u32 $0x6, s24;
	_ =	swait.ge [sflag:s0], $0x2000  }
0x21a: {  	s18 =	sor.u32 @!p0 $0x100, s18;
	[sflag:s0] =	ssyncset.done $0x0;
	s10 =	ssub.s32 @!p0 s10, s22  }
0x21b: {  	s19 =	ssub.s32 s19, s24;
	[sflag:s0] =	ssyncadd.s32 $0xFFFFE000;
	s10 =	sand.u32 @!p0 $0xFFFF, s10  }
0x21c: {  	s19 =	sand.u32 $0xFFFF, s19;
	s22 =	sor.u32 $0x3, s25;
	s10 =	sshll.u32 @!p0 s10, $0xD  }
0x21d: {  	s19 =	sshll.u32 s19, $0xD;
	s24 =	sand.u32 $0xFFFF, s22;
	s10 =	sor.u32 @!p0 $0x1000, s10  }
0x21e: {  	[tilespmem:s10], [sflag:$0x1] =	stream.indirect.gather @!p0 [hbm4b:s2+s20], $0x40, s18, s20, $0xb8;
	[tilespmem:$0x1A000] =	vst v63  }
0x21f: {  	s10 =	sor.u32 $0x1000, s19;
	s20 =	sadd.s32 $0x900, s29;
	s18 =	smul.u32 $0xAAAB, s24  }
0x220: {  	[spmem:s3] =	stream.indirect.scatter.add.f32 [tilespmem:s10], [sflag:$0x2], $0x40, s20, s23, $0xb8;
	[tilespmem:$0x1A000] =	vst v63  }
0x221: {  	p0 =	sne.s32 s6, $0xA000;
	_ =	swait.ge [sflag:s30], $0x2000  }
.Ltmp6:
0x222: {  	s18 =	sshrl.u32 s18, $0x12;
	[sflag:s30] =	ssyncset.done $0x0;
	(pc) =	sbr.rel @!p0 .LBB2_9-.Ltmp6, $4  }
0x223: {  	s18 =	smul.u32 $0x6, s18;
	[sflag:s30] =	ssyncadd.s32 $0xFFFFE000  }
0x224: {  	_ =	swait.ge [sflag:s0], $0x2000  }
0x225: {  	s10 =	ssub.s32 s22, s18;
	[sflag:s0] =	ssyncset.done $0x0  }
0x226: {  	s10 =	sand.u32 $0xFFFF, s10;
	[sflag:s0] =	ssyncadd.s32 $0xFFFFE000  }
0x227: {  	s18 =	sadd.s32 $0x7, s25  }
0x228: {  	s19 =	sand.u32 $0xFFFF, s18  }
0x229: {  	s19 =	smul.u32 $0xAAAB, s19;
	_ =	sdelay $0x1  }
0x22a: {  	s19 =	sshrl.u32 s19, $0x12  }
0x22b: {  	s19 =	smul.u32 $0x6, s19  }
0x22c: {  	s26 =	sshll.u32 s26, $0x9  }
0x22d: {  	s10 =	sshll.u32 s10, $0xD;
	s6 =	sadd.s32 $0x200, s6;
	s18 =	ssub.s32 s18, s19  }
0x22e: {  	s29 =	sadd.s32 $0x980, s29;
	p0 =	sne.s32 s6, $0xA200;
	s18 =	sand.u32 $0xFFFF, s18  }
.Ltmp7:
0x22f: {  	s16 =	sadd.s32 $0x1, s16;
	s18 =	sshll.u32 s18, $0xD;
	(pc) =	sbr.rel @p0 .LBB2_8-.Ltmp7, $4  }
.Ltmp8:
0x230: {  	s19 =	sor.u32 $0x180, s26;
	s18 =	sor.u32 $0x1000, s18;
	(pc) =	sbr.rel @!p0 .LBB2_11-.Ltmp8, $4  }
0x231: {  	[tilespmem:s18], [sflag:$0x1] =	stream.indirect.gather [hbm4b:s2+s23], $0x40, s19, s23, $0xb8;
	[tilespmem:$0x1A000] =	vst v63  }
0x232: {  	s17 =	sadd.s32 $0x40, s17;
	s14 =	sadd.s32 $0x40, s14;
	s10 =	sor.u32 $0x1000, s10  }
0x233: {  	[spmem:s3] =	stream.indirect.scatter.add.f32 [tilespmem:s10], [sflag:$0x2], $0x40, s29, s23, $0xb8;
	[tilespmem:$0x1A000] =	vst v63  }
0x234: {  	_ = 	snop  }
.LBB2_12:
0x235: {  	_ =	sfence.sel $0x180000  }
0x236: {  	[bflag:$0x0] =	sbarrier.arrive $0xFFFF  }
0x237: {  	_ =	strace $0x90000047  }
0x238: {  	s0 =	stileid.u32;
	[bflag:$0x2] =	sbarrier.arrive $0xFFFF  }
0x239: {  	p0 =	sne.s32 s0, $0x0;
	s0 =	rddreg [dreg:$0x5]  }
0x23a: {  	s0 =	sadd.s32 @!p0 $0x100000, s0  }
0x23b: {  	[sflag:s0] =	ssyncadd.tile.s32 @!p0 $0x1;
	_ =	shalt  }
.Lfunc_end2:
_tile_overlayer_lowered:
.L_overlay_start_2:
0x23c: {  	(tag) =	ssettag $0x2  }
0x23d: {  	s0 =	rddreg [dreg:$0x0];
	s2 =	stileid.u32  }
0x23e: {  	s1 =	rddreg [dreg:$0x1];
	p0 =	sne.s32 s2, $0x0  }
0x23f: {  	s3 =	rddreg [dreg:$0x2];
	[bflag:$0x3] =	sbarrier.arrive $0xFFFF;
	s2 =	simm.s32 @!p0 $0x1C05  }
0x240: {  	[timem:s3], [sflag:s2] =	dma.local @!p0 [hbm:s0], s1  }
0x241: {  	s0 =	simm.s32 @!p0 $0x5  }
0x242: {  	_ =	swait.ge @!p0 [sflag:s0], s1  }
0x243: {  	s1 =	ssub.s32 @!p0 $0x0, s1;
	[sflag:s0] =	ssyncset.done @!p0 $0x0  }
0x244: {  	[sflag:s0] =	ssyncadd.s32 @!p0 s1  }
0x245: {  	[bflag:$0x3] =	sbarrier.arrive $0xFFFF  }
0x246: {  	_ =	shalt  }

</sc_bundles>
